<compile_context>
chip_gen: v7x
topology: tpu7x:2x2x1
jax: 0.10.2.dev20260603
libtpu: 0.0.44.dev20260713+nightly
codegen_flags: <defaults>
</compile_context>

<pallas_src>
import jax
import jax.numpy as jnp
from jax import lax
from jax.experimental import pallas as pl
from jax.experimental.pallas import tpu as pltpu

ROWS = 128
COLS = 100000
BLOCK_C = 2048
NB = (COLS + BLOCK_C - 1) // BLOCK_C
CHUNK = 128

_KS0 = 0
_KS1 = 42
_KS2 = 42 ^ 0x1BD11BDA

_ROT_A = (13, 15, 26, 6)
_ROT_B = (17, 29, 16, 24)


def _rotl(x, d):
    return lax.shift_left(x, jnp.int32(d)) | lax.shift_right_logical(
        x, jnp.int32(32 - d)
    )


def _rounds(x0, x1, rots):
    for d in rots:
        x0 = x0 + x1
        x1 = x0 ^ _rotl(x1, d)
    return x0, x1


def _threefry_bits(flat_idx):
    ks0 = jnp.int32(_KS0)
    ks1 = jnp.int32(_KS1)
    ks2 = jnp.int32(_KS2)
    x0 = jnp.zeros_like(flat_idx) + ks0
    x1 = flat_idx + ks1
    x0, x1 = _rounds(x0, x1, _ROT_A)
    x0 = x0 + ks1
    x1 = x1 + (ks2 + jnp.int32(1))
    x0, x1 = _rounds(x0, x1, _ROT_B)
    x0 = x0 + ks2
    x1 = x1 + (ks0 + jnp.int32(2))
    x0, x1 = _rounds(x0, x1, _ROT_A)
    x0 = x0 + ks0
    x1 = x1 + (ks1 + jnp.int32(3))
    x0, x1 = _rounds(x0, x1, _ROT_B)
    x0 = x0 + ks1
    x1 = x1 + (ks2 + jnp.int32(4))
    x0, x1 = _rounds(x0, x1, _ROT_A)
    x0 = x0 + ks2
    x1 = x1 + (ks0 + jnp.int32(5))
    return x0 ^ x1


def _gumbel(bits):
    fb = lax.shift_right_logical(bits, jnp.int32(9)) | jnp.int32(0x3F800000)
    u = lax.bitcast_convert_type(fb, jnp.float32) - jnp.float32(1.0)
    inner = -jnp.log(u + jnp.float32(1e-8)) + jnp.float32(1e-8)
    return -jnp.log(inner)


def _argmax_body(logits_ref, zeros_ref, pos_ref, vmax_ref):
    j = pl.program_id(0)

    @pl.when(j == 0)
    def _init():
        vmax_ref[...] = jnp.full((ROWS, 1), -jnp.inf, jnp.float32)
        pos_ref[...] = jnp.zeros((ROWS, 1), jnp.int32)

    c = j * BLOCK_C + lax.broadcasted_iota(jnp.int32, (ROWS, BLOCK_C), 1)
    r = lax.broadcasted_iota(jnp.int32, (ROWS, BLOCK_C), 0)
    flat = r * jnp.int32(COLS) + c
    g = _gumbel(_threefry_bits(flat))
    z = logits_ref[...] + g
    z = jnp.where(c < COLS, z, -jnp.inf)
    m = jnp.max(z, axis=1, keepdims=True)
    a = jnp.min(
        jnp.where(z == m, flat, jnp.int32(0x7FFFFFFF)),
        axis=1,
        keepdims=True,
    )
    upd = m > vmax_ref[...]
    vmax_ref[...] = jnp.where(upd, m, vmax_ref[...])
    pos_ref[...] = jnp.where(upd, a, pos_ref[...])
    zeros_ref[...] = jnp.zeros((ROWS * BLOCK_C,), jnp.float32)


def _argmax_and_zeros(logits):
    return pl.pallas_call(
        _argmax_body,
        grid=(NB,),
        in_specs=[pl.BlockSpec((ROWS, BLOCK_C), lambda j: (0, j))],
        out_specs=[
            pl.BlockSpec((ROWS * BLOCK_C,), lambda j: (j,)),
            pl.BlockSpec((ROWS, 1), lambda j: (0, 0)),
        ],
        out_shape=[
            jax.ShapeDtypeStruct((ROWS * COLS,), jnp.float32),
            jax.ShapeDtypeStruct((ROWS, 1), jnp.int32),
        ],
        scratch_shapes=[pltpu.VMEM((ROWS, 1), jnp.float32)],
        compiler_params=pltpu.CompilerParams(
            dimension_semantics=("arbitrary",),
        ),
    )(logits)


def _scatter_body(
    pos_smem, pos_ref, posm_ref, posp_ref, buf_ref, out_ref, val_ref, sem
):
    del buf_ref
    base = (pos_ref[...] // jnp.int32(CHUNK)) * jnp.int32(CHUNK)
    k = lax.broadcasted_iota(jnp.int32, (ROWS, CHUNK), 1)
    c = base + k
    hit = (c == pos_ref[...]) | (c == posm_ref[...]) | (c == posp_ref[...])
    val_ref[...] = jnp.where(hit, 1.0, 0.0).astype(jnp.float32)
    for r in range(ROWS):
        q = pos_smem[r] // jnp.int32(CHUNK)
        pltpu.make_async_copy(
            val_ref.at[r], out_ref.at[pl.ds(q * jnp.int32(CHUNK), CHUNK)], sem
        ).start()
    for _ in range(ROWS):
        pltpu.make_async_copy(
            val_ref.at[0], out_ref.at[pl.ds(0, CHUNK)], sem
        ).wait()


def _scatter_ones(pos, pos_prev, pos_next, zeros1d):
    return pl.pallas_call(
        _scatter_body,
        in_specs=[
            pl.BlockSpec(memory_space=pltpu.SMEM),
            pl.BlockSpec((ROWS, 1), lambda: (0, 0)),
            pl.BlockSpec((ROWS, 1), lambda: (0, 0)),
            pl.BlockSpec((ROWS, 1), lambda: (0, 0)),
            pl.BlockSpec(memory_space=pl.ANY),
        ],
        out_specs=pl.BlockSpec(memory_space=pl.ANY),
        out_shape=jax.ShapeDtypeStruct((ROWS * COLS,), jnp.float32),
        scratch_shapes=[
            pltpu.VMEM((ROWS, CHUNK), jnp.float32),
            pltpu.SemaphoreType.DMA,
        ],
        input_output_aliases={4: 0},
    )(pos.reshape(ROWS), pos, pos_prev, pos_next, zeros1d)


@jax.jit
def kernel(logits):
    zeros, pos = _argmax_and_zeros(logits)
    big = jnp.int32(0x7FFFFFFF)
    pos_prev = jnp.concatenate([jnp.full((1, 1), big), pos[:-1]], axis=0)
    pos_next = jnp.concatenate([pos[1:], jnp.full((1, 1), big)], axis=0)
    out1d = _scatter_ones(pos, pos_prev, pos_next, zeros)
    return out1d.reshape(ROWS, COLS)

# --- scband reference (transcript-rebuilt; emitter-appended) ---
"""Pipeline reference for scband-gumbel-softmax-selector-42889543418336 (READ-ONLY COPY).

The authoritative reference and input builder live on the scoring server;
editing this copy changes nothing except your own understanding.
"""

import jax, jax.numpy as jnp
import numpy as np

TEMPERATURE = 5.0


def setup_inputs(seed: int = 0) -> dict:
    key = jax.random.key(seed)
    logits = jax.random.normal(key, (128, 100000), dtype=jnp.float32)
    return {"logits": logits}


def reference(logits):
    # Module is in training mode by default: Gumbel-Softmax with hard straight-through.
    noise_key = jax.random.key(42)
    u = jax.random.uniform(noise_key, logits.shape, dtype=logits.dtype)
    gumbel_noise = -jnp.log(-jnp.log(u + 1e-08) + 1e-08)
    y_soft = jax.nn.softmax((logits + gumbel_noise) / TEMPERATURE, axis=-1)
    max_indices = jnp.argmax(y_soft, axis=-1)
    y_hard = jax.nn.one_hot(max_indices, logits.shape[-1], dtype=y_soft.dtype)
    # straight-through estimator: y_hard - detach(y_soft) + y_soft
    return y_hard - jax.lax.stop_gradient(y_soft) + y_soft

if __name__ == "__main__":
    import jax
    _d = setup_inputs()
    print(jax.jit(kernel)(*tuple(_d.values())))

</pallas_src>

<mosaic_0001>
module attributes {stable_mosaic.version = 14 : i64} {
  func.func @_argmax_body(%arg0: i32, %arg1: memref<128x2048xf32, #tpu.memory_space<vmem>>, %arg2: memref<262144xf32, #tpu.memory_space<vmem>>, %arg3: memref<128x1xi32, #tpu.memory_space<vmem>>, %arg4: memref<128x1xf32, #tpu.memory_space<vmem>>) attributes {dimension_semantics = [#tpu.dimension_semantics<arbitrary>], iteration_bounds = array<i64: 49>, scalar_prefetch = 0 : i64, scratch_operands = 1 : i64, tpu.core_type = #tpu.core_type<tc>, window_params = [{transform_indices = @transform_0, window_bounds = array<i64: 128, 2048>}, {transform_indices = @transform_1, window_bounds = array<i64: 262144>}, {pipeline_mode = #tpu.pipeline_mode<synchronous>, transform_indices = @transform_2, window_bounds = array<i64: 128, 1>}]} {
    %eq3A = arith.constant 0 : i32
    %eq3A_0 = arith.cmpi eq, %arg0, %eq3A : i32
    %convert_element_type3A = arith.extui %eq3A_0 : i1 to i32
    %cond3A = arith.constant 0 : i32
    %cond3A_1 = arith.cmpi ne, %convert_element_type3A, %cond3A : i32
    scf.if %cond3A_1 {
      %broadcast_in_dim3A_288 = arith.constant 0xFF800000 : f32
      %broadcast_in_dim3A_289 = vector.broadcast %broadcast_in_dim3A_288 : f32 to vector<128x1xf32>
      %swap3A_290 = arith.constant 0 : index
      %swap3A_291 = arith.constant 0 : index
      %swap3A_292 = vector.load %arg4[%swap3A_290, %swap3A_291] : memref<128x1xf32, #tpu.memory_space<vmem>>, vector<128x1xf32>
      tpu.vector_store %arg4[%swap3A_290, %swap3A_291], %broadcast_in_dim3A_289 {strides = array<i32>} : memref<128x1xf32, #tpu.memory_space<vmem>>, vector<128x1xf32>,
      %broadcast_in_dim3A_293 = arith.constant 0 : i32
      %broadcast_in_dim3A_294 = vector.broadcast %broadcast_in_dim3A_293 : i32 to vector<128x1xi32>
      %swap3A_295 = arith.constant 0 : index
      %swap3A_296 = arith.constant 0 : index
      %swap3A_297 = vector.load %arg3[%swap3A_295, %swap3A_296] : memref<128x1xi32, #tpu.memory_space<vmem>>, vector<128x1xi32>
      tpu.vector_store %arg3[%swap3A_295, %swap3A_296], %broadcast_in_dim3A_294 {strides = array<i32>} : memref<128x1xi32, #tpu.memory_space<vmem>>, vector<128x1xi32>,
    } else {
    }
    %mul3A = arith.constant 2048 : i32
    %mul3A_2 = arith.muli %arg0, %mul3A : i32
    %iota3A = tpu.iota {dimensions = array<i32: 1>} : vector<128x2048xi32>
    %add3A = vector.broadcast %mul3A_2 : i32 to vector<128x2048xi32>
    %add3A_3 = arith.addi %add3A, %iota3A : vector<128x2048xi32>
    %iota3A_4 = tpu.iota {dimensions = array<i32: 0>} : vector<128x2048xi32>
    %mul3A_5 = arith.constant 100000 : i32
    %mul3A_6 = vector.broadcast %mul3A_5 : i32 to vector<128x2048xi32>
    %mul3A_7 = arith.muli %iota3A_4, %mul3A_6 : vector<128x2048xi32>
    %add3A_8 = arith.addi %mul3A_7, %add3A_3 : vector<128x2048xi32>
    %broadcast_in_dim3A = arith.constant 0 : i32
    %broadcast_in_dim3A_9 = vector.broadcast %broadcast_in_dim3A : i32 to vector<128x2048xi32>
    %add3A_10 = arith.constant 0 : i32
    %add3A_11 = vector.broadcast %add3A_10 : i32 to vector<128x2048xi32>
    %add3A_12 = arith.addi %broadcast_in_dim3A_9, %add3A_11 : vector<128x2048xi32>
    %add3A_13 = arith.constant 42 : i32
    %add3A_14 = vector.broadcast %add3A_13 : i32 to vector<128x2048xi32>
    %add3A_15 = arith.addi %add3A_8, %add3A_14 : vector<128x2048xi32>
    %add3A_16 = arith.addi %add3A_12, %add3A_15 : vector<128x2048xi32>
    %shift_left3A = arith.constant 13 : i32
    %shift_left3A_17 = vector.broadcast %shift_left3A : i32 to vector<128x2048xi32>
    %shift_left3A_18 = arith.shli %add3A_15, %shift_left3A_17 : vector<128x2048xi32>
    %shift_right_logical3A = arith.constant 19 : i32
    %shift_right_logical3A_19 = vector.broadcast %shift_right_logical3A : i32 to vector<128x2048xi32>
    %shift_right_logical3A_20 = arith.shrui %add3A_15, %shift_right_logical3A_19 : vector<128x2048xi32>
    %or3A = arith.ori %shift_left3A_18, %shift_right_logical3A_20 : vector<128x2048xi32>
    %xor3A = arith.xori %add3A_16, %or3A : vector<128x2048xi32>
    %add3A_21 = arith.addi %add3A_16, %xor3A : vector<128x2048xi32>
    %shift_left3A_22 = arith.constant 15 : i32
    %shift_left3A_23 = vector.broadcast %shift_left3A_22 : i32 to vector<128x2048xi32>
    %shift_left3A_24 = arith.shli %xor3A, %shift_left3A_23 : vector<128x2048xi32>
    %shift_right_logical3A_25 = arith.constant 17 : i32
    %shift_right_logical3A_26 = vector.broadcast %shift_right_logical3A_25 : i32 to vector<128x2048xi32>
    %shift_right_logical3A_27 = arith.shrui %xor3A, %shift_right_logical3A_26 : vector<128x2048xi32>
    %or3A_28 = arith.ori %shift_left3A_24, %shift_right_logical3A_27 : vector<128x2048xi32>
    %xor3A_29 = arith.xori %add3A_21, %or3A_28 : vector<128x2048xi32>
    %add3A_30 = arith.addi %add3A_21, %xor3A_29 : vector<128x2048xi32>
    %shift_left3A_31 = arith.constant 26 : i32
    %shift_left3A_32 = vector.broadcast %shift_left3A_31 : i32 to vector<128x2048xi32>
    %shift_left3A_33 = arith.shli %xor3A_29, %shift_left3A_32 : vector<128x2048xi32>
    %shift_right_logical3A_34 = arith.constant 6 : i32
    %shift_right_logical3A_35 = vector.broadcast %shift_right_logical3A_34 : i32 to vector<128x2048xi32>
    %shift_right_logical3A_36 = arith.shrui %xor3A_29, %shift_right_logical3A_35 : vector<128x2048xi32>
    %or3A_37 = arith.ori %shift_left3A_33, %shift_right_logical3A_36 : vector<128x2048xi32>
    %xor3A_38 = arith.xori %add3A_30, %or3A_37 : vector<128x2048xi32>
    %add3A_39 = arith.addi %add3A_30, %xor3A_38 : vector<128x2048xi32>
    %shift_left3A_40 = arith.constant 6 : i32
    %shift_left3A_41 = vector.broadcast %shift_left3A_40 : i32 to vector<128x2048xi32>
    %shift_left3A_42 = arith.shli %xor3A_38, %shift_left3A_41 : vector<128x2048xi32>
    %shift_right_logical3A_43 = arith.constant 26 : i32
    %shift_right_logical3A_44 = vector.broadcast %shift_right_logical3A_43 : i32 to vector<128x2048xi32>
    %shift_right_logical3A_45 = arith.shrui %xor3A_38, %shift_right_logical3A_44 : vector<128x2048xi32>
    %or3A_46 = arith.ori %shift_left3A_42, %shift_right_logical3A_45 : vector<128x2048xi32>
    %xor3A_47 = arith.xori %add3A_39, %or3A_46 : vector<128x2048xi32>
    %add3A_48 = arith.constant 42 : i32
    %add3A_49 = vector.broadcast %add3A_48 : i32 to vector<128x2048xi32>
    %add3A_50 = arith.addi %add3A_39, %add3A_49 : vector<128x2048xi32>
    %add3A_51 = arith.constant 466689008 : i32
    %add3A_52 = arith.constant 1 : i32
    %add3A_53 = arith.addi %add3A_51, %add3A_52 : i32
    %add3A_54 = vector.broadcast %add3A_53 : i32 to vector<128x2048xi32>
    %add3A_55 = arith.addi %xor3A_47, %add3A_54 : vector<128x2048xi32>
    %add3A_56 = arith.addi %add3A_50, %add3A_55 : vector<128x2048xi32>
    %shift_left3A_57 = arith.constant 17 : i32
    %shift_left3A_58 = vector.broadcast %shift_left3A_57 : i32 to vector<128x2048xi32>
    %shift_left3A_59 = arith.shli %add3A_55, %shift_left3A_58 : vector<128x2048xi32>
    %shift_right_logical3A_60 = arith.constant 15 : i32
    %shift_right_logical3A_61 = vector.broadcast %shift_right_logical3A_60 : i32 to vector<128x2048xi32>
    %shift_right_logical3A_62 = arith.shrui %add3A_55, %shift_right_logical3A_61 : vector<128x2048xi32>
    %or3A_63 = arith.ori %shift_left3A_59, %shift_right_logical3A_62 : vector<128x2048xi32>
    %xor3A_64 = arith.xori %add3A_56, %or3A_63 : vector<128x2048xi32>
    %add3A_65 = arith.addi %add3A_56, %xor3A_64 : vector<128x2048xi32>
    %shift_left3A_66 = arith.constant 29 : i32
    %shift_left3A_67 = vector.broadcast %shift_left3A_66 : i32 to vector<128x2048xi32>
    %shift_left3A_68 = arith.shli %xor3A_64, %shift_left3A_67 : vector<128x2048xi32>
    %shift_right_logical3A_69 = arith.constant 3 : i32
    %shift_right_logical3A_70 = vector.broadcast %shift_right_logical3A_69 : i32 to vector<128x2048xi32>
    %shift_right_logical3A_71 = arith.shrui %xor3A_64, %shift_right_logical3A_70 : vector<128x2048xi32>
    %or3A_72 = arith.ori %shift_left3A_68, %shift_right_logical3A_71 : vector<128x2048xi32>
    %xor3A_73 = arith.xori %add3A_65, %or3A_72 : vector<128x2048xi32>
    %add3A_74 = arith.addi %add3A_65, %xor3A_73 : vector<128x2048xi32>
    %shift_left3A_75 = arith.constant 16 : i32
    %shift_left3A_76 = vector.broadcast %shift_left3A_75 : i32 to vector<128x2048xi32>
    %shift_left3A_77 = arith.shli %xor3A_73, %shift_left3A_76 : vector<128x2048xi32>
    %shift_right_logical3A_78 = arith.constant 16 : i32
    %shift_right_logical3A_79 = vector.broadcast %shift_right_logical3A_78 : i32 to vector<128x2048xi32>
    %shift_right_logical3A_80 = arith.shrui %xor3A_73, %shift_right_logical3A_79 : vector<128x2048xi32>
    %or3A_81 = arith.ori %shift_left3A_77, %shift_right_logical3A_80 : vector<128x2048xi32>
    %xor3A_82 = arith.xori %add3A_74, %or3A_81 : vector<128x2048xi32>
    %add3A_83 = arith.addi %add3A_74, %xor3A_82 : vector<128x2048xi32>
    %shift_left3A_84 = arith.constant 24 : i32
    %shift_left3A_85 = vector.broadcast %shift_left3A_84 : i32 to vector<128x2048xi32>
    %shift_left3A_86 = arith.shli %xor3A_82, %shift_left3A_85 : vector<128x2048xi32>
    %shift_right_logical3A_87 = arith.constant 8 : i32
    %shift_right_logical3A_88 = vector.broadcast %shift_right_logical3A_87 : i32 to vector<128x2048xi32>
    %shift_right_logical3A_89 = arith.shrui %xor3A_82, %shift_right_logical3A_88 : vector<128x2048xi32>
    %or3A_90 = arith.ori %shift_left3A_86, %shift_right_logical3A_89 : vector<128x2048xi32>
    %xor3A_91 = arith.xori %add3A_83, %or3A_90 : vector<128x2048xi32>
    %add3A_92 = arith.constant 466689008 : i32
    %add3A_93 = vector.broadcast %add3A_92 : i32 to vector<128x2048xi32>
    %add3A_94 = arith.addi %add3A_83, %add3A_93 : vector<128x2048xi32>
    %add3A_95 = arith.constant 0 : i32
    %add3A_96 = arith.constant 2 : i32
    %add3A_97 = arith.addi %add3A_95, %add3A_96 : i32
    %add3A_98 = vector.broadcast %add3A_97 : i32 to vector<128x2048xi32>
    %add3A_99 = arith.addi %xor3A_91, %add3A_98 : vector<128x2048xi32>
    %add3A_100 = arith.addi %add3A_94, %add3A_99 : vector<128x2048xi32>
    %shift_left3A_101 = arith.constant 13 : i32
    %shift_left3A_102 = vector.broadcast %shift_left3A_101 : i32 to vector<128x2048xi32>
    %shift_left3A_103 = arith.shli %add3A_99, %shift_left3A_102 : vector<128x2048xi32>
    %shift_right_logical3A_104 = arith.constant 19 : i32
    %shift_right_logical3A_105 = vector.broadcast %shift_right_logical3A_104 : i32 to vector<128x2048xi32>
    %shift_right_logical3A_106 = arith.shrui %add3A_99, %shift_right_logical3A_105 : vector<128x2048xi32>
    %or3A_107 = arith.ori %shift_left3A_103, %shift_right_logical3A_106 : vector<128x2048xi32>
    %xor3A_108 = arith.xori %add3A_100, %or3A_107 : vector<128x2048xi32>
    %add3A_109 = arith.addi %add3A_100, %xor3A_108 : vector<128x2048xi32>
    %shift_left3A_110 = arith.constant 15 : i32
    %shift_left3A_111 = vector.broadcast %shift_left3A_110 : i32 to vector<128x2048xi32>
    %shift_left3A_112 = arith.shli %xor3A_108, %shift_left3A_111 : vector<128x2048xi32>
    %shift_right_logical3A_113 = arith.constant 17 : i32
    %shift_right_logical3A_114 = vector.broadcast %shift_right_logical3A_113 : i32 to vector<128x2048xi32>
    %shift_right_logical3A_115 = arith.shrui %xor3A_108, %shift_right_logical3A_114 : vector<128x2048xi32>
    %or3A_116 = arith.ori %shift_left3A_112, %shift_right_logical3A_115 : vector<128x2048xi32>
    %xor3A_117 = arith.xori %add3A_109, %or3A_116 : vector<128x2048xi32>
    %add3A_118 = arith.addi %add3A_109, %xor3A_117 : vector<128x2048xi32>
    %shift_left3A_119 = arith.constant 26 : i32
    %shift_left3A_120 = vector.broadcast %shift_left3A_119 : i32 to vector<128x2048xi32>
    %shift_left3A_121 = arith.shli %xor3A_117, %shift_left3A_120 : vector<128x2048xi32>
    %shift_right_logical3A_122 = arith.constant 6 : i32
    %shift_right_logical3A_123 = vector.broadcast %shift_right_logical3A_122 : i32 to vector<128x2048xi32>
    %shift_right_logical3A_124 = arith.shrui %xor3A_117, %shift_right_logical3A_123 : vector<128x2048xi32>
    %or3A_125 = arith.ori %shift_left3A_121, %shift_right_logical3A_124 : vector<128x2048xi32>
    %xor3A_126 = arith.xori %add3A_118, %or3A_125 : vector<128x2048xi32>
    %add3A_127 = arith.addi %add3A_118, %xor3A_126 : vector<128x2048xi32>
    %shift_left3A_128 = arith.constant 6 : i32
    %shift_left3A_129 = vector.broadcast %shift_left3A_128 : i32 to vector<128x2048xi32>
    %shift_left3A_130 = arith.shli %xor3A_126, %shift_left3A_129 : vector<128x2048xi32>
    %shift_right_logical3A_131 = arith.constant 26 : i32
    %shift_right_logical3A_132 = vector.broadcast %shift_right_logical3A_131 : i32 to vector<128x2048xi32>
    %shift_right_logical3A_133 = arith.shrui %xor3A_126, %shift_right_logical3A_132 : vector<128x2048xi32>
    %or3A_134 = arith.ori %shift_left3A_130, %shift_right_logical3A_133 : vector<128x2048xi32>
    %xor3A_135 = arith.xori %add3A_127, %or3A_134 : vector<128x2048xi32>
    %add3A_136 = arith.constant 0 : i32
    %add3A_137 = vector.broadcast %add3A_136 : i32 to vector<128x2048xi32>
    %add3A_138 = arith.addi %add3A_127, %add3A_137 : vector<128x2048xi32>
    %add3A_139 = arith.constant 42 : i32
    %add3A_140 = arith.constant 3 : i32
    %add3A_141 = arith.addi %add3A_139, %add3A_140 : i32
    %add3A_142 = vector.broadcast %add3A_141 : i32 to vector<128x2048xi32>
    %add3A_143 = arith.addi %xor3A_135, %add3A_142 : vector<128x2048xi32>
    %add3A_144 = arith.addi %add3A_138, %add3A_143 : vector<128x2048xi32>
    %shift_left3A_145 = arith.constant 17 : i32
    %shift_left3A_146 = vector.broadcast %shift_left3A_145 : i32 to vector<128x2048xi32>
    %shift_left3A_147 = arith.shli %add3A_143, %shift_left3A_146 : vector<128x2048xi32>
    %shift_right_logical3A_148 = arith.constant 15 : i32
    %shift_right_logical3A_149 = vector.broadcast %shift_right_logical3A_148 : i32 to vector<128x2048xi32>
    %shift_right_logical3A_150 = arith.shrui %add3A_143, %shift_right_logical3A_149 : vector<128x2048xi32>
    %or3A_151 = arith.ori %shift_left3A_147, %shift_right_logical3A_150 : vector<128x2048xi32>
    %xor3A_152 = arith.xori %add3A_144, %or3A_151 : vector<128x2048xi32>
    %add3A_153 = arith.addi %add3A_144, %xor3A_152 : vector<128x2048xi32>
    %shift_left3A_154 = arith.constant 29 : i32
    %shift_left3A_155 = vector.broadcast %shift_left3A_154 : i32 to vector<128x2048xi32>
    %shift_left3A_156 = arith.shli %xor3A_152, %shift_left3A_155 : vector<128x2048xi32>
    %shift_right_logical3A_157 = arith.constant 3 : i32
    %shift_right_logical3A_158 = vector.broadcast %shift_right_logical3A_157 : i32 to vector<128x2048xi32>
    %shift_right_logical3A_159 = arith.shrui %xor3A_152, %shift_right_logical3A_158 : vector<128x2048xi32>
    %or3A_160 = arith.ori %shift_left3A_156, %shift_right_logical3A_159 : vector<128x2048xi32>
    %xor3A_161 = arith.xori %add3A_153, %or3A_160 : vector<128x2048xi32>
    %add3A_162 = arith.addi %add3A_153, %xor3A_161 : vector<128x2048xi32>
    %shift_left3A_163 = arith.constant 16 : i32
    %shift_left3A_164 = vector.broadcast %shift_left3A_163 : i32 to vector<128x2048xi32>
    %shift_left3A_165 = arith.shli %xor3A_161, %shift_left3A_164 : vector<128x2048xi32>
    %shift_right_logical3A_166 = arith.constant 16 : i32
    %shift_right_logical3A_167 = vector.broadcast %shift_right_logical3A_166 : i32 to vector<128x2048xi32>
    %shift_right_logical3A_168 = arith.shrui %xor3A_161, %shift_right_logical3A_167 : vector<128x2048xi32>
    %or3A_169 = arith.ori %shift_left3A_165, %shift_right_logical3A_168 : vector<128x2048xi32>
    %xor3A_170 = arith.xori %add3A_162, %or3A_169 : vector<128x2048xi32>
    %add3A_171 = arith.addi %add3A_162, %xor3A_170 : vector<128x2048xi32>
    %shift_left3A_172 = arith.constant 24 : i32
    %shift_left3A_173 = vector.broadcast %shift_left3A_172 : i32 to vector<128x2048xi32>
    %shift_left3A_174 = arith.shli %xor3A_170, %shift_left3A_173 : vector<128x2048xi32>
    %shift_right_logical3A_175 = arith.constant 8 : i32
    %shift_right_logical3A_176 = vector.broadcast %shift_right_logical3A_175 : i32 to vector<128x2048xi32>
    %shift_right_logical3A_177 = arith.shrui %xor3A_170, %shift_right_logical3A_176 : vector<128x2048xi32>
    %or3A_178 = arith.ori %shift_left3A_174, %shift_right_logical3A_177 : vector<128x2048xi32>
    %xor3A_179 = arith.xori %add3A_171, %or3A_178 : vector<128x2048xi32>
    %add3A_180 = arith.constant 42 : i32
    %add3A_181 = vector.broadcast %add3A_180 : i32 to vector<128x2048xi32>
    %add3A_182 = arith.addi %add3A_171, %add3A_181 : vector<128x2048xi32>
    %add3A_183 = arith.constant 466689008 : i32
    %add3A_184 = arith.constant 4 : i32
    %add3A_185 = arith.addi %add3A_183, %add3A_184 : i32
    %add3A_186 = vector.broadcast %add3A_185 : i32 to vector<128x2048xi32>
    %add3A_187 = arith.addi %xor3A_179, %add3A_186 : vector<128x2048xi32>
    %add3A_188 = arith.addi %add3A_182, %add3A_187 : vector<128x2048xi32>
    %shift_left3A_189 = arith.constant 13 : i32
    %shift_left3A_190 = vector.broadcast %shift_left3A_189 : i32 to vector<128x2048xi32>
    %shift_left3A_191 = arith.shli %add3A_187, %shift_left3A_190 : vector<128x2048xi32>
    %shift_right_logical3A_192 = arith.constant 19 : i32
    %shift_right_logical3A_193 = vector.broadcast %shift_right_logical3A_192 : i32 to vector<128x2048xi32>
    %shift_right_logical3A_194 = arith.shrui %add3A_187, %shift_right_logical3A_193 : vector<128x2048xi32>
    %or3A_195 = arith.ori %shift_left3A_191, %shift_right_logical3A_194 : vector<128x2048xi32>
    %xor3A_196 = arith.xori %add3A_188, %or3A_195 : vector<128x2048xi32>
    %add3A_197 = arith.addi %add3A_188, %xor3A_196 : vector<128x2048xi32>
    %shift_left3A_198 = arith.constant 15 : i32
    %shift_left3A_199 = vector.broadcast %shift_left3A_198 : i32 to vector<128x2048xi32>
    %shift_left3A_200 = arith.shli %xor3A_196, %shift_left3A_199 : vector<128x2048xi32>
    %shift_right_logical3A_201 = arith.constant 17 : i32
    %shift_right_logical3A_202 = vector.broadcast %shift_right_logical3A_201 : i32 to vector<128x2048xi32>
    %shift_right_logical3A_203 = arith.shrui %xor3A_196, %shift_right_logical3A_202 : vector<128x2048xi32>
    %or3A_204 = arith.ori %shift_left3A_200, %shift_right_logical3A_203 : vector<128x2048xi32>
    %xor3A_205 = arith.xori %add3A_197, %or3A_204 : vector<128x2048xi32>
    %add3A_206 = arith.addi %add3A_197, %xor3A_205 : vector<128x2048xi32>
    %shift_left3A_207 = arith.constant 26 : i32
    %shift_left3A_208 = vector.broadcast %shift_left3A_207 : i32 to vector<128x2048xi32>
    %shift_left3A_209 = arith.shli %xor3A_205, %shift_left3A_208 : vector<128x2048xi32>
    %shift_right_logical3A_210 = arith.constant 6 : i32
    %shift_right_logical3A_211 = vector.broadcast %shift_right_logical3A_210 : i32 to vector<128x2048xi32>
    %shift_right_logical3A_212 = arith.shrui %xor3A_205, %shift_right_logical3A_211 : vector<128x2048xi32>
    %or3A_213 = arith.ori %shift_left3A_209, %shift_right_logical3A_212 : vector<128x2048xi32>
    %xor3A_214 = arith.xori %add3A_206, %or3A_213 : vector<128x2048xi32>
    %add3A_215 = arith.addi %add3A_206, %xor3A_214 : vector<128x2048xi32>
    %shift_left3A_216 = arith.constant 6 : i32
    %shift_left3A_217 = vector.broadcast %shift_left3A_216 : i32 to vector<128x2048xi32>
    %shift_left3A_218 = arith.shli %xor3A_214, %shift_left3A_217 : vector<128x2048xi32>
    %shift_right_logical3A_219 = arith.constant 26 : i32
    %shift_right_logical3A_220 = vector.broadcast %shift_right_logical3A_219 : i32 to vector<128x2048xi32>
    %shift_right_logical3A_221 = arith.shrui %xor3A_214, %shift_right_logical3A_220 : vector<128x2048xi32>
    %or3A_222 = arith.ori %shift_left3A_218, %shift_right_logical3A_221 : vector<128x2048xi32>
    %xor3A_223 = arith.xori %add3A_215, %or3A_222 : vector<128x2048xi32>
    %add3A_224 = arith.constant 466689008 : i32
    %add3A_225 = vector.broadcast %add3A_224 : i32 to vector<128x2048xi32>
    %add3A_226 = arith.addi %add3A_215, %add3A_225 : vector<128x2048xi32>
    %add3A_227 = arith.constant 0 : i32
    %add3A_228 = arith.constant 5 : i32
    %add3A_229 = arith.addi %add3A_227, %add3A_228 : i32
    %add3A_230 = vector.broadcast %add3A_229 : i32 to vector<128x2048xi32>
    %add3A_231 = arith.addi %xor3A_223, %add3A_230 : vector<128x2048xi32>
    %xor3A_232 = arith.xori %add3A_226, %add3A_231 : vector<128x2048xi32>
    %shift_right_logical3A_233 = arith.constant 9 : i32
    %shift_right_logical3A_234 = vector.broadcast %shift_right_logical3A_233 : i32 to vector<128x2048xi32>
    %shift_right_logical3A_235 = arith.shrui %xor3A_232, %shift_right_logical3A_234 : vector<128x2048xi32>
    %or3A_236 = arith.constant 1065353216 : i32
    %or3A_237 = vector.broadcast %or3A_236 : i32 to vector<128x2048xi32>
    %or3A_238 = arith.ori %shift_right_logical3A_235, %or3A_237 : vector<128x2048xi32>
    %bitcast_convert_type3A = tpu.bitcast %or3A_238 : vector<128x2048xi32> -> vector<128x2048xf32>
    %sub3A = arith.constant 1.000000e+00 : f32
    %sub3A_239 = vector.broadcast %sub3A : f32 to vector<128x2048xf32>
    %sub3A_240 = arith.subf %bitcast_convert_type3A, %sub3A_239 : vector<128x2048xf32>
    %add3A_241 = arith.constant 9.99999993E-9 : f32
    %add3A_242 = vector.broadcast %add3A_241 : f32 to vector<128x2048xf32>
    %add3A_243 = arith.addf %sub3A_240, %add3A_242 : vector<128x2048xf32>
    %log3A = math.log %add3A_243 : vector<128x2048xf32>
    %neg3A = arith.constant 0.000000e+00 : f32
    %neg3A_244 = vector.broadcast %neg3A : f32 to vector<128x2048xf32>
    %neg3A_245 = arith.subf %neg3A_244, %log3A : vector<128x2048xf32>
    %add3A_246 = arith.constant 9.99999993E-9 : f32
    %add3A_247 = vector.broadcast %add3A_246 : f32 to vector<128x2048xf32>
    %add3A_248 = arith.addf %neg3A_245, %add3A_247 : vector<128x2048xf32>
    %log3A_249 = math.log %add3A_248 : vector<128x2048xf32>
    %neg3A_250 = arith.constant 0.000000e+00 : f32
    %neg3A_251 = vector.broadcast %neg3A_250 : f32 to vector<128x2048xf32>
    %neg3A_252 = arith.subf %neg3A_251, %log3A_249 : vector<128x2048xf32>
    %get3A = arith.constant 0 : index
    %get3A_253 = arith.constant 0 : index
    %get3A_254 = vector.load %arg1[%get3A, %get3A_253] : memref<128x2048xf32, #tpu.memory_space<vmem>>, vector<128x2048xf32>
    %add3A_255 = arith.addf %get3A_254, %neg3A_252 : vector<128x2048xf32>
    %lt3A = arith.constant 100000 : i32
    %lt3A_256 = vector.broadcast %lt3A : i32 to vector<128x2048xi32>
    %lt3A_257 = arith.cmpi slt, %add3A_3, %lt3A_256 : vector<128x2048xi32>
    %jit3A = arith.constant 0xFF800000 : f32
    %broadcast_in_dim3A_258 = vector.broadcast %jit3A : f32 to vector<128x2048xf32>
    %select_n3A = arith.select %lt3A_257, %add3A_255, %broadcast_in_dim3A_258 : vector<128x2048xi1>, vector<128x2048xf32>
    %reduce_max3A = arith.constant dense<0xFF800000> : vector<128xf32>
    %reduce_max3A_259 = vector.multi_reduction <maximumf>, %select_n3A, %reduce_max3A [1] : vector<128x2048xf32> to vector<128xf32>
    %broadcast_in_dim3A_260 = vector.shape_cast %reduce_max3A_259 : vector<128xf32> to vector<128x1xf32>
    %eq3A_261 = vector.broadcast %broadcast_in_dim3A_260 : vector<128x1xf32> to vector<128x2048xf32>
    %eq3A_262 = arith.cmpf oeq, %select_n3A, %eq3A_261 : vector<128x2048xf32>
    %jit3A_263 = arith.constant 2147483647 : i32
    %broadcast_in_dim3A_264 = vector.broadcast %jit3A_263 : i32 to vector<128x2048xi32>
    %select_n3A_265 = arith.select %eq3A_262, %add3A_8, %broadcast_in_dim3A_264 : vector<128x2048xi1>, vector<128x2048xi32>
    %reduce_min3A = arith.constant dense<2147483647> : vector<128xi32>
    %reduce_min3A_266 = vector.multi_reduction <minsi>, %select_n3A_265, %reduce_min3A [1] : vector<128x2048xi32> to vector<128xi32>
    %broadcast_in_dim3A_267 = vector.shape_cast %reduce_min3A_266 : vector<128xi32> to vector<128x1xi32>
    %get3A_268 = arith.constant 0 : index
    %get3A_269 = arith.constant 0 : index
    %get3A_270 = vector.load %arg4[%get3A_268, %get3A_269] : memref<128x1xf32, #tpu.memory_space<vmem>>, vector<128x1xf32>
    %gt3A = arith.cmpf ogt, %broadcast_in_dim3A_260, %get3A_270 : vector<128x1xf32>
    %get3A_271 = arith.constant 0 : index
    %get3A_272 = arith.constant 0 : index
    %get3A_273 = vector.load %arg4[%get3A_271, %get3A_272] : memref<128x1xf32, #tpu.memory_space<vmem>>, vector<128x1xf32>
    %select_n3A_274 = arith.select %gt3A, %broadcast_in_dim3A_260, %get3A_273 : vector<128x1xi1>, vector<128x1xf32>
    %swap3A = arith.constant 0 : index
    %swap3A_275 = arith.constant 0 : index
    %swap3A_276 = vector.load %arg4[%swap3A, %swap3A_275] : memref<128x1xf32, #tpu.memory_space<vmem>>, vector<128x1xf32>
    tpu.vector_store %arg4[%swap3A, %swap3A_275], %select_n3A_274 {strides = array<i32>} : memref<128x1xf32, #tpu.memory_space<vmem>>, vector<128x1xf32>,
    %get3A_277 = arith.constant 0 : index
    %get3A_278 = arith.constant 0 : index
    %get3A_279 = vector.load %arg3[%get3A_277, %get3A_278] : memref<128x1xi32, #tpu.memory_space<vmem>>, vector<128x1xi32>
    %select_n3A_280 = arith.select %gt3A, %broadcast_in_dim3A_267, %get3A_279 : vector<128x1xi1>, vector<128x1xi32>
    %swap3A_281 = arith.constant 0 : index
    %swap3A_282 = arith.constant 0 : index
    %swap3A_283 = vector.load %arg3[%swap3A_281, %swap3A_282] : memref<128x1xi32, #tpu.memory_space<vmem>>, vector<128x1xi32>
    tpu.vector_store %arg3[%swap3A_281, %swap3A_282], %select_n3A_280 {strides = array<i32>} : memref<128x1xi32, #tpu.memory_space<vmem>>, vector<128x1xi32>,
    %broadcast_in_dim3A_284 = arith.constant 0.000000e+00 : f32
    %broadcast_in_dim3A_285 = vector.broadcast %broadcast_in_dim3A_284 : f32 to vector<262144xf32>
    %swap3A_286 = arith.constant 0 : index
    %swap3A_287 = vector.load %arg2[%swap3A_286] : memref<262144xf32, #tpu.memory_space<vmem>>, vector<262144xf32>
    tpu.vector_store %arg2[%swap3A_286], %broadcast_in_dim3A_285 {strides = array<i32>} : memref<262144xf32, #tpu.memory_space<vmem>>, vector<262144xf32>,
    return
  }
  func.func @transform_0(%arg0: i32) -> (i32, i32) {
    %c0_i32 = arith.constant 0 : i32
    %c0_i32_0 = arith.constant 0 : i32
    return %c0_i32, %arg0 : i32, i32
  }
  func.func @transform_1(%arg0: i32) -> i32 {
    %c0_i32 = arith.constant 0 : i32
    return %arg0 : i32
  }
  func.func @transform_2(%arg0: i32) -> (i32, i32) {
    %c0_i32 = arith.constant 0 : i32
    %c0_i32_0 = arith.constant 0 : i32
    %c0_i32_1 = arith.constant 0 : i32
    return %c0_i32, %c0_i32_0 : i32, i32
  }
}

module attributes {stable_mosaic.version = 14 : i64} {
  func.func @_scatter_body(%arg0: memref<128xi32, #tpu.memory_space<smem>>, %arg1: memref<128x1xi32, #tpu.memory_space<vmem>>, %arg2: memref<128x1xi32, #tpu.memory_space<vmem>>, %arg3: memref<128x1xi32, #tpu.memory_space<vmem>>, %arg4: memref<12800000xf32, #tpu.memory_space<any>>, %arg5: memref<12800000xf32, #tpu.memory_space<any>>, %arg6: memref<128x128xf32, #tpu.memory_space<vmem>>, %arg7: memref<!tpu.dma_semaphore, #tpu.memory_space<semaphore_mem>>) attributes {dimension_semantics = [], scalar_prefetch = 0 : i64, scratch_operands = 2 : i64, tpu.core_type = #tpu.core_type<tc>} {
    %get3A = arith.constant 0 : index
    %get3A_0 = arith.constant 0 : index
    %get3A_1 = vector.load %arg1[%get3A, %get3A_0] : memref<128x1xi32, #tpu.memory_space<vmem>>, vector<128x1xi32>
    %jit3A = arith.constant 128 : i32
    %div3A = vector.broadcast %jit3A : i32 to vector<128x1xi32>
    %div3A_2 = arith.divsi %get3A_1, %div3A : vector<128x1xi32>
    %sign3A = arith.constant 0 : i32
    %sign3A_3 = vector.broadcast %sign3A : i32 to vector<128x1xi32>
    %sign3A_4 = arith.cmpi sgt, %get3A_1, %sign3A_3 : vector<128x1xi32>
    %sign3A_5 = arith.extui %sign3A_4 : vector<128x1xi1> to vector<128x1xi32>
    %sign3A_6 = arith.constant 0 : i32
    %sign3A_7 = vector.broadcast %sign3A_6 : i32 to vector<128x1xi32>
    %sign3A_8 = arith.cmpi slt, %get3A_1, %sign3A_7 : vector<128x1xi32>
    %sign3A_9 = arith.extui %sign3A_8 : vector<128x1xi1> to vector<128x1xi32>
    %sign3A_10 = arith.subi %sign3A_5, %sign3A_9 : vector<128x1xi32>
    %sign3A_11 = arith.constant 0 : i32
    %sign3A_12 = arith.cmpi sgt, %jit3A, %sign3A_11 : i32
    %sign3A_13 = arith.extui %sign3A_12 : i1 to i32
    %sign3A_14 = arith.constant 0 : i32
    %sign3A_15 = arith.cmpi slt, %jit3A, %sign3A_14 : i32
    %sign3A_16 = arith.extui %sign3A_15 : i1 to i32
    %sign3A_17 = arith.subi %sign3A_13, %sign3A_16 : i32
    %ne3A = vector.broadcast %sign3A_17 : i32 to vector<128x1xi32>
    %ne3A_18 = arith.cmpi ne, %sign3A_10, %ne3A : vector<128x1xi32>
    %rem3A = vector.broadcast %jit3A : i32 to vector<128x1xi32>
    %rem3A_19 = arith.remsi %get3A_1, %rem3A : vector<128x1xi32>
    %ne3A_20 = arith.constant 0 : i32
    %ne3A_21 = vector.broadcast %ne3A_20 : i32 to vector<128x1xi32>
    %ne3A_22 = arith.cmpi ne, %rem3A_19, %ne3A_21 : vector<128x1xi32>
    %and3A = arith.andi %ne3A_18, %ne3A_22 : vector<128x1xi1>
    %sub3A = arith.constant 1 : i32
    %sub3A_23 = vector.broadcast %sub3A : i32 to vector<128x1xi32>
    %sub3A_24 = arith.subi %div3A_2, %sub3A_23 : vector<128x1xi32>
    %select_n3A = arith.select %and3A, %sub3A_24, %div3A_2 : vector<128x1xi1>, vector<128x1xi32>
    %mul3A = arith.constant 128 : i32
    %mul3A_25 = vector.broadcast %mul3A : i32 to vector<128x1xi32>
    %mul3A_26 = arith.muli %select_n3A, %mul3A_25 : vector<128x1xi32>
    %iota3A = tpu.iota {dimensions = array<i32: 1>} : vector<128x128xi32>
    %add3A = vector.broadcast %mul3A_26 : vector<128x1xi32> to vector<128x128xi32>
    %add3A_27 = arith.addi %add3A, %iota3A : vector<128x128xi32>
    %get3A_28 = arith.constant 0 : index
    %get3A_29 = arith.constant 0 : index
    %get3A_30 = vector.load %arg1[%get3A_28, %get3A_29] : memref<128x1xi32, #tpu.memory_space<vmem>>, vector<128x1xi32>
    %eq3A = vector.broadcast %get3A_30 : vector<128x1xi32> to vector<128x128xi32>
    %eq3A_31 = arith.cmpi eq, %add3A_27, %eq3A : vector<128x128xi32>
    %get3A_32 = arith.constant 0 : index
    %get3A_33 = arith.constant 0 : index
    %get3A_34 = vector.load %arg2[%get3A_32, %get3A_33] : memref<128x1xi32, #tpu.memory_space<vmem>>, vector<128x1xi32>
    %eq3A_35 = vector.broadcast %get3A_34 : vector<128x1xi32> to vector<128x128xi32>
    %eq3A_36 = arith.cmpi eq, %add3A_27, %eq3A_35 : vector<128x128xi32>
    %or3A = arith.ori %eq3A_31, %eq3A_36 : vector<128x128xi1>
    %get3A_37 = arith.constant 0 : index
    %get3A_38 = arith.constant 0 : index
    %get3A_39 = vector.load %arg3[%get3A_37, %get3A_38] : memref<128x1xi32, #tpu.memory_space<vmem>>, vector<128x1xi32>
    %eq3A_40 = vector.broadcast %get3A_39 : vector<128x1xi32> to vector<128x128xi32>
    %eq3A_41 = arith.cmpi eq, %add3A_27, %eq3A_40 : vector<128x128xi32>
    %or3A_42 = arith.ori %or3A, %eq3A_41 : vector<128x128xi1>
    %jit3A_43 = arith.constant 1.000000e+00 : f32
    %jit3A_44 = arith.constant 0.000000e+00 : f32
    %broadcast_in_dim3A = vector.broadcast %jit3A_43 : f32 to vector<128x128xf32>
    %broadcast_in_dim3A_45 = vector.broadcast %jit3A_44 : f32 to vector<128x128xf32>
    %select_n3A_46 = arith.select %or3A_42, %broadcast_in_dim3A, %broadcast_in_dim3A_45 : vector<128x128xi1>, vector<128x128xf32>
    %swap3A = arith.constant 0 : index
    %swap3A_47 = arith.constant 0 : index
    %swap3A_48 = vector.load %arg6[%swap3A, %swap3A_47] : memref<128x128xf32, #tpu.memory_space<vmem>>, vector<128x128xf32>
    tpu.vector_store %arg6[%swap3A, %swap3A_47], %select_n3A_46 {strides = array<i32>} : memref<128x128xf32, #tpu.memory_space<vmem>>, vector<128x128xf32>,
    %get3A_49 = arith.constant 0 : index
    %get3A_50 = memref.load %arg0[%get3A_49] : memref<128xi32, #tpu.memory_space<smem>>
    %jit3A_51 = arith.constant 128 : i32
    %div3A_52 = arith.divsi %get3A_50, %jit3A_51 : i32
    %sign3A_53 = arith.constant 0 : i32
    %sign3A_54 = arith.cmpi sgt, %get3A_50, %sign3A_53 : i32
    %sign3A_55 = arith.extui %sign3A_54 : i1 to i32
    %sign3A_56 = arith.constant 0 : i32
    %sign3A_57 = arith.cmpi slt, %get3A_50, %sign3A_56 : i32
    %sign3A_58 = arith.extui %sign3A_57 : i1 to i32
    %sign3A_59 = arith.subi %sign3A_55, %sign3A_58 : i32
    %sign3A_60 = arith.constant 0 : i32
    %sign3A_61 = arith.cmpi sgt, %jit3A_51, %sign3A_60 : i32
    %sign3A_62 = arith.extui %sign3A_61 : i1 to i32
    %sign3A_63 = arith.constant 0 : i32
    %sign3A_64 = arith.cmpi slt, %jit3A_51, %sign3A_63 : i32
    %sign3A_65 = arith.extui %sign3A_64 : i1 to i32
    %sign3A_66 = arith.subi %sign3A_62, %sign3A_65 : i32
    %ne3A_67 = arith.cmpi ne, %sign3A_59, %sign3A_66 : i32
    %rem3A_68 = arith.remsi %get3A_50, %jit3A_51 : i32
    %ne3A_69 = arith.constant 0 : i32
    %ne3A_70 = arith.cmpi ne, %rem3A_68, %ne3A_69 : i32
    %and3A_71 = arith.andi %ne3A_67, %ne3A_70 : i1
    %sub3A_72 = arith.constant 1 : i32
    %sub3A_73 = arith.subi %div3A_52, %sub3A_72 : i32
    %select_n3A_74 = arith.select %and3A_71, %sub3A_73, %div3A_52 : i32
    %mul3A_75 = arith.constant 128 : i32
    %mul3A_76 = arith.muli %select_n3A_74, %mul3A_75 : i32
    %dma_start3A = arith.constant 0 : i32
    %dma_start3A_77 = tpu.memref_slice %arg5[%mul3A_76] : memref<12800000xf32, #tpu.memory_space<any>> -> memref<128xf32, #tpu.memory_space<any>>
    %dma_start3A_78 = arith.constant 0 : i32
    %dma_start3A_79 = tpu.memref_slice %arg6[%dma_start3A, %dma_start3A_78] : memref<128x128xf32, #tpu.memory_space<vmem>> -> memref<1x128xf32, #tpu.memory_space<vmem>>
    %dma_start3A_80 = tpu.memref_squeeze %dma_start3A_79 : memref<1x128xf32, #tpu.memory_space<vmem>> -> memref<128xf32, #tpu.memory_space<vmem>>
    tpu.enqueue_dma source(%dma_start3A_80 : memref<128xf32, #tpu.memory_space<vmem>>) target(%dma_start3A_77 : memref<128xf32, #tpu.memory_space<any>>) target_semaphore(%arg7 : memref<!tpu.dma_semaphore, #tpu.memory_space<semaphore_mem>>)
    %get3A_81 = arith.constant 1 : index
    %get3A_82 = memref.load %arg0[%get3A_81] : memref<128xi32, #tpu.memory_space<smem>>
    %jit3A_83 = arith.constant 128 : i32
    %div3A_84 = arith.divsi %get3A_82, %jit3A_83 : i32
    %sign3A_85 = arith.constant 0 : i32
    %sign3A_86 = arith.cmpi sgt, %get3A_82, %sign3A_85 : i32
    %sign3A_87 = arith.extui %sign3A_86 : i1 to i32
    %sign3A_88 = arith.constant 0 : i32
    %sign3A_89 = arith.cmpi slt, %get3A_82, %sign3A_88 : i32
    %sign3A_90 = arith.extui %sign3A_89 : i1 to i32
    %sign3A_91 = arith.subi %sign3A_87, %sign3A_90 : i32
    %sign3A_92 = arith.constant 0 : i32
    %sign3A_93 = arith.cmpi sgt, %jit3A_83, %sign3A_92 : i32
    %sign3A_94 = arith.extui %sign3A_93 : i1 to i32
    %sign3A_95 = arith.constant 0 : i32
    %sign3A_96 = arith.cmpi slt, %jit3A_83, %sign3A_95 : i32
    %sign3A_97 = arith.extui %sign3A_96 : i1 to i32
    %sign3A_98 = arith.subi %sign3A_94, %sign3A_97 : i32
    %ne3A_99 = arith.cmpi ne, %sign3A_91, %sign3A_98 : i32
    %rem3A_100 = arith.remsi %get3A_82, %jit3A_83 : i32
    %ne3A_101 = arith.constant 0 : i32
    %ne3A_102 = arith.cmpi ne, %rem3A_100, %ne3A_101 : i32
    %and3A_103 = arith.andi %ne3A_99, %ne3A_102 : i1
    %sub3A_104 = arith.constant 1 : i32
    %sub3A_105 = arith.subi %div3A_84, %sub3A_104 : i32
    %select_n3A_106 = arith.select %and3A_103, %sub3A_105, %div3A_84 : i32
    %mul3A_107 = arith.constant 128 : i32
    %mul3A_108 = arith.muli %select_n3A_106, %mul3A_107 : i32
    %dma_start3A_109 = arith.constant 1 : i32
    %dma_start3A_110 = tpu.memref_slice %arg5[%mul3A_108] : memref<12800000xf32, #tpu.memory_space<any>> -> memref<128xf32, #tpu.memory_space<any>>
    %dma_start3A_111 = arith.constant 0 : i32
    %dma_start3A_112 = tpu.memref_slice %arg6[%dma_start3A_109, %dma_start3A_111] : memref<128x128xf32, #tpu.memory_space<vmem>> -> memref<1x128xf32, #tpu.memory_space<vmem>>
    %dma_start3A_113 = tpu.memref_squeeze %dma_start3A_112 : memref<1x128xf32, #tpu.memory_space<vmem>> -> memref<128xf32, #tpu.memory_space<vmem>>
    tpu.enqueue_dma source(%dma_start3A_113 : memref<128xf32, #tpu.memory_space<vmem>>) target(%dma_start3A_110 : memref<128xf32, #tpu.memory_space<any>>) target_semaphore(%arg7 : memref<!tpu.dma_semaphore, #tpu.memory_space<semaphore_mem>>)
    %get3A_114 = arith.constant 2 : index
    %get3A_115 = memref.load %arg0[%get3A_114] : memref<128xi32, #tpu.memory_space<smem>>
    %jit3A_116 = arith.constant 128 : i32
    %div3A_117 = arith.divsi %get3A_115, %jit3A_116 : i32
    %sign3A_118 = arith.constant 0 : i32
    %sign3A_119 = arith.cmpi sgt, %get3A_115, %sign3A_118 : i32
    %sign3A_120 = arith.extui %sign3A_119 : i1 to i32
    %sign3A_121 = arith.constant 0 : i32
    %sign3A_122 = arith.cmpi slt, %get3A_115, %sign3A_121 : i32
    %sign3A_123 = arith.extui %sign3A_122 : i1 to i32
    %sign3A_124 = arith.subi %sign3A_120, %sign3A_123 : i32
    %sign3A_125 = arith.constant 0 : i32
    %sign3A_126 = arith.cmpi sgt, %jit3A_116, %sign3A_125 : i32
    %sign3A_127 = arith.extui %sign3A_126 : i1 to i32
    %sign3A_128 = arith.constant 0 : i32
    %sign3A_129 = arith.cmpi slt, %jit3A_116, %sign3A_128 : i32
    %sign3A_130 = arith.extui %sign3A_129 : i1 to i32
    %sign3A_131 = arith.subi %sign3A_127, %sign3A_130 : i32
    %ne3A_132 = arith.cmpi ne, %sign3A_124, %sign3A_131 : i32
    %rem3A_133 = arith.remsi %get3A_115, %jit3A_116 : i32
    %ne3A_134 = arith.constant 0 : i32
    %ne3A_135 = arith.cmpi ne, %rem3A_133, %ne3A_134 : i32
    %and3A_136 = arith.andi %ne3A_132, %ne3A_135 : i1
    %sub3A_137 = arith.constant 1 : i32
    %sub3A_138 = arith.subi %div3A_117, %sub3A_137 : i32
    %select_n3A_139 = arith.select %and3A_136, %sub3A_138, %div3A_117 : i32
    %mul3A_140 = arith.constant 128 : i32
    %mul3A_141 = arith.muli %select_n3A_139, %mul3A_140 : i32
    %dma_start3A_142 = arith.constant 2 : i32
    %dma_start3A_143 = tpu.memref_slice %arg5[%mul3A_141] : memref<12800000xf32, #tpu.memory_space<any>> -> memref<128xf32, #tpu.memory_space<any>>
    %dma_start3A_144 = arith.constant 0 : i32
    %dma_start3A_145 = tpu.memref_slice %arg6[%dma_start3A_142, %dma_start3A_144] : memref<128x128xf32, #tpu.memory_space<vmem>> -> memref<1x128xf32, #tpu.memory_space<vmem>>
    %dma_start3A_146 = tpu.memref_squeeze %dma_start3A_145 : memref<1x128xf32, #tpu.memory_space<vmem>> -> memref<128xf32, #tpu.memory_space<vmem>>
    tpu.enqueue_dma source(%dma_start3A_146 : memref<128xf32, #tpu.memory_space<vmem>>) target(%dma_start3A_143 : memref<128xf32, #tpu.memory_space<any>>) target_semaphore(%arg7 : memref<!tpu.dma_semaphore, #tpu.memory_space<semaphore_mem>>)
    %get3A_147 = arith.constant 3 : index
    %get3A_148 = memref.load %arg0[%get3A_147] : memref<128xi32, #tpu.memory_space<smem>>
    %jit3A_149 = arith.constant 128 : i32
    %div3A_150 = arith.divsi %get3A_148, %jit3A_149 : i32
    %sign3A_151 = arith.constant 0 : i32
    %sign3A_152 = arith.cmpi sgt, %get3A_148, %sign3A_151 : i32
    %sign3A_153 = arith.extui %sign3A_152 : i1 to i32
    %sign3A_154 = arith.constant 0 : i32
    %sign3A_155 = arith.cmpi slt, %get3A_148, %sign3A_154 : i32
    %sign3A_156 = arith.extui %sign3A_155 : i1 to i32
    %sign3A_157 = arith.subi %sign3A_153, %sign3A_156 : i32
    %sign3A_158 = arith.constant 0 : i32
    %sign3A_159 = arith.cmpi sgt, %jit3A_149, %sign3A_158 : i32
    %sign3A_160 = arith.extui %sign3A_159 : i1 to i32
    %sign3A_161 = arith.constant 0 : i32
    %sign3A_162 = arith.cmpi slt, %jit3A_149, %sign3A_161 : i32
    %sign3A_163 = arith.extui %sign3A_162 : i1 to i32
    %sign3A_164 = arith.subi %sign3A_160, %sign3A_163 : i32
    %ne3A_165 = arith.cmpi ne, %sign3A_157, %sign3A_164 : i32
    %rem3A_166 = arith.remsi %get3A_148, %jit3A_149 : i32
    %ne3A_167 = arith.constant 0 : i32
    %ne3A_168 = arith.cmpi ne, %rem3A_166, %ne3A_167 : i32
    %and3A_169 = arith.andi %ne3A_165, %ne3A_168 : i1
    %sub3A_170 = arith.constant 1 : i32
    %sub3A_171 = arith.subi %div3A_150, %sub3A_170 : i32
    %select_n3A_172 = arith.select %and3A_169, %sub3A_171, %div3A_150 : i32
    %mul3A_173 = arith.constant 128 : i32
    %mul3A_174 = arith.muli %select_n3A_172, %mul3A_173 : i32
    %dma_start3A_175 = arith.constant 3 : i32
    %dma_start3A_176 = tpu.memref_slice %arg5[%mul3A_174] : memref<12800000xf32, #tpu.memory_space<any>> -> memref<128xf32, #tpu.memory_space<any>>
    %dma_start3A_177 = arith.constant 0 : i32
    %dma_start3A_178 = tpu.memref_slice %arg6[%dma_start3A_175, %dma_start3A_177] : memref<128x128xf32, #tpu.memory_space<vmem>> -> memref<1x128xf32, #tpu.memory_space<vmem>>
    %dma_start3A_179 = tpu.memref_squeeze %dma_start3A_178 : memref<1x128xf32, #tpu.memory_space<vmem>> -> memref<128xf32, #tpu.memory_space<vmem>>
    tpu.enqueue_dma source(%dma_start3A_179 : memref<128xf32, #tpu.memory_space<vmem>>) target(%dma_start3A_176 : memref<128xf32, #tpu.memory_space<any>>) target_semaphore(%arg7 : memref<!tpu.dma_semaphore, #tpu.memory_space<semaphore_mem>>)
    %get3A_180 = arith.constant 4 : index
    %get3A_181 = memref.load %arg0[%get3A_180] : memref<128xi32, #tpu.memory_space<smem>>
    %jit3A_182 = arith.constant 128 : i32
    %div3A_183 = arith.divsi %get3A_181, %jit3A_182 : i32
    %sign3A_184 = arith.constant 0 : i32
    %sign3A_185 = arith.cmpi sgt, %get3A_181, %sign3A_184 : i32
    %sign3A_186 = arith.extui %sign3A_185 : i1 to i32
    %sign3A_187 = arith.constant 0 : i32
    %sign3A_188 = arith.cmpi slt, %get3A_181, %sign3A_187 : i32
    %sign3A_189 = arith.extui %sign3A_188 : i1 to i32
    %sign3A_190 = arith.subi %sign3A_186, %sign3A_189 : i32
    %sign3A_191 = arith.constant 0 : i32
    %sign3A_192 = arith.cmpi sgt, %jit3A_182, %sign3A_191 : i32
    %sign3A_193 = arith.extui %sign3A_192 : i1 to i32
    %sign3A_194 = arith.constant 0 : i32
    %sign3A_195 = arith.cmpi slt, %jit3A_182, %sign3A_194 : i32
    %sign3A_196 = arith.extui %sign3A_195 : i1 to i32
    %sign3A_197 = arith.subi %sign3A_193, %sign3A_196 : i32
    %ne3A_198 = arith.cmpi ne, %sign3A_190, %sign3A_197 : i32
    %rem3A_199 = arith.remsi %get3A_181, %jit3A_182 : i32
    %ne3A_200 = arith.constant 0 : i32
    %ne3A_201 = arith.cmpi ne, %rem3A_199, %ne3A_200 : i32
    %and3A_202 = arith.andi %ne3A_198, %ne3A_201 : i1
    %sub3A_203 = arith.constant 1 : i32
    %sub3A_204 = arith.subi %div3A_183, %sub3A_203 : i32
    %select_n3A_205 = arith.select %and3A_202, %sub3A_204, %div3A_183 : i32
    %mul3A_206 = arith.constant 128 : i32
    %mul3A_207 = arith.muli %select_n3A_205, %mul3A_206 : i32
    %dma_start3A_208 = arith.constant 4 : i32
    %dma_start3A_209 = tpu.memref_slice %arg5[%mul3A_207] : memref<12800000xf32, #tpu.memory_space<any>> -> memref<128xf32, #tpu.memory_space<any>>
    %dma_start3A_210 = arith.constant 0 : i32
    %dma_start3A_211 = tpu.memref_slice %arg6[%dma_start3A_208, %dma_start3A_210] : memref<128x128xf32, #tpu.memory_space<vmem>> -> memref<1x128xf32, #tpu.memory_space<vmem>>
    %dma_start3A_212 = tpu.memref_squeeze %dma_start3A_211 : memref<1x128xf32, #tpu.memory_space<vmem>> -> memref<128xf32, #tpu.memory_space<vmem>>
    tpu.enqueue_dma source(%dma_start3A_212 : memref<128xf32, #tpu.memory_space<vmem>>) target(%dma_start3A_209 : memref<128xf32, #tpu.memory_space<any>>) target_semaphore(%arg7 : memref<!tpu.dma_semaphore, #tpu.memory_space<semaphore_mem>>)
    %get3A_213 = arith.constant 5 : index
    %get3A_214 = memref.load %arg0[%get3A_213] : memref<128xi32, #tpu.memory_space<smem>>
    %jit3A_215 = arith.constant 128 : i32
    %div3A_216 = arith.divsi %get3A_214, %jit3A_215 : i32
    %sign3A_217 = arith.constant 0 : i32
    %sign3A_218 = arith.cmpi sgt, %get3A_214, %sign3A_217 : i32
    %sign3A_219 = arith.extui %sign3A_218 : i1 to i32
    %sign3A_220 = arith.constant 0 : i32
    %sign3A_221 = arith.cmpi slt, %get3A_214, %sign3A_220 : i32
    %sign3A_222 = arith.extui %sign3A_221 : i1 to i32
    %sign3A_223 = arith.subi %sign3A_219, %sign3A_222 : i32
    %sign3A_224 = arith.constant 0 : i32
    %sign3A_225 = arith.cmpi sgt, %jit3A_215, %sign3A_224 : i32
    %sign3A_226 = arith.extui %sign3A_225 : i1 to i32
    %sign3A_227 = arith.constant 0 : i32
    %sign3A_228 = arith.cmpi slt, %jit3A_215, %sign3A_227 : i32
    %sign3A_229 = arith.extui %sign3A_228 : i1 to i32
    %sign3A_230 = arith.subi %sign3A_226, %sign3A_229 : i32
    %ne3A_231 = arith.cmpi ne, %sign3A_223, %sign3A_230 : i32
    %rem3A_232 = arith.remsi %get3A_214, %jit3A_215 : i32
    %ne3A_233 = arith.constant 0 : i32
    %ne3A_234 = arith.cmpi ne, %rem3A_232, %ne3A_233 : i32
    %and3A_235 = arith.andi %ne3A_231, %ne3A_234 : i1
    %sub3A_236 = arith.constant 1 : i32
    %sub3A_237 = arith.subi %div3A_216, %sub3A_236 : i32
    %select_n3A_238 = arith.select %and3A_235, %sub3A_237, %div3A_216 : i32
    %mul3A_239 = arith.constant 128 : i32
    %mul3A_240 = arith.muli %select_n3A_238, %mul3A_239 : i32
    %dma_start3A_241 = arith.constant 5 : i32
    %dma_start3A_242 = tpu.memref_slice %arg5[%mul3A_240] : memref<12800000xf32, #tpu.memory_space<any>> -> memref<128xf32, #tpu.memory_space<any>>
    %dma_start3A_243 = arith.constant 0 : i32
    %dma_start3A_244 = tpu.memref_slice %arg6[%dma_start3A_241, %dma_start3A_243] : memref<128x128xf32, #tpu.memory_space<vmem>> -> memref<1x128xf32, #tpu.memory_space<vmem>>
    %dma_start3A_245 = tpu.memref_squeeze %dma_start3A_244 : memref<1x128xf32, #tpu.memory_space<vmem>> -> memref<128xf32, #tpu.memory_space<vmem>>
    tpu.enqueue_dma source(%dma_start3A_245 : memref<128xf32, #tpu.memory_space<vmem>>) target(%dma_start3A_242 : memref<128xf32, #tpu.memory_space<any>>) target_semaphore(%arg7 : memref<!tpu.dma_semaphore, #tpu.memory_space<semaphore_mem>>)
    %get3A_246 = arith.constant 6 : index
    %get3A_247 = memref.load %arg0[%get3A_246] : memref<128xi32, #tpu.memory_space<smem>>
    %jit3A_248 = arith.constant 128 : i32
    %div3A_249 = arith.divsi %get3A_247, %jit3A_248 : i32
    %sign3A_250 = arith.constant 0 : i32
    %sign3A_251 = arith.cmpi sgt, %get3A_247, %sign3A_250 : i32
    %sign3A_252 = arith.extui %sign3A_251 : i1 to i32
    %sign3A_253 = arith.constant 0 : i32
    %sign3A_254 = arith.cmpi slt, %get3A_247, %sign3A_253 : i32
    %sign3A_255 = arith.extui %sign3A_254 : i1 to i32
    %sign3A_256 = arith.subi %sign3A_252, %sign3A_255 : i32
    %sign3A_257 = arith.constant 0 : i32
    %sign3A_258 = arith.cmpi sgt, %jit3A_248, %sign3A_257 : i32
    %sign3A_259 = arith.extui %sign3A_258 : i1 to i32
    %sign3A_260 = arith.constant 0 : i32
    %sign3A_261 = arith.cmpi slt, %jit3A_248, %sign3A_260 : i32
    %sign3A_262 = arith.extui %sign3A_261 : i1 to i32
    %sign3A_263 = arith.subi %sign3A_259, %sign3A_262 : i32
    %ne3A_264 = arith.cmpi ne, %sign3A_256, %sign3A_263 : i32
    %rem3A_265 = arith.remsi %get3A_247, %jit3A_248 : i32
    %ne3A_266 = arith.constant 0 : i32
    %ne3A_267 = arith.cmpi ne, %rem3A_265, %ne3A_266 : i32
    %and3A_268 = arith.andi %ne3A_264, %ne3A_267 : i1
    %sub3A_269 = arith.constant 1 : i32
    %sub3A_270 = arith.subi %div3A_249, %sub3A_269 : i32
    %select_n3A_271 = arith.select %and3A_268, %sub3A_270, %div3A_249 : i32
    %mul3A_272 = arith.constant 128 : i32
    %mul3A_273 = arith.muli %select_n3A_271, %mul3A_272 : i32
    %dma_start3A_274 = arith.constant 6 : i32
    %dma_start3A_275 = tpu.memref_slice %arg5[%mul3A_273] : memref<12800000xf32, #tpu.memory_space<any>> -> memref<128xf32, #tpu.memory_space<any>>
    %dma_start3A_276 = arith.constant 0 : i32
    %dma_start3A_277 = tpu.memref_slice %arg6[%dma_start3A_274, %dma_start3A_276] : memref<128x128xf32, #tpu.memory_space<vmem>> -> memref<1x128xf32, #tpu.memory_space<vmem>>
    %dma_start3A_278 = tpu.memref_squeeze %dma_start3A_277 : memref<1x128xf32, #tpu.memory_space<vmem>> -> memref<128xf32, #tpu.memory_space<vmem>>
    tpu.enqueue_dma source(%dma_start3A_278 : memref<128xf32, #tpu.memory_space<vmem>>) target(%dma_start3A_275 : memref<128xf32, #tpu.memory_space<any>>) target_semaphore(%arg7 : memref<!tpu.dma_semaphore, #tpu.memory_space<semaphore_mem>>)
    %get3A_279 = arith.constant 7 : index
    %get3A_280 = memref.load %arg0[%get3A_279] : memref<128xi32, #tpu.memory_space<smem>>
    %jit3A_281 = arith.constant 128 : i32
    %div3A_282 = arith.divsi %get3A_280, %jit3A_281 : i32
    %sign3A_283 = arith.constant 0 : i32
    %sign3A_284 = arith.cmpi sgt, %get3A_280, %sign3A_283 : i32
    %sign3A_285 = arith.extui %sign3A_284 : i1 to i32
    %sign3A_286 = arith.constant 0 : i32
    %sign3A_287 = arith.cmpi slt, %get3A_280, %sign3A_286 : i32
    %sign3A_288 = arith.extui %sign3A_287 : i1 to i32
    %sign3A_289 = arith.subi %sign3A_285, %sign3A_288 : i32
    %sign3A_290 = arith.constant 0 : i32
    %sign3A_291 = arith.cmpi sgt, %jit3A_281, %sign3A_290 : i32
    %sign3A_292 = arith.extui %sign3A_291 : i1 to i32
    %sign3A_293 = arith.constant 0 : i32
    %sign3A_294 = arith.cmpi slt, %jit3A_281, %sign3A_293 : i32
    %sign3A_295 = arith.extui %sign3A_294 : i1 to i32
    %sign3A_296 = arith.subi %sign3A_292, %sign3A_295 : i32
    %ne3A_297 = arith.cmpi ne, %sign3A_289, %sign3A_296 : i32
    %rem3A_298 = arith.remsi %get3A_280, %jit3A_281 : i32
    %ne3A_299 = arith.constant 0 : i32
    %ne3A_300 = arith.cmpi ne, %rem3A_298, %ne3A_299 : i32
    %and3A_301 = arith.andi %ne3A_297, %ne3A_300 : i1
    %sub3A_302 = arith.constant 1 : i32
    %sub3A_303 = arith.subi %div3A_282, %sub3A_302 : i32
    %select_n3A_304 = arith.select %and3A_301, %sub3A_303, %div3A_282 : i32
    %mul3A_305 = arith.constant 128 : i32
    %mul3A_306 = arith.muli %select_n3A_304, %mul3A_305 : i32
    %dma_start3A_307 = arith.constant 7 : i32
    %dma_start3A_308 = tpu.memref_slice %arg5[%mul3A_306] : memref<12800000xf32, #tpu.memory_space<any>> -> memref<128xf32, #tpu.memory_space<any>>
    %dma_start3A_309 = arith.constant 0 : i32
    %dma_start3A_310 = tpu.memref_slice %arg6[%dma_start3A_307, %dma_start3A_309] : memref<128x128xf32, #tpu.memory_space<vmem>> -> memref<1x128xf32, #tpu.memory_space<vmem>>
    %dma_start3A_311 = tpu.memref_squeeze %dma_start3A_310 : memref<1x128xf32, #tpu.memory_space<vmem>> -> memref<128xf32, #tpu.memory_space<vmem>>
    tpu.enqueue_dma source(%dma_start3A_311 : memref<128xf32, #tpu.memory_space<vmem>>) target(%dma_start3A_308 : memref<128xf32, #tpu.memory_space<any>>) target_semaphore(%arg7 : memref<!tpu.dma_semaphore, #tpu.memory_space<semaphore_mem>>)
    %get3A_312 = arith.constant 8 : index
    %get3A_313 = memref.load %arg0[%get3A_312] : memref<128xi32, #tpu.memory_space<smem>>
    %jit3A_314 = arith.constant 128 : i32
    %div3A_315 = arith.divsi %get3A_313, %jit3A_314 : i32
    %sign3A_316 = arith.constant 0 : i32
    %sign3A_317 = arith.cmpi sgt, %get3A_313, %sign3A_316 : i32
    %sign3A_318 = arith.extui %sign3A_317 : i1 to i32
    %sign3A_319 = arith.constant 0 : i32
    %sign3A_320 = arith.cmpi slt, %get3A_313, %sign3A_319 : i32
    %sign3A_321 = arith.extui %sign3A_320 : i1 to i32
    %sign3A_322 = arith.subi %sign3A_318, %sign3A_321 : i32
    %sign3A_323 = arith.constant 0 : i32
    %sign3A_324 = arith.cmpi sgt, %jit3A_314, %sign3A_323 : i32
    %sign3A_325 = arith.extui %sign3A_324 : i1 to i32
    %sign3A_326 = arith.constant 0 : i32
    %sign3A_327 = arith.cmpi slt, %jit3A_314, %sign3A_326 : i32
    %sign3A_328 = arith.extui %sign3A_327 : i1 to i32
    %sign3A_329 = arith.subi %sign3A_325, %sign3A_328 : i32
    %ne3A_330 = arith.cmpi ne, %sign3A_322, %sign3A_329 : i32
    %rem3A_331 = arith.remsi %get3A_313, %jit3A_314 : i32
    %ne3A_332 = arith.constant 0 : i32
    %ne3A_333 = arith.cmpi ne, %rem3A_331, %ne3A_332 : i32
    %and3A_334 = arith.andi %ne3A_330, %ne3A_333 : i1
    %sub3A_335 = arith.constant 1 : i32
    %sub3A_336 = arith.subi %div3A_315, %sub3A_335 : i32
    %select_n3A_337 = arith.select %and3A_334, %sub3A_336, %div3A_315 : i32
    %mul3A_338 = arith.constant 128 : i32
    %mul3A_339 = arith.muli %select_n3A_337, %mul3A_338 : i32
    %dma_start3A_340 = arith.constant 8 : i32
    %dma_start3A_341 = tpu.memref_slice %arg5[%mul3A_339] : memref<12800000xf32, #tpu.memory_space<any>> -> memref<128xf32, #tpu.memory_space<any>>
    %dma_start3A_342 = arith.constant 0 : i32
    %dma_start3A_343 = tpu.memref_slice %arg6[%dma_start3A_340, %dma_start3A_342] : memref<128x128xf32, #tpu.memory_space<vmem>> -> memref<1x128xf32, #tpu.memory_space<vmem>>
    %dma_start3A_344 = tpu.memref_squeeze %dma_start3A_343 : memref<1x128xf32, #tpu.memory_space<vmem>> -> memref<128xf32, #tpu.memory_space<vmem>>
    tpu.enqueue_dma source(%dma_start3A_344 : memref<128xf32, #tpu.memory_space<vmem>>) target(%dma_start3A_341 : memref<128xf32, #tpu.memory_space<any>>) target_semaphore(%arg7 : memref<!tpu.dma_semaphore, #tpu.memory_space<semaphore_mem>>)
    %get3A_345 = arith.constant 9 : index
    %get3A_346 = memref.load %arg0[%get3A_345] : memref<128xi32, #tpu.memory_space<smem>>
    %jit3A_347 = arith.constant 128 : i32
    %div3A_348 = arith.divsi %get3A_346, %jit3A_347 : i32
    %sign3A_349 = arith.constant 0 : i32
    %sign3A_350 = arith.cmpi sgt, %get3A_346, %sign3A_349 : i32
    %sign3A_351 = arith.extui %sign3A_350 : i1 to i32
    %sign3A_352 = arith.constant 0 : i32
    %sign3A_353 = arith.cmpi slt, %get3A_346, %sign3A_352 : i32
    %sign3A_354 = arith.extui %sign3A_353 : i1 to i32
    %sign3A_355 = arith.subi %sign3A_351, %sign3A_354 : i32
    %sign3A_356 = arith.constant 0 : i32
    %sign3A_357 = arith.cmpi sgt, %jit3A_347, %sign3A_356 : i32
    %sign3A_358 = arith.extui %sign3A_357 : i1 to i32
    %sign3A_359 = arith.constant 0 : i32
    %sign3A_360 = arith.cmpi slt, %jit3A_347, %sign3A_359 : i32
    %sign3A_361 = arith.extui %sign3A_360 : i1 to i32
    %sign3A_362 = arith.subi %sign3A_358, %sign3A_361 : i32
    %ne3A_363 = arith.cmpi ne, %sign3A_355, %sign3A_362 : i32
    %rem3A_364 = arith.remsi %get3A_346, %jit3A_347 : i32
    %ne3A_365 = arith.constant 0 : i32
    %ne3A_366 = arith.cmpi ne, %rem3A_364, %ne3A_365 : i32
    %and3A_367 = arith.andi %ne3A_363, %ne3A_366 : i1
    %sub3A_368 = arith.constant 1 : i32
    %sub3A_369 = arith.subi %div3A_348, %sub3A_368 : i32
    %select_n3A_370 = arith.select %and3A_367, %sub3A_369, %div3A_348 : i32
    %mul3A_371 = arith.constant 128 : i32
    %mul3A_372 = arith.muli %select_n3A_370, %mul3A_371 : i32
    %dma_start3A_373 = arith.constant 9 : i32
    %dma_start3A_374 = tpu.memref_slice %arg5[%mul3A_372] : memref<12800000xf32, #tpu.memory_space<any>> -> memref<128xf32, #tpu.memory_space<any>>
    %dma_start3A_375 = arith.constant 0 : i32
    %dma_start3A_376 = tpu.memref_slice %arg6[%dma_start3A_373, %dma_start3A_375] : memref<128x128xf32, #tpu.memory_space<vmem>> -> memref<1x128xf32, #tpu.memory_space<vmem>>
    %dma_start3A_377 = tpu.memref_squeeze %dma_start3A_376 : memref<1x128xf32, #tpu.memory_space<vmem>> -> memref<128xf32, #tpu.memory_space<vmem>>
    tpu.enqueue_dma source(%dma_start3A_377 : memref<128xf32, #tpu.memory_space<vmem>>) target(%dma_start3A_374 : memref<128xf32, #tpu.memory_space<any>>) target_semaphore(%arg7 : memref<!tpu.dma_semaphore, #tpu.memory_space<semaphore_mem>>)
    %get3A_378 = arith.constant 10 : index
    %get3A_379 = memref.load %arg0[%get3A_378] : memref<128xi32, #tpu.memory_space<smem>>
    %jit3A_380 = arith.constant 128 : i32
    %div3A_381 = arith.divsi %get3A_379, %jit3A_380 : i32
    %sign3A_382 = arith.constant 0 : i32
    %sign3A_383 = arith.cmpi sgt, %get3A_379, %sign3A_382 : i32
    %sign3A_384 = arith.extui %sign3A_383 : i1 to i32
    %sign3A_385 = arith.constant 0 : i32
    %sign3A_386 = arith.cmpi slt, %get3A_379, %sign3A_385 : i32
    %sign3A_387 = arith.extui %sign3A_386 : i1 to i32
    %sign3A_388 = arith.subi %sign3A_384, %sign3A_387 : i32
    %sign3A_389 = arith.constant 0 : i32
    %sign3A_390 = arith.cmpi sgt, %jit3A_380, %sign3A_389 : i32
    %sign3A_391 = arith.extui %sign3A_390 : i1 to i32
    %sign3A_392 = arith.constant 0 : i32
    %sign3A_393 = arith.cmpi slt, %jit3A_380, %sign3A_392 : i32
    %sign3A_394 = arith.extui %sign3A_393 : i1 to i32
    %sign3A_395 = arith.subi %sign3A_391, %sign3A_394 : i32
    %ne3A_396 = arith.cmpi ne, %sign3A_388, %sign3A_395 : i32
    %rem3A_397 = arith.remsi %get3A_379, %jit3A_380 : i32
    %ne3A_398 = arith.constant 0 : i32
    %ne3A_399 = arith.cmpi ne, %rem3A_397, %ne3A_398 : i32
    %and3A_400 = arith.andi %ne3A_396, %ne3A_399 : i1
    %sub3A_401 = arith.constant 1 : i32
    %sub3A_402 = arith.subi %div3A_381, %sub3A_401 : i32
    %select_n3A_403 = arith.select %and3A_400, %sub3A_402, %div3A_381 : i32
    %mul3A_404 = arith.constant 128 : i32
    %mul3A_405 = arith.muli %select_n3A_403, %mul3A_404 : i32
    %dma_start3A_406 = arith.constant 10 : i32
    %dma_start3A_407 = tpu.memref_slice %arg5[%mul3A_405] : memref<12800000xf32, #tpu.memory_space<any>> -> memref<128xf32, #tpu.memory_space<any>>
    %dma_start3A_408 = arith.constant 0 : i32
    %dma_start3A_409 = tpu.memref_slice %arg6[%dma_start3A_406, %dma_start3A_408] : memref<128x128xf32, #tpu.memory_space<vmem>> -> memref<1x128xf32, #tpu.memory_space<vmem>>
    %dma_start3A_410 = tpu.memref_squeeze %dma_start3A_409 : memref<1x128xf32, #tpu.memory_space<vmem>> -> memref<128xf32, #tpu.memory_space<vmem>>
    tpu.enqueue_dma source(%dma_start3A_410 : memref<128xf32, #tpu.memory_space<vmem>>) target(%dma_start3A_407 : memref<128xf32, #tpu.memory_space<any>>) target_semaphore(%arg7 : memref<!tpu.dma_semaphore, #tpu.memory_space<semaphore_mem>>)
    %get3A_411 = arith.constant 11 : index
    %get3A_412 = memref.load %arg0[%get3A_411] : memref<128xi32, #tpu.memory_space<smem>>
    %jit3A_413 = arith.constant 128 : i32
    %div3A_414 = arith.divsi %get3A_412, %jit3A_413 : i32
    %sign3A_415 = arith.constant 0 : i32
    %sign3A_416 = arith.cmpi sgt, %get3A_412, %sign3A_415 : i32
    %sign3A_417 = arith.extui %sign3A_416 : i1 to i32
    %sign3A_418 = arith.constant 0 : i32
    %sign3A_419 = arith.cmpi slt, %get3A_412, %sign3A_418 : i32
    %sign3A_420 = arith.extui %sign3A_419 : i1 to i32
    %sign3A_421 = arith.subi %sign3A_417, %sign3A_420 : i32
    %sign3A_422 = arith.constant 0 : i32
    %sign3A_423 = arith.cmpi sgt, %jit3A_413, %sign3A_422 : i32
    %sign3A_424 = arith.extui %sign3A_423 : i1 to i32
    %sign3A_425 = arith.constant 0 : i32
    %sign3A_426 = arith.cmpi slt, %jit3A_413, %sign3A_425 : i32
    %sign3A_427 = arith.extui %sign3A_426 : i1 to i32
    %sign3A_428 = arith.subi %sign3A_424, %sign3A_427 : i32
    %ne3A_429 = arith.cmpi ne, %sign3A_421, %sign3A_428 : i32
    %rem3A_430 = arith.remsi %get3A_412, %jit3A_413 : i32
    %ne3A_431 = arith.constant 0 : i32
    %ne3A_432 = arith.cmpi ne, %rem3A_430, %ne3A_431 : i32
    %and3A_433 = arith.andi %ne3A_429, %ne3A_432 : i1
    %sub3A_434 = arith.constant 1 : i32
    %sub3A_435 = arith.subi %div3A_414, %sub3A_434 : i32
    %select_n3A_436 = arith.select %and3A_433, %sub3A_435, %div3A_414 : i32
    %mul3A_437 = arith.constant 128 : i32
    %mul3A_438 = arith.muli %select_n3A_436, %mul3A_437 : i32
    %dma_start3A_439 = arith.constant 11 : i32
    %dma_start3A_440 = tpu.memref_slice %arg5[%mul3A_438] : memref<12800000xf32, #tpu.memory_space<any>> -> memref<128xf32, #tpu.memory_space<any>>
    %dma_start3A_441 = arith.constant 0 : i32
    %dma_start3A_442 = tpu.memref_slice %arg6[%dma_start3A_439, %dma_start3A_441] : memref<128x128xf32, #tpu.memory_space<vmem>> -> memref<1x128xf32, #tpu.memory_space<vmem>>
    %dma_start3A_443 = tpu.memref_squeeze %dma_start3A_442 : memref<1x128xf32, #tpu.memory_space<vmem>> -> memref<128xf32, #tpu.memory_space<vmem>>
    tpu.enqueue_dma source(%dma_start3A_443 : memref<128xf32, #tpu.memory_space<vmem>>) target(%dma_start3A_440 : memref<128xf32, #tpu.memory_space<any>>) target_semaphore(%arg7 : memref<!tpu.dma_semaphore, #tpu.memory_space<semaphore_mem>>)
    %get3A_444 = arith.constant 12 : index
    %get3A_445 = memref.load %arg0[%get3A_444] : memref<128xi32, #tpu.memory_space<smem>>
    %jit3A_446 = arith.constant 128 : i32
    %div3A_447 = arith.divsi %get3A_445, %jit3A_446 : i32
    %sign3A_448 = arith.constant 0 : i32
    %sign3A_449 = arith.cmpi sgt, %get3A_445, %sign3A_448 : i32
    %sign3A_450 = arith.extui %sign3A_449 : i1 to i32
    %sign3A_451 = arith.constant 0 : i32
    %sign3A_452 = arith.cmpi slt, %get3A_445, %sign3A_451 : i32
    %sign3A_453 = arith.extui %sign3A_452 : i1 to i32
    %sign3A_454 = arith.subi %sign3A_450, %sign3A_453 : i32
    %sign3A_455 = arith.constant 0 : i32
    %sign3A_456 = arith.cmpi sgt, %jit3A_446, %sign3A_455 : i32
    %sign3A_457 = arith.extui %sign3A_456 : i1 to i32
    %sign3A_458 = arith.constant 0 : i32
    %sign3A_459 = arith.cmpi slt, %jit3A_446, %sign3A_458 : i32
    %sign3A_460 = arith.extui %sign3A_459 : i1 to i32
    %sign3A_461 = arith.subi %sign3A_457, %sign3A_460 : i32
    %ne3A_462 = arith.cmpi ne, %sign3A_454, %sign3A_461 : i32
    %rem3A_463 = arith.remsi %get3A_445, %jit3A_446 : i32
    %ne3A_464 = arith.constant 0 : i32
    %ne3A_465 = arith.cmpi ne, %rem3A_463, %ne3A_464 : i32
    %and3A_466 = arith.andi %ne3A_462, %ne3A_465 : i1
    %sub3A_467 = arith.constant 1 : i32
    %sub3A_468 = arith.subi %div3A_447, %sub3A_467 : i32
    %select_n3A_469 = arith.select %and3A_466, %sub3A_468, %div3A_447 : i32
    %mul3A_470 = arith.constant 128 : i32
    %mul3A_471 = arith.muli %select_n3A_469, %mul3A_470 : i32
    %dma_start3A_472 = arith.constant 12 : i32
    %dma_start3A_473 = tpu.memref_slice %arg5[%mul3A_471] : memref<12800000xf32, #tpu.memory_space<any>> -> memref<128xf32, #tpu.memory_space<any>>
    %dma_start3A_474 = arith.constant 0 : i32
    %dma_start3A_475 = tpu.memref_slice %arg6[%dma_start3A_472, %dma_start3A_474] : memref<128x128xf32, #tpu.memory_space<vmem>> -> memref<1x128xf32, #tpu.memory_space<vmem>>
    %dma_start3A_476 = tpu.memref_squeeze %dma_start3A_475 : memref<1x128xf32, #tpu.memory_space<vmem>> -> memref<128xf32, #tpu.memory_space<vmem>>
    tpu.enqueue_dma source(%dma_start3A_476 : memref<128xf32, #tpu.memory_space<vmem>>) target(%dma_start3A_473 : memref<128xf32, #tpu.memory_space<any>>) target_semaphore(%arg7 : memref<!tpu.dma_semaphore, #tpu.memory_space<semaphore_mem>>)
    %get3A_477 = arith.constant 13 : index
    %get3A_478 = memref.load %arg0[%get3A_477] : memref<128xi32, #tpu.memory_space<smem>>
    %jit3A_479 = arith.constant 128 : i32
    %div3A_480 = arith.divsi %get3A_478, %jit3A_479 : i32
    %sign3A_481 = arith.constant 0 : i32
    %sign3A_482 = arith.cmpi sgt, %get3A_478, %sign3A_481 : i32
    %sign3A_483 = arith.extui %sign3A_482 : i1 to i32
    %sign3A_484 = arith.constant 0 : i32
    %sign3A_485 = arith.cmpi slt, %get3A_478, %sign3A_484 : i32
    %sign3A_486 = arith.extui %sign3A_485 : i1 to i32
    %sign3A_487 = arith.subi %sign3A_483, %sign3A_486 : i32
    %sign3A_488 = arith.constant 0 : i32
    %sign3A_489 = arith.cmpi sgt, %jit3A_479, %sign3A_488 : i32
    %sign3A_490 = arith.extui %sign3A_489 : i1 to i32
    %sign3A_491 = arith.constant 0 : i32
    %sign3A_492 = arith.cmpi slt, %jit3A_479, %sign3A_491 : i32
    %sign3A_493 = arith.extui %sign3A_492 : i1 to i32
    %sign3A_494 = arith.subi %sign3A_490, %sign3A_493 : i32
    %ne3A_495 = arith.cmpi ne, %sign3A_487, %sign3A_494 : i32
    %rem3A_496 = arith.remsi %get3A_478, %jit3A_479 : i32
    %ne3A_497 = arith.constant 0 : i32
    %ne3A_498 = arith.cmpi ne, %rem3A_496, %ne3A_497 : i32
    %and3A_499 = arith.andi %ne3A_495, %ne3A_498 : i1
    %sub3A_500 = arith.constant 1 : i32
    %sub3A_501 = arith.subi %div3A_480, %sub3A_500 : i32
    %select_n3A_502 = arith.select %and3A_499, %sub3A_501, %div3A_480 : i32
    %mul3A_503 = arith.constant 128 : i32
    %mul3A_504 = arith.muli %select_n3A_502, %mul3A_503 : i32
    %dma_start3A_505 = arith.constant 13 : i32
    %dma_start3A_506 = tpu.memref_slice %arg5[%mul3A_504] : memref<12800000xf32, #tpu.memory_space<any>> -> memref<128xf32, #tpu.memory_space<any>>
    %dma_start3A_507 = arith.constant 0 : i32
    %dma_start3A_508 = tpu.memref_slice %arg6[%dma_start3A_505, %dma_start3A_507] : memref<128x128xf32, #tpu.memory_space<vmem>> -> memref<1x128xf32, #tpu.memory_space<vmem>>
    %dma_start3A_509 = tpu.memref_squeeze %dma_start3A_508 : memref<1x128xf32, #tpu.memory_space<vmem>> -> memref<128xf32, #tpu.memory_space<vmem>>
    tpu.enqueue_dma source(%dma_start3A_509 : memref<128xf32, #tpu.memory_space<vmem>>) target(%dma_start3A_506 : memref<128xf32, #tpu.memory_space<any>>) target_semaphore(%arg7 : memref<!tpu.dma_semaphore, #tpu.memory_space<semaphore_mem>>)
    %get3A_510 = arith.constant 14 : index
    %get3A_511 = memref.load %arg0[%get3A_510] : memref<128xi32, #tpu.memory_space<smem>>
    %jit3A_512 = arith.constant 128 : i32
    %div3A_513 = arith.divsi %get3A_511, %jit3A_512 : i32
    %sign3A_514 = arith.constant 0 : i32
    %sign3A_515 = arith.cmpi sgt, %get3A_511, %sign3A_514 : i32
    %sign3A_516 = arith.extui %sign3A_515 : i1 to i32
    %sign3A_517 = arith.constant 0 : i32
    %sign3A_518 = arith.cmpi slt, %get3A_511, %sign3A_517 : i32
    %sign3A_519 = arith.extui %sign3A_518 : i1 to i32
    %sign3A_520 = arith.subi %sign3A_516, %sign3A_519 : i32
    %sign3A_521 = arith.constant 0 : i32
    %sign3A_522 = arith.cmpi sgt, %jit3A_512, %sign3A_521 : i32
    %sign3A_523 = arith.extui %sign3A_522 : i1 to i32
    %sign3A_524 = arith.constant 0 : i32
    %sign3A_525 = arith.cmpi slt, %jit3A_512, %sign3A_524 : i32
    %sign3A_526 = arith.extui %sign3A_525 : i1 to i32
    %sign3A_527 = arith.subi %sign3A_523, %sign3A_526 : i32
    %ne3A_528 = arith.cmpi ne, %sign3A_520, %sign3A_527 : i32
    %rem3A_529 = arith.remsi %get3A_511, %jit3A_512 : i32
    %ne3A_530 = arith.constant 0 : i32
    %ne3A_531 = arith.cmpi ne, %rem3A_529, %ne3A_530 : i32
    %and3A_532 = arith.andi %ne3A_528, %ne3A_531 : i1
    %sub3A_533 = arith.constant 1 : i32
    %sub3A_534 = arith.subi %div3A_513, %sub3A_533 : i32
    %select_n3A_535 = arith.select %and3A_532, %sub3A_534, %div3A_513 : i32
    %mul3A_536 = arith.constant 128 : i32
    %mul3A_537 = arith.muli %select_n3A_535, %mul3A_536 : i32
    %dma_start3A_538 = arith.constant 14 : i32
    %dma_start3A_539 = tpu.memref_slice %arg5[%mul3A_537] : memref<12800000xf32, #tpu.memory_space<any>> -> memref<128xf32, #tpu.memory_space<any>>
    %dma_start3A_540 = arith.constant 0 : i32
    %dma_start3A_541 = tpu.memref_slice %arg6[%dma_start3A_538, %dma_start3A_540] : memref<128x128xf32, #tpu.memory_space<vmem>> -> memref<1x128xf32, #tpu.memory_space<vmem>>
    %dma_start3A_542 = tpu.memref_squeeze %dma_start3A_541 : memref<1x128xf32, #tpu.memory_space<vmem>> -> memref<128xf32, #tpu.memory_space<vmem>>
    tpu.enqueue_dma source(%dma_start3A_542 : memref<128xf32, #tpu.memory_space<vmem>>) target(%dma_start3A_539 : memref<128xf32, #tpu.memory_space<any>>) target_semaphore(%arg7 : memref<!tpu.dma_semaphore, #tpu.memory_space<semaphore_mem>>)
    %get3A_543 = arith.constant 15 : index
    %get3A_544 = memref.load %arg0[%get3A_543] : memref<128xi32, #tpu.memory_space<smem>>
    %jit3A_545 = arith.constant 128 : i32
    %div3A_546 = arith.divsi %get3A_544, %jit3A_545 : i32
    %sign3A_547 = arith.constant 0 : i32
    %sign3A_548 = arith.cmpi sgt, %get3A_544, %sign3A_547 : i32
    %sign3A_549 = arith.extui %sign3A_548 : i1 to i32
    %sign3A_550 = arith.constant 0 : i32
    %sign3A_551 = arith.cmpi slt, %get3A_544, %sign3A_550 : i32
    %sign3A_552 = arith.extui %sign3A_551 : i1 to i32
    %sign3A_553 = arith.subi %sign3A_549, %sign3A_552 : i32
    %sign3A_554 = arith.constant 0 : i32
    %sign3A_555 = arith.cmpi sgt, %jit3A_545, %sign3A_554 : i32
    %sign3A_556 = arith.extui %sign3A_555 : i1 to i32
    %sign3A_557 = arith.constant 0 : i32
    %sign3A_558 = arith.cmpi slt, %jit3A_545, %sign3A_557 : i32
    %sign3A_559 = arith.extui %sign3A_558 : i1 to i32
    %sign3A_560 = arith.subi %sign3A_556, %sign3A_559 : i32
    %ne3A_561 = arith.cmpi ne, %sign3A_553, %sign3A_560 : i32
    %rem3A_562 = arith.remsi %get3A_544, %jit3A_545 : i32
    %ne3A_563 = arith.constant 0 : i32
    %ne3A_564 = arith.cmpi ne, %rem3A_562, %ne3A_563 : i32
    %and3A_565 = arith.andi %ne3A_561, %ne3A_564 : i1
    %sub3A_566 = arith.constant 1 : i32
    %sub3A_567 = arith.subi %div3A_546, %sub3A_566 : i32
    %select_n3A_568 = arith.select %and3A_565, %sub3A_567, %div3A_546 : i32
    %mul3A_569 = arith.constant 128 : i32
    %mul3A_570 = arith.muli %select_n3A_568, %mul3A_569 : i32
    %dma_start3A_571 = arith.constant 15 : i32
    %dma_start3A_572 = tpu.memref_slice %arg5[%mul3A_570] : memref<12800000xf32, #tpu.memory_space<any>> -> memref<128xf32, #tpu.memory_space<any>>
    %dma_start3A_573 = arith.constant 0 : i32
    %dma_start3A_574 = tpu.memref_slice %arg6[%dma_start3A_571, %dma_start3A_573] : memref<128x128xf32, #tpu.memory_space<vmem>> -> memref<1x128xf32, #tpu.memory_space<vmem>>
    %dma_start3A_575 = tpu.memref_squeeze %dma_start3A_574 : memref<1x128xf32, #tpu.memory_space<vmem>> -> memref<128xf32, #tpu.memory_space<vmem>>
    tpu.enqueue_dma source(%dma_start3A_575 : memref<128xf32, #tpu.memory_space<vmem>>) target(%dma_start3A_572 : memref<128xf32, #tpu.memory_space<any>>) target_semaphore(%arg7 : memref<!tpu.dma_semaphore, #tpu.memory_space<semaphore_mem>>)
    %get3A_576 = arith.constant 16 : index
    %get3A_577 = memref.load %arg0[%get3A_576] : memref<128xi32, #tpu.memory_space<smem>>
    %jit3A_578 = arith.constant 128 : i32
    %div3A_579 = arith.divsi %get3A_577, %jit3A_578 : i32
    %sign3A_580 = arith.constant 0 : i32
    %sign3A_581 = arith.cmpi sgt, %get3A_577, %sign3A_580 : i32
    %sign3A_582 = arith.extui %sign3A_581 : i1 to i32
    %sign3A_583 = arith.constant 0 : i32
    %sign3A_584 = arith.cmpi slt, %get3A_577, %sign3A_583 : i32
    %sign3A_585 = arith.extui %sign3A_584 : i1 to i32
    %sign3A_586 = arith.subi %sign3A_582, %sign3A_585 : i32
    %sign3A_587 = arith.constant 0 : i32
    %sign3A_588 = arith.cmpi sgt, %jit3A_578, %sign3A_587 : i32
    %sign3A_589 = arith.extui %sign3A_588 : i1 to i32
    %sign3A_590 = arith.constant 0 : i32
    %sign3A_591 = arith.cmpi slt, %jit3A_578, %sign3A_590 : i32
    %sign3A_592 = arith.extui %sign3A_591 : i1 to i32
    %sign3A_593 = arith.subi %sign3A_589, %sign3A_592 : i32
    %ne3A_594 = arith.cmpi ne, %sign3A_586, %sign3A_593 : i32
    %rem3A_595 = arith.remsi %get3A_577, %jit3A_578 : i32
    %ne3A_596 = arith.constant 0 : i32
    %ne3A_597 = arith.cmpi ne, %rem3A_595, %ne3A_596 : i32
    %and3A_598 = arith.andi %ne3A_594, %ne3A_597 : i1
    %sub3A_599 = arith.constant 1 : i32
    %sub3A_600 = arith.subi %div3A_579, %sub3A_599 : i32
    %select_n3A_601 = arith.select %and3A_598, %sub3A_600, %div3A_579 : i32
    %mul3A_602 = arith.constant 128 : i32
    %mul3A_603 = arith.muli %select_n3A_601, %mul3A_602 : i32
    %dma_start3A_604 = arith.constant 16 : i32
    %dma_start3A_605 = tpu.memref_slice %arg5[%mul3A_603] : memref<12800000xf32, #tpu.memory_space<any>> -> memref<128xf32, #tpu.memory_space<any>>
    %dma_start3A_606 = arith.constant 0 : i32
    %dma_start3A_607 = tpu.memref_slice %arg6[%dma_start3A_604, %dma_start3A_606] : memref<128x128xf32, #tpu.memory_space<vmem>> -> memref<1x128xf32, #tpu.memory_space<vmem>>
    %dma_start3A_608 = tpu.memref_squeeze %dma_start3A_607 : memref<1x128xf32, #tpu.memory_space<vmem>> -> memref<128xf32, #tpu.memory_space<vmem>>
    tpu.enqueue_dma source(%dma_start3A_608 : memref<128xf32, #tpu.memory_space<vmem>>) target(%dma_start3A_605 : memref<128xf32, #tpu.memory_space<any>>) target_semaphore(%arg7 : memref<!tpu.dma_semaphore, #tpu.memory_space<semaphore_mem>>)
    %get3A_609 = arith.constant 17 : index
    %get3A_610 = memref.load %arg0[%get3A_609] : memref<128xi32, #tpu.memory_space<smem>>
    %jit3A_611 = arith.constant 128 : i32
    %div3A_612 = arith.divsi %get3A_610, %jit3A_611 : i32
    %sign3A_613 = arith.constant 0 : i32
    %sign3A_614 = arith.cmpi sgt, %get3A_610, %sign3A_613 : i32
    %sign3A_615 = arith.extui %sign3A_614 : i1 to i32
    %sign3A_616 = arith.constant 0 : i32
    %sign3A_617 = arith.cmpi slt, %get3A_610, %sign3A_616 : i32
    %sign3A_618 = arith.extui %sign3A_617 : i1 to i32
    %sign3A_619 = arith.subi %sign3A_615, %sign3A_618 : i32
    %sign3A_620 = arith.constant 0 : i32
    %sign3A_621 = arith.cmpi sgt, %jit3A_611, %sign3A_620 : i32
    %sign3A_622 = arith.extui %sign3A_621 : i1 to i32
    %sign3A_623 = arith.constant 0 : i32
    %sign3A_624 = arith.cmpi slt, %jit3A_611, %sign3A_623 : i32
    %sign3A_625 = arith.extui %sign3A_624 : i1 to i32
    %sign3A_626 = arith.subi %sign3A_622, %sign3A_625 : i32
    %ne3A_627 = arith.cmpi ne, %sign3A_619, %sign3A_626 : i32
    %rem3A_628 = arith.remsi %get3A_610, %jit3A_611 : i32
    %ne3A_629 = arith.constant 0 : i32
    %ne3A_630 = arith.cmpi ne, %rem3A_628, %ne3A_629 : i32
    %and3A_631 = arith.andi %ne3A_627, %ne3A_630 : i1
    %sub3A_632 = arith.constant 1 : i32
    %sub3A_633 = arith.subi %div3A_612, %sub3A_632 : i32
    %select_n3A_634 = arith.select %and3A_631, %sub3A_633, %div3A_612 : i32
    %mul3A_635 = arith.constant 128 : i32
    %mul3A_636 = arith.muli %select_n3A_634, %mul3A_635 : i32
    %dma_start3A_637 = arith.constant 17 : i32
    %dma_start3A_638 = tpu.memref_slice %arg5[%mul3A_636] : memref<12800000xf32, #tpu.memory_space<any>> -> memref<128xf32, #tpu.memory_space<any>>
    %dma_start3A_639 = arith.constant 0 : i32
    %dma_start3A_640 = tpu.memref_slice %arg6[%dma_start3A_637, %dma_start3A_639] : memref<128x128xf32, #tpu.memory_space<vmem>> -> memref<1x128xf32, #tpu.memory_space<vmem>>
    %dma_start3A_641 = tpu.memref_squeeze %dma_start3A_640 : memref<1x128xf32, #tpu.memory_space<vmem>> -> memref<128xf32, #tpu.memory_space<vmem>>
    tpu.enqueue_dma source(%dma_start3A_641 : memref<128xf32, #tpu.memory_space<vmem>>) target(%dma_start3A_638 : memref<128xf32, #tpu.memory_space<any>>) target_semaphore(%arg7 : memref<!tpu.dma_semaphore, #tpu.memory_space<semaphore_mem>>)
    %get3A_642 = arith.constant 18 : index
    %get3A_643 = memref.load %arg0[%get3A_642] : memref<128xi32, #tpu.memory_space<smem>>
    %jit3A_644 = arith.constant 128 : i32
    %div3A_645 = arith.divsi %get3A_643, %jit3A_644 : i32
    %sign3A_646 = arith.constant 0 : i32
    %sign3A_647 = arith.cmpi sgt, %get3A_643, %sign3A_646 : i32
    %sign3A_648 = arith.extui %sign3A_647 : i1 to i32
    %sign3A_649 = arith.constant 0 : i32
    %sign3A_650 = arith.cmpi slt, %get3A_643, %sign3A_649 : i32
    %sign3A_651 = arith.extui %sign3A_650 : i1 to i32
    %sign3A_652 = arith.subi %sign3A_648, %sign3A_651 : i32
    %sign3A_653 = arith.constant 0 : i32
    %sign3A_654 = arith.cmpi sgt, %jit3A_644, %sign3A_653 : i32
    %sign3A_655 = arith.extui %sign3A_654 : i1 to i32
    %sign3A_656 = arith.constant 0 : i32
    %sign3A_657 = arith.cmpi slt, %jit3A_644, %sign3A_656 : i32
    %sign3A_658 = arith.extui %sign3A_657 : i1 to i32
    %sign3A_659 = arith.subi %sign3A_655, %sign3A_658 : i32
    %ne3A_660 = arith.cmpi ne, %sign3A_652, %sign3A_659 : i32
    %rem3A_661 = arith.remsi %get3A_643, %jit3A_644 : i32
    %ne3A_662 = arith.constant 0 : i32
    %ne3A_663 = arith.cmpi ne, %rem3A_661, %ne3A_662 : i32
    %and3A_664 = arith.andi %ne3A_660, %ne3A_663 : i1
    %sub3A_665 = arith.constant 1 : i32
    %sub3A_666 = arith.subi %div3A_645, %sub3A_665 : i32
    %select_n3A_667 = arith.select %and3A_664, %sub3A_666, %div3A_645 : i32
    %mul3A_668 = arith.constant 128 : i32
    %mul3A_669 = arith.muli %select_n3A_667, %mul3A_668 : i32
    %dma_start3A_670 = arith.constant 18 : i32
    %dma_start3A_671 = tpu.memref_slice %arg5[%mul3A_669] : memref<12800000xf32, #tpu.memory_space<any>> -> memref<128xf32, #tpu.memory_space<any>>
    %dma_start3A_672 = arith.constant 0 : i32
    %dma_start3A_673 = tpu.memref_slice %arg6[%dma_start3A_670, %dma_start3A_672] : memref<128x128xf32, #tpu.memory_space<vmem>> -> memref<1x128xf32, #tpu.memory_space<vmem>>
    %dma_start3A_674 = tpu.memref_squeeze %dma_start3A_673 : memref<1x128xf32, #tpu.memory_space<vmem>> -> memref<128xf32, #tpu.memory_space<vmem>>
    tpu.enqueue_dma source(%dma_start3A_674 : memref<128xf32, #tpu.memory_space<vmem>>) target(%dma_start3A_671 : memref<128xf32, #tpu.memory_space<any>>) target_semaphore(%arg7 : memref<!tpu.dma_semaphore, #tpu.memory_space<semaphore_mem>>)
    %get3A_675 = arith.constant 19 : index
    %get3A_676 = memref.load %arg0[%get3A_675] : memref<128xi32, #tpu.memory_space<smem>>
    %jit3A_677 = arith.constant 128 : i32
    %div3A_678 = arith.divsi %get3A_676, %jit3A_677 : i32
    %sign3A_679 = arith.constant 0 : i32
    %sign3A_680 = arith.cmpi sgt, %get3A_676, %sign3A_679 : i32
    %sign3A_681 = arith.extui %sign3A_680 : i1 to i32
    %sign3A_682 = arith.constant 0 : i32
    %sign3A_683 = arith.cmpi slt, %get3A_676, %sign3A_682 : i32
    %sign3A_684 = arith.extui %sign3A_683 : i1 to i32
    %sign3A_685 = arith.subi %sign3A_681, %sign3A_684 : i32
    %sign3A_686 = arith.constant 0 : i32
    %sign3A_687 = arith.cmpi sgt, %jit3A_677, %sign3A_686 : i32
    %sign3A_688 = arith.extui %sign3A_687 : i1 to i32
    %sign3A_689 = arith.constant 0 : i32
    %sign3A_690 = arith.cmpi slt, %jit3A_677, %sign3A_689 : i32
    %sign3A_691 = arith.extui %sign3A_690 : i1 to i32
    %sign3A_692 = arith.subi %sign3A_688, %sign3A_691 : i32
    %ne3A_693 = arith.cmpi ne, %sign3A_685, %sign3A_692 : i32
    %rem3A_694 = arith.remsi %get3A_676, %jit3A_677 : i32
    %ne3A_695 = arith.constant 0 : i32
    %ne3A_696 = arith.cmpi ne, %rem3A_694, %ne3A_695 : i32
    %and3A_697 = arith.andi %ne3A_693, %ne3A_696 : i1
    %sub3A_698 = arith.constant 1 : i32
    %sub3A_699 = arith.subi %div3A_678, %sub3A_698 : i32
    %select_n3A_700 = arith.select %and3A_697, %sub3A_699, %div3A_678 : i32
    %mul3A_701 = arith.constant 128 : i32
    %mul3A_702 = arith.muli %select_n3A_700, %mul3A_701 : i32
    %dma_start3A_703 = arith.constant 19 : i32
    %dma_start3A_704 = tpu.memref_slice %arg5[%mul3A_702] : memref<12800000xf32, #tpu.memory_space<any>> -> memref<128xf32, #tpu.memory_space<any>>
    %dma_start3A_705 = arith.constant 0 : i32
    %dma_start3A_706 = tpu.memref_slice %arg6[%dma_start3A_703, %dma_start3A_705] : memref<128x128xf32, #tpu.memory_space<vmem>> -> memref<1x128xf32, #tpu.memory_space<vmem>>
    %dma_start3A_707 = tpu.memref_squeeze %dma_start3A_706 : memref<1x128xf32, #tpu.memory_space<vmem>> -> memref<128xf32, #tpu.memory_space<vmem>>
    tpu.enqueue_dma source(%dma_start3A_707 : memref<128xf32, #tpu.memory_space<vmem>>) target(%dma_start3A_704 : memref<128xf32, #tpu.memory_space<any>>) target_semaphore(%arg7 : memref<!tpu.dma_semaphore, #tpu.memory_space<semaphore_mem>>)
    %get3A_708 = arith.constant 20 : index
    %get3A_709 = memref.load %arg0[%get3A_708] : memref<128xi32, #tpu.memory_space<smem>>
    %jit3A_710 = arith.constant 128 : i32
    %div3A_711 = arith.divsi %get3A_709, %jit3A_710 : i32
    %sign3A_712 = arith.constant 0 : i32
    %sign3A_713 = arith.cmpi sgt, %get3A_709, %sign3A_712 : i32
    %sign3A_714 = arith.extui %sign3A_713 : i1 to i32
    %sign3A_715 = arith.constant 0 : i32
    %sign3A_716 = arith.cmpi slt, %get3A_709, %sign3A_715 : i32
    %sign3A_717 = arith.extui %sign3A_716 : i1 to i32
    %sign3A_718 = arith.subi %sign3A_714, %sign3A_717 : i32
    %sign3A_719 = arith.constant 0 : i32
    %sign3A_720 = arith.cmpi sgt, %jit3A_710, %sign3A_719 : i32
    %sign3A_721 = arith.extui %sign3A_720 : i1 to i32
    %sign3A_722 = arith.constant 0 : i32
    %sign3A_723 = arith.cmpi slt, %jit3A_710, %sign3A_722 : i32
    %sign3A_724 = arith.extui %sign3A_723 : i1 to i32
    %sign3A_725 = arith.subi %sign3A_721, %sign3A_724 : i32
    %ne3A_726 = arith.cmpi ne, %sign3A_718, %sign3A_725 : i32
    %rem3A_727 = arith.remsi %get3A_709, %jit3A_710 : i32
    %ne3A_728 = arith.constant 0 : i32
    %ne3A_729 = arith.cmpi ne, %rem3A_727, %ne3A_728 : i32
    %and3A_730 = arith.andi %ne3A_726, %ne3A_729 : i1
    %sub3A_731 = arith.constant 1 : i32
    %sub3A_732 = arith.subi %div3A_711, %sub3A_731 : i32
    %select_n3A_733 = arith.select %and3A_730, %sub3A_732, %div3A_711 : i32
    %mul3A_734 = arith.constant 128 : i32
    %mul3A_735 = arith.muli %select_n3A_733, %mul3A_734 : i32
    %dma_start3A_736 = arith.constant 20 : i32
    %dma_start3A_737 = tpu.memref_slice %arg5[%mul3A_735] : memref<12800000xf32, #tpu.memory_space<any>> -> memref<128xf32, #tpu.memory_space<any>>
    %dma_start3A_738 = arith.constant 0 : i32
    %dma_start3A_739 = tpu.memref_slice %arg6[%dma_start3A_736, %dma_start3A_738] : memref<128x128xf32, #tpu.memory_space<vmem>> -> memref<1x128xf32, #tpu.memory_space<vmem>>
    %dma_start3A_740 = tpu.memref_squeeze %dma_start3A_739 : memref<1x128xf32, #tpu.memory_space<vmem>> -> memref<128xf32, #tpu.memory_space<vmem>>
    tpu.enqueue_dma source(%dma_start3A_740 : memref<128xf32, #tpu.memory_space<vmem>>) target(%dma_start3A_737 : memref<128xf32, #tpu.memory_space<any>>) target_semaphore(%arg7 : memref<!tpu.dma_semaphore, #tpu.memory_space<semaphore_mem>>)
    %get3A_741 = arith.constant 21 : index
    %get3A_742 = memref.load %arg0[%get3A_741] : memref<128xi32, #tpu.memory_space<smem>>
    %jit3A_743 = arith.constant 128 : i32
    %div3A_744 = arith.divsi %get3A_742, %jit3A_743 : i32
    %sign3A_745 = arith.constant 0 : i32
    %sign3A_746 = arith.cmpi sgt, %get3A_742, %sign3A_745 : i32
    %sign3A_747 = arith.extui %sign3A_746 : i1 to i32
    %sign3A_748 = arith.constant 0 : i32
    %sign3A_749 = arith.cmpi slt, %get3A_742, %sign3A_748 : i32
    %sign3A_750 = arith.extui %sign3A_749 : i1 to i32
    %sign3A_751 = arith.subi %sign3A_747, %sign3A_750 : i32
    %sign3A_752 = arith.constant 0 : i32
    %sign3A_753 = arith.cmpi sgt, %jit3A_743, %sign3A_752 : i32
    %sign3A_754 = arith.extui %sign3A_753 : i1 to i32
    %sign3A_755 = arith.constant 0 : i32
    %sign3A_756 = arith.cmpi slt, %jit3A_743, %sign3A_755 : i32
    %sign3A_757 = arith.extui %sign3A_756 : i1 to i32
    %sign3A_758 = arith.subi %sign3A_754, %sign3A_757 : i32
    %ne3A_759 = arith.cmpi ne, %sign3A_751, %sign3A_758 : i32
    %rem3A_760 = arith.remsi %get3A_742, %jit3A_743 : i32
    %ne3A_761 = arith.constant 0 : i32
    %ne3A_762 = arith.cmpi ne, %rem3A_760, %ne3A_761 : i32
    %and3A_763 = arith.andi %ne3A_759, %ne3A_762 : i1
    %sub3A_764 = arith.constant 1 : i32
    %sub3A_765 = arith.subi %div3A_744, %sub3A_764 : i32
    %select_n3A_766 = arith.select %and3A_763, %sub3A_765, %div3A_744 : i32
    %mul3A_767 = arith.constant 128 : i32
    %mul3A_768 = arith.muli %select_n3A_766, %mul3A_767 : i32
    %dma_start3A_769 = arith.constant 21 : i32
    %dma_start3A_770 = tpu.memref_slice %arg5[%mul3A_768] : memref<12800000xf32, #tpu.memory_space<any>> -> memref<128xf32, #tpu.memory_space<any>>
    %dma_start3A_771 = arith.constant 0 : i32
    %dma_start3A_772 = tpu.memref_slice %arg6[%dma_start3A_769, %dma_start3A_771] : memref<128x128xf32, #tpu.memory_space<vmem>> -> memref<1x128xf32, #tpu.memory_space<vmem>>
    %dma_start3A_773 = tpu.memref_squeeze %dma_start3A_772 : memref<1x128xf32, #tpu.memory_space<vmem>> -> memref<128xf32, #tpu.memory_space<vmem>>
    tpu.enqueue_dma source(%dma_start3A_773 : memref<128xf32, #tpu.memory_space<vmem>>) target(%dma_start3A_770 : memref<128xf32, #tpu.memory_space<any>>) target_semaphore(%arg7 : memref<!tpu.dma_semaphore, #tpu.memory_space<semaphore_mem>>)
    %get3A_774 = arith.constant 22 : index
    %get3A_775 = memref.load %arg0[%get3A_774] : memref<128xi32, #tpu.memory_space<smem>>
    %jit3A_776 = arith.constant 128 : i32
    %div3A_777 = arith.divsi %get3A_775, %jit3A_776 : i32
    %sign3A_778 = arith.constant 0 : i32
    %sign3A_779 = arith.cmpi sgt, %get3A_775, %sign3A_778 : i32
    %sign3A_780 = arith.extui %sign3A_779 : i1 to i32
    %sign3A_781 = arith.constant 0 : i32
    %sign3A_782 = arith.cmpi slt, %get3A_775, %sign3A_781 : i32
    %sign3A_783 = arith.extui %sign3A_782 : i1 to i32
    %sign3A_784 = arith.subi %sign3A_780, %sign3A_783 : i32
    %sign3A_785 = arith.constant 0 : i32
    %sign3A_786 = arith.cmpi sgt, %jit3A_776, %sign3A_785 : i32
    %sign3A_787 = arith.extui %sign3A_786 : i1 to i32
    %sign3A_788 = arith.constant 0 : i32
    %sign3A_789 = arith.cmpi slt, %jit3A_776, %sign3A_788 : i32
    %sign3A_790 = arith.extui %sign3A_789 : i1 to i32
    %sign3A_791 = arith.subi %sign3A_787, %sign3A_790 : i32
    %ne3A_792 = arith.cmpi ne, %sign3A_784, %sign3A_791 : i32
    %rem3A_793 = arith.remsi %get3A_775, %jit3A_776 : i32
    %ne3A_794 = arith.constant 0 : i32
    %ne3A_795 = arith.cmpi ne, %rem3A_793, %ne3A_794 : i32
    %and3A_796 = arith.andi %ne3A_792, %ne3A_795 : i1
    %sub3A_797 = arith.constant 1 : i32
    %sub3A_798 = arith.subi %div3A_777, %sub3A_797 : i32
    %select_n3A_799 = arith.select %and3A_796, %sub3A_798, %div3A_777 : i32
    %mul3A_800 = arith.constant 128 : i32
    %mul3A_801 = arith.muli %select_n3A_799, %mul3A_800 : i32
    %dma_start3A_802 = arith.constant 22 : i32
    %dma_start3A_803 = tpu.memref_slice %arg5[%mul3A_801] : memref<12800000xf32, #tpu.memory_space<any>> -> memref<128xf32, #tpu.memory_space<any>>
    %dma_start3A_804 = arith.constant 0 : i32
    %dma_start3A_805 = tpu.memref_slice %arg6[%dma_start3A_802, %dma_start3A_804] : memref<128x128xf32, #tpu.memory_space<vmem>> -> memref<1x128xf32, #tpu.memory_space<vmem>>
    %dma_start3A_806 = tpu.memref_squeeze %dma_start3A_805 : memref<1x128xf32, #tpu.memory_space<vmem>> -> memref<128xf32, #tpu.memory_space<vmem>>
    tpu.enqueue_dma source(%dma_start3A_806 : memref<128xf32, #tpu.memory_space<vmem>>) target(%dma_start3A_803 : memref<128xf32, #tpu.memory_space<any>>) target_semaphore(%arg7 : memref<!tpu.dma_semaphore, #tpu.memory_space<semaphore_mem>>)
    %get3A_807 = arith.constant 23 : index
    %get3A_808 = memref.load %arg0[%get3A_807] : memref<128xi32, #tpu.memory_space<smem>>
    %jit3A_809 = arith.constant 128 : i32
    %div3A_810 = arith.divsi %get3A_808, %jit3A_809 : i32
    %sign3A_811 = arith.constant 0 : i32
    %sign3A_812 = arith.cmpi sgt, %get3A_808, %sign3A_811 : i32
    %sign3A_813 = arith.extui %sign3A_812 : i1 to i32
    %sign3A_814 = arith.constant 0 : i32
    %sign3A_815 = arith.cmpi slt, %get3A_808, %sign3A_814 : i32
    %sign3A_816 = arith.extui %sign3A_815 : i1 to i32
    %sign3A_817 = arith.subi %sign3A_813, %sign3A_816 : i32
    %sign3A_818 = arith.constant 0 : i32
    %sign3A_819 = arith.cmpi sgt, %jit3A_809, %sign3A_818 : i32
    %sign3A_820 = arith.extui %sign3A_819 : i1 to i32
    %sign3A_821 = arith.constant 0 : i32
    %sign3A_822 = arith.cmpi slt, %jit3A_809, %sign3A_821 : i32
    %sign3A_823 = arith.extui %sign3A_822 : i1 to i32
    %sign3A_824 = arith.subi %sign3A_820, %sign3A_823 : i32
    %ne3A_825 = arith.cmpi ne, %sign3A_817, %sign3A_824 : i32
    %rem3A_826 = arith.remsi %get3A_808, %jit3A_809 : i32
    %ne3A_827 = arith.constant 0 : i32
    %ne3A_828 = arith.cmpi ne, %rem3A_826, %ne3A_827 : i32
    %and3A_829 = arith.andi %ne3A_825, %ne3A_828 : i1
    %sub3A_830 = arith.constant 1 : i32
    %sub3A_831 = arith.subi %div3A_810, %sub3A_830 : i32
    %select_n3A_832 = arith.select %and3A_829, %sub3A_831, %div3A_810 : i32
    %mul3A_833 = arith.constant 128 : i32
    %mul3A_834 = arith.muli %select_n3A_832, %mul3A_833 : i32
    %dma_start3A_835 = arith.constant 23 : i32
    %dma_start3A_836 = tpu.memref_slice %arg5[%mul3A_834] : memref<12800000xf32, #tpu.memory_space<any>> -> memref<128xf32, #tpu.memory_space<any>>
    %dma_start3A_837 = arith.constant 0 : i32
    %dma_start3A_838 = tpu.memref_slice %arg6[%dma_start3A_835, %dma_start3A_837] : memref<128x128xf32, #tpu.memory_space<vmem>> -> memref<1x128xf32, #tpu.memory_space<vmem>>
    %dma_start3A_839 = tpu.memref_squeeze %dma_start3A_838 : memref<1x128xf32, #tpu.memory_space<vmem>> -> memref<128xf32, #tpu.memory_space<vmem>>
    tpu.enqueue_dma source(%dma_start3A_839 : memref<128xf32, #tpu.memory_space<vmem>>) target(%dma_start3A_836 : memref<128xf32, #tpu.memory_space<any>>) target_semaphore(%arg7 : memref<!tpu.dma_semaphore, #tpu.memory_space<semaphore_mem>>)
    %get3A_840 = arith.constant 24 : index
    %get3A_841 = memref.load %arg0[%get3A_840] : memref<128xi32, #tpu.memory_space<smem>>
    %jit3A_842 = arith.constant 128 : i32
    %div3A_843 = arith.divsi %get3A_841, %jit3A_842 : i32
    %sign3A_844 = arith.constant 0 : i32
    %sign3A_845 = arith.cmpi sgt, %get3A_841, %sign3A_844 : i32
    %sign3A_846 = arith.extui %sign3A_845 : i1 to i32
    %sign3A_847 = arith.constant 0 : i32
    %sign3A_848 = arith.cmpi slt, %get3A_841, %sign3A_847 : i32
    %sign3A_849 = arith.extui %sign3A_848 : i1 to i32
    %sign3A_850 = arith.subi %sign3A_846, %sign3A_849 : i32
    %sign3A_851 = arith.constant 0 : i32
    %sign3A_852 = arith.cmpi sgt, %jit3A_842, %sign3A_851 : i32
    %sign3A_853 = arith.extui %sign3A_852 : i1 to i32
    %sign3A_854 = arith.constant 0 : i32
    %sign3A_855 = arith.cmpi slt, %jit3A_842, %sign3A_854 : i32
    %sign3A_856 = arith.extui %sign3A_855 : i1 to i32
    %sign3A_857 = arith.subi %sign3A_853, %sign3A_856 : i32
    %ne3A_858 = arith.cmpi ne, %sign3A_850, %sign3A_857 : i32
    %rem3A_859 = arith.remsi %get3A_841, %jit3A_842 : i32
    %ne3A_860 = arith.constant 0 : i32
    %ne3A_861 = arith.cmpi ne, %rem3A_859, %ne3A_860 : i32
    %and3A_862 = arith.andi %ne3A_858, %ne3A_861 : i1
    %sub3A_863 = arith.constant 1 : i32
    %sub3A_864 = arith.subi %div3A_843, %sub3A_863 : i32
    %select_n3A_865 = arith.select %and3A_862, %sub3A_864, %div3A_843 : i32
    %mul3A_866 = arith.constant 128 : i32
    %mul3A_867 = arith.muli %select_n3A_865, %mul3A_866 : i32
    %dma_start3A_868 = arith.constant 24 : i32
    %dma_start3A_869 = tpu.memref_slice %arg5[%mul3A_867] : memref<12800000xf32, #tpu.memory_space<any>> -> memref<128xf32, #tpu.memory_space<any>>
    %dma_start3A_870 = arith.constant 0 : i32
    %dma_start3A_871 = tpu.memref_slice %arg6[%dma_start3A_868, %dma_start3A_870] : memref<128x128xf32, #tpu.memory_space<vmem>> -> memref<1x128xf32, #tpu.memory_space<vmem>>
    %dma_start3A_872 = tpu.memref_squeeze %dma_start3A_871 : memref<1x128xf32, #tpu.memory_space<vmem>> -> memref<128xf32, #tpu.memory_space<vmem>>
    tpu.enqueue_dma source(%dma_start3A_872 : memref<128xf32, #tpu.memory_space<vmem>>) target(%dma_start3A_869 : memref<128xf32, #tpu.memory_space<any>>) target_semaphore(%arg7 : memref<!tpu.dma_semaphore, #tpu.memory_space<semaphore_mem>>)
    %get3A_873 = arith.constant 25 : index
    %get3A_874 = memref.load %arg0[%get3A_873] : memref<128xi32, #tpu.memory_space<smem>>
    %jit3A_875 = arith.constant 128 : i32
    %div3A_876 = arith.divsi %get3A_874, %jit3A_875 : i32
    %sign3A_877 = arith.constant 0 : i32
    %sign3A_878 = arith.cmpi sgt, %get3A_874, %sign3A_877 : i32
    %sign3A_879 = arith.extui %sign3A_878 : i1 to i32
    %sign3A_880 = arith.constant 0 : i32
    %sign3A_881 = arith.cmpi slt, %get3A_874, %sign3A_880 : i32
    %sign3A_882 = arith.extui %sign3A_881 : i1 to i32
    %sign3A_883 = arith.subi %sign3A_879, %sign3A_882 : i32
    %sign3A_884 = arith.constant 0 : i32
    %sign3A_885 = arith.cmpi sgt, %jit3A_875, %sign3A_884 : i32
    %sign3A_886 = arith.extui %sign3A_885 : i1 to i32
    %sign3A_887 = arith.constant 0 : i32
    %sign3A_888 = arith.cmpi slt, %jit3A_875, %sign3A_887 : i32
    %sign3A_889 = arith.extui %sign3A_888 : i1 to i32
    %sign3A_890 = arith.subi %sign3A_886, %sign3A_889 : i32
    %ne3A_891 = arith.cmpi ne, %sign3A_883, %sign3A_890 : i32
    %rem3A_892 = arith.remsi %get3A_874, %jit3A_875 : i32
    %ne3A_893 = arith.constant 0 : i32
    %ne3A_894 = arith.cmpi ne, %rem3A_892, %ne3A_893 : i32
    %and3A_895 = arith.andi %ne3A_891, %ne3A_894 : i1
    %sub3A_896 = arith.constant 1 : i32
    %sub3A_897 = arith.subi %div3A_876, %sub3A_896 : i32
    %select_n3A_898 = arith.select %and3A_895, %sub3A_897, %div3A_876 : i32
    %mul3A_899 = arith.constant 128 : i32
    %mul3A_900 = arith.muli %select_n3A_898, %mul3A_899 : i32
    %dma_start3A_901 = arith.constant 25 : i32
    %dma_start3A_902 = tpu.memref_slice %arg5[%mul3A_900] : memref<12800000xf32, #tpu.memory_space<any>> -> memref<128xf32, #tpu.memory_space<any>>
    %dma_start3A_903 = arith.constant 0 : i32
    %dma_start3A_904 = tpu.memref_slice %arg6[%dma_start3A_901, %dma_start3A_903] : memref<128x128xf32, #tpu.memory_space<vmem>> -> memref<1x128xf32, #tpu.memory_space<vmem>>
    %dma_start3A_905 = tpu.memref_squeeze %dma_start3A_904 : memref<1x128xf32, #tpu.memory_space<vmem>> -> memref<128xf32, #tpu.memory_space<vmem>>
    tpu.enqueue_dma source(%dma_start3A_905 : memref<128xf32, #tpu.memory_space<vmem>>) target(%dma_start3A_902 : memref<128xf32, #tpu.memory_space<any>>) target_semaphore(%arg7 : memref<!tpu.dma_semaphore, #tpu.memory_space<semaphore_mem>>)
    %get3A_906 = arith.constant 26 : index
    %get3A_907 = memref.load %arg0[%get3A_906] : memref<128xi32, #tpu.memory_space<smem>>
    %jit3A_908 = arith.constant 128 : i32
    %div3A_909 = arith.divsi %get3A_907, %jit3A_908 : i32
    %sign3A_910 = arith.constant 0 : i32
    %sign3A_911 = arith.cmpi sgt, %get3A_907, %sign3A_910 : i32
    %sign3A_912 = arith.extui %sign3A_911 : i1 to i32
    %sign3A_913 = arith.constant 0 : i32
    %sign3A_914 = arith.cmpi slt, %get3A_907, %sign3A_913 : i32
    %sign3A_915 = arith.extui %sign3A_914 : i1 to i32
    %sign3A_916 = arith.subi %sign3A_912, %sign3A_915 : i32
    %sign3A_917 = arith.constant 0 : i32
    %sign3A_918 = arith.cmpi sgt, %jit3A_908, %sign3A_917 : i32
    %sign3A_919 = arith.extui %sign3A_918 : i1 to i32
    %sign3A_920 = arith.constant 0 : i32
    %sign3A_921 = arith.cmpi slt, %jit3A_908, %sign3A_920 : i32
    %sign3A_922 = arith.extui %sign3A_921 : i1 to i32
    %sign3A_923 = arith.subi %sign3A_919, %sign3A_922 : i32
    %ne3A_924 = arith.cmpi ne, %sign3A_916, %sign3A_923 : i32
    %rem3A_925 = arith.remsi %get3A_907, %jit3A_908 : i32
    %ne3A_926 = arith.constant 0 : i32
    %ne3A_927 = arith.cmpi ne, %rem3A_925, %ne3A_926 : i32
    %and3A_928 = arith.andi %ne3A_924, %ne3A_927 : i1
    %sub3A_929 = arith.constant 1 : i32
    %sub3A_930 = arith.subi %div3A_909, %sub3A_929 : i32
    %select_n3A_931 = arith.select %and3A_928, %sub3A_930, %div3A_909 : i32
    %mul3A_932 = arith.constant 128 : i32
    %mul3A_933 = arith.muli %select_n3A_931, %mul3A_932 : i32
    %dma_start3A_934 = arith.constant 26 : i32
    %dma_start3A_935 = tpu.memref_slice %arg5[%mul3A_933] : memref<12800000xf32, #tpu.memory_space<any>> -> memref<128xf32, #tpu.memory_space<any>>
    %dma_start3A_936 = arith.constant 0 : i32
    %dma_start3A_937 = tpu.memref_slice %arg6[%dma_start3A_934, %dma_start3A_936] : memref<128x128xf32, #tpu.memory_space<vmem>> -> memref<1x128xf32, #tpu.memory_space<vmem>>
    %dma_start3A_938 = tpu.memref_squeeze %dma_start3A_937 : memref<1x128xf32, #tpu.memory_space<vmem>> -> memref<128xf32, #tpu.memory_space<vmem>>
    tpu.enqueue_dma source(%dma_start3A_938 : memref<128xf32, #tpu.memory_space<vmem>>) target(%dma_start3A_935 : memref<128xf32, #tpu.memory_space<any>>) target_semaphore(%arg7 : memref<!tpu.dma_semaphore, #tpu.memory_space<semaphore_mem>>)
    %get3A_939 = arith.constant 27 : index
    %get3A_940 = memref.load %arg0[%get3A_939] : memref<128xi32, #tpu.memory_space<smem>>
    %jit3A_941 = arith.constant 128 : i32
    %div3A_942 = arith.divsi %get3A_940, %jit3A_941 : i32
    %sign3A_943 = arith.constant 0 : i32
    %sign3A_944 = arith.cmpi sgt, %get3A_940, %sign3A_943 : i32
    %sign3A_945 = arith.extui %sign3A_944 : i1 to i32
    %sign3A_946 = arith.constant 0 : i32
    %sign3A_947 = arith.cmpi slt, %get3A_940, %sign3A_946 : i32
    %sign3A_948 = arith.extui %sign3A_947 : i1 to i32
    %sign3A_949 = arith.subi %sign3A_945, %sign3A_948 : i32
    %sign3A_950 = arith.constant 0 : i32
    %sign3A_951 = arith.cmpi sgt, %jit3A_941, %sign3A_950 : i32
    %sign3A_952 = arith.extui %sign3A_951 : i1 to i32
    %sign3A_953 = arith.constant 0 : i32
    %sign3A_954 = arith.cmpi slt, %jit3A_941, %sign3A_953 : i32
    %sign3A_955 = arith.extui %sign3A_954 : i1 to i32
    %sign3A_956 = arith.subi %sign3A_952, %sign3A_955 : i32
    %ne3A_957 = arith.cmpi ne, %sign3A_949, %sign3A_956 : i32
    %rem3A_958 = arith.remsi %get3A_940, %jit3A_941 : i32
    %ne3A_959 = arith.constant 0 : i32
    %ne3A_960 = arith.cmpi ne, %rem3A_958, %ne3A_959 : i32
    %and3A_961 = arith.andi %ne3A_957, %ne3A_960 : i1
    %sub3A_962 = arith.constant 1 : i32
    %sub3A_963 = arith.subi %div3A_942, %sub3A_962 : i32
    %select_n3A_964 = arith.select %and3A_961, %sub3A_963, %div3A_942 : i32
    %mul3A_965 = arith.constant 128 : i32
    %mul3A_966 = arith.muli %select_n3A_964, %mul3A_965 : i32
    %dma_start3A_967 = arith.constant 27 : i32
    %dma_start3A_968 = tpu.memref_slice %arg5[%mul3A_966] : memref<12800000xf32, #tpu.memory_space<any>> -> memref<128xf32, #tpu.memory_space<any>>
    %dma_start3A_969 = arith.constant 0 : i32
    %dma_start3A_970 = tpu.memref_slice %arg6[%dma_start3A_967, %dma_start3A_969] : memref<128x128xf32, #tpu.memory_space<vmem>> -> memref<1x128xf32, #tpu.memory_space<vmem>>
    %dma_start3A_971 = tpu.memref_squeeze %dma_start3A_970 : memref<1x128xf32, #tpu.memory_space<vmem>> -> memref<128xf32, #tpu.memory_space<vmem>>
    tpu.enqueue_dma source(%dma_start3A_971 : memref<128xf32, #tpu.memory_space<vmem>>) target(%dma_start3A_968 : memref<128xf32, #tpu.memory_space<any>>) target_semaphore(%arg7 : memref<!tpu.dma_semaphore, #tpu.memory_space<semaphore_mem>>)
    %get3A_972 = arith.constant 28 : index
    %get3A_973 = memref.load %arg0[%get3A_972] : memref<128xi32, #tpu.memory_space<smem>>
    %jit3A_974 = arith.constant 128 : i32
    %div3A_975 = arith.divsi %get3A_973, %jit3A_974 : i32
    %sign3A_976 = arith.constant 0 : i32
    %sign3A_977 = arith.cmpi sgt, %get3A_973, %sign3A_976 : i32
    %sign3A_978 = arith.extui %sign3A_977 : i1 to i32
    %sign3A_979 = arith.constant 0 : i32
    %sign3A_980 = arith.cmpi slt, %get3A_973, %sign3A_979 : i32
    %sign3A_981 = arith.extui %sign3A_980 : i1 to i32
    %sign3A_982 = arith.subi %sign3A_978, %sign3A_981 : i32
    %sign3A_983 = arith.constant 0 : i32
    %sign3A_984 = arith.cmpi sgt, %jit3A_974, %sign3A_983 : i32
    %sign3A_985 = arith.extui %sign3A_984 : i1 to i32
    %sign3A_986 = arith.constant 0 : i32
    %sign3A_987 = arith.cmpi slt, %jit3A_974, %sign3A_986 : i32
    %sign3A_988 = arith.extui %sign3A_987 : i1 to i32
    %sign3A_989 = arith.subi %sign3A_985, %sign3A_988 : i32
    %ne3A_990 = arith.cmpi ne, %sign3A_982, %sign3A_989 : i32
    %rem3A_991 = arith.remsi %get3A_973, %jit3A_974 : i32
    %ne3A_992 = arith.constant 0 : i32
    %ne3A_993 = arith.cmpi ne, %rem3A_991, %ne3A_992 : i32
    %and3A_994 = arith.andi %ne3A_990, %ne3A_993 : i1
    %sub3A_995 = arith.constant 1 : i32
    %sub3A_996 = arith.subi %div3A_975, %sub3A_995 : i32
    %select_n3A_997 = arith.select %and3A_994, %sub3A_996, %div3A_975 : i32
    %mul3A_998 = arith.constant 128 : i32
    %mul3A_999 = arith.muli %select_n3A_997, %mul3A_998 : i32
    %dma_start3A_1000 = arith.constant 28 : i32
    %dma_start3A_1001 = tpu.memref_slice %arg5[%mul3A_999] : memref<12800000xf32, #tpu.memory_space<any>> -> memref<128xf32, #tpu.memory_space<any>>
    %dma_start3A_1002 = arith.constant 0 : i32
    %dma_start3A_1003 = tpu.memref_slice %arg6[%dma_start3A_1000, %dma_start3A_1002] : memref<128x128xf32, #tpu.memory_space<vmem>> -> memref<1x128xf32, #tpu.memory_space<vmem>>
    %dma_start3A_1004 = tpu.memref_squeeze %dma_start3A_1003 : memref<1x128xf32, #tpu.memory_space<vmem>> -> memref<128xf32, #tpu.memory_space<vmem>>
    tpu.enqueue_dma source(%dma_start3A_1004 : memref<128xf32, #tpu.memory_space<vmem>>) target(%dma_start3A_1001 : memref<128xf32, #tpu.memory_space<any>>) target_semaphore(%arg7 : memref<!tpu.dma_semaphore, #tpu.memory_space<semaphore_mem>>)
    %get3A_1005 = arith.constant 29 : index
    %get3A_1006 = memref.load %arg0[%get3A_1005] : memref<128xi32, #tpu.memory_space<smem>>
    %jit3A_1007 = arith.constant 128 : i32
    %div3A_1008 = arith.divsi %get3A_1006, %jit3A_1007 : i32
    %sign3A_1009 = arith.constant 0 : i32
    %sign3A_1010 = arith.cmpi sgt, %get3A_1006, %sign3A_1009 : i32
    %sign3A_1011 = arith.extui %sign3A_1010 : i1 to i32
    %sign3A_1012 = arith.constant 0 : i32
    %sign3A_1013 = arith.cmpi slt, %get3A_1006, %sign3A_1012 : i32
    %sign3A_1014 = arith.extui %sign3A_1013 : i1 to i32
    %sign3A_1015 = arith.subi %sign3A_1011, %sign3A_1014 : i32
    %sign3A_1016 = arith.constant 0 : i32
    %sign3A_1017 = arith.cmpi sgt, %jit3A_1007, %sign3A_1016 : i32
    %sign3A_1018 = arith.extui %sign3A_1017 : i1 to i32
    %sign3A_1019 = arith.constant 0 : i32
    %sign3A_1020 = arith.cmpi slt, %jit3A_1007, %sign3A_1019 : i32
    %sign3A_1021 = arith.extui %sign3A_1020 : i1 to i32
    %sign3A_1022 = arith.subi %sign3A_1018, %sign3A_1021 : i32
    %ne3A_1023 = arith.cmpi ne, %sign3A_1015, %sign3A_1022 : i32
    %rem3A_1024 = arith.remsi %get3A_1006, %jit3A_1007 : i32
    %ne3A_1025 = arith.constant 0 : i32
    %ne3A_1026 = arith.cmpi ne, %rem3A_1024, %ne3A_1025 : i32
    %and3A_1027 = arith.andi %ne3A_1023, %ne3A_1026 : i1
    %sub3A_1028 = arith.constant 1 : i32
    %sub3A_1029 = arith.subi %div3A_1008, %sub3A_1028 : i32
    %select_n3A_1030 = arith.select %and3A_1027, %sub3A_1029, %div3A_1008 : i32
    %mul3A_1031 = arith.constant 128 : i32
    %mul3A_1032 = arith.muli %select_n3A_1030, %mul3A_1031 : i32
    %dma_start3A_1033 = arith.constant 29 : i32
    %dma_start3A_1034 = tpu.memref_slice %arg5[%mul3A_1032] : memref<12800000xf32, #tpu.memory_space<any>> -> memref<128xf32, #tpu.memory_space<any>>
    %dma_start3A_1035 = arith.constant 0 : i32
    %dma_start3A_1036 = tpu.memref_slice %arg6[%dma_start3A_1033, %dma_start3A_1035] : memref<128x128xf32, #tpu.memory_space<vmem>> -> memref<1x128xf32, #tpu.memory_space<vmem>>
    %dma_start3A_1037 = tpu.memref_squeeze %dma_start3A_1036 : memref<1x128xf32, #tpu.memory_space<vmem>> -> memref<128xf32, #tpu.memory_space<vmem>>
    tpu.enqueue_dma source(%dma_start3A_1037 : memref<128xf32, #tpu.memory_space<vmem>>) target(%dma_start3A_1034 : memref<128xf32, #tpu.memory_space<any>>) target_semaphore(%arg7 : memref<!tpu.dma_semaphore, #tpu.memory_space<semaphore_mem>>)
    %get3A_1038 = arith.constant 30 : index
    %get3A_1039 = memref.load %arg0[%get3A_1038] : memref<128xi32, #tpu.memory_space<smem>>
    %jit3A_1040 = arith.constant 128 : i32
    %div3A_1041 = arith.divsi %get3A_1039, %jit3A_1040 : i32
    %sign3A_1042 = arith.constant 0 : i32
    %sign3A_1043 = arith.cmpi sgt, %get3A_1039, %sign3A_1042 : i32
    %sign3A_1044 = arith.extui %sign3A_1043 : i1 to i32
    %sign3A_1045 = arith.constant 0 : i32
    %sign3A_1046 = arith.cmpi slt, %get3A_1039, %sign3A_1045 : i32
    %sign3A_1047 = arith.extui %sign3A_1046 : i1 to i32
    %sign3A_1048 = arith.subi %sign3A_1044, %sign3A_1047 : i32
    %sign3A_1049 = arith.constant 0 : i32
    %sign3A_1050 = arith.cmpi sgt, %jit3A_1040, %sign3A_1049 : i32
    %sign3A_1051 = arith.extui %sign3A_1050 : i1 to i32
    %sign3A_1052 = arith.constant 0 : i32
    %sign3A_1053 = arith.cmpi slt, %jit3A_1040, %sign3A_1052 : i32
    %sign3A_1054 = arith.extui %sign3A_1053 : i1 to i32
    %sign3A_1055 = arith.subi %sign3A_1051, %sign3A_1054 : i32
    %ne3A_1056 = arith.cmpi ne, %sign3A_1048, %sign3A_1055 : i32
    %rem3A_1057 = arith.remsi %get3A_1039, %jit3A_1040 : i32
    %ne3A_1058 = arith.constant 0 : i32
    %ne3A_1059 = arith.cmpi ne, %rem3A_1057, %ne3A_1058 : i32
    %and3A_1060 = arith.andi %ne3A_1056, %ne3A_1059 : i1
    %sub3A_1061 = arith.constant 1 : i32
    %sub3A_1062 = arith.subi %div3A_1041, %sub3A_1061 : i32
    %select_n3A_1063 = arith.select %and3A_1060, %sub3A_1062, %div3A_1041 : i32
    %mul3A_1064 = arith.constant 128 : i32
    %mul3A_1065 = arith.muli %select_n3A_1063, %mul3A_1064 : i32
    %dma_start3A_1066 = arith.constant 30 : i32
    %dma_start3A_1067 = tpu.memref_slice %arg5[%mul3A_1065] : memref<12800000xf32, #tpu.memory_space<any>> -> memref<128xf32, #tpu.memory_space<any>>
    %dma_start3A_1068 = arith.constant 0 : i32
    %dma_start3A_1069 = tpu.memref_slice %arg6[%dma_start3A_1066, %dma_start3A_1068] : memref<128x128xf32, #tpu.memory_space<vmem>> -> memref<1x128xf32, #tpu.memory_space<vmem>>
    %dma_start3A_1070 = tpu.memref_squeeze %dma_start3A_1069 : memref<1x128xf32, #tpu.memory_space<vmem>> -> memref<128xf32, #tpu.memory_space<vmem>>
    tpu.enqueue_dma source(%dma_start3A_1070 : memref<128xf32, #tpu.memory_space<vmem>>) target(%dma_start3A_1067 : memref<128xf32, #tpu.memory_space<any>>) target_semaphore(%arg7 : memref<!tpu.dma_semaphore, #tpu.memory_space<semaphore_mem>>)
    %get3A_1071 = arith.constant 31 : index
    %get3A_1072 = memref.load %arg0[%get3A_1071] : memref<128xi32, #tpu.memory_space<smem>>
    %jit3A_1073 = arith.constant 128 : i32
    %div3A_1074 = arith.divsi %get3A_1072, %jit3A_1073 : i32
    %sign3A_1075 = arith.constant 0 : i32
    %sign3A_1076 = arith.cmpi sgt, %get3A_1072, %sign3A_1075 : i32
    %sign3A_1077 = arith.extui %sign3A_1076 : i1 to i32
    %sign3A_1078 = arith.constant 0 : i32
    %sign3A_1079 = arith.cmpi slt, %get3A_1072, %sign3A_1078 : i32
    %sign3A_1080 = arith.extui %sign3A_1079 : i1 to i32
    %sign3A_1081 = arith.subi %sign3A_1077, %sign3A_1080 : i32
    %sign3A_1082 = arith.constant 0 : i32
    %sign3A_1083 = arith.cmpi sgt, %jit3A_1073, %sign3A_1082 : i32
    %sign3A_1084 = arith.extui %sign3A_1083 : i1 to i32
    %sign3A_1085 = arith.constant 0 : i32
    %sign3A_1086 = arith.cmpi slt, %jit3A_1073, %sign3A_1085 : i32
    %sign3A_1087 = arith.extui %sign3A_1086 : i1 to i32
    %sign3A_1088 = arith.subi %sign3A_1084, %sign3A_1087 : i32
    %ne3A_1089 = arith.cmpi ne, %sign3A_1081, %sign3A_1088 : i32
    %rem3A_1090 = arith.remsi %get3A_1072, %jit3A_1073 : i32
    %ne3A_1091 = arith.constant 0 : i32
    %ne3A_1092 = arith.cmpi ne, %rem3A_1090, %ne3A_1091 : i32
    %and3A_1093 = arith.andi %ne3A_1089, %ne3A_1092 : i1
    %sub3A_1094 = arith.constant 1 : i32
    %sub3A_1095 = arith.subi %div3A_1074, %sub3A_1094 : i32
    %select_n3A_1096 = arith.select %and3A_1093, %sub3A_1095, %div3A_1074 : i32
    %mul3A_1097 = arith.constant 128 : i32
    %mul3A_1098 = arith.muli %select_n3A_1096, %mul3A_1097 : i32
    %dma_start3A_1099 = arith.constant 31 : i32
    %dma_start3A_1100 = tpu.memref_slice %arg5[%mul3A_1098] : memref<12800000xf32, #tpu.memory_space<any>> -> memref<128xf32, #tpu.memory_space<any>>
    %dma_start3A_1101 = arith.constant 0 : i32
    %dma_start3A_1102 = tpu.memref_slice %arg6[%dma_start3A_1099, %dma_start3A_1101] : memref<128x128xf32, #tpu.memory_space<vmem>> -> memref<1x128xf32, #tpu.memory_space<vmem>>
    %dma_start3A_1103 = tpu.memref_squeeze %dma_start3A_1102 : memref<1x128xf32, #tpu.memory_space<vmem>> -> memref<128xf32, #tpu.memory_space<vmem>>
    tpu.enqueue_dma source(%dma_start3A_1103 : memref<128xf32, #tpu.memory_space<vmem>>) target(%dma_start3A_1100 : memref<128xf32, #tpu.memory_space<any>>) target_semaphore(%arg7 : memref<!tpu.dma_semaphore, #tpu.memory_space<semaphore_mem>>)
    %get3A_1104 = arith.constant 32 : index
    %get3A_1105 = memref.load %arg0[%get3A_1104] : memref<128xi32, #tpu.memory_space<smem>>
    %jit3A_1106 = arith.constant 128 : i32
    %div3A_1107 = arith.divsi %get3A_1105, %jit3A_1106 : i32
    %sign3A_1108 = arith.constant 0 : i32
    %sign3A_1109 = arith.cmpi sgt, %get3A_1105, %sign3A_1108 : i32
    %sign3A_1110 = arith.extui %sign3A_1109 : i1 to i32
    %sign3A_1111 = arith.constant 0 : i32
    %sign3A_1112 = arith.cmpi slt, %get3A_1105, %sign3A_1111 : i32
    %sign3A_1113 = arith.extui %sign3A_1112 : i1 to i32
    %sign3A_1114 = arith.subi %sign3A_1110, %sign3A_1113 : i32
    %sign3A_1115 = arith.constant 0 : i32
    %sign3A_1116 = arith.cmpi sgt, %jit3A_1106, %sign3A_1115 : i32
    %sign3A_1117 = arith.extui %sign3A_1116 : i1 to i32
    %sign3A_1118 = arith.constant 0 : i32
    %sign3A_1119 = arith.cmpi slt, %jit3A_1106, %sign3A_1118 : i32
    %sign3A_1120 = arith.extui %sign3A_1119 : i1 to i32
    %sign3A_1121 = arith.subi %sign3A_1117, %sign3A_1120 : i32
    %ne3A_1122 = arith.cmpi ne, %sign3A_1114, %sign3A_1121 : i32
    %rem3A_1123 = arith.remsi %get3A_1105, %jit3A_1106 : i32
    %ne3A_1124 = arith.constant 0 : i32
    %ne3A_1125 = arith.cmpi ne, %rem3A_1123, %ne3A_1124 : i32
    %and3A_1126 = arith.andi %ne3A_1122, %ne3A_1125 : i1
    %sub3A_1127 = arith.constant 1 : i32
    %sub3A_1128 = arith.subi %div3A_1107, %sub3A_1127 : i32
    %select_n3A_1129 = arith.select %and3A_1126, %sub3A_1128, %div3A_1107 : i32
    %mul3A_1130 = arith.constant 128 : i32
    %mul3A_1131 = arith.muli %select_n3A_1129, %mul3A_1130 : i32
    %dma_start3A_1132 = arith.constant 32 : i32
    %dma_start3A_1133 = tpu.memref_slice %arg5[%mul3A_1131] : memref<12800000xf32, #tpu.memory_space<any>> -> memref<128xf32, #tpu.memory_space<any>>
    %dma_start3A_1134 = arith.constant 0 : i32
    %dma_start3A_1135 = tpu.memref_slice %arg6[%dma_start3A_1132, %dma_start3A_1134] : memref<128x128xf32, #tpu.memory_space<vmem>> -> memref<1x128xf32, #tpu.memory_space<vmem>>
    %dma_start3A_1136 = tpu.memref_squeeze %dma_start3A_1135 : memref<1x128xf32, #tpu.memory_space<vmem>> -> memref<128xf32, #tpu.memory_space<vmem>>
    tpu.enqueue_dma source(%dma_start3A_1136 : memref<128xf32, #tpu.memory_space<vmem>>) target(%dma_start3A_1133 : memref<128xf32, #tpu.memory_space<any>>) target_semaphore(%arg7 : memref<!tpu.dma_semaphore, #tpu.memory_space<semaphore_mem>>)
    %get3A_1137 = arith.constant 33 : index
    %get3A_1138 = memref.load %arg0[%get3A_1137] : memref<128xi32, #tpu.memory_space<smem>>
    %jit3A_1139 = arith.constant 128 : i32
    %div3A_1140 = arith.divsi %get3A_1138, %jit3A_1139 : i32
    %sign3A_1141 = arith.constant 0 : i32
    %sign3A_1142 = arith.cmpi sgt, %get3A_1138, %sign3A_1141 : i32
    %sign3A_1143 = arith.extui %sign3A_1142 : i1 to i32
    %sign3A_1144 = arith.constant 0 : i32
    %sign3A_1145 = arith.cmpi slt, %get3A_1138, %sign3A_1144 : i32
    %sign3A_1146 = arith.extui %sign3A_1145 : i1 to i32
    %sign3A_1147 = arith.subi %sign3A_1143, %sign3A_1146 : i32
    %sign3A_1148 = arith.constant 0 : i32
    %sign3A_1149 = arith.cmpi sgt, %jit3A_1139, %sign3A_1148 : i32
    %sign3A_1150 = arith.extui %sign3A_1149 : i1 to i32
    %sign3A_1151 = arith.constant 0 : i32
    %sign3A_1152 = arith.cmpi slt, %jit3A_1139, %sign3A_1151 : i32
    %sign3A_1153 = arith.extui %sign3A_1152 : i1 to i32
    %sign3A_1154 = arith.subi %sign3A_1150, %sign3A_1153 : i32
    %ne3A_1155 = arith.cmpi ne, %sign3A_1147, %sign3A_1154 : i32
    %rem3A_1156 = arith.remsi %get3A_1138, %jit3A_1139 : i32
    %ne3A_1157 = arith.constant 0 : i32
    %ne3A_1158 = arith.cmpi ne, %rem3A_1156, %ne3A_1157 : i32
    %and3A_1159 = arith.andi %ne3A_1155, %ne3A_1158 : i1
    %sub3A_1160 = arith.constant 1 : i32
    %sub3A_1161 = arith.subi %div3A_1140, %sub3A_1160 : i32
    %select_n3A_1162 = arith.select %and3A_1159, %sub3A_1161, %div3A_1140 : i32
    %mul3A_1163 = arith.constant 128 : i32
    %mul3A_1164 = arith.muli %select_n3A_1162, %mul3A_1163 : i32
    %dma_start3A_1165 = arith.constant 33 : i32
    %dma_start3A_1166 = tpu.memref_slice %arg5[%mul3A_1164] : memref<12800000xf32, #tpu.memory_space<any>> -> memref<128xf32, #tpu.memory_space<any>>
    %dma_start3A_1167 = arith.constant 0 : i32
    %dma_start3A_1168 = tpu.memref_slice %arg6[%dma_start3A_1165, %dma_start3A_1167] : memref<128x128xf32, #tpu.memory_space<vmem>> -> memref<1x128xf32, #tpu.memory_space<vmem>>
    %dma_start3A_1169 = tpu.memref_squeeze %dma_start3A_1168 : memref<1x128xf32, #tpu.memory_space<vmem>> -> memref<128xf32, #tpu.memory_space<vmem>>
    tpu.enqueue_dma source(%dma_start3A_1169 : memref<128xf32, #tpu.memory_space<vmem>>) target(%dma_start3A_1166 : memref<128xf32, #tpu.memory_space<any>>) target_semaphore(%arg7 : memref<!tpu.dma_semaphore, #tpu.memory_space<semaphore_mem>>)
    %get3A_1170 = arith.constant 34 : index
    %get3A_1171 = memref.load %arg0[%get3A_1170] : memref<128xi32, #tpu.memory_space<smem>>
    %jit3A_1172 = arith.constant 128 : i32
    %div3A_1173 = arith.divsi %get3A_1171, %jit3A_1172 : i32
    %sign3A_1174 = arith.constant 0 : i32
    %sign3A_1175 = arith.cmpi sgt, %get3A_1171, %sign3A_1174 : i32
    %sign3A_1176 = arith.extui %sign3A_1175 : i1 to i32
    %sign3A_1177 = arith.constant 0 : i32
    %sign3A_1178 = arith.cmpi slt, %get3A_1171, %sign3A_1177 : i32
    %sign3A_1179 = arith.extui %sign3A_1178 : i1 to i32
    %sign3A_1180 = arith.subi %sign3A_1176, %sign3A_1179 : i32
    %sign3A_1181 = arith.constant 0 : i32
    %sign3A_1182 = arith.cmpi sgt, %jit3A_1172, %sign3A_1181 : i32
    %sign3A_1183 = arith.extui %sign3A_1182 : i1 to i32
    %sign3A_1184 = arith.constant 0 : i32
    %sign3A_1185 = arith.cmpi slt, %jit3A_1172, %sign3A_1184 : i32
    %sign3A_1186 = arith.extui %sign3A_1185 : i1 to i32
    %sign3A_1187 = arith.subi %sign3A_1183, %sign3A_1186 : i32
    %ne3A_1188 = arith.cmpi ne, %sign3A_1180, %sign3A_1187 : i32
    %rem3A_1189 = arith.remsi %get3A_1171, %jit3A_1172 : i32
    %ne3A_1190 = arith.constant 0 : i32
    %ne3A_1191 = arith.cmpi ne, %rem3A_1189, %ne3A_1190 : i32
    %and3A_1192 = arith.andi %ne3A_1188, %ne3A_1191 : i1
    %sub3A_1193 = arith.constant 1 : i32
    %sub3A_1194 = arith.subi %div3A_1173, %sub3A_1193 : i32
    %select_n3A_1195 = arith.select %and3A_1192, %sub3A_1194, %div3A_1173 : i32
    %mul3A_1196 = arith.constant 128 : i32
    %mul3A_1197 = arith.muli %select_n3A_1195, %mul3A_1196 : i32
    %dma_start3A_1198 = arith.constant 34 : i32
    %dma_start3A_1199 = tpu.memref_slice %arg5[%mul3A_1197] : memref<12800000xf32, #tpu.memory_space<any>> -> memref<128xf32, #tpu.memory_space<any>>
    %dma_start3A_1200 = arith.constant 0 : i32
    %dma_start3A_1201 = tpu.memref_slice %arg6[%dma_start3A_1198, %dma_start3A_1200] : memref<128x128xf32, #tpu.memory_space<vmem>> -> memref<1x128xf32, #tpu.memory_space<vmem>>
    %dma_start3A_1202 = tpu.memref_squeeze %dma_start3A_1201 : memref<1x128xf32, #tpu.memory_space<vmem>> -> memref<128xf32, #tpu.memory_space<vmem>>
    tpu.enqueue_dma source(%dma_start3A_1202 : memref<128xf32, #tpu.memory_space<vmem>>) target(%dma_start3A_1199 : memref<128xf32, #tpu.memory_space<any>>) target_semaphore(%arg7 : memref<!tpu.dma_semaphore, #tpu.memory_space<semaphore_mem>>)
    %get3A_1203 = arith.constant 35 : index
    %get3A_1204 = memref.load %arg0[%get3A_1203] : memref<128xi32, #tpu.memory_space<smem>>
    %jit3A_1205 = arith.constant 128 : i32
    %div3A_1206 = arith.divsi %get3A_1204, %jit3A_1205 : i32
    %sign3A_1207 = arith.constant 0 : i32
    %sign3A_1208 = arith.cmpi sgt, %get3A_1204, %sign3A_1207 : i32
    %sign3A_1209 = arith.extui %sign3A_1208 : i1 to i32
    %sign3A_1210 = arith.constant 0 : i32
    %sign3A_1211 = arith.cmpi slt, %get3A_1204, %sign3A_1210 : i32
    %sign3A_1212 = arith.extui %sign3A_1211 : i1 to i32
    %sign3A_1213 = arith.subi %sign3A_1209, %sign3A_1212 : i32
    %sign3A_1214 = arith.constant 0 : i32
    %sign3A_1215 = arith.cmpi sgt, %jit3A_1205, %sign3A_1214 : i32
    %sign3A_1216 = arith.extui %sign3A_1215 : i1 to i32
    %sign3A_1217 = arith.constant 0 : i32
    %sign3A_1218 = arith.cmpi slt, %jit3A_1205, %sign3A_1217 : i32
    %sign3A_1219 = arith.extui %sign3A_1218 : i1 to i32
    %sign3A_1220 = arith.subi %sign3A_1216, %sign3A_1219 : i32
    %ne3A_1221 = arith.cmpi ne, %sign3A_1213, %sign3A_1220 : i32
    %rem3A_1222 = arith.remsi %get3A_1204, %jit3A_1205 : i32
    %ne3A_1223 = arith.constant 0 : i32
    %ne3A_1224 = arith.cmpi ne, %rem3A_1222, %ne3A_1223 : i32
    %and3A_1225 = arith.andi %ne3A_1221, %ne3A_1224 : i1
    %sub3A_1226 = arith.constant 1 : i32
    %sub3A_1227 = arith.subi %div3A_1206, %sub3A_1226 : i32
    %select_n3A_1228 = arith.select %and3A_1225, %sub3A_1227, %div3A_1206 : i32
    %mul3A_1229 = arith.constant 128 : i32
    %mul3A_1230 = arith.muli %select_n3A_1228, %mul3A_1229 : i32
    %dma_start3A_1231 = arith.constant 35 : i32
    %dma_start3A_1232 = tpu.memref_slice %arg5[%mul3A_1230] : memref<12800000xf32, #tpu.memory_space<any>> -> memref<128xf32, #tpu.memory_space<any>>
    %dma_start3A_1233 = arith.constant 0 : i32
    %dma_start3A_1234 = tpu.memref_slice %arg6[%dma_start3A_1231, %dma_start3A_1233] : memref<128x128xf32, #tpu.memory_space<vmem>> -> memref<1x128xf32, #tpu.memory_space<vmem>>
    %dma_start3A_1235 = tpu.memref_squeeze %dma_start3A_1234 : memref<1x128xf32, #tpu.memory_space<vmem>> -> memref<128xf32, #tpu.memory_space<vmem>>
    tpu.enqueue_dma source(%dma_start3A_1235 : memref<128xf32, #tpu.memory_space<vmem>>) target(%dma_start3A_1232 : memref<128xf32, #tpu.memory_space<any>>) target_semaphore(%arg7 : memref<!tpu.dma_semaphore, #tpu.memory_space<semaphore_mem>>)
    %get3A_1236 = arith.constant 36 : index
    %get3A_1237 = memref.load %arg0[%get3A_1236] : memref<128xi32, #tpu.memory_space<smem>>
    %jit3A_1238 = arith.constant 128 : i32
    %div3A_1239 = arith.divsi %get3A_1237, %jit3A_1238 : i32
    %sign3A_1240 = arith.constant 0 : i32
    %sign3A_1241 = arith.cmpi sgt, %get3A_1237, %sign3A_1240 : i32
    %sign3A_1242 = arith.extui %sign3A_1241 : i1 to i32
    %sign3A_1243 = arith.constant 0 : i32
    %sign3A_1244 = arith.cmpi slt, %get3A_1237, %sign3A_1243 : i32
    %sign3A_1245 = arith.extui %sign3A_1244 : i1 to i32
    %sign3A_1246 = arith.subi %sign3A_1242, %sign3A_1245 : i32
    %sign3A_1247 = arith.constant 0 : i32
    %sign3A_1248 = arith.cmpi sgt, %jit3A_1238, %sign3A_1247 : i32
    %sign3A_1249 = arith.extui %sign3A_1248 : i1 to i32
    %sign3A_1250 = arith.constant 0 : i32
    %sign3A_1251 = arith.cmpi slt, %jit3A_1238, %sign3A_1250 : i32
    %sign3A_1252 = arith.extui %sign3A_1251 : i1 to i32
    %sign3A_1253 = arith.subi %sign3A_1249, %sign3A_1252 : i32
    %ne3A_1254 = arith.cmpi ne, %sign3A_1246, %sign3A_1253 : i32
    %rem3A_1255 = arith.remsi %get3A_1237, %jit3A_1238 : i32
    %ne3A_1256 = arith.constant 0 : i32
    %ne3A_1257 = arith.cmpi ne, %rem3A_1255, %ne3A_1256 : i32
    %and3A_1258 = arith.andi %ne3A_1254, %ne3A_1257 : i1
    %sub3A_1259 = arith.constant 1 : i32
    %sub3A_1260 = arith.subi %div3A_1239, %sub3A_1259 : i32
    %select_n3A_1261 = arith.select %and3A_1258, %sub3A_1260, %div3A_1239 : i32
    %mul3A_1262 = arith.constant 128 : i32
    %mul3A_1263 = arith.muli %select_n3A_1261, %mul3A_1262 : i32
    %dma_start3A_1264 = arith.constant 36 : i32
    %dma_start3A_1265 = tpu.memref_slice %arg5[%mul3A_1263] : memref<12800000xf32, #tpu.memory_space<any>> -> memref<128xf32, #tpu.memory_space<any>>
    %dma_start3A_1266 = arith.constant 0 : i32
    %dma_start3A_1267 = tpu.memref_slice %arg6[%dma_start3A_1264, %dma_start3A_1266] : memref<128x128xf32, #tpu.memory_space<vmem>> -> memref<1x128xf32, #tpu.memory_space<vmem>>
    %dma_start3A_1268 = tpu.memref_squeeze %dma_start3A_1267 : memref<1x128xf32, #tpu.memory_space<vmem>> -> memref<128xf32, #tpu.memory_space<vmem>>
    tpu.enqueue_dma source(%dma_start3A_1268 : memref<128xf32, #tpu.memory_space<vmem>>) target(%dma_start3A_1265 : memref<128xf32, #tpu.memory_space<any>>) target_semaphore(%arg7 : memref<!tpu.dma_semaphore, #tpu.memory_space<semaphore_mem>>)
    %get3A_1269 = arith.constant 37 : index
    %get3A_1270 = memref.load %arg0[%get3A_1269] : memref<128xi32, #tpu.memory_space<smem>>
    %jit3A_1271 = arith.constant 128 : i32
    %div3A_1272 = arith.divsi %get3A_1270, %jit3A_1271 : i32
    %sign3A_1273 = arith.constant 0 : i32
    %sign3A_1274 = arith.cmpi sgt, %get3A_1270, %sign3A_1273 : i32
    %sign3A_1275 = arith.extui %sign3A_1274 : i1 to i32
    %sign3A_1276 = arith.constant 0 : i32
    %sign3A_1277 = arith.cmpi slt, %get3A_1270, %sign3A_1276 : i32
    %sign3A_1278 = arith.extui %sign3A_1277 : i1 to i32
    %sign3A_1279 = arith.subi %sign3A_1275, %sign3A_1278 : i32
    %sign3A_1280 = arith.constant 0 : i32
    %sign3A_1281 = arith.cmpi sgt, %jit3A_1271, %sign3A_1280 : i32
    %sign3A_1282 = arith.extui %sign3A_1281 : i1 to i32
    %sign3A_1283 = arith.constant 0 : i32
    %sign3A_1284 = arith.cmpi slt, %jit3A_1271, %sign3A_1283 : i32
    %sign3A_1285 = arith.extui %sign3A_1284 : i1 to i32
    %sign3A_1286 = arith.subi %sign3A_1282, %sign3A_1285 : i32
    %ne3A_1287 = arith.cmpi ne, %sign3A_1279, %sign3A_1286 : i32
    %rem3A_1288 = arith.remsi %get3A_1270, %jit3A_1271 : i32
    %ne3A_1289 = arith.constant 0 : i32
    %ne3A_1290 = arith.cmpi ne, %rem3A_1288, %ne3A_1289 : i32
    %and3A_1291 = arith.andi %ne3A_1287, %ne3A_1290 : i1
    %sub3A_1292 = arith.constant 1 : i32
    %sub3A_1293 = arith.subi %div3A_1272, %sub3A_1292 : i32
    %select_n3A_1294 = arith.select %and3A_1291, %sub3A_1293, %div3A_1272 : i32
    %mul3A_1295 = arith.constant 128 : i32
    %mul3A_1296 = arith.muli %select_n3A_1294, %mul3A_1295 : i32
    %dma_start3A_1297 = arith.constant 37 : i32
    %dma_start3A_1298 = tpu.memref_slice %arg5[%mul3A_1296] : memref<12800000xf32, #tpu.memory_space<any>> -> memref<128xf32, #tpu.memory_space<any>>
    %dma_start3A_1299 = arith.constant 0 : i32
    %dma_start3A_1300 = tpu.memref_slice %arg6[%dma_start3A_1297, %dma_start3A_1299] : memref<128x128xf32, #tpu.memory_space<vmem>> -> memref<1x128xf32, #tpu.memory_space<vmem>>
    %dma_start3A_1301 = tpu.memref_squeeze %dma_start3A_1300 : memref<1x128xf32, #tpu.memory_space<vmem>> -> memref<128xf32, #tpu.memory_space<vmem>>
    tpu.enqueue_dma source(%dma_start3A_1301 : memref<128xf32, #tpu.memory_space<vmem>>) target(%dma_start3A_1298 : memref<128xf32, #tpu.memory_space<any>>) target_semaphore(%arg7 : memref<!tpu.dma_semaphore, #tpu.memory_space<semaphore_mem>>)
    %get3A_1302 = arith.constant 38 : index
    %get3A_1303 = memref.load %arg0[%get3A_1302] : memref<128xi32, #tpu.memory_space<smem>>
    %jit3A_1304 = arith.constant 128 : i32
    %div3A_1305 = arith.divsi %get3A_1303, %jit3A_1304 : i32
    %sign3A_1306 = arith.constant 0 : i32
    %sign3A_1307 = arith.cmpi sgt, %get3A_1303, %sign3A_1306 : i32
    %sign3A_1308 = arith.extui %sign3A_1307 : i1 to i32
    %sign3A_1309 = arith.constant 0 : i32
    %sign3A_1310 = arith.cmpi slt, %get3A_1303, %sign3A_1309 : i32
    %sign3A_1311 = arith.extui %sign3A_1310 : i1 to i32
    %sign3A_1312 = arith.subi %sign3A_1308, %sign3A_1311 : i32
    %sign3A_1313 = arith.constant 0 : i32
    %sign3A_1314 = arith.cmpi sgt, %jit3A_1304, %sign3A_1313 : i32
    %sign3A_1315 = arith.extui %sign3A_1314 : i1 to i32
    %sign3A_1316 = arith.constant 0 : i32
    %sign3A_1317 = arith.cmpi slt, %jit3A_1304, %sign3A_1316 : i32
    %sign3A_1318 = arith.extui %sign3A_1317 : i1 to i32
    %sign3A_1319 = arith.subi %sign3A_1315, %sign3A_1318 : i32
    %ne3A_1320 = arith.cmpi ne, %sign3A_1312, %sign3A_1319 : i32
    %rem3A_1321 = arith.remsi %get3A_1303, %jit3A_1304 : i32
    %ne3A_1322 = arith.constant 0 : i32
    %ne3A_1323 = arith.cmpi ne, %rem3A_1321, %ne3A_1322 : i32
    %and3A_1324 = arith.andi %ne3A_1320, %ne3A_1323 : i1
    %sub3A_1325 = arith.constant 1 : i32
    %sub3A_1326 = arith.subi %div3A_1305, %sub3A_1325 : i32
    %select_n3A_1327 = arith.select %and3A_1324, %sub3A_1326, %div3A_1305 : i32
    %mul3A_1328 = arith.constant 128 : i32
    %mul3A_1329 = arith.muli %select_n3A_1327, %mul3A_1328 : i32
    %dma_start3A_1330 = arith.constant 38 : i32
    %dma_start3A_1331 = tpu.memref_slice %arg5[%mul3A_1329] : memref<12800000xf32, #tpu.memory_space<any>> -> memref<128xf32, #tpu.memory_space<any>>
    %dma_start3A_1332 = arith.constant 0 : i32
    %dma_start3A_1333 = tpu.memref_slice %arg6[%dma_start3A_1330, %dma_start3A_1332] : memref<128x128xf32, #tpu.memory_space<vmem>> -> memref<1x128xf32, #tpu.memory_space<vmem>>
    %dma_start3A_1334 = tpu.memref_squeeze %dma_start3A_1333 : memref<1x128xf32, #tpu.memory_space<vmem>> -> memref<128xf32, #tpu.memory_space<vmem>>
    tpu.enqueue_dma source(%dma_start3A_1334 : memref<128xf32, #tpu.memory_space<vmem>>) target(%dma_start3A_1331 : memref<128xf32, #tpu.memory_space<any>>) target_semaphore(%arg7 : memref<!tpu.dma_semaphore, #tpu.memory_space<semaphore_mem>>)
    %get3A_1335 = arith.constant 39 : index
    %get3A_1336 = memref.load %arg0[%get3A_1335] : memref<128xi32, #tpu.memory_space<smem>>
    %jit3A_1337 = arith.constant 128 : i32
    %div3A_1338 = arith.divsi %get3A_1336, %jit3A_1337 : i32
    %sign3A_1339 = arith.constant 0 : i32
    %sign3A_1340 = arith.cmpi sgt, %get3A_1336, %sign3A_1339 : i32
    %sign3A_1341 = arith.extui %sign3A_1340 : i1 to i32
    %sign3A_1342 = arith.constant 0 : i32
    %sign3A_1343 = arith.cmpi slt, %get3A_1336, %sign3A_1342 : i32
    %sign3A_1344 = arith.extui %sign3A_1343 : i1 to i32
    %sign3A_1345 = arith.subi %sign3A_1341, %sign3A_1344 : i32
    %sign3A_1346 = arith.constant 0 : i32
    %sign3A_1347 = arith.cmpi sgt, %jit3A_1337, %sign3A_1346 : i32
    %sign3A_1348 = arith.extui %sign3A_1347 : i1 to i32
    %sign3A_1349 = arith.constant 0 : i32
    %sign3A_1350 = arith.cmpi slt, %jit3A_1337, %sign3A_1349 : i32
    %sign3A_1351 = arith.extui %sign3A_1350 : i1 to i32
    %sign3A_1352 = arith.subi %sign3A_1348, %sign3A_1351 : i32
    %ne3A_1353 = arith.cmpi ne, %sign3A_1345, %sign3A_1352 : i32
    %rem3A_1354 = arith.remsi %get3A_1336, %jit3A_1337 : i32
    %ne3A_1355 = arith.constant 0 : i32
    %ne3A_1356 = arith.cmpi ne, %rem3A_1354, %ne3A_1355 : i32
    %and3A_1357 = arith.andi %ne3A_1353, %ne3A_1356 : i1
    %sub3A_1358 = arith.constant 1 : i32
    %sub3A_1359 = arith.subi %div3A_1338, %sub3A_1358 : i32
    %select_n3A_1360 = arith.select %and3A_1357, %sub3A_1359, %div3A_1338 : i32
    %mul3A_1361 = arith.constant 128 : i32
    %mul3A_1362 = arith.muli %select_n3A_1360, %mul3A_1361 : i32
    %dma_start3A_1363 = arith.constant 39 : i32
    %dma_start3A_1364 = tpu.memref_slice %arg5[%mul3A_1362] : memref<12800000xf32, #tpu.memory_space<any>> -> memref<128xf32, #tpu.memory_space<any>>
    %dma_start3A_1365 = arith.constant 0 : i32
    %dma_start3A_1366 = tpu.memref_slice %arg6[%dma_start3A_1363, %dma_start3A_1365] : memref<128x128xf32, #tpu.memory_space<vmem>> -> memref<1x128xf32, #tpu.memory_space<vmem>>
    %dma_start3A_1367 = tpu.memref_squeeze %dma_start3A_1366 : memref<1x128xf32, #tpu.memory_space<vmem>> -> memref<128xf32, #tpu.memory_space<vmem>>
    tpu.enqueue_dma source(%dma_start3A_1367 : memref<128xf32, #tpu.memory_space<vmem>>) target(%dma_start3A_1364 : memref<128xf32, #tpu.memory_space<any>>) target_semaphore(%arg7 : memref<!tpu.dma_semaphore, #tpu.memory_space<semaphore_mem>>)
    %get3A_1368 = arith.constant 40 : index
    %get3A_1369 = memref.load %arg0[%get3A_1368] : memref<128xi32, #tpu.memory_space<smem>>
    %jit3A_1370 = arith.constant 128 : i32
    %div3A_1371 = arith.divsi %get3A_1369, %jit3A_1370 : i32
    %sign3A_1372 = arith.constant 0 : i32
    %sign3A_1373 = arith.cmpi sgt, %get3A_1369, %sign3A_1372 : i32
    %sign3A_1374 = arith.extui %sign3A_1373 : i1 to i32
    %sign3A_1375 = arith.constant 0 : i32
    %sign3A_1376 = arith.cmpi slt, %get3A_1369, %sign3A_1375 : i32
    %sign3A_1377 = arith.extui %sign3A_1376 : i1 to i32
    %sign3A_1378 = arith.subi %sign3A_1374, %sign3A_1377 : i32
    %sign3A_1379 = arith.constant 0 : i32
    %sign3A_1380 = arith.cmpi sgt, %jit3A_1370, %sign3A_1379 : i32
    %sign3A_1381 = arith.extui %sign3A_1380 : i1 to i32
    %sign3A_1382 = arith.constant 0 : i32
    %sign3A_1383 = arith.cmpi slt, %jit3A_1370, %sign3A_1382 : i32
    %sign3A_1384 = arith.extui %sign3A_1383 : i1 to i32
    %sign3A_1385 = arith.subi %sign3A_1381, %sign3A_1384 : i32
    %ne3A_1386 = arith.cmpi ne, %sign3A_1378, %sign3A_1385 : i32
    %rem3A_1387 = arith.remsi %get3A_1369, %jit3A_1370 : i32
    %ne3A_1388 = arith.constant 0 : i32
    %ne3A_1389 = arith.cmpi ne, %rem3A_1387, %ne3A_1388 : i32
    %and3A_1390 = arith.andi %ne3A_1386, %ne3A_1389 : i1
    %sub3A_1391 = arith.constant 1 : i32
    %sub3A_1392 = arith.subi %div3A_1371, %sub3A_1391 : i32
    %select_n3A_1393 = arith.select %and3A_1390, %sub3A_1392, %div3A_1371 : i32
    %mul3A_1394 = arith.constant 128 : i32
    %mul3A_1395 = arith.muli %select_n3A_1393, %mul3A_1394 : i32
    %dma_start3A_1396 = arith.constant 40 : i32
    %dma_start3A_1397 = tpu.memref_slice %arg5[%mul3A_1395] : memref<12800000xf32, #tpu.memory_space<any>> -> memref<128xf32, #tpu.memory_space<any>>
    %dma_start3A_1398 = arith.constant 0 : i32
    %dma_start3A_1399 = tpu.memref_slice %arg6[%dma_start3A_1396, %dma_start3A_1398] : memref<128x128xf32, #tpu.memory_space<vmem>> -> memref<1x128xf32, #tpu.memory_space<vmem>>
    %dma_start3A_1400 = tpu.memref_squeeze %dma_start3A_1399 : memref<1x128xf32, #tpu.memory_space<vmem>> -> memref<128xf32, #tpu.memory_space<vmem>>
    tpu.enqueue_dma source(%dma_start3A_1400 : memref<128xf32, #tpu.memory_space<vmem>>) target(%dma_start3A_1397 : memref<128xf32, #tpu.memory_space<any>>) target_semaphore(%arg7 : memref<!tpu.dma_semaphore, #tpu.memory_space<semaphore_mem>>)
    %get3A_1401 = arith.constant 41 : index
    %get3A_1402 = memref.load %arg0[%get3A_1401] : memref<128xi32, #tpu.memory_space<smem>>
    %jit3A_1403 = arith.constant 128 : i32
    %div3A_1404 = arith.divsi %get3A_1402, %jit3A_1403 : i32
    %sign3A_1405 = arith.constant 0 : i32
    %sign3A_1406 = arith.cmpi sgt, %get3A_1402, %sign3A_1405 : i32
    %sign3A_1407 = arith.extui %sign3A_1406 : i1 to i32
    %sign3A_1408 = arith.constant 0 : i32
    %sign3A_1409 = arith.cmpi slt, %get3A_1402, %sign3A_1408 : i32
    %sign3A_1410 = arith.extui %sign3A_1409 : i1 to i32
    %sign3A_1411 = arith.subi %sign3A_1407, %sign3A_1410 : i32
    %sign3A_1412 = arith.constant 0 : i32
    %sign3A_1413 = arith.cmpi sgt, %jit3A_1403, %sign3A_1412 : i32
    %sign3A_1414 = arith.extui %sign3A_1413 : i1 to i32
    %sign3A_1415 = arith.constant 0 : i32
    %sign3A_1416 = arith.cmpi slt, %jit3A_1403, %sign3A_1415 : i32
    %sign3A_1417 = arith.extui %sign3A_1416 : i1 to i32
    %sign3A_1418 = arith.subi %sign3A_1414, %sign3A_1417 : i32
    %ne3A_1419 = arith.cmpi ne, %sign3A_1411, %sign3A_1418 : i32
    %rem3A_1420 = arith.remsi %get3A_1402, %jit3A_1403 : i32
    %ne3A_1421 = arith.constant 0 : i32
    %ne3A_1422 = arith.cmpi ne, %rem3A_1420, %ne3A_1421 : i32
    %and3A_1423 = arith.andi %ne3A_1419, %ne3A_1422 : i1
    %sub3A_1424 = arith.constant 1 : i32
    %sub3A_1425 = arith.subi %div3A_1404, %sub3A_1424 : i32
    %select_n3A_1426 = arith.select %and3A_1423, %sub3A_1425, %div3A_1404 : i32
    %mul3A_1427 = arith.constant 128 : i32
    %mul3A_1428 = arith.muli %select_n3A_1426, %mul3A_1427 : i32
    %dma_start3A_1429 = arith.constant 41 : i32
    %dma_start3A_1430 = tpu.memref_slice %arg5[%mul3A_1428] : memref<12800000xf32, #tpu.memory_space<any>> -> memref<128xf32, #tpu.memory_space<any>>
    %dma_start3A_1431 = arith.constant 0 : i32
    %dma_start3A_1432 = tpu.memref_slice %arg6[%dma_start3A_1429, %dma_start3A_1431] : memref<128x128xf32, #tpu.memory_space<vmem>> -> memref<1x128xf32, #tpu.memory_space<vmem>>
    %dma_start3A_1433 = tpu.memref_squeeze %dma_start3A_1432 : memref<1x128xf32, #tpu.memory_space<vmem>> -> memref<128xf32, #tpu.memory_space<vmem>>
    tpu.enqueue_dma source(%dma_start3A_1433 : memref<128xf32, #tpu.memory_space<vmem>>) target(%dma_start3A_1430 : memref<128xf32, #tpu.memory_space<any>>) target_semaphore(%arg7 : memref<!tpu.dma_semaphore, #tpu.memory_space<semaphore_mem>>)
    %get3A_1434 = arith.constant 42 : index
    %get3A_1435 = memref.load %arg0[%get3A_1434] : memref<128xi32, #tpu.memory_space<smem>>
    %jit3A_1436 = arith.constant 128 : i32
    %div3A_1437 = arith.divsi %get3A_1435, %jit3A_1436 : i32
    %sign3A_1438 = arith.constant 0 : i32
    %sign3A_1439 = arith.cmpi sgt, %get3A_1435, %sign3A_1438 : i32
    %sign3A_1440 = arith.extui %sign3A_1439 : i1 to i32
    %sign3A_1441 = arith.constant 0 : i32
    %sign3A_1442 = arith.cmpi slt, %get3A_1435, %sign3A_1441 : i32
    %sign3A_1443 = arith.extui %sign3A_1442 : i1 to i32
    %sign3A_1444 = arith.subi %sign3A_1440, %sign3A_1443 : i32
    %sign3A_1445 = arith.constant 0 : i32
    %sign3A_1446 = arith.cmpi sgt, %jit3A_1436, %sign3A_1445 : i32
    %sign3A_1447 = arith.extui %sign3A_1446 : i1 to i32
    %sign3A_1448 = arith.constant 0 : i32
    %sign3A_1449 = arith.cmpi slt, %jit3A_1436, %sign3A_1448 : i32
    %sign3A_1450 = arith.extui %sign3A_1449 : i1 to i32
    %sign3A_1451 = arith.subi %sign3A_1447, %sign3A_1450 : i32
    %ne3A_1452 = arith.cmpi ne, %sign3A_1444, %sign3A_1451 : i32
    %rem3A_1453 = arith.remsi %get3A_1435, %jit3A_1436 : i32
    %ne3A_1454 = arith.constant 0 : i32
    %ne3A_1455 = arith.cmpi ne, %rem3A_1453, %ne3A_1454 : i32
    %and3A_1456 = arith.andi %ne3A_1452, %ne3A_1455 : i1
    %sub3A_1457 = arith.constant 1 : i32
    %sub3A_1458 = arith.subi %div3A_1437, %sub3A_1457 : i32
    %select_n3A_1459 = arith.select %and3A_1456, %sub3A_1458, %div3A_1437 : i32
    %mul3A_1460 = arith.constant 128 : i32
    %mul3A_1461 = arith.muli %select_n3A_1459, %mul3A_1460 : i32
    %dma_start3A_1462 = arith.constant 42 : i32
    %dma_start3A_1463 = tpu.memref_slice %arg5[%mul3A_1461] : memref<12800000xf32, #tpu.memory_space<any>> -> memref<128xf32, #tpu.memory_space<any>>
    %dma_start3A_1464 = arith.constant 0 : i32
    %dma_start3A_1465 = tpu.memref_slice %arg6[%dma_start3A_1462, %dma_start3A_1464] : memref<128x128xf32, #tpu.memory_space<vmem>> -> memref<1x128xf32, #tpu.memory_space<vmem>>
    %dma_start3A_1466 = tpu.memref_squeeze %dma_start3A_1465 : memref<1x128xf32, #tpu.memory_space<vmem>> -> memref<128xf32, #tpu.memory_space<vmem>>
    tpu.enqueue_dma source(%dma_start3A_1466 : memref<128xf32, #tpu.memory_space<vmem>>) target(%dma_start3A_1463 : memref<128xf32, #tpu.memory_space<any>>) target_semaphore(%arg7 : memref<!tpu.dma_semaphore, #tpu.memory_space<semaphore_mem>>)
    %get3A_1467 = arith.constant 43 : index
    %get3A_1468 = memref.load %arg0[%get3A_1467] : memref<128xi32, #tpu.memory_space<smem>>
    %jit3A_1469 = arith.constant 128 : i32
    %div3A_1470 = arith.divsi %get3A_1468, %jit3A_1469 : i32
    %sign3A_1471 = arith.constant 0 : i32
    %sign3A_1472 = arith.cmpi sgt, %get3A_1468, %sign3A_1471 : i32
    %sign3A_1473 = arith.extui %sign3A_1472 : i1 to i32
    %sign3A_1474 = arith.constant 0 : i32
    %sign3A_1475 = arith.cmpi slt, %get3A_1468, %sign3A_1474 : i32
    %sign3A_1476 = arith.extui %sign3A_1475 : i1 to i32
    %sign3A_1477 = arith.subi %sign3A_1473, %sign3A_1476 : i32
    %sign3A_1478 = arith.constant 0 : i32
    %sign3A_1479 = arith.cmpi sgt, %jit3A_1469, %sign3A_1478 : i32
    %sign3A_1480 = arith.extui %sign3A_1479 : i1 to i32
    %sign3A_1481 = arith.constant 0 : i32
    %sign3A_1482 = arith.cmpi slt, %jit3A_1469, %sign3A_1481 : i32
    %sign3A_1483 = arith.extui %sign3A_1482 : i1 to i32
    %sign3A_1484 = arith.subi %sign3A_1480, %sign3A_1483 : i32
    %ne3A_1485 = arith.cmpi ne, %sign3A_1477, %sign3A_1484 : i32
    %rem3A_1486 = arith.remsi %get3A_1468, %jit3A_1469 : i32
    %ne3A_1487 = arith.constant 0 : i32
    %ne3A_1488 = arith.cmpi ne, %rem3A_1486, %ne3A_1487 : i32
    %and3A_1489 = arith.andi %ne3A_1485, %ne3A_1488 : i1
    %sub3A_1490 = arith.constant 1 : i32
    %sub3A_1491 = arith.subi %div3A_1470, %sub3A_1490 : i32
    %select_n3A_1492 = arith.select %and3A_1489, %sub3A_1491, %div3A_1470 : i32
    %mul3A_1493 = arith.constant 128 : i32
    %mul3A_1494 = arith.muli %select_n3A_1492, %mul3A_1493 : i32
    %dma_start3A_1495 = arith.constant 43 : i32
    %dma_start3A_1496 = tpu.memref_slice %arg5[%mul3A_1494] : memref<12800000xf32, #tpu.memory_space<any>> -> memref<128xf32, #tpu.memory_space<any>>
    %dma_start3A_1497 = arith.constant 0 : i32
    %dma_start3A_1498 = tpu.memref_slice %arg6[%dma_start3A_1495, %dma_start3A_1497] : memref<128x128xf32, #tpu.memory_space<vmem>> -> memref<1x128xf32, #tpu.memory_space<vmem>>
    %dma_start3A_1499 = tpu.memref_squeeze %dma_start3A_1498 : memref<1x128xf32, #tpu.memory_space<vmem>> -> memref<128xf32, #tpu.memory_space<vmem>>
    tpu.enqueue_dma source(%dma_start3A_1499 : memref<128xf32, #tpu.memory_space<vmem>>) target(%dma_start3A_1496 : memref<128xf32, #tpu.memory_space<any>>) target_semaphore(%arg7 : memref<!tpu.dma_semaphore, #tpu.memory_space<semaphore_mem>>)
    %get3A_1500 = arith.constant 44 : index
    %get3A_1501 = memref.load %arg0[%get3A_1500] : memref<128xi32, #tpu.memory_space<smem>>
    %jit3A_1502 = arith.constant 128 : i32
    %div3A_1503 = arith.divsi %get3A_1501, %jit3A_1502 : i32
    %sign3A_1504 = arith.constant 0 : i32
    %sign3A_1505 = arith.cmpi sgt, %get3A_1501, %sign3A_1504 : i32
    %sign3A_1506 = arith.extui %sign3A_1505 : i1 to i32
    %sign3A_1507 = arith.constant 0 : i32
    %sign3A_1508 = arith.cmpi slt, %get3A_1501, %sign3A_1507 : i32
    %sign3A_1509 = arith.extui %sign3A_1508 : i1 to i32
    %sign3A_1510 = arith.subi %sign3A_1506, %sign3A_1509 : i32
    %sign3A_1511 = arith.constant 0 : i32
    %sign3A_1512 = arith.cmpi sgt, %jit3A_1502, %sign3A_1511 : i32
    %sign3A_1513 = arith.extui %sign3A_1512 : i1 to i32
    %sign3A_1514 = arith.constant 0 : i32
    %sign3A_1515 = arith.cmpi slt, %jit3A_1502, %sign3A_1514 : i32
    %sign3A_1516 = arith.extui %sign3A_1515 : i1 to i32
    %sign3A_1517 = arith.subi %sign3A_1513, %sign3A_1516 : i32
    %ne3A_1518 = arith.cmpi ne, %sign3A_1510, %sign3A_1517 : i32
    %rem3A_1519 = arith.remsi %get3A_1501, %jit3A_1502 : i32
    %ne3A_1520 = arith.constant 0 : i32
    %ne3A_1521 = arith.cmpi ne, %rem3A_1519, %ne3A_1520 : i32
    %and3A_1522 = arith.andi %ne3A_1518, %ne3A_1521 : i1
    %sub3A_1523 = arith.constant 1 : i32
    %sub3A_1524 = arith.subi %div3A_1503, %sub3A_1523 : i32
    %select_n3A_1525 = arith.select %and3A_1522, %sub3A_1524, %div3A_1503 : i32
    %mul3A_1526 = arith.constant 128 : i32
    %mul3A_1527 = arith.muli %select_n3A_1525, %mul3A_1526 : i32
    %dma_start3A_1528 = arith.constant 44 : i32
    %dma_start3A_1529 = tpu.memref_slice %arg5[%mul3A_1527] : memref<12800000xf32, #tpu.memory_space<any>> -> memref<128xf32, #tpu.memory_space<any>>
    %dma_start3A_1530 = arith.constant 0 : i32
    %dma_start3A_1531 = tpu.memref_slice %arg6[%dma_start3A_1528, %dma_start3A_1530] : memref<128x128xf32, #tpu.memory_space<vmem>> -> memref<1x128xf32, #tpu.memory_space<vmem>>
    %dma_start3A_1532 = tpu.memref_squeeze %dma_start3A_1531 : memref<1x128xf32, #tpu.memory_space<vmem>> -> memref<128xf32, #tpu.memory_space<vmem>>
    tpu.enqueue_dma source(%dma_start3A_1532 : memref<128xf32, #tpu.memory_space<vmem>>) target(%dma_start3A_1529 : memref<128xf32, #tpu.memory_space<any>>) target_semaphore(%arg7 : memref<!tpu.dma_semaphore, #tpu.memory_space<semaphore_mem>>)
    %get3A_1533 = arith.constant 45 : index
    %get3A_1534 = memref.load %arg0[%get3A_1533] : memref<128xi32, #tpu.memory_space<smem>>
    %jit3A_1535 = arith.constant 128 : i32
    %div3A_1536 = arith.divsi %get3A_1534, %jit3A_1535 : i32
    %sign3A_1537 = arith.constant 0 : i32
    %sign3A_1538 = arith.cmpi sgt, %get3A_1534, %sign3A_1537 : i32
    %sign3A_1539 = arith.extui %sign3A_1538 : i1 to i32
    %sign3A_1540 = arith.constant 0 : i32
    %sign3A_1541 = arith.cmpi slt, %get3A_1534, %sign3A_1540 : i32
    %sign3A_1542 = arith.extui %sign3A_1541 : i1 to i32
    %sign3A_1543 = arith.subi %sign3A_1539, %sign3A_1542 : i32
    %sign3A_1544 = arith.constant 0 : i32
    %sign3A_1545 = arith.cmpi sgt, %jit3A_1535, %sign3A_1544 : i32
    %sign3A_1546 = arith.extui %sign3A_1545 : i1 to i32
    %sign3A_1547 = arith.constant 0 : i32
    %sign3A_1548 = arith.cmpi slt, %jit3A_1535, %sign3A_1547 : i32
    %sign3A_1549 = arith.extui %sign3A_1548 : i1 to i32
    %sign3A_1550 = arith.subi %sign3A_1546, %sign3A_1549 : i32
    %ne3A_1551 = arith.cmpi ne, %sign3A_1543, %sign3A_1550 : i32
    %rem3A_1552 = arith.remsi %get3A_1534, %jit3A_1535 : i32
    %ne3A_1553 = arith.constant 0 : i32
    %ne3A_1554 = arith.cmpi ne, %rem3A_1552, %ne3A_1553 : i32
    %and3A_1555 = arith.andi %ne3A_1551, %ne3A_1554 : i1
    %sub3A_1556 = arith.constant 1 : i32
    %sub3A_1557 = arith.subi %div3A_1536, %sub3A_1556 : i32
    %select_n3A_1558 = arith.select %and3A_1555, %sub3A_1557, %div3A_1536 : i32
    %mul3A_1559 = arith.constant 128 : i32
    %mul3A_1560 = arith.muli %select_n3A_1558, %mul3A_1559 : i32
    %dma_start3A_1561 = arith.constant 45 : i32
    %dma_start3A_1562 = tpu.memref_slice %arg5[%mul3A_1560] : memref<12800000xf32, #tpu.memory_space<any>> -> memref<128xf32, #tpu.memory_space<any>>
    %dma_start3A_1563 = arith.constant 0 : i32
    %dma_start3A_1564 = tpu.memref_slice %arg6[%dma_start3A_1561, %dma_start3A_1563] : memref<128x128xf32, #tpu.memory_space<vmem>> -> memref<1x128xf32, #tpu.memory_space<vmem>>
    %dma_start3A_1565 = tpu.memref_squeeze %dma_start3A_1564 : memref<1x128xf32, #tpu.memory_space<vmem>> -> memref<128xf32, #tpu.memory_space<vmem>>
    tpu.enqueue_dma source(%dma_start3A_1565 : memref<128xf32, #tpu.memory_space<vmem>>) target(%dma_start3A_1562 : memref<128xf32, #tpu.memory_space<any>>) target_semaphore(%arg7 : memref<!tpu.dma_semaphore, #tpu.memory_space<semaphore_mem>>)
    %get3A_1566 = arith.constant 46 : index
    %get3A_1567 = memref.load %arg0[%get3A_1566] : memref<128xi32, #tpu.memory_space<smem>>
    %jit3A_1568 = arith.constant 128 : i32
    %div3A_1569 = arith.divsi %get3A_1567, %jit3A_1568 : i32
    %sign3A_1570 = arith.constant 0 : i32
    %sign3A_1571 = arith.cmpi sgt, %get3A_1567, %sign3A_1570 : i32
    %sign3A_1572 = arith.extui %sign3A_1571 : i1 to i32
    %sign3A_1573 = arith.constant 0 : i32
    %sign3A_1574 = arith.cmpi slt, %get3A_1567, %sign3A_1573 : i32
    %sign3A_1575 = arith.extui %sign3A_1574 : i1 to i32
    %sign3A_1576 = arith.subi %sign3A_1572, %sign3A_1575 : i32
    %sign3A_1577 = arith.constant 0 : i32
    %sign3A_1578 = arith.cmpi sgt, %jit3A_1568, %sign3A_1577 : i32
    %sign3A_1579 = arith.extui %sign3A_1578 : i1 to i32
    %sign3A_1580 = arith.constant 0 : i32
    %sign3A_1581 = arith.cmpi slt, %jit3A_1568, %sign3A_1580 : i32
    %sign3A_1582 = arith.extui %sign3A_1581 : i1 to i32
    %sign3A_1583 = arith.subi %sign3A_1579, %sign3A_1582 : i32
    %ne3A_1584 = arith.cmpi ne, %sign3A_1576, %sign3A_1583 : i32
    %rem3A_1585 = arith.remsi %get3A_1567, %jit3A_1568 : i32
    %ne3A_1586 = arith.constant 0 : i32
    %ne3A_1587 = arith.cmpi ne, %rem3A_1585, %ne3A_1586 : i32
    %and3A_1588 = arith.andi %ne3A_1584, %ne3A_1587 : i1
    %sub3A_1589 = arith.constant 1 : i32
    %sub3A_1590 = arith.subi %div3A_1569, %sub3A_1589 : i32
    %select_n3A_1591 = arith.select %and3A_1588, %sub3A_1590, %div3A_1569 : i32
    %mul3A_1592 = arith.constant 128 : i32
    %mul3A_1593 = arith.muli %select_n3A_1591, %mul3A_1592 : i32
    %dma_start3A_1594 = arith.constant 46 : i32
    %dma_start3A_1595 = tpu.memref_slice %arg5[%mul3A_1593] : memref<12800000xf32, #tpu.memory_space<any>> -> memref<128xf32, #tpu.memory_space<any>>
    %dma_start3A_1596 = arith.constant 0 : i32
    %dma_start3A_1597 = tpu.memref_slice %arg6[%dma_start3A_1594, %dma_start3A_1596] : memref<128x128xf32, #tpu.memory_space<vmem>> -> memref<1x128xf32, #tpu.memory_space<vmem>>
    %dma_start3A_1598 = tpu.memref_squeeze %dma_start3A_1597 : memref<1x128xf32, #tpu.memory_space<vmem>> -> memref<128xf32, #tpu.memory_space<vmem>>
    tpu.enqueue_dma source(%dma_start3A_1598 : memref<128xf32, #tpu.memory_space<vmem>>) target(%dma_start3A_1595 : memref<128xf32, #tpu.memory_space<any>>) target_semaphore(%arg7 : memref<!tpu.dma_semaphore, #tpu.memory_space<semaphore_mem>>)
    %get3A_1599 = arith.constant 47 : index
    %get3A_1600 = memref.load %arg0[%get3A_1599] : memref<128xi32, #tpu.memory_space<smem>>
    %jit3A_1601 = arith.constant 128 : i32
    %div3A_1602 = arith.divsi %get3A_1600, %jit3A_1601 : i32
    %sign3A_1603 = arith.constant 0 : i32
    %sign3A_1604 = arith.cmpi sgt, %get3A_1600, %sign3A_1603 : i32
    %sign3A_1605 = arith.extui %sign3A_1604 : i1 to i32
    %sign3A_1606 = arith.constant 0 : i32
    %sign3A_1607 = arith.cmpi slt, %get3A_1600, %sign3A_1606 : i32
    %sign3A_1608 = arith.extui %sign3A_1607 : i1 to i32
    %sign3A_1609 = arith.subi %sign3A_1605, %sign3A_1608 : i32
    %sign3A_1610 = arith.constant 0 : i32
    %sign3A_1611 = arith.cmpi sgt, %jit3A_1601, %sign3A_1610 : i32
    %sign3A_1612 = arith.extui %sign3A_1611 : i1 to i32
    %sign3A_1613 = arith.constant 0 : i32
    %sign3A_1614 = arith.cmpi slt, %jit3A_1601, %sign3A_1613 : i32
    %sign3A_1615 = arith.extui %sign3A_1614 : i1 to i32
    %sign3A_1616 = arith.subi %sign3A_1612, %sign3A_1615 : i32
    %ne3A_1617 = arith.cmpi ne, %sign3A_1609, %sign3A_1616 : i32
    %rem3A_1618 = arith.remsi %get3A_1600, %jit3A_1601 : i32
    %ne3A_1619 = arith.constant 0 : i32
    %ne3A_1620 = arith.cmpi ne, %rem3A_1618, %ne3A_1619 : i32
    %and3A_1621 = arith.andi %ne3A_1617, %ne3A_1620 : i1
    %sub3A_1622 = arith.constant 1 : i32
    %sub3A_1623 = arith.subi %div3A_1602, %sub3A_1622 : i32
    %select_n3A_1624 = arith.select %and3A_1621, %sub3A_1623, %div3A_1602 : i32
    %mul3A_1625 = arith.constant 128 : i32
    %mul3A_1626 = arith.muli %select_n3A_1624, %mul3A_1625 : i32
    %dma_start3A_1627 = arith.constant 47 : i32
    %dma_start3A_1628 = tpu.memref_slice %arg5[%mul3A_1626] : memref<12800000xf32, #tpu.memory_space<any>> -> memref<128xf32, #tpu.memory_space<any>>
    %dma_start3A_1629 = arith.constant 0 : i32
    %dma_start3A_1630 = tpu.memref_slice %arg6[%dma_start3A_1627, %dma_start3A_1629] : memref<128x128xf32, #tpu.memory_space<vmem>> -> memref<1x128xf32, #tpu.memory_space<vmem>>
    %dma_start3A_1631 = tpu.memref_squeeze %dma_start3A_1630 : memref<1x128xf32, #tpu.memory_space<vmem>> -> memref<128xf32, #tpu.memory_space<vmem>>
    tpu.enqueue_dma source(%dma_start3A_1631 : memref<128xf32, #tpu.memory_space<vmem>>) target(%dma_start3A_1628 : memref<128xf32, #tpu.memory_space<any>>) target_semaphore(%arg7 : memref<!tpu.dma_semaphore, #tpu.memory_space<semaphore_mem>>)
    %get3A_1632 = arith.constant 48 : index
    %get3A_1633 = memref.load %arg0[%get3A_1632] : memref<128xi32, #tpu.memory_space<smem>>
    %jit3A_1634 = arith.constant 128 : i32
    %div3A_1635 = arith.divsi %get3A_1633, %jit3A_1634 : i32
    %sign3A_1636 = arith.constant 0 : i32
    %sign3A_1637 = arith.cmpi sgt, %get3A_1633, %sign3A_1636 : i32
    %sign3A_1638 = arith.extui %sign3A_1637 : i1 to i32
    %sign3A_1639 = arith.constant 0 : i32
    %sign3A_1640 = arith.cmpi slt, %get3A_1633, %sign3A_1639 : i32
    %sign3A_1641 = arith.extui %sign3A_1640 : i1 to i32
    %sign3A_1642 = arith.subi %sign3A_1638, %sign3A_1641 : i32
    %sign3A_1643 = arith.constant 0 : i32
    %sign3A_1644 = arith.cmpi sgt, %jit3A_1634, %sign3A_1643 : i32
    %sign3A_1645 = arith.extui %sign3A_1644 : i1 to i32
    %sign3A_1646 = arith.constant 0 : i32
    %sign3A_1647 = arith.cmpi slt, %jit3A_1634, %sign3A_1646 : i32
    %sign3A_1648 = arith.extui %sign3A_1647 : i1 to i32
    %sign3A_1649 = arith.subi %sign3A_1645, %sign3A_1648 : i32
    %ne3A_1650 = arith.cmpi ne, %sign3A_1642, %sign3A_1649 : i32
    %rem3A_1651 = arith.remsi %get3A_1633, %jit3A_1634 : i32
    %ne3A_1652 = arith.constant 0 : i32
    %ne3A_1653 = arith.cmpi ne, %rem3A_1651, %ne3A_1652 : i32
    %and3A_1654 = arith.andi %ne3A_1650, %ne3A_1653 : i1
    %sub3A_1655 = arith.constant 1 : i32
    %sub3A_1656 = arith.subi %div3A_1635, %sub3A_1655 : i32
    %select_n3A_1657 = arith.select %and3A_1654, %sub3A_1656, %div3A_1635 : i32
    %mul3A_1658 = arith.constant 128 : i32
    %mul3A_1659 = arith.muli %select_n3A_1657, %mul3A_1658 : i32
    %dma_start3A_1660 = arith.constant 48 : i32
    %dma_start3A_1661 = tpu.memref_slice %arg5[%mul3A_1659] : memref<12800000xf32, #tpu.memory_space<any>> -> memref<128xf32, #tpu.memory_space<any>>
    %dma_start3A_1662 = arith.constant 0 : i32
    %dma_start3A_1663 = tpu.memref_slice %arg6[%dma_start3A_1660, %dma_start3A_1662] : memref<128x128xf32, #tpu.memory_space<vmem>> -> memref<1x128xf32, #tpu.memory_space<vmem>>
    %dma_start3A_1664 = tpu.memref_squeeze %dma_start3A_1663 : memref<1x128xf32, #tpu.memory_space<vmem>> -> memref<128xf32, #tpu.memory_space<vmem>>
    tpu.enqueue_dma source(%dma_start3A_1664 : memref<128xf32, #tpu.memory_space<vmem>>) target(%dma_start3A_1661 : memref<128xf32, #tpu.memory_space<any>>) target_semaphore(%arg7 : memref<!tpu.dma_semaphore, #tpu.memory_space<semaphore_mem>>)
    %get3A_1665 = arith.constant 49 : index
    %get3A_1666 = memref.load %arg0[%get3A_1665] : memref<128xi32, #tpu.memory_space<smem>>
    %jit3A_1667 = arith.constant 128 : i32
    %div3A_1668 = arith.divsi %get3A_1666, %jit3A_1667 : i32
    %sign3A_1669 = arith.constant 0 : i32
    %sign3A_1670 = arith.cmpi sgt, %get3A_1666, %sign3A_1669 : i32
    %sign3A_1671 = arith.extui %sign3A_1670 : i1 to i32
    %sign3A_1672 = arith.constant 0 : i32
    %sign3A_1673 = arith.cmpi slt, %get3A_1666, %sign3A_1672 : i32
    %sign3A_1674 = arith.extui %sign3A_1673 : i1 to i32
    %sign3A_1675 = arith.subi %sign3A_1671, %sign3A_1674 : i32
    %sign3A_1676 = arith.constant 0 : i32
    %sign3A_1677 = arith.cmpi sgt, %jit3A_1667, %sign3A_1676 : i32
    %sign3A_1678 = arith.extui %sign3A_1677 : i1 to i32
    %sign3A_1679 = arith.constant 0 : i32
    %sign3A_1680 = arith.cmpi slt, %jit3A_1667, %sign3A_1679 : i32
    %sign3A_1681 = arith.extui %sign3A_1680 : i1 to i32
    %sign3A_1682 = arith.subi %sign3A_1678, %sign3A_1681 : i32
    %ne3A_1683 = arith.cmpi ne, %sign3A_1675, %sign3A_1682 : i32
    %rem3A_1684 = arith.remsi %get3A_1666, %jit3A_1667 : i32
    %ne3A_1685 = arith.constant 0 : i32
    %ne3A_1686 = arith.cmpi ne, %rem3A_1684, %ne3A_1685 : i32
    %and3A_1687 = arith.andi %ne3A_1683, %ne3A_1686 : i1
    %sub3A_1688 = arith.constant 1 : i32
    %sub3A_1689 = arith.subi %div3A_1668, %sub3A_1688 : i32
    %select_n3A_1690 = arith.select %and3A_1687, %sub3A_1689, %div3A_1668 : i32
    %mul3A_1691 = arith.constant 128 : i32
    %mul3A_1692 = arith.muli %select_n3A_1690, %mul3A_1691 : i32
    %dma_start3A_1693 = arith.constant 49 : i32
    %dma_start3A_1694 = tpu.memref_slice %arg5[%mul3A_1692] : memref<12800000xf32, #tpu.memory_space<any>> -> memref<128xf32, #tpu.memory_space<any>>
    %dma_start3A_1695 = arith.constant 0 : i32
    %dma_start3A_1696 = tpu.memref_slice %arg6[%dma_start3A_1693, %dma_start3A_1695] : memref<128x128xf32, #tpu.memory_space<vmem>> -> memref<1x128xf32, #tpu.memory_space<vmem>>
    %dma_start3A_1697 = tpu.memref_squeeze %dma_start3A_1696 : memref<1x128xf32, #tpu.memory_space<vmem>> -> memref<128xf32, #tpu.memory_space<vmem>>
    tpu.enqueue_dma source(%dma_start3A_1697 : memref<128xf32, #tpu.memory_space<vmem>>) target(%dma_start3A_1694 : memref<128xf32, #tpu.memory_space<any>>) target_semaphore(%arg7 : memref<!tpu.dma_semaphore, #tpu.memory_space<semaphore_mem>>)
    %get3A_1698 = arith.constant 50 : index
    %get3A_1699 = memref.load %arg0[%get3A_1698] : memref<128xi32, #tpu.memory_space<smem>>
    %jit3A_1700 = arith.constant 128 : i32
    %div3A_1701 = arith.divsi %get3A_1699, %jit3A_1700 : i32
    %sign3A_1702 = arith.constant 0 : i32
    %sign3A_1703 = arith.cmpi sgt, %get3A_1699, %sign3A_1702 : i32
    %sign3A_1704 = arith.extui %sign3A_1703 : i1 to i32
    %sign3A_1705 = arith.constant 0 : i32
    %sign3A_1706 = arith.cmpi slt, %get3A_1699, %sign3A_1705 : i32
    %sign3A_1707 = arith.extui %sign3A_1706 : i1 to i32
    %sign3A_1708 = arith.subi %sign3A_1704, %sign3A_1707 : i32
    %sign3A_1709 = arith.constant 0 : i32
    %sign3A_1710 = arith.cmpi sgt, %jit3A_1700, %sign3A_1709 : i32
    %sign3A_1711 = arith.extui %sign3A_1710 : i1 to i32
    %sign3A_1712 = arith.constant 0 : i32
    %sign3A_1713 = arith.cmpi slt, %jit3A_1700, %sign3A_1712 : i32
    %sign3A_1714 = arith.extui %sign3A_1713 : i1 to i32
    %sign3A_1715 = arith.subi %sign3A_1711, %sign3A_1714 : i32
    %ne3A_1716 = arith.cmpi ne, %sign3A_1708, %sign3A_1715 : i32
    %rem3A_1717 = arith.remsi %get3A_1699, %jit3A_1700 : i32
    %ne3A_1718 = arith.constant 0 : i32
    %ne3A_1719 = arith.cmpi ne, %rem3A_1717, %ne3A_1718 : i32
    %and3A_1720 = arith.andi %ne3A_1716, %ne3A_1719 : i1
    %sub3A_1721 = arith.constant 1 : i32
    %sub3A_1722 = arith.subi %div3A_1701, %sub3A_1721 : i32
    %select_n3A_1723 = arith.select %and3A_1720, %sub3A_1722, %div3A_1701 : i32
    %mul3A_1724 = arith.constant 128 : i32
    %mul3A_1725 = arith.muli %select_n3A_1723, %mul3A_1724 : i32
    %dma_start3A_1726 = arith.constant 50 : i32
    %dma_start3A_1727 = tpu.memref_slice %arg5[%mul3A_1725] : memref<12800000xf32, #tpu.memory_space<any>> -> memref<128xf32, #tpu.memory_space<any>>
    %dma_start3A_1728 = arith.constant 0 : i32
    %dma_start3A_1729 = tpu.memref_slice %arg6[%dma_start3A_1726, %dma_start3A_1728] : memref<128x128xf32, #tpu.memory_space<vmem>> -> memref<1x128xf32, #tpu.memory_space<vmem>>
    %dma_start3A_1730 = tpu.memref_squeeze %dma_start3A_1729 : memref<1x128xf32, #tpu.memory_space<vmem>> -> memref<128xf32, #tpu.memory_space<vmem>>
    tpu.enqueue_dma source(%dma_start3A_1730 : memref<128xf32, #tpu.memory_space<vmem>>) target(%dma_start3A_1727 : memref<128xf32, #tpu.memory_space<any>>) target_semaphore(%arg7 : memref<!tpu.dma_semaphore, #tpu.memory_space<semaphore_mem>>)
    %get3A_1731 = arith.constant 51 : index
    %get3A_1732 = memref.load %arg0[%get3A_1731] : memref<128xi32, #tpu.memory_space<smem>>
    %jit3A_1733 = arith.constant 128 : i32
    %div3A_1734 = arith.divsi %get3A_1732, %jit3A_1733 : i32
    %sign3A_1735 = arith.constant 0 : i32
    %sign3A_1736 = arith.cmpi sgt, %get3A_1732, %sign3A_1735 : i32
    %sign3A_1737 = arith.extui %sign3A_1736 : i1 to i32
    %sign3A_1738 = arith.constant 0 : i32
    %sign3A_1739 = arith.cmpi slt, %get3A_1732, %sign3A_1738 : i32
    %sign3A_1740 = arith.extui %sign3A_1739 : i1 to i32
    %sign3A_1741 = arith.subi %sign3A_1737, %sign3A_1740 : i32
    %sign3A_1742 = arith.constant 0 : i32
    %sign3A_1743 = arith.cmpi sgt, %jit3A_1733, %sign3A_1742 : i32
    %sign3A_1744 = arith.extui %sign3A_1743 : i1 to i32
    %sign3A_1745 = arith.constant 0 : i32
    %sign3A_1746 = arith.cmpi slt, %jit3A_1733, %sign3A_1745 : i32
    %sign3A_1747 = arith.extui %sign3A_1746 : i1 to i32
    %sign3A_1748 = arith.subi %sign3A_1744, %sign3A_1747 : i32
    %ne3A_1749 = arith.cmpi ne, %sign3A_1741, %sign3A_1748 : i32
    %rem3A_1750 = arith.remsi %get3A_1732, %jit3A_1733 : i32
    %ne3A_1751 = arith.constant 0 : i32
    %ne3A_1752 = arith.cmpi ne, %rem3A_1750, %ne3A_1751 : i32
    %and3A_1753 = arith.andi %ne3A_1749, %ne3A_1752 : i1
    %sub3A_1754 = arith.constant 1 : i32
    %sub3A_1755 = arith.subi %div3A_1734, %sub3A_1754 : i32
    %select_n3A_1756 = arith.select %and3A_1753, %sub3A_1755, %div3A_1734 : i32
    %mul3A_1757 = arith.constant 128 : i32
    %mul3A_1758 = arith.muli %select_n3A_1756, %mul3A_1757 : i32
    %dma_start3A_1759 = arith.constant 51 : i32
    %dma_start3A_1760 = tpu.memref_slice %arg5[%mul3A_1758] : memref<12800000xf32, #tpu.memory_space<any>> -> memref<128xf32, #tpu.memory_space<any>>
    %dma_start3A_1761 = arith.constant 0 : i32
    %dma_start3A_1762 = tpu.memref_slice %arg6[%dma_start3A_1759, %dma_start3A_1761] : memref<128x128xf32, #tpu.memory_space<vmem>> -> memref<1x128xf32, #tpu.memory_space<vmem>>
    %dma_start3A_1763 = tpu.memref_squeeze %dma_start3A_1762 : memref<1x128xf32, #tpu.memory_space<vmem>> -> memref<128xf32, #tpu.memory_space<vmem>>
    tpu.enqueue_dma source(%dma_start3A_1763 : memref<128xf32, #tpu.memory_space<vmem>>) target(%dma_start3A_1760 : memref<128xf32, #tpu.memory_space<any>>) target_semaphore(%arg7 : memref<!tpu.dma_semaphore, #tpu.memory_space<semaphore_mem>>)
    %get3A_1764 = arith.constant 52 : index
    %get3A_1765 = memref.load %arg0[%get3A_1764] : memref<128xi32, #tpu.memory_space<smem>>
    %jit3A_1766 = arith.constant 128 : i32
    %div3A_1767 = arith.divsi %get3A_1765, %jit3A_1766 : i32
    %sign3A_1768 = arith.constant 0 : i32
    %sign3A_1769 = arith.cmpi sgt, %get3A_1765, %sign3A_1768 : i32
    %sign3A_1770 = arith.extui %sign3A_1769 : i1 to i32
    %sign3A_1771 = arith.constant 0 : i32
    %sign3A_1772 = arith.cmpi slt, %get3A_1765, %sign3A_1771 : i32
    %sign3A_1773 = arith.extui %sign3A_1772 : i1 to i32
    %sign3A_1774 = arith.subi %sign3A_1770, %sign3A_1773 : i32
    %sign3A_1775 = arith.constant 0 : i32
    %sign3A_1776 = arith.cmpi sgt, %jit3A_1766, %sign3A_1775 : i32
    %sign3A_1777 = arith.extui %sign3A_1776 : i1 to i32
    %sign3A_1778 = arith.constant 0 : i32
    %sign3A_1779 = arith.cmpi slt, %jit3A_1766, %sign3A_1778 : i32
    %sign3A_1780 = arith.extui %sign3A_1779 : i1 to i32
    %sign3A_1781 = arith.subi %sign3A_1777, %sign3A_1780 : i32
    %ne3A_1782 = arith.cmpi ne, %sign3A_1774, %sign3A_1781 : i32
    %rem3A_1783 = arith.remsi %get3A_1765, %jit3A_1766 : i32
    %ne3A_1784 = arith.constant 0 : i32
    %ne3A_1785 = arith.cmpi ne, %rem3A_1783, %ne3A_1784 : i32
    %and3A_1786 = arith.andi %ne3A_1782, %ne3A_1785 : i1
    %sub3A_1787 = arith.constant 1 : i32
    %sub3A_1788 = arith.subi %div3A_1767, %sub3A_1787 : i32
    %select_n3A_1789 = arith.select %and3A_1786, %sub3A_1788, %div3A_1767 : i32
    %mul3A_1790 = arith.constant 128 : i32
    %mul3A_1791 = arith.muli %select_n3A_1789, %mul3A_1790 : i32
    %dma_start3A_1792 = arith.constant 52 : i32
    %dma_start3A_1793 = tpu.memref_slice %arg5[%mul3A_1791] : memref<12800000xf32, #tpu.memory_space<any>> -> memref<128xf32, #tpu.memory_space<any>>
    %dma_start3A_1794 = arith.constant 0 : i32
    %dma_start3A_1795 = tpu.memref_slice %arg6[%dma_start3A_1792, %dma_start3A_1794] : memref<128x128xf32, #tpu.memory_space<vmem>> -> memref<1x128xf32, #tpu.memory_space<vmem>>
    %dma_start3A_1796 = tpu.memref_squeeze %dma_start3A_1795 : memref<1x128xf32, #tpu.memory_space<vmem>> -> memref<128xf32, #tpu.memory_space<vmem>>
    tpu.enqueue_dma source(%dma_start3A_1796 : memref<128xf32, #tpu.memory_space<vmem>>) target(%dma_start3A_1793 : memref<128xf32, #tpu.memory_space<any>>) target_semaphore(%arg7 : memref<!tpu.dma_semaphore, #tpu.memory_space<semaphore_mem>>)
    %get3A_1797 = arith.constant 53 : index
    %get3A_1798 = memref.load %arg0[%get3A_1797] : memref<128xi32, #tpu.memory_space<smem>>
    %jit3A_1799 = arith.constant 128 : i32
    %div3A_1800 = arith.divsi %get3A_1798, %jit3A_1799 : i32
    %sign3A_1801 = arith.constant 0 : i32
    %sign3A_1802 = arith.cmpi sgt, %get3A_1798, %sign3A_1801 : i32
    %sign3A_1803 = arith.extui %sign3A_1802 : i1 to i32
    %sign3A_1804 = arith.constant 0 : i32
    %sign3A_1805 = arith.cmpi slt, %get3A_1798, %sign3A_1804 : i32
    %sign3A_1806 = arith.extui %sign3A_1805 : i1 to i32
    %sign3A_1807 = arith.subi %sign3A_1803, %sign3A_1806 : i32
    %sign3A_1808 = arith.constant 0 : i32
    %sign3A_1809 = arith.cmpi sgt, %jit3A_1799, %sign3A_1808 : i32
    %sign3A_1810 = arith.extui %sign3A_1809 : i1 to i32
    %sign3A_1811 = arith.constant 0 : i32
    %sign3A_1812 = arith.cmpi slt, %jit3A_1799, %sign3A_1811 : i32
    %sign3A_1813 = arith.extui %sign3A_1812 : i1 to i32
    %sign3A_1814 = arith.subi %sign3A_1810, %sign3A_1813 : i32
    %ne3A_1815 = arith.cmpi ne, %sign3A_1807, %sign3A_1814 : i32
    %rem3A_1816 = arith.remsi %get3A_1798, %jit3A_1799 : i32
    %ne3A_1817 = arith.constant 0 : i32
    %ne3A_1818 = arith.cmpi ne, %rem3A_1816, %ne3A_1817 : i32
    %and3A_1819 = arith.andi %ne3A_1815, %ne3A_1818 : i1
    %sub3A_1820 = arith.constant 1 : i32
    %sub3A_1821 = arith.subi %div3A_1800, %sub3A_1820 : i32
    %select_n3A_1822 = arith.select %and3A_1819, %sub3A_1821, %div3A_1800 : i32
    %mul3A_1823 = arith.constant 128 : i32
    %mul3A_1824 = arith.muli %select_n3A_1822, %mul3A_1823 : i32
    %dma_start3A_1825 = arith.constant 53 : i32
    %dma_start3A_1826 = tpu.memref_slice %arg5[%mul3A_1824] : memref<12800000xf32, #tpu.memory_space<any>> -> memref<128xf32, #tpu.memory_space<any>>
    %dma_start3A_1827 = arith.constant 0 : i32
    %dma_start3A_1828 = tpu.memref_slice %arg6[%dma_start3A_1825, %dma_start3A_1827] : memref<128x128xf32, #tpu.memory_space<vmem>> -> memref<1x128xf32, #tpu.memory_space<vmem>>
    %dma_start3A_1829 = tpu.memref_squeeze %dma_start3A_1828 : memref<1x128xf32, #tpu.memory_space<vmem>> -> memref<128xf32, #tpu.memory_space<vmem>>
    tpu.enqueue_dma source(%dma_start3A_1829 : memref<128xf32, #tpu.memory_space<vmem>>) target(%dma_start3A_1826 : memref<128xf32, #tpu.memory_space<any>>) target_semaphore(%arg7 : memref<!tpu.dma_semaphore, #tpu.memory_space<semaphore_mem>>)
    %get3A_1830 = arith.constant 54 : index
    %get3A_1831 = memref.load %arg0[%get3A_1830] : memref<128xi32, #tpu.memory_space<smem>>
    %jit3A_1832 = arith.constant 128 : i32
    %div3A_1833 = arith.divsi %get3A_1831, %jit3A_1832 : i32
    %sign3A_1834 = arith.constant 0 : i32
    %sign3A_1835 = arith.cmpi sgt, %get3A_1831, %sign3A_1834 : i32
    %sign3A_1836 = arith.extui %sign3A_1835 : i1 to i32
    %sign3A_1837 = arith.constant 0 : i32
    %sign3A_1838 = arith.cmpi slt, %get3A_1831, %sign3A_1837 : i32
    %sign3A_1839 = arith.extui %sign3A_1838 : i1 to i32
    %sign3A_1840 = arith.subi %sign3A_1836, %sign3A_1839 : i32
    %sign3A_1841 = arith.constant 0 : i32
    %sign3A_1842 = arith.cmpi sgt, %jit3A_1832, %sign3A_1841 : i32
    %sign3A_1843 = arith.extui %sign3A_1842 : i1 to i32
    %sign3A_1844 = arith.constant 0 : i32
    %sign3A_1845 = arith.cmpi slt, %jit3A_1832, %sign3A_1844 : i32
    %sign3A_1846 = arith.extui %sign3A_1845 : i1 to i32
    %sign3A_1847 = arith.subi %sign3A_1843, %sign3A_1846 : i32
    %ne3A_1848 = arith.cmpi ne, %sign3A_1840, %sign3A_1847 : i32
    %rem3A_1849 = arith.remsi %get3A_1831, %jit3A_1832 : i32
    %ne3A_1850 = arith.constant 0 : i32
    %ne3A_1851 = arith.cmpi ne, %rem3A_1849, %ne3A_1850 : i32
    %and3A_1852 = arith.andi %ne3A_1848, %ne3A_1851 : i1
    %sub3A_1853 = arith.constant 1 : i32
    %sub3A_1854 = arith.subi %div3A_1833, %sub3A_1853 : i32
    %select_n3A_1855 = arith.select %and3A_1852, %sub3A_1854, %div3A_1833 : i32
    %mul3A_1856 = arith.constant 128 : i32
    %mul3A_1857 = arith.muli %select_n3A_1855, %mul3A_1856 : i32
    %dma_start3A_1858 = arith.constant 54 : i32
    %dma_start3A_1859 = tpu.memref_slice %arg5[%mul3A_1857] : memref<12800000xf32, #tpu.memory_space<any>> -> memref<128xf32, #tpu.memory_space<any>>
    %dma_start3A_1860 = arith.constant 0 : i32
    %dma_start3A_1861 = tpu.memref_slice %arg6[%dma_start3A_1858, %dma_start3A_1860] : memref<128x128xf32, #tpu.memory_space<vmem>> -> memref<1x128xf32, #tpu.memory_space<vmem>>
    %dma_start3A_1862 = tpu.memref_squeeze %dma_start3A_1861 : memref<1x128xf32, #tpu.memory_space<vmem>> -> memref<128xf32, #tpu.memory_space<vmem>>
    tpu.enqueue_dma source(%dma_start3A_1862 : memref<128xf32, #tpu.memory_space<vmem>>) target(%dma_start3A_1859 : memref<128xf32, #tpu.memory_space<any>>) target_semaphore(%arg7 : memref<!tpu.dma_semaphore, #tpu.memory_space<semaphore_mem>>)
    %get3A_1863 = arith.constant 55 : index
    %get3A_1864 = memref.load %arg0[%get3A_1863] : memref<128xi32, #tpu.memory_space<smem>>
    %jit3A_1865 = arith.constant 128 : i32
    %div3A_1866 = arith.divsi %get3A_1864, %jit3A_1865 : i32
    %sign3A_1867 = arith.constant 0 : i32
    %sign3A_1868 = arith.cmpi sgt, %get3A_1864, %sign3A_1867 : i32
    %sign3A_1869 = arith.extui %sign3A_1868 : i1 to i32
    %sign3A_1870 = arith.constant 0 : i32
    %sign3A_1871 = arith.cmpi slt, %get3A_1864, %sign3A_1870 : i32
    %sign3A_1872 = arith.extui %sign3A_1871 : i1 to i32
    %sign3A_1873 = arith.subi %sign3A_1869, %sign3A_1872 : i32
    %sign3A_1874 = arith.constant 0 : i32
    %sign3A_1875 = arith.cmpi sgt, %jit3A_1865, %sign3A_1874 : i32
    %sign3A_1876 = arith.extui %sign3A_1875 : i1 to i32
    %sign3A_1877 = arith.constant 0 : i32
    %sign3A_1878 = arith.cmpi slt, %jit3A_1865, %sign3A_1877 : i32
    %sign3A_1879 = arith.extui %sign3A_1878 : i1 to i32
    %sign3A_1880 = arith.subi %sign3A_1876, %sign3A_1879 : i32
    %ne3A_1881 = arith.cmpi ne, %sign3A_1873, %sign3A_1880 : i32
    %rem3A_1882 = arith.remsi %get3A_1864, %jit3A_1865 : i32
    %ne3A_1883 = arith.constant 0 : i32
    %ne3A_1884 = arith.cmpi ne, %rem3A_1882, %ne3A_1883 : i32
    %and3A_1885 = arith.andi %ne3A_1881, %ne3A_1884 : i1
    %sub3A_1886 = arith.constant 1 : i32
    %sub3A_1887 = arith.subi %div3A_1866, %sub3A_1886 : i32
    %select_n3A_1888 = arith.select %and3A_1885, %sub3A_1887, %div3A_1866 : i32
    %mul3A_1889 = arith.constant 128 : i32
    %mul3A_1890 = arith.muli %select_n3A_1888, %mul3A_1889 : i32
    %dma_start3A_1891 = arith.constant 55 : i32
    %dma_start3A_1892 = tpu.memref_slice %arg5[%mul3A_1890] : memref<12800000xf32, #tpu.memory_space<any>> -> memref<128xf32, #tpu.memory_space<any>>
    %dma_start3A_1893 = arith.constant 0 : i32
    %dma_start3A_1894 = tpu.memref_slice %arg6[%dma_start3A_1891, %dma_start3A_1893] : memref<128x128xf32, #tpu.memory_space<vmem>> -> memref<1x128xf32, #tpu.memory_space<vmem>>
    %dma_start3A_1895 = tpu.memref_squeeze %dma_start3A_1894 : memref<1x128xf32, #tpu.memory_space<vmem>> -> memref<128xf32, #tpu.memory_space<vmem>>
    tpu.enqueue_dma source(%dma_start3A_1895 : memref<128xf32, #tpu.memory_space<vmem>>) target(%dma_start3A_1892 : memref<128xf32, #tpu.memory_space<any>>) target_semaphore(%arg7 : memref<!tpu.dma_semaphore, #tpu.memory_space<semaphore_mem>>)
    %get3A_1896 = arith.constant 56 : index
    %get3A_1897 = memref.load %arg0[%get3A_1896] : memref<128xi32, #tpu.memory_space<smem>>
    %jit3A_1898 = arith.constant 128 : i32
    %div3A_1899 = arith.divsi %get3A_1897, %jit3A_1898 : i32
    %sign3A_1900 = arith.constant 0 : i32
    %sign3A_1901 = arith.cmpi sgt, %get3A_1897, %sign3A_1900 : i32
    %sign3A_1902 = arith.extui %sign3A_1901 : i1 to i32
    %sign3A_1903 = arith.constant 0 : i32
    %sign3A_1904 = arith.cmpi slt, %get3A_1897, %sign3A_1903 : i32
    %sign3A_1905 = arith.extui %sign3A_1904 : i1 to i32
    %sign3A_1906 = arith.subi %sign3A_1902, %sign3A_1905 : i32
    %sign3A_1907 = arith.constant 0 : i32
    %sign3A_1908 = arith.cmpi sgt, %jit3A_1898, %sign3A_1907 : i32
    %sign3A_1909 = arith.extui %sign3A_1908 : i1 to i32
    %sign3A_1910 = arith.constant 0 : i32
    %sign3A_1911 = arith.cmpi slt, %jit3A_1898, %sign3A_1910 : i32
    %sign3A_1912 = arith.extui %sign3A_1911 : i1 to i32
    %sign3A_1913 = arith.subi %sign3A_1909, %sign3A_1912 : i32
    %ne3A_1914 = arith.cmpi ne, %sign3A_1906, %sign3A_1913 : i32
    %rem3A_1915 = arith.remsi %get3A_1897, %jit3A_1898 : i32
    %ne3A_1916 = arith.constant 0 : i32
    %ne3A_1917 = arith.cmpi ne, %rem3A_1915, %ne3A_1916 : i32
    %and3A_1918 = arith.andi %ne3A_1914, %ne3A_1917 : i1
    %sub3A_1919 = arith.constant 1 : i32
    %sub3A_1920 = arith.subi %div3A_1899, %sub3A_1919 : i32
    %select_n3A_1921 = arith.select %and3A_1918, %sub3A_1920, %div3A_1899 : i32
    %mul3A_1922 = arith.constant 128 : i32
    %mul3A_1923 = arith.muli %select_n3A_1921, %mul3A_1922 : i32
    %dma_start3A_1924 = arith.constant 56 : i32
    %dma_start3A_1925 = tpu.memref_slice %arg5[%mul3A_1923] : memref<12800000xf32, #tpu.memory_space<any>> -> memref<128xf32, #tpu.memory_space<any>>
    %dma_start3A_1926 = arith.constant 0 : i32
    %dma_start3A_1927 = tpu.memref_slice %arg6[%dma_start3A_1924, %dma_start3A_1926] : memref<128x128xf32, #tpu.memory_space<vmem>> -> memref<1x128xf32, #tpu.memory_space<vmem>>
    %dma_start3A_1928 = tpu.memref_squeeze %dma_start3A_1927 : memref<1x128xf32, #tpu.memory_space<vmem>> -> memref<128xf32, #tpu.memory_space<vmem>>
    tpu.enqueue_dma source(%dma_start3A_1928 : memref<128xf32, #tpu.memory_space<vmem>>) target(%dma_start3A_1925 : memref<128xf32, #tpu.memory_space<any>>) target_semaphore(%arg7 : memref<!tpu.dma_semaphore, #tpu.memory_space<semaphore_mem>>)
    %get3A_1929 = arith.constant 57 : index
    %get3A_1930 = memref.load %arg0[%get3A_1929] : memref<128xi32, #tpu.memory_space<smem>>
    %jit3A_1931 = arith.constant 128 : i32
    %div3A_1932 = arith.divsi %get3A_1930, %jit3A_1931 : i32
    %sign3A_1933 = arith.constant 0 : i32
    %sign3A_1934 = arith.cmpi sgt, %get3A_1930, %sign3A_1933 : i32
    %sign3A_1935 = arith.extui %sign3A_1934 : i1 to i32
    %sign3A_1936 = arith.constant 0 : i32
    %sign3A_1937 = arith.cmpi slt, %get3A_1930, %sign3A_1936 : i32
    %sign3A_1938 = arith.extui %sign3A_1937 : i1 to i32
    %sign3A_1939 = arith.subi %sign3A_1935, %sign3A_1938 : i32
    %sign3A_1940 = arith.constant 0 : i32
    %sign3A_1941 = arith.cmpi sgt, %jit3A_1931, %sign3A_1940 : i32
    %sign3A_1942 = arith.extui %sign3A_1941 : i1 to i32
    %sign3A_1943 = arith.constant 0 : i32
    %sign3A_1944 = arith.cmpi slt, %jit3A_1931, %sign3A_1943 : i32
    %sign3A_1945 = arith.extui %sign3A_1944 : i1 to i32
    %sign3A_1946 = arith.subi %sign3A_1942, %sign3A_1945 : i32
    %ne3A_1947 = arith.cmpi ne, %sign3A_1939, %sign3A_1946 : i32
    %rem3A_1948 = arith.remsi %get3A_1930, %jit3A_1931 : i32
    %ne3A_1949 = arith.constant 0 : i32
    %ne3A_1950 = arith.cmpi ne, %rem3A_1948, %ne3A_1949 : i32
    %and3A_1951 = arith.andi %ne3A_1947, %ne3A_1950 : i1
    %sub3A_1952 = arith.constant 1 : i32
    %sub3A_1953 = arith.subi %div3A_1932, %sub3A_1952 : i32
    %select_n3A_1954 = arith.select %and3A_1951, %sub3A_1953, %div3A_1932 : i32
    %mul3A_1955 = arith.constant 128 : i32
    %mul3A_1956 = arith.muli %select_n3A_1954, %mul3A_1955 : i32
    %dma_start3A_1957 = arith.constant 57 : i32
    %dma_start3A_1958 = tpu.memref_slice %arg5[%mul3A_1956] : memref<12800000xf32, #tpu.memory_space<any>> -> memref<128xf32, #tpu.memory_space<any>>
    %dma_start3A_1959 = arith.constant 0 : i32
    %dma_start3A_1960 = tpu.memref_slice %arg6[%dma_start3A_1957, %dma_start3A_1959] : memref<128x128xf32, #tpu.memory_space<vmem>> -> memref<1x128xf32, #tpu.memory_space<vmem>>
    %dma_start3A_1961 = tpu.memref_squeeze %dma_start3A_1960 : memref<1x128xf32, #tpu.memory_space<vmem>> -> memref<128xf32, #tpu.memory_space<vmem>>
    tpu.enqueue_dma source(%dma_start3A_1961 : memref<128xf32, #tpu.memory_space<vmem>>) target(%dma_start3A_1958 : memref<128xf32, #tpu.memory_space<any>>) target_semaphore(%arg7 : memref<!tpu.dma_semaphore, #tpu.memory_space<semaphore_mem>>)
    %get3A_1962 = arith.constant 58 : index
    %get3A_1963 = memref.load %arg0[%get3A_1962] : memref<128xi32, #tpu.memory_space<smem>>
    %jit3A_1964 = arith.constant 128 : i32
    %div3A_1965 = arith.divsi %get3A_1963, %jit3A_1964 : i32
    %sign3A_1966 = arith.constant 0 : i32
    %sign3A_1967 = arith.cmpi sgt, %get3A_1963, %sign3A_1966 : i32
    %sign3A_1968 = arith.extui %sign3A_1967 : i1 to i32
    %sign3A_1969 = arith.constant 0 : i32
    %sign3A_1970 = arith.cmpi slt, %get3A_1963, %sign3A_1969 : i32
    %sign3A_1971 = arith.extui %sign3A_1970 : i1 to i32
    %sign3A_1972 = arith.subi %sign3A_1968, %sign3A_1971 : i32
    %sign3A_1973 = arith.constant 0 : i32
    %sign3A_1974 = arith.cmpi sgt, %jit3A_1964, %sign3A_1973 : i32
    %sign3A_1975 = arith.extui %sign3A_1974 : i1 to i32
    %sign3A_1976 = arith.constant 0 : i32
    %sign3A_1977 = arith.cmpi slt, %jit3A_1964, %sign3A_1976 : i32
    %sign3A_1978 = arith.extui %sign3A_1977 : i1 to i32
    %sign3A_1979 = arith.subi %sign3A_1975, %sign3A_1978 : i32
    %ne3A_1980 = arith.cmpi ne, %sign3A_1972, %sign3A_1979 : i32
    %rem3A_1981 = arith.remsi %get3A_1963, %jit3A_1964 : i32
    %ne3A_1982 = arith.constant 0 : i32
    %ne3A_1983 = arith.cmpi ne, %rem3A_1981, %ne3A_1982 : i32
    %and3A_1984 = arith.andi %ne3A_1980, %ne3A_1983 : i1
    %sub3A_1985 = arith.constant 1 : i32
    %sub3A_1986 = arith.subi %div3A_1965, %sub3A_1985 : i32
    %select_n3A_1987 = arith.select %and3A_1984, %sub3A_1986, %div3A_1965 : i32
    %mul3A_1988 = arith.constant 128 : i32
    %mul3A_1989 = arith.muli %select_n3A_1987, %mul3A_1988 : i32
    %dma_start3A_1990 = arith.constant 58 : i32
    %dma_start3A_1991 = tpu.memref_slice %arg5[%mul3A_1989] : memref<12800000xf32, #tpu.memory_space<any>> -> memref<128xf32, #tpu.memory_space<any>>
    %dma_start3A_1992 = arith.constant 0 : i32
    %dma_start3A_1993 = tpu.memref_slice %arg6[%dma_start3A_1990, %dma_start3A_1992] : memref<128x128xf32, #tpu.memory_space<vmem>> -> memref<1x128xf32, #tpu.memory_space<vmem>>
    %dma_start3A_1994 = tpu.memref_squeeze %dma_start3A_1993 : memref<1x128xf32, #tpu.memory_space<vmem>> -> memref<128xf32, #tpu.memory_space<vmem>>
    tpu.enqueue_dma source(%dma_start3A_1994 : memref<128xf32, #tpu.memory_space<vmem>>) target(%dma_start3A_1991 : memref<128xf32, #tpu.memory_space<any>>) target_semaphore(%arg7 : memref<!tpu.dma_semaphore, #tpu.memory_space<semaphore_mem>>)
    %get3A_1995 = arith.constant 59 : index
    %get3A_1996 = memref.load %arg0[%get3A_1995] : memref<128xi32, #tpu.memory_space<smem>>
    %jit3A_1997 = arith.constant 128 : i32
    %div3A_1998 = arith.divsi %get3A_1996, %jit3A_1997 : i32
    %sign3A_1999 = arith.constant 0 : i32
    %sign3A_2000 = arith.cmpi sgt, %get3A_1996, %sign3A_1999 : i32
    %sign3A_2001 = arith.extui %sign3A_2000 : i1 to i32
    %sign3A_2002 = arith.constant 0 : i32
    %sign3A_2003 = arith.cmpi slt, %get3A_1996, %sign3A_2002 : i32
    %sign3A_2004 = arith.extui %sign3A_2003 : i1 to i32
    %sign3A_2005 = arith.subi %sign3A_2001, %sign3A_2004 : i32
    %sign3A_2006 = arith.constant 0 : i32
    %sign3A_2007 = arith.cmpi sgt, %jit3A_1997, %sign3A_2006 : i32
    %sign3A_2008 = arith.extui %sign3A_2007 : i1 to i32
    %sign3A_2009 = arith.constant 0 : i32
    %sign3A_2010 = arith.cmpi slt, %jit3A_1997, %sign3A_2009 : i32
    %sign3A_2011 = arith.extui %sign3A_2010 : i1 to i32
    %sign3A_2012 = arith.subi %sign3A_2008, %sign3A_2011 : i32
    %ne3A_2013 = arith.cmpi ne, %sign3A_2005, %sign3A_2012 : i32
    %rem3A_2014 = arith.remsi %get3A_1996, %jit3A_1997 : i32
    %ne3A_2015 = arith.constant 0 : i32
    %ne3A_2016 = arith.cmpi ne, %rem3A_2014, %ne3A_2015 : i32
    %and3A_2017 = arith.andi %ne3A_2013, %ne3A_2016 : i1
    %sub3A_2018 = arith.constant 1 : i32
    %sub3A_2019 = arith.subi %div3A_1998, %sub3A_2018 : i32
    %select_n3A_2020 = arith.select %and3A_2017, %sub3A_2019, %div3A_1998 : i32
    %mul3A_2021 = arith.constant 128 : i32
    %mul3A_2022 = arith.muli %select_n3A_2020, %mul3A_2021 : i32
    %dma_start3A_2023 = arith.constant 59 : i32
    %dma_start3A_2024 = tpu.memref_slice %arg5[%mul3A_2022] : memref<12800000xf32, #tpu.memory_space<any>> -> memref<128xf32, #tpu.memory_space<any>>
    %dma_start3A_2025 = arith.constant 0 : i32
    %dma_start3A_2026 = tpu.memref_slice %arg6[%dma_start3A_2023, %dma_start3A_2025] : memref<128x128xf32, #tpu.memory_space<vmem>> -> memref<1x128xf32, #tpu.memory_space<vmem>>
    %dma_start3A_2027 = tpu.memref_squeeze %dma_start3A_2026 : memref<1x128xf32, #tpu.memory_space<vmem>> -> memref<128xf32, #tpu.memory_space<vmem>>
    tpu.enqueue_dma source(%dma_start3A_2027 : memref<128xf32, #tpu.memory_space<vmem>>) target(%dma_start3A_2024 : memref<128xf32, #tpu.memory_space<any>>) target_semaphore(%arg7 : memref<!tpu.dma_semaphore, #tpu.memory_space<semaphore_mem>>)
    %get3A_2028 = arith.constant 60 : index
    %get3A_2029 = memref.load %arg0[%get3A_2028] : memref<128xi32, #tpu.memory_space<smem>>
    %jit3A_2030 = arith.constant 128 : i32
    %div3A_2031 = arith.divsi %get3A_2029, %jit3A_2030 : i32
    %sign3A_2032 = arith.constant 0 : i32
    %sign3A_2033 = arith.cmpi sgt, %get3A_2029, %sign3A_2032 : i32
    %sign3A_2034 = arith.extui %sign3A_2033 : i1 to i32
    %sign3A_2035 = arith.constant 0 : i32
    %sign3A_2036 = arith.cmpi slt, %get3A_2029, %sign3A_2035 : i32
    %sign3A_2037 = arith.extui %sign3A_2036 : i1 to i32
    %sign3A_2038 = arith.subi %sign3A_2034, %sign3A_2037 : i32
    %sign3A_2039 = arith.constant 0 : i32
    %sign3A_2040 = arith.cmpi sgt, %jit3A_2030, %sign3A_2039 : i32
    %sign3A_2041 = arith.extui %sign3A_2040 : i1 to i32
    %sign3A_2042 = arith.constant 0 : i32
    %sign3A_2043 = arith.cmpi slt, %jit3A_2030, %sign3A_2042 : i32
    %sign3A_2044 = arith.extui %sign3A_2043 : i1 to i32
    %sign3A_2045 = arith.subi %sign3A_2041, %sign3A_2044 : i32
    %ne3A_2046 = arith.cmpi ne, %sign3A_2038, %sign3A_2045 : i32
    %rem3A_2047 = arith.remsi %get3A_2029, %jit3A_2030 : i32
    %ne3A_2048 = arith.constant 0 : i32
    %ne3A_2049 = arith.cmpi ne, %rem3A_2047, %ne3A_2048 : i32
    %and3A_2050 = arith.andi %ne3A_2046, %ne3A_2049 : i1
    %sub3A_2051 = arith.constant 1 : i32
    %sub3A_2052 = arith.subi %div3A_2031, %sub3A_2051 : i32
    %select_n3A_2053 = arith.select %and3A_2050, %sub3A_2052, %div3A_2031 : i32
    %mul3A_2054 = arith.constant 128 : i32
    %mul3A_2055 = arith.muli %select_n3A_2053, %mul3A_2054 : i32
    %dma_start3A_2056 = arith.constant 60 : i32
    %dma_start3A_2057 = tpu.memref_slice %arg5[%mul3A_2055] : memref<12800000xf32, #tpu.memory_space<any>> -> memref<128xf32, #tpu.memory_space<any>>
    %dma_start3A_2058 = arith.constant 0 : i32
    %dma_start3A_2059 = tpu.memref_slice %arg6[%dma_start3A_2056, %dma_start3A_2058] : memref<128x128xf32, #tpu.memory_space<vmem>> -> memref<1x128xf32, #tpu.memory_space<vmem>>
    %dma_start3A_2060 = tpu.memref_squeeze %dma_start3A_2059 : memref<1x128xf32, #tpu.memory_space<vmem>> -> memref<128xf32, #tpu.memory_space<vmem>>
    tpu.enqueue_dma source(%dma_start3A_2060 : memref<128xf32, #tpu.memory_space<vmem>>) target(%dma_start3A_2057 : memref<128xf32, #tpu.memory_space<any>>) target_semaphore(%arg7 : memref<!tpu.dma_semaphore, #tpu.memory_space<semaphore_mem>>)
    %get3A_2061 = arith.constant 61 : index
    %get3A_2062 = memref.load %arg0[%get3A_2061] : memref<128xi32, #tpu.memory_space<smem>>
    %jit3A_2063 = arith.constant 128 : i32
    %div3A_2064 = arith.divsi %get3A_2062, %jit3A_2063 : i32
    %sign3A_2065 = arith.constant 0 : i32
    %sign3A_2066 = arith.cmpi sgt, %get3A_2062, %sign3A_2065 : i32
    %sign3A_2067 = arith.extui %sign3A_2066 : i1 to i32
    %sign3A_2068 = arith.constant 0 : i32
    %sign3A_2069 = arith.cmpi slt, %get3A_2062, %sign3A_2068 : i32
    %sign3A_2070 = arith.extui %sign3A_2069 : i1 to i32
    %sign3A_2071 = arith.subi %sign3A_2067, %sign3A_2070 : i32
    %sign3A_2072 = arith.constant 0 : i32
    %sign3A_2073 = arith.cmpi sgt, %jit3A_2063, %sign3A_2072 : i32
    %sign3A_2074 = arith.extui %sign3A_2073 : i1 to i32
    %sign3A_2075 = arith.constant 0 : i32
    %sign3A_2076 = arith.cmpi slt, %jit3A_2063, %sign3A_2075 : i32
    %sign3A_2077 = arith.extui %sign3A_2076 : i1 to i32
    %sign3A_2078 = arith.subi %sign3A_2074, %sign3A_2077 : i32
    %ne3A_2079 = arith.cmpi ne, %sign3A_2071, %sign3A_2078 : i32
    %rem3A_2080 = arith.remsi %get3A_2062, %jit3A_2063 : i32
    %ne3A_2081 = arith.constant 0 : i32
    %ne3A_2082 = arith.cmpi ne, %rem3A_2080, %ne3A_2081 : i32
    %and3A_2083 = arith.andi %ne3A_2079, %ne3A_2082 : i1
    %sub3A_2084 = arith.constant 1 : i32
    %sub3A_2085 = arith.subi %div3A_2064, %sub3A_2084 : i32
    %select_n3A_2086 = arith.select %and3A_2083, %sub3A_2085, %div3A_2064 : i32
    %mul3A_2087 = arith.constant 128 : i32
    %mul3A_2088 = arith.muli %select_n3A_2086, %mul3A_2087 : i32
    %dma_start3A_2089 = arith.constant 61 : i32
    %dma_start3A_2090 = tpu.memref_slice %arg5[%mul3A_2088] : memref<12800000xf32, #tpu.memory_space<any>> -> memref<128xf32, #tpu.memory_space<any>>
    %dma_start3A_2091 = arith.constant 0 : i32
    %dma_start3A_2092 = tpu.memref_slice %arg6[%dma_start3A_2089, %dma_start3A_2091] : memref<128x128xf32, #tpu.memory_space<vmem>> -> memref<1x128xf32, #tpu.memory_space<vmem>>
    %dma_start3A_2093 = tpu.memref_squeeze %dma_start3A_2092 : memref<1x128xf32, #tpu.memory_space<vmem>> -> memref<128xf32, #tpu.memory_space<vmem>>
    tpu.enqueue_dma source(%dma_start3A_2093 : memref<128xf32, #tpu.memory_space<vmem>>) target(%dma_start3A_2090 : memref<128xf32, #tpu.memory_space<any>>) target_semaphore(%arg7 : memref<!tpu.dma_semaphore, #tpu.memory_space<semaphore_mem>>)
    %get3A_2094 = arith.constant 62 : index
    %get3A_2095 = memref.load %arg0[%get3A_2094] : memref<128xi32, #tpu.memory_space<smem>>
    %jit3A_2096 = arith.constant 128 : i32
    %div3A_2097 = arith.divsi %get3A_2095, %jit3A_2096 : i32
    %sign3A_2098 = arith.constant 0 : i32
    %sign3A_2099 = arith.cmpi sgt, %get3A_2095, %sign3A_2098 : i32
    %sign3A_2100 = arith.extui %sign3A_2099 : i1 to i32
    %sign3A_2101 = arith.constant 0 : i32
    %sign3A_2102 = arith.cmpi slt, %get3A_2095, %sign3A_2101 : i32
    %sign3A_2103 = arith.extui %sign3A_2102 : i1 to i32
    %sign3A_2104 = arith.subi %sign3A_2100, %sign3A_2103 : i32
    %sign3A_2105 = arith.constant 0 : i32
    %sign3A_2106 = arith.cmpi sgt, %jit3A_2096, %sign3A_2105 : i32
    %sign3A_2107 = arith.extui %sign3A_2106 : i1 to i32
    %sign3A_2108 = arith.constant 0 : i32
    %sign3A_2109 = arith.cmpi slt, %jit3A_2096, %sign3A_2108 : i32
    %sign3A_2110 = arith.extui %sign3A_2109 : i1 to i32
    %sign3A_2111 = arith.subi %sign3A_2107, %sign3A_2110 : i32
    %ne3A_2112 = arith.cmpi ne, %sign3A_2104, %sign3A_2111 : i32
    %rem3A_2113 = arith.remsi %get3A_2095, %jit3A_2096 : i32
    %ne3A_2114 = arith.constant 0 : i32
    %ne3A_2115 = arith.cmpi ne, %rem3A_2113, %ne3A_2114 : i32
    %and3A_2116 = arith.andi %ne3A_2112, %ne3A_2115 : i1
    %sub3A_2117 = arith.constant 1 : i32
    %sub3A_2118 = arith.subi %div3A_2097, %sub3A_2117 : i32
    %select_n3A_2119 = arith.select %and3A_2116, %sub3A_2118, %div3A_2097 : i32
    %mul3A_2120 = arith.constant 128 : i32
    %mul3A_2121 = arith.muli %select_n3A_2119, %mul3A_2120 : i32
    %dma_start3A_2122 = arith.constant 62 : i32
    %dma_start3A_2123 = tpu.memref_slice %arg5[%mul3A_2121] : memref<12800000xf32, #tpu.memory_space<any>> -> memref<128xf32, #tpu.memory_space<any>>
    %dma_start3A_2124 = arith.constant 0 : i32
    %dma_start3A_2125 = tpu.memref_slice %arg6[%dma_start3A_2122, %dma_start3A_2124] : memref<128x128xf32, #tpu.memory_space<vmem>> -> memref<1x128xf32, #tpu.memory_space<vmem>>
    %dma_start3A_2126 = tpu.memref_squeeze %dma_start3A_2125 : memref<1x128xf32, #tpu.memory_space<vmem>> -> memref<128xf32, #tpu.memory_space<vmem>>
    tpu.enqueue_dma source(%dma_start3A_2126 : memref<128xf32, #tpu.memory_space<vmem>>) target(%dma_start3A_2123 : memref<128xf32, #tpu.memory_space<any>>) target_semaphore(%arg7 : memref<!tpu.dma_semaphore, #tpu.memory_space<semaphore_mem>>)
    %get3A_2127 = arith.constant 63 : index
    %get3A_2128 = memref.load %arg0[%get3A_2127] : memref<128xi32, #tpu.memory_space<smem>>
    %jit3A_2129 = arith.constant 128 : i32
    %div3A_2130 = arith.divsi %get3A_2128, %jit3A_2129 : i32
    %sign3A_2131 = arith.constant 0 : i32
    %sign3A_2132 = arith.cmpi sgt, %get3A_2128, %sign3A_2131 : i32
    %sign3A_2133 = arith.extui %sign3A_2132 : i1 to i32
    %sign3A_2134 = arith.constant 0 : i32
    %sign3A_2135 = arith.cmpi slt, %get3A_2128, %sign3A_2134 : i32
    %sign3A_2136 = arith.extui %sign3A_2135 : i1 to i32
    %sign3A_2137 = arith.subi %sign3A_2133, %sign3A_2136 : i32
    %sign3A_2138 = arith.constant 0 : i32
    %sign3A_2139 = arith.cmpi sgt, %jit3A_2129, %sign3A_2138 : i32
    %sign3A_2140 = arith.extui %sign3A_2139 : i1 to i32
    %sign3A_2141 = arith.constant 0 : i32
    %sign3A_2142 = arith.cmpi slt, %jit3A_2129, %sign3A_2141 : i32
    %sign3A_2143 = arith.extui %sign3A_2142 : i1 to i32
    %sign3A_2144 = arith.subi %sign3A_2140, %sign3A_2143 : i32
    %ne3A_2145 = arith.cmpi ne, %sign3A_2137, %sign3A_2144 : i32
    %rem3A_2146 = arith.remsi %get3A_2128, %jit3A_2129 : i32
    %ne3A_2147 = arith.constant 0 : i32
    %ne3A_2148 = arith.cmpi ne, %rem3A_2146, %ne3A_2147 : i32
    %and3A_2149 = arith.andi %ne3A_2145, %ne3A_2148 : i1
    %sub3A_2150 = arith.constant 1 : i32
    %sub3A_2151 = arith.subi %div3A_2130, %sub3A_2150 : i32
    %select_n3A_2152 = arith.select %and3A_2149, %sub3A_2151, %div3A_2130 : i32
    %mul3A_2153 = arith.constant 128 : i32
    %mul3A_2154 = arith.muli %select_n3A_2152, %mul3A_2153 : i32
    %dma_start3A_2155 = arith.constant 63 : i32
    %dma_start3A_2156 = tpu.memref_slice %arg5[%mul3A_2154] : memref<12800000xf32, #tpu.memory_space<any>> -> memref<128xf32, #tpu.memory_space<any>>
    %dma_start3A_2157 = arith.constant 0 : i32
    %dma_start3A_2158 = tpu.memref_slice %arg6[%dma_start3A_2155, %dma_start3A_2157] : memref<128x128xf32, #tpu.memory_space<vmem>> -> memref<1x128xf32, #tpu.memory_space<vmem>>
    %dma_start3A_2159 = tpu.memref_squeeze %dma_start3A_2158 : memref<1x128xf32, #tpu.memory_space<vmem>> -> memref<128xf32, #tpu.memory_space<vmem>>
    tpu.enqueue_dma source(%dma_start3A_2159 : memref<128xf32, #tpu.memory_space<vmem>>) target(%dma_start3A_2156 : memref<128xf32, #tpu.memory_space<any>>) target_semaphore(%arg7 : memref<!tpu.dma_semaphore, #tpu.memory_space<semaphore_mem>>)
    %get3A_2160 = arith.constant 64 : index
    %get3A_2161 = memref.load %arg0[%get3A_2160] : memref<128xi32, #tpu.memory_space<smem>>
    %jit3A_2162 = arith.constant 128 : i32
    %div3A_2163 = arith.divsi %get3A_2161, %jit3A_2162 : i32
    %sign3A_2164 = arith.constant 0 : i32
    %sign3A_2165 = arith.cmpi sgt, %get3A_2161, %sign3A_2164 : i32
    %sign3A_2166 = arith.extui %sign3A_2165 : i1 to i32
    %sign3A_2167 = arith.constant 0 : i32
    %sign3A_2168 = arith.cmpi slt, %get3A_2161, %sign3A_2167 : i32
    %sign3A_2169 = arith.extui %sign3A_2168 : i1 to i32
    %sign3A_2170 = arith.subi %sign3A_2166, %sign3A_2169 : i32
    %sign3A_2171 = arith.constant 0 : i32
    %sign3A_2172 = arith.cmpi sgt, %jit3A_2162, %sign3A_2171 : i32
    %sign3A_2173 = arith.extui %sign3A_2172 : i1 to i32
    %sign3A_2174 = arith.constant 0 : i32
    %sign3A_2175 = arith.cmpi slt, %jit3A_2162, %sign3A_2174 : i32
    %sign3A_2176 = arith.extui %sign3A_2175 : i1 to i32
    %sign3A_2177 = arith.subi %sign3A_2173, %sign3A_2176 : i32
    %ne3A_2178 = arith.cmpi ne, %sign3A_2170, %sign3A_2177 : i32
    %rem3A_2179 = arith.remsi %get3A_2161, %jit3A_2162 : i32
    %ne3A_2180 = arith.constant 0 : i32
    %ne3A_2181 = arith.cmpi ne, %rem3A_2179, %ne3A_2180 : i32
    %and3A_2182 = arith.andi %ne3A_2178, %ne3A_2181 : i1
    %sub3A_2183 = arith.constant 1 : i32
    %sub3A_2184 = arith.subi %div3A_2163, %sub3A_2183 : i32
    %select_n3A_2185 = arith.select %and3A_2182, %sub3A_2184, %div3A_2163 : i32
    %mul3A_2186 = arith.constant 128 : i32
    %mul3A_2187 = arith.muli %select_n3A_2185, %mul3A_2186 : i32
    %dma_start3A_2188 = arith.constant 64 : i32
    %dma_start3A_2189 = tpu.memref_slice %arg5[%mul3A_2187] : memref<12800000xf32, #tpu.memory_space<any>> -> memref<128xf32, #tpu.memory_space<any>>
    %dma_start3A_2190 = arith.constant 0 : i32
    %dma_start3A_2191 = tpu.memref_slice %arg6[%dma_start3A_2188, %dma_start3A_2190] : memref<128x128xf32, #tpu.memory_space<vmem>> -> memref<1x128xf32, #tpu.memory_space<vmem>>
    %dma_start3A_2192 = tpu.memref_squeeze %dma_start3A_2191 : memref<1x128xf32, #tpu.memory_space<vmem>> -> memref<128xf32, #tpu.memory_space<vmem>>
    tpu.enqueue_dma source(%dma_start3A_2192 : memref<128xf32, #tpu.memory_space<vmem>>) target(%dma_start3A_2189 : memref<128xf32, #tpu.memory_space<any>>) target_semaphore(%arg7 : memref<!tpu.dma_semaphore, #tpu.memory_space<semaphore_mem>>)
    %get3A_2193 = arith.constant 65 : index
    %get3A_2194 = memref.load %arg0[%get3A_2193] : memref<128xi32, #tpu.memory_space<smem>>
    %jit3A_2195 = arith.constant 128 : i32
    %div3A_2196 = arith.divsi %get3A_2194, %jit3A_2195 : i32
    %sign3A_2197 = arith.constant 0 : i32
    %sign3A_2198 = arith.cmpi sgt, %get3A_2194, %sign3A_2197 : i32
    %sign3A_2199 = arith.extui %sign3A_2198 : i1 to i32
    %sign3A_2200 = arith.constant 0 : i32
    %sign3A_2201 = arith.cmpi slt, %get3A_2194, %sign3A_2200 : i32
    %sign3A_2202 = arith.extui %sign3A_2201 : i1 to i32
    %sign3A_2203 = arith.subi %sign3A_2199, %sign3A_2202 : i32
    %sign3A_2204 = arith.constant 0 : i32
    %sign3A_2205 = arith.cmpi sgt, %jit3A_2195, %sign3A_2204 : i32
    %sign3A_2206 = arith.extui %sign3A_2205 : i1 to i32
    %sign3A_2207 = arith.constant 0 : i32
    %sign3A_2208 = arith.cmpi slt, %jit3A_2195, %sign3A_2207 : i32
    %sign3A_2209 = arith.extui %sign3A_2208 : i1 to i32
    %sign3A_2210 = arith.subi %sign3A_2206, %sign3A_2209 : i32
    %ne3A_2211 = arith.cmpi ne, %sign3A_2203, %sign3A_2210 : i32
    %rem3A_2212 = arith.remsi %get3A_2194, %jit3A_2195 : i32
    %ne3A_2213 = arith.constant 0 : i32
    %ne3A_2214 = arith.cmpi ne, %rem3A_2212, %ne3A_2213 : i32
    %and3A_2215 = arith.andi %ne3A_2211, %ne3A_2214 : i1
    %sub3A_2216 = arith.constant 1 : i32
    %sub3A_2217 = arith.subi %div3A_2196, %sub3A_2216 : i32
    %select_n3A_2218 = arith.select %and3A_2215, %sub3A_2217, %div3A_2196 : i32
    %mul3A_2219 = arith.constant 128 : i32
    %mul3A_2220 = arith.muli %select_n3A_2218, %mul3A_2219 : i32
    %dma_start3A_2221 = arith.constant 65 : i32
    %dma_start3A_2222 = tpu.memref_slice %arg5[%mul3A_2220] : memref<12800000xf32, #tpu.memory_space<any>> -> memref<128xf32, #tpu.memory_space<any>>
    %dma_start3A_2223 = arith.constant 0 : i32
    %dma_start3A_2224 = tpu.memref_slice %arg6[%dma_start3A_2221, %dma_start3A_2223] : memref<128x128xf32, #tpu.memory_space<vmem>> -> memref<1x128xf32, #tpu.memory_space<vmem>>
    %dma_start3A_2225 = tpu.memref_squeeze %dma_start3A_2224 : memref<1x128xf32, #tpu.memory_space<vmem>> -> memref<128xf32, #tpu.memory_space<vmem>>
    tpu.enqueue_dma source(%dma_start3A_2225 : memref<128xf32, #tpu.memory_space<vmem>>) target(%dma_start3A_2222 : memref<128xf32, #tpu.memory_space<any>>) target_semaphore(%arg7 : memref<!tpu.dma_semaphore, #tpu.memory_space<semaphore_mem>>)
    %get3A_2226 = arith.constant 66 : index
    %get3A_2227 = memref.load %arg0[%get3A_2226] : memref<128xi32, #tpu.memory_space<smem>>
    %jit3A_2228 = arith.constant 128 : i32
    %div3A_2229 = arith.divsi %get3A_2227, %jit3A_2228 : i32
    %sign3A_2230 = arith.constant 0 : i32
    %sign3A_2231 = arith.cmpi sgt, %get3A_2227, %sign3A_2230 : i32
    %sign3A_2232 = arith.extui %sign3A_2231 : i1 to i32
    %sign3A_2233 = arith.constant 0 : i32
    %sign3A_2234 = arith.cmpi slt, %get3A_2227, %sign3A_2233 : i32
    %sign3A_2235 = arith.extui %sign3A_2234 : i1 to i32
    %sign3A_2236 = arith.subi %sign3A_2232, %sign3A_2235 : i32
    %sign3A_2237 = arith.constant 0 : i32
    %sign3A_2238 = arith.cmpi sgt, %jit3A_2228, %sign3A_2237 : i32
    %sign3A_2239 = arith.extui %sign3A_2238 : i1 to i32
    %sign3A_2240 = arith.constant 0 : i32
    %sign3A_2241 = arith.cmpi slt, %jit3A_2228, %sign3A_2240 : i32
    %sign3A_2242 = arith.extui %sign3A_2241 : i1 to i32
    %sign3A_2243 = arith.subi %sign3A_2239, %sign3A_2242 : i32
    %ne3A_2244 = arith.cmpi ne, %sign3A_2236, %sign3A_2243 : i32
    %rem3A_2245 = arith.remsi %get3A_2227, %jit3A_2228 : i32
    %ne3A_2246 = arith.constant 0 : i32
    %ne3A_2247 = arith.cmpi ne, %rem3A_2245, %ne3A_2246 : i32
    %and3A_2248 = arith.andi %ne3A_2244, %ne3A_2247 : i1
    %sub3A_2249 = arith.constant 1 : i32
    %sub3A_2250 = arith.subi %div3A_2229, %sub3A_2249 : i32
    %select_n3A_2251 = arith.select %and3A_2248, %sub3A_2250, %div3A_2229 : i32
    %mul3A_2252 = arith.constant 128 : i32
    %mul3A_2253 = arith.muli %select_n3A_2251, %mul3A_2252 : i32
    %dma_start3A_2254 = arith.constant 66 : i32
    %dma_start3A_2255 = tpu.memref_slice %arg5[%mul3A_2253] : memref<12800000xf32, #tpu.memory_space<any>> -> memref<128xf32, #tpu.memory_space<any>>
    %dma_start3A_2256 = arith.constant 0 : i32
    %dma_start3A_2257 = tpu.memref_slice %arg6[%dma_start3A_2254, %dma_start3A_2256] : memref<128x128xf32, #tpu.memory_space<vmem>> -> memref<1x128xf32, #tpu.memory_space<vmem>>
    %dma_start3A_2258 = tpu.memref_squeeze %dma_start3A_2257 : memref<1x128xf32, #tpu.memory_space<vmem>> -> memref<128xf32, #tpu.memory_space<vmem>>
    tpu.enqueue_dma source(%dma_start3A_2258 : memref<128xf32, #tpu.memory_space<vmem>>) target(%dma_start3A_2255 : memref<128xf32, #tpu.memory_space<any>>) target_semaphore(%arg7 : memref<!tpu.dma_semaphore, #tpu.memory_space<semaphore_mem>>)
    %get3A_2259 = arith.constant 67 : index
    %get3A_2260 = memref.load %arg0[%get3A_2259] : memref<128xi32, #tpu.memory_space<smem>>
    %jit3A_2261 = arith.constant 128 : i32
    %div3A_2262 = arith.divsi %get3A_2260, %jit3A_2261 : i32
    %sign3A_2263 = arith.constant 0 : i32
    %sign3A_2264 = arith.cmpi sgt, %get3A_2260, %sign3A_2263 : i32
    %sign3A_2265 = arith.extui %sign3A_2264 : i1 to i32
    %sign3A_2266 = arith.constant 0 : i32
    %sign3A_2267 = arith.cmpi slt, %get3A_2260, %sign3A_2266 : i32
    %sign3A_2268 = arith.extui %sign3A_2267 : i1 to i32
    %sign3A_2269 = arith.subi %sign3A_2265, %sign3A_2268 : i32
    %sign3A_2270 = arith.constant 0 : i32
    %sign3A_2271 = arith.cmpi sgt, %jit3A_2261, %sign3A_2270 : i32
    %sign3A_2272 = arith.extui %sign3A_2271 : i1 to i32
    %sign3A_2273 = arith.constant 0 : i32
    %sign3A_2274 = arith.cmpi slt, %jit3A_2261, %sign3A_2273 : i32
    %sign3A_2275 = arith.extui %sign3A_2274 : i1 to i32
    %sign3A_2276 = arith.subi %sign3A_2272, %sign3A_2275 : i32
    %ne3A_2277 = arith.cmpi ne, %sign3A_2269, %sign3A_2276 : i32
    %rem3A_2278 = arith.remsi %get3A_2260, %jit3A_2261 : i32
    %ne3A_2279 = arith.constant 0 : i32
    %ne3A_2280 = arith.cmpi ne, %rem3A_2278, %ne3A_2279 : i32
    %and3A_2281 = arith.andi %ne3A_2277, %ne3A_2280 : i1
    %sub3A_2282 = arith.constant 1 : i32
    %sub3A_2283 = arith.subi %div3A_2262, %sub3A_2282 : i32
    %select_n3A_2284 = arith.select %and3A_2281, %sub3A_2283, %div3A_2262 : i32
    %mul3A_2285 = arith.constant 128 : i32
    %mul3A_2286 = arith.muli %select_n3A_2284, %mul3A_2285 : i32
    %dma_start3A_2287 = arith.constant 67 : i32
    %dma_start3A_2288 = tpu.memref_slice %arg5[%mul3A_2286] : memref<12800000xf32, #tpu.memory_space<any>> -> memref<128xf32, #tpu.memory_space<any>>
    %dma_start3A_2289 = arith.constant 0 : i32
    %dma_start3A_2290 = tpu.memref_slice %arg6[%dma_start3A_2287, %dma_start3A_2289] : memref<128x128xf32, #tpu.memory_space<vmem>> -> memref<1x128xf32, #tpu.memory_space<vmem>>
    %dma_start3A_2291 = tpu.memref_squeeze %dma_start3A_2290 : memref<1x128xf32, #tpu.memory_space<vmem>> -> memref<128xf32, #tpu.memory_space<vmem>>
    tpu.enqueue_dma source(%dma_start3A_2291 : memref<128xf32, #tpu.memory_space<vmem>>) target(%dma_start3A_2288 : memref<128xf32, #tpu.memory_space<any>>) target_semaphore(%arg7 : memref<!tpu.dma_semaphore, #tpu.memory_space<semaphore_mem>>)
    %get3A_2292 = arith.constant 68 : index
    %get3A_2293 = memref.load %arg0[%get3A_2292] : memref<128xi32, #tpu.memory_space<smem>>
    %jit3A_2294 = arith.constant 128 : i32
    %div3A_2295 = arith.divsi %get3A_2293, %jit3A_2294 : i32
    %sign3A_2296 = arith.constant 0 : i32
    %sign3A_2297 = arith.cmpi sgt, %get3A_2293, %sign3A_2296 : i32
    %sign3A_2298 = arith.extui %sign3A_2297 : i1 to i32
    %sign3A_2299 = arith.constant 0 : i32
    %sign3A_2300 = arith.cmpi slt, %get3A_2293, %sign3A_2299 : i32
    %sign3A_2301 = arith.extui %sign3A_2300 : i1 to i32
    %sign3A_2302 = arith.subi %sign3A_2298, %sign3A_2301 : i32
    %sign3A_2303 = arith.constant 0 : i32
    %sign3A_2304 = arith.cmpi sgt, %jit3A_2294, %sign3A_2303 : i32
    %sign3A_2305 = arith.extui %sign3A_2304 : i1 to i32
    %sign3A_2306 = arith.constant 0 : i32
    %sign3A_2307 = arith.cmpi slt, %jit3A_2294, %sign3A_2306 : i32
    %sign3A_2308 = arith.extui %sign3A_2307 : i1 to i32
    %sign3A_2309 = arith.subi %sign3A_2305, %sign3A_2308 : i32
    %ne3A_2310 = arith.cmpi ne, %sign3A_2302, %sign3A_2309 : i32
    %rem3A_2311 = arith.remsi %get3A_2293, %jit3A_2294 : i32
    %ne3A_2312 = arith.constant 0 : i32
    %ne3A_2313 = arith.cmpi ne, %rem3A_2311, %ne3A_2312 : i32
    %and3A_2314 = arith.andi %ne3A_2310, %ne3A_2313 : i1
    %sub3A_2315 = arith.constant 1 : i32
    %sub3A_2316 = arith.subi %div3A_2295, %sub3A_2315 : i32
    %select_n3A_2317 = arith.select %and3A_2314, %sub3A_2316, %div3A_2295 : i32
    %mul3A_2318 = arith.constant 128 : i32
    %mul3A_2319 = arith.muli %select_n3A_2317, %mul3A_2318 : i32
    %dma_start3A_2320 = arith.constant 68 : i32
    %dma_start3A_2321 = tpu.memref_slice %arg5[%mul3A_2319] : memref<12800000xf32, #tpu.memory_space<any>> -> memref<128xf32, #tpu.memory_space<any>>
    %dma_start3A_2322 = arith.constant 0 : i32
    %dma_start3A_2323 = tpu.memref_slice %arg6[%dma_start3A_2320, %dma_start3A_2322] : memref<128x128xf32, #tpu.memory_space<vmem>> -> memref<1x128xf32, #tpu.memory_space<vmem>>
    %dma_start3A_2324 = tpu.memref_squeeze %dma_start3A_2323 : memref<1x128xf32, #tpu.memory_space<vmem>> -> memref<128xf32, #tpu.memory_space<vmem>>
    tpu.enqueue_dma source(%dma_start3A_2324 : memref<128xf32, #tpu.memory_space<vmem>>) target(%dma_start3A_2321 : memref<128xf32, #tpu.memory_space<any>>) target_semaphore(%arg7 : memref<!tpu.dma_semaphore, #tpu.memory_space<semaphore_mem>>)
    %get3A_2325 = arith.constant 69 : index
    %get3A_2326 = memref.load %arg0[%get3A_2325] : memref<128xi32, #tpu.memory_space<smem>>
    %jit3A_2327 = arith.constant 128 : i32
    %div3A_2328 = arith.divsi %get3A_2326, %jit3A_2327 : i32
    %sign3A_2329 = arith.constant 0 : i32
    %sign3A_2330 = arith.cmpi sgt, %get3A_2326, %sign3A_2329 : i32
    %sign3A_2331 = arith.extui %sign3A_2330 : i1 to i32
    %sign3A_2332 = arith.constant 0 : i32
    %sign3A_2333 = arith.cmpi slt, %get3A_2326, %sign3A_2332 : i32
    %sign3A_2334 = arith.extui %sign3A_2333 : i1 to i32
    %sign3A_2335 = arith.subi %sign3A_2331, %sign3A_2334 : i32
    %sign3A_2336 = arith.constant 0 : i32
    %sign3A_2337 = arith.cmpi sgt, %jit3A_2327, %sign3A_2336 : i32
    %sign3A_2338 = arith.extui %sign3A_2337 : i1 to i32
    %sign3A_2339 = arith.constant 0 : i32
    %sign3A_2340 = arith.cmpi slt, %jit3A_2327, %sign3A_2339 : i32
    %sign3A_2341 = arith.extui %sign3A_2340 : i1 to i32
    %sign3A_2342 = arith.subi %sign3A_2338, %sign3A_2341 : i32
    %ne3A_2343 = arith.cmpi ne, %sign3A_2335, %sign3A_2342 : i32
    %rem3A_2344 = arith.remsi %get3A_2326, %jit3A_2327 : i32
    %ne3A_2345 = arith.constant 0 : i32
    %ne3A_2346 = arith.cmpi ne, %rem3A_2344, %ne3A_2345 : i32
    %and3A_2347 = arith.andi %ne3A_2343, %ne3A_2346 : i1
    %sub3A_2348 = arith.constant 1 : i32
    %sub3A_2349 = arith.subi %div3A_2328, %sub3A_2348 : i32
    %select_n3A_2350 = arith.select %and3A_2347, %sub3A_2349, %div3A_2328 : i32
    %mul3A_2351 = arith.constant 128 : i32
    %mul3A_2352 = arith.muli %select_n3A_2350, %mul3A_2351 : i32
    %dma_start3A_2353 = arith.constant 69 : i32
    %dma_start3A_2354 = tpu.memref_slice %arg5[%mul3A_2352] : memref<12800000xf32, #tpu.memory_space<any>> -> memref<128xf32, #tpu.memory_space<any>>
    %dma_start3A_2355 = arith.constant 0 : i32
    %dma_start3A_2356 = tpu.memref_slice %arg6[%dma_start3A_2353, %dma_start3A_2355] : memref<128x128xf32, #tpu.memory_space<vmem>> -> memref<1x128xf32, #tpu.memory_space<vmem>>
    %dma_start3A_2357 = tpu.memref_squeeze %dma_start3A_2356 : memref<1x128xf32, #tpu.memory_space<vmem>> -> memref<128xf32, #tpu.memory_space<vmem>>
    tpu.enqueue_dma source(%dma_start3A_2357 : memref<128xf32, #tpu.memory_space<vmem>>) target(%dma_start3A_2354 : memref<128xf32, #tpu.memory_space<any>>) target_semaphore(%arg7 : memref<!tpu.dma_semaphore, #tpu.memory_space<semaphore_mem>>)
    %get3A_2358 = arith.constant 70 : index
    %get3A_2359 = memref.load %arg0[%get3A_2358] : memref<128xi32, #tpu.memory_space<smem>>
    %jit3A_2360 = arith.constant 128 : i32
    %div3A_2361 = arith.divsi %get3A_2359, %jit3A_2360 : i32
    %sign3A_2362 = arith.constant 0 : i32
    %sign3A_2363 = arith.cmpi sgt, %get3A_2359, %sign3A_2362 : i32
    %sign3A_2364 = arith.extui %sign3A_2363 : i1 to i32
    %sign3A_2365 = arith.constant 0 : i32
    %sign3A_2366 = arith.cmpi slt, %get3A_2359, %sign3A_2365 : i32
    %sign3A_2367 = arith.extui %sign3A_2366 : i1 to i32
    %sign3A_2368 = arith.subi %sign3A_2364, %sign3A_2367 : i32
    %sign3A_2369 = arith.constant 0 : i32
    %sign3A_2370 = arith.cmpi sgt, %jit3A_2360, %sign3A_2369 : i32
    %sign3A_2371 = arith.extui %sign3A_2370 : i1 to i32
    %sign3A_2372 = arith.constant 0 : i32
    %sign3A_2373 = arith.cmpi slt, %jit3A_2360, %sign3A_2372 : i32
    %sign3A_2374 = arith.extui %sign3A_2373 : i1 to i32
    %sign3A_2375 = arith.subi %sign3A_2371, %sign3A_2374 : i32
    %ne3A_2376 = arith.cmpi ne, %sign3A_2368, %sign3A_2375 : i32
    %rem3A_2377 = arith.remsi %get3A_2359, %jit3A_2360 : i32
    %ne3A_2378 = arith.constant 0 : i32
    %ne3A_2379 = arith.cmpi ne, %rem3A_2377, %ne3A_2378 : i32
    %and3A_2380 = arith.andi %ne3A_2376, %ne3A_2379 : i1
    %sub3A_2381 = arith.constant 1 : i32
    %sub3A_2382 = arith.subi %div3A_2361, %sub3A_2381 : i32
    %select_n3A_2383 = arith.select %and3A_2380, %sub3A_2382, %div3A_2361 : i32
    %mul3A_2384 = arith.constant 128 : i32
    %mul3A_2385 = arith.muli %select_n3A_2383, %mul3A_2384 : i32
    %dma_start3A_2386 = arith.constant 70 : i32
    %dma_start3A_2387 = tpu.memref_slice %arg5[%mul3A_2385] : memref<12800000xf32, #tpu.memory_space<any>> -> memref<128xf32, #tpu.memory_space<any>>
    %dma_start3A_2388 = arith.constant 0 : i32
    %dma_start3A_2389 = tpu.memref_slice %arg6[%dma_start3A_2386, %dma_start3A_2388] : memref<128x128xf32, #tpu.memory_space<vmem>> -> memref<1x128xf32, #tpu.memory_space<vmem>>
    %dma_start3A_2390 = tpu.memref_squeeze %dma_start3A_2389 : memref<1x128xf32, #tpu.memory_space<vmem>> -> memref<128xf32, #tpu.memory_space<vmem>>
    tpu.enqueue_dma source(%dma_start3A_2390 : memref<128xf32, #tpu.memory_space<vmem>>) target(%dma_start3A_2387 : memref<128xf32, #tpu.memory_space<any>>) target_semaphore(%arg7 : memref<!tpu.dma_semaphore, #tpu.memory_space<semaphore_mem>>)
    %get3A_2391 = arith.constant 71 : index
    %get3A_2392 = memref.load %arg0[%get3A_2391] : memref<128xi32, #tpu.memory_space<smem>>
    %jit3A_2393 = arith.constant 128 : i32
    %div3A_2394 = arith.divsi %get3A_2392, %jit3A_2393 : i32
    %sign3A_2395 = arith.constant 0 : i32
    %sign3A_2396 = arith.cmpi sgt, %get3A_2392, %sign3A_2395 : i32
    %sign3A_2397 = arith.extui %sign3A_2396 : i1 to i32
    %sign3A_2398 = arith.constant 0 : i32
    %sign3A_2399 = arith.cmpi slt, %get3A_2392, %sign3A_2398 : i32
    %sign3A_2400 = arith.extui %sign3A_2399 : i1 to i32
    %sign3A_2401 = arith.subi %sign3A_2397, %sign3A_2400 : i32
    %sign3A_2402 = arith.constant 0 : i32
    %sign3A_2403 = arith.cmpi sgt, %jit3A_2393, %sign3A_2402 : i32
    %sign3A_2404 = arith.extui %sign3A_2403 : i1 to i32
    %sign3A_2405 = arith.constant 0 : i32
    %sign3A_2406 = arith.cmpi slt, %jit3A_2393, %sign3A_2405 : i32
    %sign3A_2407 = arith.extui %sign3A_2406 : i1 to i32
    %sign3A_2408 = arith.subi %sign3A_2404, %sign3A_2407 : i32
    %ne3A_2409 = arith.cmpi ne, %sign3A_2401, %sign3A_2408 : i32
    %rem3A_2410 = arith.remsi %get3A_2392, %jit3A_2393 : i32
    %ne3A_2411 = arith.constant 0 : i32
    %ne3A_2412 = arith.cmpi ne, %rem3A_2410, %ne3A_2411 : i32
    %and3A_2413 = arith.andi %ne3A_2409, %ne3A_2412 : i1
    %sub3A_2414 = arith.constant 1 : i32
    %sub3A_2415 = arith.subi %div3A_2394, %sub3A_2414 : i32
    %select_n3A_2416 = arith.select %and3A_2413, %sub3A_2415, %div3A_2394 : i32
    %mul3A_2417 = arith.constant 128 : i32
    %mul3A_2418 = arith.muli %select_n3A_2416, %mul3A_2417 : i32
    %dma_start3A_2419 = arith.constant 71 : i32
    %dma_start3A_2420 = tpu.memref_slice %arg5[%mul3A_2418] : memref<12800000xf32, #tpu.memory_space<any>> -> memref<128xf32, #tpu.memory_space<any>>
    %dma_start3A_2421 = arith.constant 0 : i32
    %dma_start3A_2422 = tpu.memref_slice %arg6[%dma_start3A_2419, %dma_start3A_2421] : memref<128x128xf32, #tpu.memory_space<vmem>> -> memref<1x128xf32, #tpu.memory_space<vmem>>
    %dma_start3A_2423 = tpu.memref_squeeze %dma_start3A_2422 : memref<1x128xf32, #tpu.memory_space<vmem>> -> memref<128xf32, #tpu.memory_space<vmem>>
    tpu.enqueue_dma source(%dma_start3A_2423 : memref<128xf32, #tpu.memory_space<vmem>>) target(%dma_start3A_2420 : memref<128xf32, #tpu.memory_space<any>>) target_semaphore(%arg7 : memref<!tpu.dma_semaphore, #tpu.memory_space<semaphore_mem>>)
    %get3A_2424 = arith.constant 72 : index
    %get3A_2425 = memref.load %arg0[%get3A_2424] : memref<128xi32, #tpu.memory_space<smem>>
    %jit3A_2426 = arith.constant 128 : i32
    %div3A_2427 = arith.divsi %get3A_2425, %jit3A_2426 : i32
    %sign3A_2428 = arith.constant 0 : i32
    %sign3A_2429 = arith.cmpi sgt, %get3A_2425, %sign3A_2428 : i32
    %sign3A_2430 = arith.extui %sign3A_2429 : i1 to i32
    %sign3A_2431 = arith.constant 0 : i32
    %sign3A_2432 = arith.cmpi slt, %get3A_2425, %sign3A_2431 : i32
    %sign3A_2433 = arith.extui %sign3A_2432 : i1 to i32
    %sign3A_2434 = arith.subi %sign3A_2430, %sign3A_2433 : i32
    %sign3A_2435 = arith.constant 0 : i32
    %sign3A_2436 = arith.cmpi sgt, %jit3A_2426, %sign3A_2435 : i32
    %sign3A_2437 = arith.extui %sign3A_2436 : i1 to i32
    %sign3A_2438 = arith.constant 0 : i32
    %sign3A_2439 = arith.cmpi slt, %jit3A_2426, %sign3A_2438 : i32
    %sign3A_2440 = arith.extui %sign3A_2439 : i1 to i32
    %sign3A_2441 = arith.subi %sign3A_2437, %sign3A_2440 : i32
    %ne3A_2442 = arith.cmpi ne, %sign3A_2434, %sign3A_2441 : i32
    %rem3A_2443 = arith.remsi %get3A_2425, %jit3A_2426 : i32
    %ne3A_2444 = arith.constant 0 : i32
    %ne3A_2445 = arith.cmpi ne, %rem3A_2443, %ne3A_2444 : i32
    %and3A_2446 = arith.andi %ne3A_2442, %ne3A_2445 : i1
    %sub3A_2447 = arith.constant 1 : i32
    %sub3A_2448 = arith.subi %div3A_2427, %sub3A_2447 : i32
    %select_n3A_2449 = arith.select %and3A_2446, %sub3A_2448, %div3A_2427 : i32
    %mul3A_2450 = arith.constant 128 : i32
    %mul3A_2451 = arith.muli %select_n3A_2449, %mul3A_2450 : i32
    %dma_start3A_2452 = arith.constant 72 : i32
    %dma_start3A_2453 = tpu.memref_slice %arg5[%mul3A_2451] : memref<12800000xf32, #tpu.memory_space<any>> -> memref<128xf32, #tpu.memory_space<any>>
    %dma_start3A_2454 = arith.constant 0 : i32
    %dma_start3A_2455 = tpu.memref_slice %arg6[%dma_start3A_2452, %dma_start3A_2454] : memref<128x128xf32, #tpu.memory_space<vmem>> -> memref<1x128xf32, #tpu.memory_space<vmem>>
    %dma_start3A_2456 = tpu.memref_squeeze %dma_start3A_2455 : memref<1x128xf32, #tpu.memory_space<vmem>> -> memref<128xf32, #tpu.memory_space<vmem>>
    tpu.enqueue_dma source(%dma_start3A_2456 : memref<128xf32, #tpu.memory_space<vmem>>) target(%dma_start3A_2453 : memref<128xf32, #tpu.memory_space<any>>) target_semaphore(%arg7 : memref<!tpu.dma_semaphore, #tpu.memory_space<semaphore_mem>>)
    %get3A_2457 = arith.constant 73 : index
    %get3A_2458 = memref.load %arg0[%get3A_2457] : memref<128xi32, #tpu.memory_space<smem>>
    %jit3A_2459 = arith.constant 128 : i32
    %div3A_2460 = arith.divsi %get3A_2458, %jit3A_2459 : i32
    %sign3A_2461 = arith.constant 0 : i32
    %sign3A_2462 = arith.cmpi sgt, %get3A_2458, %sign3A_2461 : i32
    %sign3A_2463 = arith.extui %sign3A_2462 : i1 to i32
    %sign3A_2464 = arith.constant 0 : i32
    %sign3A_2465 = arith.cmpi slt, %get3A_2458, %sign3A_2464 : i32
    %sign3A_2466 = arith.extui %sign3A_2465 : i1 to i32
    %sign3A_2467 = arith.subi %sign3A_2463, %sign3A_2466 : i32
    %sign3A_2468 = arith.constant 0 : i32
    %sign3A_2469 = arith.cmpi sgt, %jit3A_2459, %sign3A_2468 : i32
    %sign3A_2470 = arith.extui %sign3A_2469 : i1 to i32
    %sign3A_2471 = arith.constant 0 : i32
    %sign3A_2472 = arith.cmpi slt, %jit3A_2459, %sign3A_2471 : i32
    %sign3A_2473 = arith.extui %sign3A_2472 : i1 to i32
    %sign3A_2474 = arith.subi %sign3A_2470, %sign3A_2473 : i32
    %ne3A_2475 = arith.cmpi ne, %sign3A_2467, %sign3A_2474 : i32
    %rem3A_2476 = arith.remsi %get3A_2458, %jit3A_2459 : i32
    %ne3A_2477 = arith.constant 0 : i32
    %ne3A_2478 = arith.cmpi ne, %rem3A_2476, %ne3A_2477 : i32
    %and3A_2479 = arith.andi %ne3A_2475, %ne3A_2478 : i1
    %sub3A_2480 = arith.constant 1 : i32
    %sub3A_2481 = arith.subi %div3A_2460, %sub3A_2480 : i32
    %select_n3A_2482 = arith.select %and3A_2479, %sub3A_2481, %div3A_2460 : i32
    %mul3A_2483 = arith.constant 128 : i32
    %mul3A_2484 = arith.muli %select_n3A_2482, %mul3A_2483 : i32
    %dma_start3A_2485 = arith.constant 73 : i32
    %dma_start3A_2486 = tpu.memref_slice %arg5[%mul3A_2484] : memref<12800000xf32, #tpu.memory_space<any>> -> memref<128xf32, #tpu.memory_space<any>>
    %dma_start3A_2487 = arith.constant 0 : i32
    %dma_start3A_2488 = tpu.memref_slice %arg6[%dma_start3A_2485, %dma_start3A_2487] : memref<128x128xf32, #tpu.memory_space<vmem>> -> memref<1x128xf32, #tpu.memory_space<vmem>>
    %dma_start3A_2489 = tpu.memref_squeeze %dma_start3A_2488 : memref<1x128xf32, #tpu.memory_space<vmem>> -> memref<128xf32, #tpu.memory_space<vmem>>
    tpu.enqueue_dma source(%dma_start3A_2489 : memref<128xf32, #tpu.memory_space<vmem>>) target(%dma_start3A_2486 : memref<128xf32, #tpu.memory_space<any>>) target_semaphore(%arg7 : memref<!tpu.dma_semaphore, #tpu.memory_space<semaphore_mem>>)
    %get3A_2490 = arith.constant 74 : index
    %get3A_2491 = memref.load %arg0[%get3A_2490] : memref<128xi32, #tpu.memory_space<smem>>
    %jit3A_2492 = arith.constant 128 : i32
    %div3A_2493 = arith.divsi %get3A_2491, %jit3A_2492 : i32
    %sign3A_2494 = arith.constant 0 : i32
    %sign3A_2495 = arith.cmpi sgt, %get3A_2491, %sign3A_2494 : i32
    %sign3A_2496 = arith.extui %sign3A_2495 : i1 to i32
    %sign3A_2497 = arith.constant 0 : i32
    %sign3A_2498 = arith.cmpi slt, %get3A_2491, %sign3A_2497 : i32
    %sign3A_2499 = arith.extui %sign3A_2498 : i1 to i32
    %sign3A_2500 = arith.subi %sign3A_2496, %sign3A_2499 : i32
    %sign3A_2501 = arith.constant 0 : i32
    %sign3A_2502 = arith.cmpi sgt, %jit3A_2492, %sign3A_2501 : i32
    %sign3A_2503 = arith.extui %sign3A_2502 : i1 to i32
    %sign3A_2504 = arith.constant 0 : i32
    %sign3A_2505 = arith.cmpi slt, %jit3A_2492, %sign3A_2504 : i32
    %sign3A_2506 = arith.extui %sign3A_2505 : i1 to i32
    %sign3A_2507 = arith.subi %sign3A_2503, %sign3A_2506 : i32
    %ne3A_2508 = arith.cmpi ne, %sign3A_2500, %sign3A_2507 : i32
    %rem3A_2509 = arith.remsi %get3A_2491, %jit3A_2492 : i32
    %ne3A_2510 = arith.constant 0 : i32
    %ne3A_2511 = arith.cmpi ne, %rem3A_2509, %ne3A_2510 : i32
    %and3A_2512 = arith.andi %ne3A_2508, %ne3A_2511 : i1
    %sub3A_2513 = arith.constant 1 : i32
    %sub3A_2514 = arith.subi %div3A_2493, %sub3A_2513 : i32
    %select_n3A_2515 = arith.select %and3A_2512, %sub3A_2514, %div3A_2493 : i32
    %mul3A_2516 = arith.constant 128 : i32
    %mul3A_2517 = arith.muli %select_n3A_2515, %mul3A_2516 : i32
    %dma_start3A_2518 = arith.constant 74 : i32
    %dma_start3A_2519 = tpu.memref_slice %arg5[%mul3A_2517] : memref<12800000xf32, #tpu.memory_space<any>> -> memref<128xf32, #tpu.memory_space<any>>
    %dma_start3A_2520 = arith.constant 0 : i32
    %dma_start3A_2521 = tpu.memref_slice %arg6[%dma_start3A_2518, %dma_start3A_2520] : memref<128x128xf32, #tpu.memory_space<vmem>> -> memref<1x128xf32, #tpu.memory_space<vmem>>
    %dma_start3A_2522 = tpu.memref_squeeze %dma_start3A_2521 : memref<1x128xf32, #tpu.memory_space<vmem>> -> memref<128xf32, #tpu.memory_space<vmem>>
    tpu.enqueue_dma source(%dma_start3A_2522 : memref<128xf32, #tpu.memory_space<vmem>>) target(%dma_start3A_2519 : memref<128xf32, #tpu.memory_space<any>>) target_semaphore(%arg7 : memref<!tpu.dma_semaphore, #tpu.memory_space<semaphore_mem>>)
    %get3A_2523 = arith.constant 75 : index
    %get3A_2524 = memref.load %arg0[%get3A_2523] : memref<128xi32, #tpu.memory_space<smem>>
    %jit3A_2525 = arith.constant 128 : i32
    %div3A_2526 = arith.divsi %get3A_2524, %jit3A_2525 : i32
    %sign3A_2527 = arith.constant 0 : i32
    %sign3A_2528 = arith.cmpi sgt, %get3A_2524, %sign3A_2527 : i32
    %sign3A_2529 = arith.extui %sign3A_2528 : i1 to i32
    %sign3A_2530 = arith.constant 0 : i32
    %sign3A_2531 = arith.cmpi slt, %get3A_2524, %sign3A_2530 : i32
    %sign3A_2532 = arith.extui %sign3A_2531 : i1 to i32
    %sign3A_2533 = arith.subi %sign3A_2529, %sign3A_2532 : i32
    %sign3A_2534 = arith.constant 0 : i32
    %sign3A_2535 = arith.cmpi sgt, %jit3A_2525, %sign3A_2534 : i32
    %sign3A_2536 = arith.extui %sign3A_2535 : i1 to i32
    %sign3A_2537 = arith.constant 0 : i32
    %sign3A_2538 = arith.cmpi slt, %jit3A_2525, %sign3A_2537 : i32
    %sign3A_2539 = arith.extui %sign3A_2538 : i1 to i32
    %sign3A_2540 = arith.subi %sign3A_2536, %sign3A_2539 : i32
    %ne3A_2541 = arith.cmpi ne, %sign3A_2533, %sign3A_2540 : i32
    %rem3A_2542 = arith.remsi %get3A_2524, %jit3A_2525 : i32
    %ne3A_2543 = arith.constant 0 : i32
    %ne3A_2544 = arith.cmpi ne, %rem3A_2542, %ne3A_2543 : i32
    %and3A_2545 = arith.andi %ne3A_2541, %ne3A_2544 : i1
    %sub3A_2546 = arith.constant 1 : i32
    %sub3A_2547 = arith.subi %div3A_2526, %sub3A_2546 : i32
    %select_n3A_2548 = arith.select %and3A_2545, %sub3A_2547, %div3A_2526 : i32
    %mul3A_2549 = arith.constant 128 : i32
    %mul3A_2550 = arith.muli %select_n3A_2548, %mul3A_2549 : i32
    %dma_start3A_2551 = arith.constant 75 : i32
    %dma_start3A_2552 = tpu.memref_slice %arg5[%mul3A_2550] : memref<12800000xf32, #tpu.memory_space<any>> -> memref<128xf32, #tpu.memory_space<any>>
    %dma_start3A_2553 = arith.constant 0 : i32
    %dma_start3A_2554 = tpu.memref_slice %arg6[%dma_start3A_2551, %dma_start3A_2553] : memref<128x128xf32, #tpu.memory_space<vmem>> -> memref<1x128xf32, #tpu.memory_space<vmem>>
    %dma_start3A_2555 = tpu.memref_squeeze %dma_start3A_2554 : memref<1x128xf32, #tpu.memory_space<vmem>> -> memref<128xf32, #tpu.memory_space<vmem>>
    tpu.enqueue_dma source(%dma_start3A_2555 : memref<128xf32, #tpu.memory_space<vmem>>) target(%dma_start3A_2552 : memref<128xf32, #tpu.memory_space<any>>) target_semaphore(%arg7 : memref<!tpu.dma_semaphore, #tpu.memory_space<semaphore_mem>>)
    %get3A_2556 = arith.constant 76 : index
    %get3A_2557 = memref.load %arg0[%get3A_2556] : memref<128xi32, #tpu.memory_space<smem>>
    %jit3A_2558 = arith.constant 128 : i32
    %div3A_2559 = arith.divsi %get3A_2557, %jit3A_2558 : i32
    %sign3A_2560 = arith.constant 0 : i32
    %sign3A_2561 = arith.cmpi sgt, %get3A_2557, %sign3A_2560 : i32
    %sign3A_2562 = arith.extui %sign3A_2561 : i1 to i32
    %sign3A_2563 = arith.constant 0 : i32
    %sign3A_2564 = arith.cmpi slt, %get3A_2557, %sign3A_2563 : i32
    %sign3A_2565 = arith.extui %sign3A_2564 : i1 to i32
    %sign3A_2566 = arith.subi %sign3A_2562, %sign3A_2565 : i32
    %sign3A_2567 = arith.constant 0 : i32
    %sign3A_2568 = arith.cmpi sgt, %jit3A_2558, %sign3A_2567 : i32
    %sign3A_2569 = arith.extui %sign3A_2568 : i1 to i32
    %sign3A_2570 = arith.constant 0 : i32
    %sign3A_2571 = arith.cmpi slt, %jit3A_2558, %sign3A_2570 : i32
    %sign3A_2572 = arith.extui %sign3A_2571 : i1 to i32
    %sign3A_2573 = arith.subi %sign3A_2569, %sign3A_2572 : i32
    %ne3A_2574 = arith.cmpi ne, %sign3A_2566, %sign3A_2573 : i32
    %rem3A_2575 = arith.remsi %get3A_2557, %jit3A_2558 : i32
    %ne3A_2576 = arith.constant 0 : i32
    %ne3A_2577 = arith.cmpi ne, %rem3A_2575, %ne3A_2576 : i32
    %and3A_2578 = arith.andi %ne3A_2574, %ne3A_2577 : i1
    %sub3A_2579 = arith.constant 1 : i32
    %sub3A_2580 = arith.subi %div3A_2559, %sub3A_2579 : i32
    %select_n3A_2581 = arith.select %and3A_2578, %sub3A_2580, %div3A_2559 : i32
    %mul3A_2582 = arith.constant 128 : i32
    %mul3A_2583 = arith.muli %select_n3A_2581, %mul3A_2582 : i32
    %dma_start3A_2584 = arith.constant 76 : i32
    %dma_start3A_2585 = tpu.memref_slice %arg5[%mul3A_2583] : memref<12800000xf32, #tpu.memory_space<any>> -> memref<128xf32, #tpu.memory_space<any>>
    %dma_start3A_2586 = arith.constant 0 : i32
    %dma_start3A_2587 = tpu.memref_slice %arg6[%dma_start3A_2584, %dma_start3A_2586] : memref<128x128xf32, #tpu.memory_space<vmem>> -> memref<1x128xf32, #tpu.memory_space<vmem>>
    %dma_start3A_2588 = tpu.memref_squeeze %dma_start3A_2587 : memref<1x128xf32, #tpu.memory_space<vmem>> -> memref<128xf32, #tpu.memory_space<vmem>>
    tpu.enqueue_dma source(%dma_start3A_2588 : memref<128xf32, #tpu.memory_space<vmem>>) target(%dma_start3A_2585 : memref<128xf32, #tpu.memory_space<any>>) target_semaphore(%arg7 : memref<!tpu.dma_semaphore, #tpu.memory_space<semaphore_mem>>)
    %get3A_2589 = arith.constant 77 : index
    %get3A_2590 = memref.load %arg0[%get3A_2589] : memref<128xi32, #tpu.memory_space<smem>>
    %jit3A_2591 = arith.constant 128 : i32
    %div3A_2592 = arith.divsi %get3A_2590, %jit3A_2591 : i32
    %sign3A_2593 = arith.constant 0 : i32
    %sign3A_2594 = arith.cmpi sgt, %get3A_2590, %sign3A_2593 : i32
    %sign3A_2595 = arith.extui %sign3A_2594 : i1 to i32
    %sign3A_2596 = arith.constant 0 : i32
    %sign3A_2597 = arith.cmpi slt, %get3A_2590, %sign3A_2596 : i32
    %sign3A_2598 = arith.extui %sign3A_2597 : i1 to i32
    %sign3A_2599 = arith.subi %sign3A_2595, %sign3A_2598 : i32
    %sign3A_2600 = arith.constant 0 : i32
    %sign3A_2601 = arith.cmpi sgt, %jit3A_2591, %sign3A_2600 : i32
    %sign3A_2602 = arith.extui %sign3A_2601 : i1 to i32
    %sign3A_2603 = arith.constant 0 : i32
    %sign3A_2604 = arith.cmpi slt, %jit3A_2591, %sign3A_2603 : i32
    %sign3A_2605 = arith.extui %sign3A_2604 : i1 to i32
    %sign3A_2606 = arith.subi %sign3A_2602, %sign3A_2605 : i32
    %ne3A_2607 = arith.cmpi ne, %sign3A_2599, %sign3A_2606 : i32
    %rem3A_2608 = arith.remsi %get3A_2590, %jit3A_2591 : i32
    %ne3A_2609 = arith.constant 0 : i32
    %ne3A_2610 = arith.cmpi ne, %rem3A_2608, %ne3A_2609 : i32
    %and3A_2611 = arith.andi %ne3A_2607, %ne3A_2610 : i1
    %sub3A_2612 = arith.constant 1 : i32
    %sub3A_2613 = arith.subi %div3A_2592, %sub3A_2612 : i32
    %select_n3A_2614 = arith.select %and3A_2611, %sub3A_2613, %div3A_2592 : i32
    %mul3A_2615 = arith.constant 128 : i32
    %mul3A_2616 = arith.muli %select_n3A_2614, %mul3A_2615 : i32
    %dma_start3A_2617 = arith.constant 77 : i32
    %dma_start3A_2618 = tpu.memref_slice %arg5[%mul3A_2616] : memref<12800000xf32, #tpu.memory_space<any>> -> memref<128xf32, #tpu.memory_space<any>>
    %dma_start3A_2619 = arith.constant 0 : i32
    %dma_start3A_2620 = tpu.memref_slice %arg6[%dma_start3A_2617, %dma_start3A_2619] : memref<128x128xf32, #tpu.memory_space<vmem>> -> memref<1x128xf32, #tpu.memory_space<vmem>>
    %dma_start3A_2621 = tpu.memref_squeeze %dma_start3A_2620 : memref<1x128xf32, #tpu.memory_space<vmem>> -> memref<128xf32, #tpu.memory_space<vmem>>
    tpu.enqueue_dma source(%dma_start3A_2621 : memref<128xf32, #tpu.memory_space<vmem>>) target(%dma_start3A_2618 : memref<128xf32, #tpu.memory_space<any>>) target_semaphore(%arg7 : memref<!tpu.dma_semaphore, #tpu.memory_space<semaphore_mem>>)
    %get3A_2622 = arith.constant 78 : index
    %get3A_2623 = memref.load %arg0[%get3A_2622] : memref<128xi32, #tpu.memory_space<smem>>
    %jit3A_2624 = arith.constant 128 : i32
    %div3A_2625 = arith.divsi %get3A_2623, %jit3A_2624 : i32
    %sign3A_2626 = arith.constant 0 : i32
    %sign3A_2627 = arith.cmpi sgt, %get3A_2623, %sign3A_2626 : i32
    %sign3A_2628 = arith.extui %sign3A_2627 : i1 to i32
    %sign3A_2629 = arith.constant 0 : i32
    %sign3A_2630 = arith.cmpi slt, %get3A_2623, %sign3A_2629 : i32
    %sign3A_2631 = arith.extui %sign3A_2630 : i1 to i32
    %sign3A_2632 = arith.subi %sign3A_2628, %sign3A_2631 : i32
    %sign3A_2633 = arith.constant 0 : i32
    %sign3A_2634 = arith.cmpi sgt, %jit3A_2624, %sign3A_2633 : i32
    %sign3A_2635 = arith.extui %sign3A_2634 : i1 to i32
    %sign3A_2636 = arith.constant 0 : i32
    %sign3A_2637 = arith.cmpi slt, %jit3A_2624, %sign3A_2636 : i32
    %sign3A_2638 = arith.extui %sign3A_2637 : i1 to i32
    %sign3A_2639 = arith.subi %sign3A_2635, %sign3A_2638 : i32
    %ne3A_2640 = arith.cmpi ne, %sign3A_2632, %sign3A_2639 : i32
    %rem3A_2641 = arith.remsi %get3A_2623, %jit3A_2624 : i32
    %ne3A_2642 = arith.constant 0 : i32
    %ne3A_2643 = arith.cmpi ne, %rem3A_2641, %ne3A_2642 : i32
    %and3A_2644 = arith.andi %ne3A_2640, %ne3A_2643 : i1
    %sub3A_2645 = arith.constant 1 : i32
    %sub3A_2646 = arith.subi %div3A_2625, %sub3A_2645 : i32
    %select_n3A_2647 = arith.select %and3A_2644, %sub3A_2646, %div3A_2625 : i32
    %mul3A_2648 = arith.constant 128 : i32
    %mul3A_2649 = arith.muli %select_n3A_2647, %mul3A_2648 : i32
    %dma_start3A_2650 = arith.constant 78 : i32
    %dma_start3A_2651 = tpu.memref_slice %arg5[%mul3A_2649] : memref<12800000xf32, #tpu.memory_space<any>> -> memref<128xf32, #tpu.memory_space<any>>
    %dma_start3A_2652 = arith.constant 0 : i32
    %dma_start3A_2653 = tpu.memref_slice %arg6[%dma_start3A_2650, %dma_start3A_2652] : memref<128x128xf32, #tpu.memory_space<vmem>> -> memref<1x128xf32, #tpu.memory_space<vmem>>
    %dma_start3A_2654 = tpu.memref_squeeze %dma_start3A_2653 : memref<1x128xf32, #tpu.memory_space<vmem>> -> memref<128xf32, #tpu.memory_space<vmem>>
    tpu.enqueue_dma source(%dma_start3A_2654 : memref<128xf32, #tpu.memory_space<vmem>>) target(%dma_start3A_2651 : memref<128xf32, #tpu.memory_space<any>>) target_semaphore(%arg7 : memref<!tpu.dma_semaphore, #tpu.memory_space<semaphore_mem>>)
    %get3A_2655 = arith.constant 79 : index
    %get3A_2656 = memref.load %arg0[%get3A_2655] : memref<128xi32, #tpu.memory_space<smem>>
    %jit3A_2657 = arith.constant 128 : i32
    %div3A_2658 = arith.divsi %get3A_2656, %jit3A_2657 : i32
    %sign3A_2659 = arith.constant 0 : i32
    %sign3A_2660 = arith.cmpi sgt, %get3A_2656, %sign3A_2659 : i32
    %sign3A_2661 = arith.extui %sign3A_2660 : i1 to i32
    %sign3A_2662 = arith.constant 0 : i32
    %sign3A_2663 = arith.cmpi slt, %get3A_2656, %sign3A_2662 : i32
    %sign3A_2664 = arith.extui %sign3A_2663 : i1 to i32
    %sign3A_2665 = arith.subi %sign3A_2661, %sign3A_2664 : i32
    %sign3A_2666 = arith.constant 0 : i32
    %sign3A_2667 = arith.cmpi sgt, %jit3A_2657, %sign3A_2666 : i32
    %sign3A_2668 = arith.extui %sign3A_2667 : i1 to i32
    %sign3A_2669 = arith.constant 0 : i32
    %sign3A_2670 = arith.cmpi slt, %jit3A_2657, %sign3A_2669 : i32
    %sign3A_2671 = arith.extui %sign3A_2670 : i1 to i32
    %sign3A_2672 = arith.subi %sign3A_2668, %sign3A_2671 : i32
    %ne3A_2673 = arith.cmpi ne, %sign3A_2665, %sign3A_2672 : i32
    %rem3A_2674 = arith.remsi %get3A_2656, %jit3A_2657 : i32
    %ne3A_2675 = arith.constant 0 : i32
    %ne3A_2676 = arith.cmpi ne, %rem3A_2674, %ne3A_2675 : i32
    %and3A_2677 = arith.andi %ne3A_2673, %ne3A_2676 : i1
    %sub3A_2678 = arith.constant 1 : i32
    %sub3A_2679 = arith.subi %div3A_2658, %sub3A_2678 : i32
    %select_n3A_2680 = arith.select %and3A_2677, %sub3A_2679, %div3A_2658 : i32
    %mul3A_2681 = arith.constant 128 : i32
    %mul3A_2682 = arith.muli %select_n3A_2680, %mul3A_2681 : i32
    %dma_start3A_2683 = arith.constant 79 : i32
    %dma_start3A_2684 = tpu.memref_slice %arg5[%mul3A_2682] : memref<12800000xf32, #tpu.memory_space<any>> -> memref<128xf32, #tpu.memory_space<any>>
    %dma_start3A_2685 = arith.constant 0 : i32
    %dma_start3A_2686 = tpu.memref_slice %arg6[%dma_start3A_2683, %dma_start3A_2685] : memref<128x128xf32, #tpu.memory_space<vmem>> -> memref<1x128xf32, #tpu.memory_space<vmem>>
    %dma_start3A_2687 = tpu.memref_squeeze %dma_start3A_2686 : memref<1x128xf32, #tpu.memory_space<vmem>> -> memref<128xf32, #tpu.memory_space<vmem>>
    tpu.enqueue_dma source(%dma_start3A_2687 : memref<128xf32, #tpu.memory_space<vmem>>) target(%dma_start3A_2684 : memref<128xf32, #tpu.memory_space<any>>) target_semaphore(%arg7 : memref<!tpu.dma_semaphore, #tpu.memory_space<semaphore_mem>>)
    %get3A_2688 = arith.constant 80 : index
    %get3A_2689 = memref.load %arg0[%get3A_2688] : memref<128xi32, #tpu.memory_space<smem>>
    %jit3A_2690 = arith.constant 128 : i32
    %div3A_2691 = arith.divsi %get3A_2689, %jit3A_2690 : i32
    %sign3A_2692 = arith.constant 0 : i32
    %sign3A_2693 = arith.cmpi sgt, %get3A_2689, %sign3A_2692 : i32
    %sign3A_2694 = arith.extui %sign3A_2693 : i1 to i32
    %sign3A_2695 = arith.constant 0 : i32
    %sign3A_2696 = arith.cmpi slt, %get3A_2689, %sign3A_2695 : i32
    %sign3A_2697 = arith.extui %sign3A_2696 : i1 to i32
    %sign3A_2698 = arith.subi %sign3A_2694, %sign3A_2697 : i32
    %sign3A_2699 = arith.constant 0 : i32
    %sign3A_2700 = arith.cmpi sgt, %jit3A_2690, %sign3A_2699 : i32
    %sign3A_2701 = arith.extui %sign3A_2700 : i1 to i32
    %sign3A_2702 = arith.constant 0 : i32
    %sign3A_2703 = arith.cmpi slt, %jit3A_2690, %sign3A_2702 : i32
    %sign3A_2704 = arith.extui %sign3A_2703 : i1 to i32
    %sign3A_2705 = arith.subi %sign3A_2701, %sign3A_2704 : i32
    %ne3A_2706 = arith.cmpi ne, %sign3A_2698, %sign3A_2705 : i32
    %rem3A_2707 = arith.remsi %get3A_2689, %jit3A_2690 : i32
    %ne3A_2708 = arith.constant 0 : i32
    %ne3A_2709 = arith.cmpi ne, %rem3A_2707, %ne3A_2708 : i32
    %and3A_2710 = arith.andi %ne3A_2706, %ne3A_2709 : i1
    %sub3A_2711 = arith.constant 1 : i32
    %sub3A_2712 = arith.subi %div3A_2691, %sub3A_2711 : i32
    %select_n3A_2713 = arith.select %and3A_2710, %sub3A_2712, %div3A_2691 : i32
    %mul3A_2714 = arith.constant 128 : i32
    %mul3A_2715 = arith.muli %select_n3A_2713, %mul3A_2714 : i32
    %dma_start3A_2716 = arith.constant 80 : i32
    %dma_start3A_2717 = tpu.memref_slice %arg5[%mul3A_2715] : memref<12800000xf32, #tpu.memory_space<any>> -> memref<128xf32, #tpu.memory_space<any>>
    %dma_start3A_2718 = arith.constant 0 : i32
    %dma_start3A_2719 = tpu.memref_slice %arg6[%dma_start3A_2716, %dma_start3A_2718] : memref<128x128xf32, #tpu.memory_space<vmem>> -> memref<1x128xf32, #tpu.memory_space<vmem>>
    %dma_start3A_2720 = tpu.memref_squeeze %dma_start3A_2719 : memref<1x128xf32, #tpu.memory_space<vmem>> -> memref<128xf32, #tpu.memory_space<vmem>>
    tpu.enqueue_dma source(%dma_start3A_2720 : memref<128xf32, #tpu.memory_space<vmem>>) target(%dma_start3A_2717 : memref<128xf32, #tpu.memory_space<any>>) target_semaphore(%arg7 : memref<!tpu.dma_semaphore, #tpu.memory_space<semaphore_mem>>)
    %get3A_2721 = arith.constant 81 : index
    %get3A_2722 = memref.load %arg0[%get3A_2721] : memref<128xi32, #tpu.memory_space<smem>>
    %jit3A_2723 = arith.constant 128 : i32
    %div3A_2724 = arith.divsi %get3A_2722, %jit3A_2723 : i32
    %sign3A_2725 = arith.constant 0 : i32
    %sign3A_2726 = arith.cmpi sgt, %get3A_2722, %sign3A_2725 : i32
    %sign3A_2727 = arith.extui %sign3A_2726 : i1 to i32
    %sign3A_2728 = arith.constant 0 : i32
    %sign3A_2729 = arith.cmpi slt, %get3A_2722, %sign3A_2728 : i32
    %sign3A_2730 = arith.extui %sign3A_2729 : i1 to i32
    %sign3A_2731 = arith.subi %sign3A_2727, %sign3A_2730 : i32
    %sign3A_2732 = arith.constant 0 : i32
    %sign3A_2733 = arith.cmpi sgt, %jit3A_2723, %sign3A_2732 : i32
    %sign3A_2734 = arith.extui %sign3A_2733 : i1 to i32
    %sign3A_2735 = arith.constant 0 : i32
    %sign3A_2736 = arith.cmpi slt, %jit3A_2723, %sign3A_2735 : i32
    %sign3A_2737 = arith.extui %sign3A_2736 : i1 to i32
    %sign3A_2738 = arith.subi %sign3A_2734, %sign3A_2737 : i32
    %ne3A_2739 = arith.cmpi ne, %sign3A_2731, %sign3A_2738 : i32
    %rem3A_2740 = arith.remsi %get3A_2722, %jit3A_2723 : i32
    %ne3A_2741 = arith.constant 0 : i32
    %ne3A_2742 = arith.cmpi ne, %rem3A_2740, %ne3A_2741 : i32
    %and3A_2743 = arith.andi %ne3A_2739, %ne3A_2742 : i1
    %sub3A_2744 = arith.constant 1 : i32
    %sub3A_2745 = arith.subi %div3A_2724, %sub3A_2744 : i32
    %select_n3A_2746 = arith.select %and3A_2743, %sub3A_2745, %div3A_2724 : i32
    %mul3A_2747 = arith.constant 128 : i32
    %mul3A_2748 = arith.muli %select_n3A_2746, %mul3A_2747 : i32
    %dma_start3A_2749 = arith.constant 81 : i32
    %dma_start3A_2750 = tpu.memref_slice %arg5[%mul3A_2748] : memref<12800000xf32, #tpu.memory_space<any>> -> memref<128xf32, #tpu.memory_space<any>>
    %dma_start3A_2751 = arith.constant 0 : i32
    %dma_start3A_2752 = tpu.memref_slice %arg6[%dma_start3A_2749, %dma_start3A_2751] : memref<128x128xf32, #tpu.memory_space<vmem>> -> memref<1x128xf32, #tpu.memory_space<vmem>>
    %dma_start3A_2753 = tpu.memref_squeeze %dma_start3A_2752 : memref<1x128xf32, #tpu.memory_space<vmem>> -> memref<128xf32, #tpu.memory_space<vmem>>
    tpu.enqueue_dma source(%dma_start3A_2753 : memref<128xf32, #tpu.memory_space<vmem>>) target(%dma_start3A_2750 : memref<128xf32, #tpu.memory_space<any>>) target_semaphore(%arg7 : memref<!tpu.dma_semaphore, #tpu.memory_space<semaphore_mem>>)
    %get3A_2754 = arith.constant 82 : index
    %get3A_2755 = memref.load %arg0[%get3A_2754] : memref<128xi32, #tpu.memory_space<smem>>
    %jit3A_2756 = arith.constant 128 : i32
    %div3A_2757 = arith.divsi %get3A_2755, %jit3A_2756 : i32
    %sign3A_2758 = arith.constant 0 : i32
    %sign3A_2759 = arith.cmpi sgt, %get3A_2755, %sign3A_2758 : i32
    %sign3A_2760 = arith.extui %sign3A_2759 : i1 to i32
    %sign3A_2761 = arith.constant 0 : i32
    %sign3A_2762 = arith.cmpi slt, %get3A_2755, %sign3A_2761 : i32
    %sign3A_2763 = arith.extui %sign3A_2762 : i1 to i32
    %sign3A_2764 = arith.subi %sign3A_2760, %sign3A_2763 : i32
    %sign3A_2765 = arith.constant 0 : i32
    %sign3A_2766 = arith.cmpi sgt, %jit3A_2756, %sign3A_2765 : i32
    %sign3A_2767 = arith.extui %sign3A_2766 : i1 to i32
    %sign3A_2768 = arith.constant 0 : i32
    %sign3A_2769 = arith.cmpi slt, %jit3A_2756, %sign3A_2768 : i32
    %sign3A_2770 = arith.extui %sign3A_2769 : i1 to i32
    %sign3A_2771 = arith.subi %sign3A_2767, %sign3A_2770 : i32
    %ne3A_2772 = arith.cmpi ne, %sign3A_2764, %sign3A_2771 : i32
    %rem3A_2773 = arith.remsi %get3A_2755, %jit3A_2756 : i32
    %ne3A_2774 = arith.constant 0 : i32
    %ne3A_2775 = arith.cmpi ne, %rem3A_2773, %ne3A_2774 : i32
    %and3A_2776 = arith.andi %ne3A_2772, %ne3A_2775 : i1
    %sub3A_2777 = arith.constant 1 : i32
    %sub3A_2778 = arith.subi %div3A_2757, %sub3A_2777 : i32
    %select_n3A_2779 = arith.select %and3A_2776, %sub3A_2778, %div3A_2757 : i32
    %mul3A_2780 = arith.constant 128 : i32
    %mul3A_2781 = arith.muli %select_n3A_2779, %mul3A_2780 : i32
    %dma_start3A_2782 = arith.constant 82 : i32
    %dma_start3A_2783 = tpu.memref_slice %arg5[%mul3A_2781] : memref<12800000xf32, #tpu.memory_space<any>> -> memref<128xf32, #tpu.memory_space<any>>
    %dma_start3A_2784 = arith.constant 0 : i32
    %dma_start3A_2785 = tpu.memref_slice %arg6[%dma_start3A_2782, %dma_start3A_2784] : memref<128x128xf32, #tpu.memory_space<vmem>> -> memref<1x128xf32, #tpu.memory_space<vmem>>
    %dma_start3A_2786 = tpu.memref_squeeze %dma_start3A_2785 : memref<1x128xf32, #tpu.memory_space<vmem>> -> memref<128xf32, #tpu.memory_space<vmem>>
    tpu.enqueue_dma source(%dma_start3A_2786 : memref<128xf32, #tpu.memory_space<vmem>>) target(%dma_start3A_2783 : memref<128xf32, #tpu.memory_space<any>>) target_semaphore(%arg7 : memref<!tpu.dma_semaphore, #tpu.memory_space<semaphore_mem>>)
    %get3A_2787 = arith.constant 83 : index
    %get3A_2788 = memref.load %arg0[%get3A_2787] : memref<128xi32, #tpu.memory_space<smem>>
    %jit3A_2789 = arith.constant 128 : i32
    %div3A_2790 = arith.divsi %get3A_2788, %jit3A_2789 : i32
    %sign3A_2791 = arith.constant 0 : i32
    %sign3A_2792 = arith.cmpi sgt, %get3A_2788, %sign3A_2791 : i32
    %sign3A_2793 = arith.extui %sign3A_2792 : i1 to i32
    %sign3A_2794 = arith.constant 0 : i32
    %sign3A_2795 = arith.cmpi slt, %get3A_2788, %sign3A_2794 : i32
    %sign3A_2796 = arith.extui %sign3A_2795 : i1 to i32
    %sign3A_2797 = arith.subi %sign3A_2793, %sign3A_2796 : i32
    %sign3A_2798 = arith.constant 0 : i32
    %sign3A_2799 = arith.cmpi sgt, %jit3A_2789, %sign3A_2798 : i32
    %sign3A_2800 = arith.extui %sign3A_2799 : i1 to i32
    %sign3A_2801 = arith.constant 0 : i32
    %sign3A_2802 = arith.cmpi slt, %jit3A_2789, %sign3A_2801 : i32
    %sign3A_2803 = arith.extui %sign3A_2802 : i1 to i32
    %sign3A_2804 = arith.subi %sign3A_2800, %sign3A_2803 : i32
    %ne3A_2805 = arith.cmpi ne, %sign3A_2797, %sign3A_2804 : i32
    %rem3A_2806 = arith.remsi %get3A_2788, %jit3A_2789 : i32
    %ne3A_2807 = arith.constant 0 : i32
    %ne3A_2808 = arith.cmpi ne, %rem3A_2806, %ne3A_2807 : i32
    %and3A_2809 = arith.andi %ne3A_2805, %ne3A_2808 : i1
    %sub3A_2810 = arith.constant 1 : i32
    %sub3A_2811 = arith.subi %div3A_2790, %sub3A_2810 : i32
    %select_n3A_2812 = arith.select %and3A_2809, %sub3A_2811, %div3A_2790 : i32
    %mul3A_2813 = arith.constant 128 : i32
    %mul3A_2814 = arith.muli %select_n3A_2812, %mul3A_2813 : i32
    %dma_start3A_2815 = arith.constant 83 : i32
    %dma_start3A_2816 = tpu.memref_slice %arg5[%mul3A_2814] : memref<12800000xf32, #tpu.memory_space<any>> -> memref<128xf32, #tpu.memory_space<any>>
    %dma_start3A_2817 = arith.constant 0 : i32
    %dma_start3A_2818 = tpu.memref_slice %arg6[%dma_start3A_2815, %dma_start3A_2817] : memref<128x128xf32, #tpu.memory_space<vmem>> -> memref<1x128xf32, #tpu.memory_space<vmem>>
    %dma_start3A_2819 = tpu.memref_squeeze %dma_start3A_2818 : memref<1x128xf32, #tpu.memory_space<vmem>> -> memref<128xf32, #tpu.memory_space<vmem>>
    tpu.enqueue_dma source(%dma_start3A_2819 : memref<128xf32, #tpu.memory_space<vmem>>) target(%dma_start3A_2816 : memref<128xf32, #tpu.memory_space<any>>) target_semaphore(%arg7 : memref<!tpu.dma_semaphore, #tpu.memory_space<semaphore_mem>>)
    %get3A_2820 = arith.constant 84 : index
    %get3A_2821 = memref.load %arg0[%get3A_2820] : memref<128xi32, #tpu.memory_space<smem>>
    %jit3A_2822 = arith.constant 128 : i32
    %div3A_2823 = arith.divsi %get3A_2821, %jit3A_2822 : i32
    %sign3A_2824 = arith.constant 0 : i32
    %sign3A_2825 = arith.cmpi sgt, %get3A_2821, %sign3A_2824 : i32
    %sign3A_2826 = arith.extui %sign3A_2825 : i1 to i32
    %sign3A_2827 = arith.constant 0 : i32
    %sign3A_2828 = arith.cmpi slt, %get3A_2821, %sign3A_2827 : i32
    %sign3A_2829 = arith.extui %sign3A_2828 : i1 to i32
    %sign3A_2830 = arith.subi %sign3A_2826, %sign3A_2829 : i32
    %sign3A_2831 = arith.constant 0 : i32
    %sign3A_2832 = arith.cmpi sgt, %jit3A_2822, %sign3A_2831 : i32
    %sign3A_2833 = arith.extui %sign3A_2832 : i1 to i32
    %sign3A_2834 = arith.constant 0 : i32
    %sign3A_2835 = arith.cmpi slt, %jit3A_2822, %sign3A_2834 : i32
    %sign3A_2836 = arith.extui %sign3A_2835 : i1 to i32
    %sign3A_2837 = arith.subi %sign3A_2833, %sign3A_2836 : i32
    %ne3A_2838 = arith.cmpi ne, %sign3A_2830, %sign3A_2837 : i32
    %rem3A_2839 = arith.remsi %get3A_2821, %jit3A_2822 : i32
    %ne3A_2840 = arith.constant 0 : i32
    %ne3A_2841 = arith.cmpi ne, %rem3A_2839, %ne3A_2840 : i32
    %and3A_2842 = arith.andi %ne3A_2838, %ne3A_2841 : i1
    %sub3A_2843 = arith.constant 1 : i32
    %sub3A_2844 = arith.subi %div3A_2823, %sub3A_2843 : i32
    %select_n3A_2845 = arith.select %and3A_2842, %sub3A_2844, %div3A_2823 : i32
    %mul3A_2846 = arith.constant 128 : i32
    %mul3A_2847 = arith.muli %select_n3A_2845, %mul3A_2846 : i32
    %dma_start3A_2848 = arith.constant 84 : i32
    %dma_start3A_2849 = tpu.memref_slice %arg5[%mul3A_2847] : memref<12800000xf32, #tpu.memory_space<any>> -> memref<128xf32, #tpu.memory_space<any>>
    %dma_start3A_2850 = arith.constant 0 : i32
    %dma_start3A_2851 = tpu.memref_slice %arg6[%dma_start3A_2848, %dma_start3A_2850] : memref<128x128xf32, #tpu.memory_space<vmem>> -> memref<1x128xf32, #tpu.memory_space<vmem>>
    %dma_start3A_2852 = tpu.memref_squeeze %dma_start3A_2851 : memref<1x128xf32, #tpu.memory_space<vmem>> -> memref<128xf32, #tpu.memory_space<vmem>>
    tpu.enqueue_dma source(%dma_start3A_2852 : memref<128xf32, #tpu.memory_space<vmem>>) target(%dma_start3A_2849 : memref<128xf32, #tpu.memory_space<any>>) target_semaphore(%arg7 : memref<!tpu.dma_semaphore, #tpu.memory_space<semaphore_mem>>)
    %get3A_2853 = arith.constant 85 : index
    %get3A_2854 = memref.load %arg0[%get3A_2853] : memref<128xi32, #tpu.memory_space<smem>>
    %jit3A_2855 = arith.constant 128 : i32
    %div3A_2856 = arith.divsi %get3A_2854, %jit3A_2855 : i32
    %sign3A_2857 = arith.constant 0 : i32
    %sign3A_2858 = arith.cmpi sgt, %get3A_2854, %sign3A_2857 : i32
    %sign3A_2859 = arith.extui %sign3A_2858 : i1 to i32
    %sign3A_2860 = arith.constant 0 : i32
    %sign3A_2861 = arith.cmpi slt, %get3A_2854, %sign3A_2860 : i32
    %sign3A_2862 = arith.extui %sign3A_2861 : i1 to i32
    %sign3A_2863 = arith.subi %sign3A_2859, %sign3A_2862 : i32
    %sign3A_2864 = arith.constant 0 : i32
    %sign3A_2865 = arith.cmpi sgt, %jit3A_2855, %sign3A_2864 : i32
    %sign3A_2866 = arith.extui %sign3A_2865 : i1 to i32
    %sign3A_2867 = arith.constant 0 : i32
    %sign3A_2868 = arith.cmpi slt, %jit3A_2855, %sign3A_2867 : i32
    %sign3A_2869 = arith.extui %sign3A_2868 : i1 to i32
    %sign3A_2870 = arith.subi %sign3A_2866, %sign3A_2869 : i32
    %ne3A_2871 = arith.cmpi ne, %sign3A_2863, %sign3A_2870 : i32
    %rem3A_2872 = arith.remsi %get3A_2854, %jit3A_2855 : i32
    %ne3A_2873 = arith.constant 0 : i32
    %ne3A_2874 = arith.cmpi ne, %rem3A_2872, %ne3A_2873 : i32
    %and3A_2875 = arith.andi %ne3A_2871, %ne3A_2874 : i1
    %sub3A_2876 = arith.constant 1 : i32
    %sub3A_2877 = arith.subi %div3A_2856, %sub3A_2876 : i32
    %select_n3A_2878 = arith.select %and3A_2875, %sub3A_2877, %div3A_2856 : i32
    %mul3A_2879 = arith.constant 128 : i32
    %mul3A_2880 = arith.muli %select_n3A_2878, %mul3A_2879 : i32
    %dma_start3A_2881 = arith.constant 85 : i32
    %dma_start3A_2882 = tpu.memref_slice %arg5[%mul3A_2880] : memref<12800000xf32, #tpu.memory_space<any>> -> memref<128xf32, #tpu.memory_space<any>>
    %dma_start3A_2883 = arith.constant 0 : i32
    %dma_start3A_2884 = tpu.memref_slice %arg6[%dma_start3A_2881, %dma_start3A_2883] : memref<128x128xf32, #tpu.memory_space<vmem>> -> memref<1x128xf32, #tpu.memory_space<vmem>>
    %dma_start3A_2885 = tpu.memref_squeeze %dma_start3A_2884 : memref<1x128xf32, #tpu.memory_space<vmem>> -> memref<128xf32, #tpu.memory_space<vmem>>
    tpu.enqueue_dma source(%dma_start3A_2885 : memref<128xf32, #tpu.memory_space<vmem>>) target(%dma_start3A_2882 : memref<128xf32, #tpu.memory_space<any>>) target_semaphore(%arg7 : memref<!tpu.dma_semaphore, #tpu.memory_space<semaphore_mem>>)
    %get3A_2886 = arith.constant 86 : index
    %get3A_2887 = memref.load %arg0[%get3A_2886] : memref<128xi32, #tpu.memory_space<smem>>
    %jit3A_2888 = arith.constant 128 : i32
    %div3A_2889 = arith.divsi %get3A_2887, %jit3A_2888 : i32
    %sign3A_2890 = arith.constant 0 : i32
    %sign3A_2891 = arith.cmpi sgt, %get3A_2887, %sign3A_2890 : i32
    %sign3A_2892 = arith.extui %sign3A_2891 : i1 to i32
    %sign3A_2893 = arith.constant 0 : i32
    %sign3A_2894 = arith.cmpi slt, %get3A_2887, %sign3A_2893 : i32
    %sign3A_2895 = arith.extui %sign3A_2894 : i1 to i32
    %sign3A_2896 = arith.subi %sign3A_2892, %sign3A_2895 : i32
    %sign3A_2897 = arith.constant 0 : i32
    %sign3A_2898 = arith.cmpi sgt, %jit3A_2888, %sign3A_2897 : i32
    %sign3A_2899 = arith.extui %sign3A_2898 : i1 to i32
    %sign3A_2900 = arith.constant 0 : i32
    %sign3A_2901 = arith.cmpi slt, %jit3A_2888, %sign3A_2900 : i32
    %sign3A_2902 = arith.extui %sign3A_2901 : i1 to i32
    %sign3A_2903 = arith.subi %sign3A_2899, %sign3A_2902 : i32
    %ne3A_2904 = arith.cmpi ne, %sign3A_2896, %sign3A_2903 : i32
    %rem3A_2905 = arith.remsi %get3A_2887, %jit3A_2888 : i32
    %ne3A_2906 = arith.constant 0 : i32
    %ne3A_2907 = arith.cmpi ne, %rem3A_2905, %ne3A_2906 : i32
    %and3A_2908 = arith.andi %ne3A_2904, %ne3A_2907 : i1
    %sub3A_2909 = arith.constant 1 : i32
    %sub3A_2910 = arith.subi %div3A_2889, %sub3A_2909 : i32
    %select_n3A_2911 = arith.select %and3A_2908, %sub3A_2910, %div3A_2889 : i32
    %mul3A_2912 = arith.constant 128 : i32
    %mul3A_2913 = arith.muli %select_n3A_2911, %mul3A_2912 : i32
    %dma_start3A_2914 = arith.constant 86 : i32
    %dma_start3A_2915 = tpu.memref_slice %arg5[%mul3A_2913] : memref<12800000xf32, #tpu.memory_space<any>> -> memref<128xf32, #tpu.memory_space<any>>
    %dma_start3A_2916 = arith.constant 0 : i32
    %dma_start3A_2917 = tpu.memref_slice %arg6[%dma_start3A_2914, %dma_start3A_2916] : memref<128x128xf32, #tpu.memory_space<vmem>> -> memref<1x128xf32, #tpu.memory_space<vmem>>
    %dma_start3A_2918 = tpu.memref_squeeze %dma_start3A_2917 : memref<1x128xf32, #tpu.memory_space<vmem>> -> memref<128xf32, #tpu.memory_space<vmem>>
    tpu.enqueue_dma source(%dma_start3A_2918 : memref<128xf32, #tpu.memory_space<vmem>>) target(%dma_start3A_2915 : memref<128xf32, #tpu.memory_space<any>>) target_semaphore(%arg7 : memref<!tpu.dma_semaphore, #tpu.memory_space<semaphore_mem>>)
    %get3A_2919 = arith.constant 87 : index
    %get3A_2920 = memref.load %arg0[%get3A_2919] : memref<128xi32, #tpu.memory_space<smem>>
    %jit3A_2921 = arith.constant 128 : i32
    %div3A_2922 = arith.divsi %get3A_2920, %jit3A_2921 : i32
    %sign3A_2923 = arith.constant 0 : i32
    %sign3A_2924 = arith.cmpi sgt, %get3A_2920, %sign3A_2923 : i32
    %sign3A_2925 = arith.extui %sign3A_2924 : i1 to i32
    %sign3A_2926 = arith.constant 0 : i32
    %sign3A_2927 = arith.cmpi slt, %get3A_2920, %sign3A_2926 : i32
    %sign3A_2928 = arith.extui %sign3A_2927 : i1 to i32
    %sign3A_2929 = arith.subi %sign3A_2925, %sign3A_2928 : i32
    %sign3A_2930 = arith.constant 0 : i32
    %sign3A_2931 = arith.cmpi sgt, %jit3A_2921, %sign3A_2930 : i32
    %sign3A_2932 = arith.extui %sign3A_2931 : i1 to i32
    %sign3A_2933 = arith.constant 0 : i32
    %sign3A_2934 = arith.cmpi slt, %jit3A_2921, %sign3A_2933 : i32
    %sign3A_2935 = arith.extui %sign3A_2934 : i1 to i32
    %sign3A_2936 = arith.subi %sign3A_2932, %sign3A_2935 : i32
    %ne3A_2937 = arith.cmpi ne, %sign3A_2929, %sign3A_2936 : i32
    %rem3A_2938 = arith.remsi %get3A_2920, %jit3A_2921 : i32
    %ne3A_2939 = arith.constant 0 : i32
    %ne3A_2940 = arith.cmpi ne, %rem3A_2938, %ne3A_2939 : i32
    %and3A_2941 = arith.andi %ne3A_2937, %ne3A_2940 : i1
    %sub3A_2942 = arith.constant 1 : i32
    %sub3A_2943 = arith.subi %div3A_2922, %sub3A_2942 : i32
    %select_n3A_2944 = arith.select %and3A_2941, %sub3A_2943, %div3A_2922 : i32
    %mul3A_2945 = arith.constant 128 : i32
    %mul3A_2946 = arith.muli %select_n3A_2944, %mul3A_2945 : i32
    %dma_start3A_2947 = arith.constant 87 : i32
    %dma_start3A_2948 = tpu.memref_slice %arg5[%mul3A_2946] : memref<12800000xf32, #tpu.memory_space<any>> -> memref<128xf32, #tpu.memory_space<any>>
    %dma_start3A_2949 = arith.constant 0 : i32
    %dma_start3A_2950 = tpu.memref_slice %arg6[%dma_start3A_2947, %dma_start3A_2949] : memref<128x128xf32, #tpu.memory_space<vmem>> -> memref<1x128xf32, #tpu.memory_space<vmem>>
    %dma_start3A_2951 = tpu.memref_squeeze %dma_start3A_2950 : memref<1x128xf32, #tpu.memory_space<vmem>> -> memref<128xf32, #tpu.memory_space<vmem>>
    tpu.enqueue_dma source(%dma_start3A_2951 : memref<128xf32, #tpu.memory_space<vmem>>) target(%dma_start3A_2948 : memref<128xf32, #tpu.memory_space<any>>) target_semaphore(%arg7 : memref<!tpu.dma_semaphore, #tpu.memory_space<semaphore_mem>>)
    %get3A_2952 = arith.constant 88 : index
    %get3A_2953 = memref.load %arg0[%get3A_2952] : memref<128xi32, #tpu.memory_space<smem>>
    %jit3A_2954 = arith.constant 128 : i32
    %div3A_2955 = arith.divsi %get3A_2953, %jit3A_2954 : i32
    %sign3A_2956 = arith.constant 0 : i32
    %sign3A_2957 = arith.cmpi sgt, %get3A_2953, %sign3A_2956 : i32
    %sign3A_2958 = arith.extui %sign3A_2957 : i1 to i32
    %sign3A_2959 = arith.constant 0 : i32
    %sign3A_2960 = arith.cmpi slt, %get3A_2953, %sign3A_2959 : i32
    %sign3A_2961 = arith.extui %sign3A_2960 : i1 to i32
    %sign3A_2962 = arith.subi %sign3A_2958, %sign3A_2961 : i32
    %sign3A_2963 = arith.constant 0 : i32
    %sign3A_2964 = arith.cmpi sgt, %jit3A_2954, %sign3A_2963 : i32
    %sign3A_2965 = arith.extui %sign3A_2964 : i1 to i32
    %sign3A_2966 = arith.constant 0 : i32
    %sign3A_2967 = arith.cmpi slt, %jit3A_2954, %sign3A_2966 : i32
    %sign3A_2968 = arith.extui %sign3A_2967 : i1 to i32
    %sign3A_2969 = arith.subi %sign3A_2965, %sign3A_2968 : i32
    %ne3A_2970 = arith.cmpi ne, %sign3A_2962, %sign3A_2969 : i32
    %rem3A_2971 = arith.remsi %get3A_2953, %jit3A_2954 : i32
    %ne3A_2972 = arith.constant 0 : i32
    %ne3A_2973 = arith.cmpi ne, %rem3A_2971, %ne3A_2972 : i32
    %and3A_2974 = arith.andi %ne3A_2970, %ne3A_2973 : i1
    %sub3A_2975 = arith.constant 1 : i32
    %sub3A_2976 = arith.subi %div3A_2955, %sub3A_2975 : i32
    %select_n3A_2977 = arith.select %and3A_2974, %sub3A_2976, %div3A_2955 : i32
    %mul3A_2978 = arith.constant 128 : i32
    %mul3A_2979 = arith.muli %select_n3A_2977, %mul3A_2978 : i32
    %dma_start3A_2980 = arith.constant 88 : i32
    %dma_start3A_2981 = tpu.memref_slice %arg5[%mul3A_2979] : memref<12800000xf32, #tpu.memory_space<any>> -> memref<128xf32, #tpu.memory_space<any>>
    %dma_start3A_2982 = arith.constant 0 : i32
    %dma_start3A_2983 = tpu.memref_slice %arg6[%dma_start3A_2980, %dma_start3A_2982] : memref<128x128xf32, #tpu.memory_space<vmem>> -> memref<1x128xf32, #tpu.memory_space<vmem>>
    %dma_start3A_2984 = tpu.memref_squeeze %dma_start3A_2983 : memref<1x128xf32, #tpu.memory_space<vmem>> -> memref<128xf32, #tpu.memory_space<vmem>>
    tpu.enqueue_dma source(%dma_start3A_2984 : memref<128xf32, #tpu.memory_space<vmem>>) target(%dma_start3A_2981 : memref<128xf32, #tpu.memory_space<any>>) target_semaphore(%arg7 : memref<!tpu.dma_semaphore, #tpu.memory_space<semaphore_mem>>)
    %get3A_2985 = arith.constant 89 : index
    %get3A_2986 = memref.load %arg0[%get3A_2985] : memref<128xi32, #tpu.memory_space<smem>>
    %jit3A_2987 = arith.constant 128 : i32
    %div3A_2988 = arith.divsi %get3A_2986, %jit3A_2987 : i32
    %sign3A_2989 = arith.constant 0 : i32
    %sign3A_2990 = arith.cmpi sgt, %get3A_2986, %sign3A_2989 : i32
    %sign3A_2991 = arith.extui %sign3A_2990 : i1 to i32
    %sign3A_2992 = arith.constant 0 : i32
    %sign3A_2993 = arith.cmpi slt, %get3A_2986, %sign3A_2992 : i32
    %sign3A_2994 = arith.extui %sign3A_2993 : i1 to i32
    %sign3A_2995 = arith.subi %sign3A_2991, %sign3A_2994 : i32
    %sign3A_2996 = arith.constant 0 : i32
    %sign3A_2997 = arith.cmpi sgt, %jit3A_2987, %sign3A_2996 : i32
    %sign3A_2998 = arith.extui %sign3A_2997 : i1 to i32
    %sign3A_2999 = arith.constant 0 : i32
    %sign3A_3000 = arith.cmpi slt, %jit3A_2987, %sign3A_2999 : i32
    %sign3A_3001 = arith.extui %sign3A_3000 : i1 to i32
    %sign3A_3002 = arith.subi %sign3A_2998, %sign3A_3001 : i32
    %ne3A_3003 = arith.cmpi ne, %sign3A_2995, %sign3A_3002 : i32
    %rem3A_3004 = arith.remsi %get3A_2986, %jit3A_2987 : i32
    %ne3A_3005 = arith.constant 0 : i32
    %ne3A_3006 = arith.cmpi ne, %rem3A_3004, %ne3A_3005 : i32
    %and3A_3007 = arith.andi %ne3A_3003, %ne3A_3006 : i1
    %sub3A_3008 = arith.constant 1 : i32
    %sub3A_3009 = arith.subi %div3A_2988, %sub3A_3008 : i32
    %select_n3A_3010 = arith.select %and3A_3007, %sub3A_3009, %div3A_2988 : i32
    %mul3A_3011 = arith.constant 128 : i32
    %mul3A_3012 = arith.muli %select_n3A_3010, %mul3A_3011 : i32
    %dma_start3A_3013 = arith.constant 89 : i32
    %dma_start3A_3014 = tpu.memref_slice %arg5[%mul3A_3012] : memref<12800000xf32, #tpu.memory_space<any>> -> memref<128xf32, #tpu.memory_space<any>>
    %dma_start3A_3015 = arith.constant 0 : i32
    %dma_start3A_3016 = tpu.memref_slice %arg6[%dma_start3A_3013, %dma_start3A_3015] : memref<128x128xf32, #tpu.memory_space<vmem>> -> memref<1x128xf32, #tpu.memory_space<vmem>>
    %dma_start3A_3017 = tpu.memref_squeeze %dma_start3A_3016 : memref<1x128xf32, #tpu.memory_space<vmem>> -> memref<128xf32, #tpu.memory_space<vmem>>
    tpu.enqueue_dma source(%dma_start3A_3017 : memref<128xf32, #tpu.memory_space<vmem>>) target(%dma_start3A_3014 : memref<128xf32, #tpu.memory_space<any>>) target_semaphore(%arg7 : memref<!tpu.dma_semaphore, #tpu.memory_space<semaphore_mem>>)
    %get3A_3018 = arith.constant 90 : index
    %get3A_3019 = memref.load %arg0[%get3A_3018] : memref<128xi32, #tpu.memory_space<smem>>
    %jit3A_3020 = arith.constant 128 : i32
    %div3A_3021 = arith.divsi %get3A_3019, %jit3A_3020 : i32
    %sign3A_3022 = arith.constant 0 : i32
    %sign3A_3023 = arith.cmpi sgt, %get3A_3019, %sign3A_3022 : i32
    %sign3A_3024 = arith.extui %sign3A_3023 : i1 to i32
    %sign3A_3025 = arith.constant 0 : i32
    %sign3A_3026 = arith.cmpi slt, %get3A_3019, %sign3A_3025 : i32
    %sign3A_3027 = arith.extui %sign3A_3026 : i1 to i32
    %sign3A_3028 = arith.subi %sign3A_3024, %sign3A_3027 : i32
    %sign3A_3029 = arith.constant 0 : i32
    %sign3A_3030 = arith.cmpi sgt, %jit3A_3020, %sign3A_3029 : i32
    %sign3A_3031 = arith.extui %sign3A_3030 : i1 to i32
    %sign3A_3032 = arith.constant 0 : i32
    %sign3A_3033 = arith.cmpi slt, %jit3A_3020, %sign3A_3032 : i32
    %sign3A_3034 = arith.extui %sign3A_3033 : i1 to i32
    %sign3A_3035 = arith.subi %sign3A_3031, %sign3A_3034 : i32
    %ne3A_3036 = arith.cmpi ne, %sign3A_3028, %sign3A_3035 : i32
    %rem3A_3037 = arith.remsi %get3A_3019, %jit3A_3020 : i32
    %ne3A_3038 = arith.constant 0 : i32
    %ne3A_3039 = arith.cmpi ne, %rem3A_3037, %ne3A_3038 : i32
    %and3A_3040 = arith.andi %ne3A_3036, %ne3A_3039 : i1
    %sub3A_3041 = arith.constant 1 : i32
    %sub3A_3042 = arith.subi %div3A_3021, %sub3A_3041 : i32
    %select_n3A_3043 = arith.select %and3A_3040, %sub3A_3042, %div3A_3021 : i32
    %mul3A_3044 = arith.constant 128 : i32
    %mul3A_3045 = arith.muli %select_n3A_3043, %mul3A_3044 : i32
    %dma_start3A_3046 = arith.constant 90 : i32
    %dma_start3A_3047 = tpu.memref_slice %arg5[%mul3A_3045] : memref<12800000xf32, #tpu.memory_space<any>> -> memref<128xf32, #tpu.memory_space<any>>
    %dma_start3A_3048 = arith.constant 0 : i32
    %dma_start3A_3049 = tpu.memref_slice %arg6[%dma_start3A_3046, %dma_start3A_3048] : memref<128x128xf32, #tpu.memory_space<vmem>> -> memref<1x128xf32, #tpu.memory_space<vmem>>
    %dma_start3A_3050 = tpu.memref_squeeze %dma_start3A_3049 : memref<1x128xf32, #tpu.memory_space<vmem>> -> memref<128xf32, #tpu.memory_space<vmem>>
    tpu.enqueue_dma source(%dma_start3A_3050 : memref<128xf32, #tpu.memory_space<vmem>>) target(%dma_start3A_3047 : memref<128xf32, #tpu.memory_space<any>>) target_semaphore(%arg7 : memref<!tpu.dma_semaphore, #tpu.memory_space<semaphore_mem>>)
    %get3A_3051 = arith.constant 91 : index
    %get3A_3052 = memref.load %arg0[%get3A_3051] : memref<128xi32, #tpu.memory_space<smem>>
    %jit3A_3053 = arith.constant 128 : i32
    %div3A_3054 = arith.divsi %get3A_3052, %jit3A_3053 : i32
    %sign3A_3055 = arith.constant 0 : i32
    %sign3A_3056 = arith.cmpi sgt, %get3A_3052, %sign3A_3055 : i32
    %sign3A_3057 = arith.extui %sign3A_3056 : i1 to i32
    %sign3A_3058 = arith.constant 0 : i32
    %sign3A_3059 = arith.cmpi slt, %get3A_3052, %sign3A_3058 : i32
    %sign3A_3060 = arith.extui %sign3A_3059 : i1 to i32
    %sign3A_3061 = arith.subi %sign3A_3057, %sign3A_3060 : i32
    %sign3A_3062 = arith.constant 0 : i32
    %sign3A_3063 = arith.cmpi sgt, %jit3A_3053, %sign3A_3062 : i32
    %sign3A_3064 = arith.extui %sign3A_3063 : i1 to i32
    %sign3A_3065 = arith.constant 0 : i32
    %sign3A_3066 = arith.cmpi slt, %jit3A_3053, %sign3A_3065 : i32
    %sign3A_3067 = arith.extui %sign3A_3066 : i1 to i32
    %sign3A_3068 = arith.subi %sign3A_3064, %sign3A_3067 : i32
    %ne3A_3069 = arith.cmpi ne, %sign3A_3061, %sign3A_3068 : i32
    %rem3A_3070 = arith.remsi %get3A_3052, %jit3A_3053 : i32
    %ne3A_3071 = arith.constant 0 : i32
    %ne3A_3072 = arith.cmpi ne, %rem3A_3070, %ne3A_3071 : i32
    %and3A_3073 = arith.andi %ne3A_3069, %ne3A_3072 : i1
    %sub3A_3074 = arith.constant 1 : i32
    %sub3A_3075 = arith.subi %div3A_3054, %sub3A_3074 : i32
    %select_n3A_3076 = arith.select %and3A_3073, %sub3A_3075, %div3A_3054 : i32
    %mul3A_3077 = arith.constant 128 : i32
    %mul3A_3078 = arith.muli %select_n3A_3076, %mul3A_3077 : i32
    %dma_start3A_3079 = arith.constant 91 : i32
    %dma_start3A_3080 = tpu.memref_slice %arg5[%mul3A_3078] : memref<12800000xf32, #tpu.memory_space<any>> -> memref<128xf32, #tpu.memory_space<any>>
    %dma_start3A_3081 = arith.constant 0 : i32
    %dma_start3A_3082 = tpu.memref_slice %arg6[%dma_start3A_3079, %dma_start3A_3081] : memref<128x128xf32, #tpu.memory_space<vmem>> -> memref<1x128xf32, #tpu.memory_space<vmem>>
    %dma_start3A_3083 = tpu.memref_squeeze %dma_start3A_3082 : memref<1x128xf32, #tpu.memory_space<vmem>> -> memref<128xf32, #tpu.memory_space<vmem>>
    tpu.enqueue_dma source(%dma_start3A_3083 : memref<128xf32, #tpu.memory_space<vmem>>) target(%dma_start3A_3080 : memref<128xf32, #tpu.memory_space<any>>) target_semaphore(%arg7 : memref<!tpu.dma_semaphore, #tpu.memory_space<semaphore_mem>>)
    %get3A_3084 = arith.constant 92 : index
    %get3A_3085 = memref.load %arg0[%get3A_3084] : memref<128xi32, #tpu.memory_space<smem>>
    %jit3A_3086 = arith.constant 128 : i32
    %div3A_3087 = arith.divsi %get3A_3085, %jit3A_3086 : i32
    %sign3A_3088 = arith.constant 0 : i32
    %sign3A_3089 = arith.cmpi sgt, %get3A_3085, %sign3A_3088 : i32
    %sign3A_3090 = arith.extui %sign3A_3089 : i1 to i32
    %sign3A_3091 = arith.constant 0 : i32
    %sign3A_3092 = arith.cmpi slt, %get3A_3085, %sign3A_3091 : i32
    %sign3A_3093 = arith.extui %sign3A_3092 : i1 to i32
    %sign3A_3094 = arith.subi %sign3A_3090, %sign3A_3093 : i32
    %sign3A_3095 = arith.constant 0 : i32
    %sign3A_3096 = arith.cmpi sgt, %jit3A_3086, %sign3A_3095 : i32
    %sign3A_3097 = arith.extui %sign3A_3096 : i1 to i32
    %sign3A_3098 = arith.constant 0 : i32
    %sign3A_3099 = arith.cmpi slt, %jit3A_3086, %sign3A_3098 : i32
    %sign3A_3100 = arith.extui %sign3A_3099 : i1 to i32
    %sign3A_3101 = arith.subi %sign3A_3097, %sign3A_3100 : i32
    %ne3A_3102 = arith.cmpi ne, %sign3A_3094, %sign3A_3101 : i32
    %rem3A_3103 = arith.remsi %get3A_3085, %jit3A_3086 : i32
    %ne3A_3104 = arith.constant 0 : i32
    %ne3A_3105 = arith.cmpi ne, %rem3A_3103, %ne3A_3104 : i32
    %and3A_3106 = arith.andi %ne3A_3102, %ne3A_3105 : i1
    %sub3A_3107 = arith.constant 1 : i32
    %sub3A_3108 = arith.subi %div3A_3087, %sub3A_3107 : i32
    %select_n3A_3109 = arith.select %and3A_3106, %sub3A_3108, %div3A_3087 : i32
    %mul3A_3110 = arith.constant 128 : i32
    %mul3A_3111 = arith.muli %select_n3A_3109, %mul3A_3110 : i32
    %dma_start3A_3112 = arith.constant 92 : i32
    %dma_start3A_3113 = tpu.memref_slice %arg5[%mul3A_3111] : memref<12800000xf32, #tpu.memory_space<any>> -> memref<128xf32, #tpu.memory_space<any>>
    %dma_start3A_3114 = arith.constant 0 : i32
    %dma_start3A_3115 = tpu.memref_slice %arg6[%dma_start3A_3112, %dma_start3A_3114] : memref<128x128xf32, #tpu.memory_space<vmem>> -> memref<1x128xf32, #tpu.memory_space<vmem>>
    %dma_start3A_3116 = tpu.memref_squeeze %dma_start3A_3115 : memref<1x128xf32, #tpu.memory_space<vmem>> -> memref<128xf32, #tpu.memory_space<vmem>>
    tpu.enqueue_dma source(%dma_start3A_3116 : memref<128xf32, #tpu.memory_space<vmem>>) target(%dma_start3A_3113 : memref<128xf32, #tpu.memory_space<any>>) target_semaphore(%arg7 : memref<!tpu.dma_semaphore, #tpu.memory_space<semaphore_mem>>)
    %get3A_3117 = arith.constant 93 : index
    %get3A_3118 = memref.load %arg0[%get3A_3117] : memref<128xi32, #tpu.memory_space<smem>>
    %jit3A_3119 = arith.constant 128 : i32
    %div3A_3120 = arith.divsi %get3A_3118, %jit3A_3119 : i32
    %sign3A_3121 = arith.constant 0 : i32
    %sign3A_3122 = arith.cmpi sgt, %get3A_3118, %sign3A_3121 : i32
    %sign3A_3123 = arith.extui %sign3A_3122 : i1 to i32
    %sign3A_3124 = arith.constant 0 : i32
    %sign3A_3125 = arith.cmpi slt, %get3A_3118, %sign3A_3124 : i32
    %sign3A_3126 = arith.extui %sign3A_3125 : i1 to i32
    %sign3A_3127 = arith.subi %sign3A_3123, %sign3A_3126 : i32
    %sign3A_3128 = arith.constant 0 : i32
    %sign3A_3129 = arith.cmpi sgt, %jit3A_3119, %sign3A_3128 : i32
    %sign3A_3130 = arith.extui %sign3A_3129 : i1 to i32
    %sign3A_3131 = arith.constant 0 : i32
    %sign3A_3132 = arith.cmpi slt, %jit3A_3119, %sign3A_3131 : i32
    %sign3A_3133 = arith.extui %sign3A_3132 : i1 to i32
    %sign3A_3134 = arith.subi %sign3A_3130, %sign3A_3133 : i32
    %ne3A_3135 = arith.cmpi ne, %sign3A_3127, %sign3A_3134 : i32
    %rem3A_3136 = arith.remsi %get3A_3118, %jit3A_3119 : i32
    %ne3A_3137 = arith.constant 0 : i32
    %ne3A_3138 = arith.cmpi ne, %rem3A_3136, %ne3A_3137 : i32
    %and3A_3139 = arith.andi %ne3A_3135, %ne3A_3138 : i1
    %sub3A_3140 = arith.constant 1 : i32
    %sub3A_3141 = arith.subi %div3A_3120, %sub3A_3140 : i32
    %select_n3A_3142 = arith.select %and3A_3139, %sub3A_3141, %div3A_3120 : i32
    %mul3A_3143 = arith.constant 128 : i32
    %mul3A_3144 = arith.muli %select_n3A_3142, %mul3A_3143 : i32
    %dma_start3A_3145 = arith.constant 93 : i32
    %dma_start3A_3146 = tpu.memref_slice %arg5[%mul3A_3144] : memref<12800000xf32, #tpu.memory_space<any>> -> memref<128xf32, #tpu.memory_space<any>>
    %dma_start3A_3147 = arith.constant 0 : i32
    %dma_start3A_3148 = tpu.memref_slice %arg6[%dma_start3A_3145, %dma_start3A_3147] : memref<128x128xf32, #tpu.memory_space<vmem>> -> memref<1x128xf32, #tpu.memory_space<vmem>>
    %dma_start3A_3149 = tpu.memref_squeeze %dma_start3A_3148 : memref<1x128xf32, #tpu.memory_space<vmem>> -> memref<128xf32, #tpu.memory_space<vmem>>
    tpu.enqueue_dma source(%dma_start3A_3149 : memref<128xf32, #tpu.memory_space<vmem>>) target(%dma_start3A_3146 : memref<128xf32, #tpu.memory_space<any>>) target_semaphore(%arg7 : memref<!tpu.dma_semaphore, #tpu.memory_space<semaphore_mem>>)
    %get3A_3150 = arith.constant 94 : index
    %get3A_3151 = memref.load %arg0[%get3A_3150] : memref<128xi32, #tpu.memory_space<smem>>
    %jit3A_3152 = arith.constant 128 : i32
    %div3A_3153 = arith.divsi %get3A_3151, %jit3A_3152 : i32
    %sign3A_3154 = arith.constant 0 : i32
    %sign3A_3155 = arith.cmpi sgt, %get3A_3151, %sign3A_3154 : i32
    %sign3A_3156 = arith.extui %sign3A_3155 : i1 to i32
    %sign3A_3157 = arith.constant 0 : i32
    %sign3A_3158 = arith.cmpi slt, %get3A_3151, %sign3A_3157 : i32
    %sign3A_3159 = arith.extui %sign3A_3158 : i1 to i32
    %sign3A_3160 = arith.subi %sign3A_3156, %sign3A_3159 : i32
    %sign3A_3161 = arith.constant 0 : i32
    %sign3A_3162 = arith.cmpi sgt, %jit3A_3152, %sign3A_3161 : i32
    %sign3A_3163 = arith.extui %sign3A_3162 : i1 to i32
    %sign3A_3164 = arith.constant 0 : i32
    %sign3A_3165 = arith.cmpi slt, %jit3A_3152, %sign3A_3164 : i32
    %sign3A_3166 = arith.extui %sign3A_3165 : i1 to i32
    %sign3A_3167 = arith.subi %sign3A_3163, %sign3A_3166 : i32
    %ne3A_3168 = arith.cmpi ne, %sign3A_3160, %sign3A_3167 : i32
    %rem3A_3169 = arith.remsi %get3A_3151, %jit3A_3152 : i32
    %ne3A_3170 = arith.constant 0 : i32
    %ne3A_3171 = arith.cmpi ne, %rem3A_3169, %ne3A_3170 : i32
    %and3A_3172 = arith.andi %ne3A_3168, %ne3A_3171 : i1
    %sub3A_3173 = arith.constant 1 : i32
    %sub3A_3174 = arith.subi %div3A_3153, %sub3A_3173 : i32
    %select_n3A_3175 = arith.select %and3A_3172, %sub3A_3174, %div3A_3153 : i32
    %mul3A_3176 = arith.constant 128 : i32
    %mul3A_3177 = arith.muli %select_n3A_3175, %mul3A_3176 : i32
    %dma_start3A_3178 = arith.constant 94 : i32
    %dma_start3A_3179 = tpu.memref_slice %arg5[%mul3A_3177] : memref<12800000xf32, #tpu.memory_space<any>> -> memref<128xf32, #tpu.memory_space<any>>
    %dma_start3A_3180 = arith.constant 0 : i32
    %dma_start3A_3181 = tpu.memref_slice %arg6[%dma_start3A_3178, %dma_start3A_3180] : memref<128x128xf32, #tpu.memory_space<vmem>> -> memref<1x128xf32, #tpu.memory_space<vmem>>
    %dma_start3A_3182 = tpu.memref_squeeze %dma_start3A_3181 : memref<1x128xf32, #tpu.memory_space<vmem>> -> memref<128xf32, #tpu.memory_space<vmem>>
    tpu.enqueue_dma source(%dma_start3A_3182 : memref<128xf32, #tpu.memory_space<vmem>>) target(%dma_start3A_3179 : memref<128xf32, #tpu.memory_space<any>>) target_semaphore(%arg7 : memref<!tpu.dma_semaphore, #tpu.memory_space<semaphore_mem>>)
    %get3A_3183 = arith.constant 95 : index
    %get3A_3184 = memref.load %arg0[%get3A_3183] : memref<128xi32, #tpu.memory_space<smem>>
    %jit3A_3185 = arith.constant 128 : i32
    %div3A_3186 = arith.divsi %get3A_3184, %jit3A_3185 : i32
    %sign3A_3187 = arith.constant 0 : i32
    %sign3A_3188 = arith.cmpi sgt, %get3A_3184, %sign3A_3187 : i32
    %sign3A_3189 = arith.extui %sign3A_3188 : i1 to i32
    %sign3A_3190 = arith.constant 0 : i32
    %sign3A_3191 = arith.cmpi slt, %get3A_3184, %sign3A_3190 : i32
    %sign3A_3192 = arith.extui %sign3A_3191 : i1 to i32
    %sign3A_3193 = arith.subi %sign3A_3189, %sign3A_3192 : i32
    %sign3A_3194 = arith.constant 0 : i32
    %sign3A_3195 = arith.cmpi sgt, %jit3A_3185, %sign3A_3194 : i32
    %sign3A_3196 = arith.extui %sign3A_3195 : i1 to i32
    %sign3A_3197 = arith.constant 0 : i32
    %sign3A_3198 = arith.cmpi slt, %jit3A_3185, %sign3A_3197 : i32
    %sign3A_3199 = arith.extui %sign3A_3198 : i1 to i32
    %sign3A_3200 = arith.subi %sign3A_3196, %sign3A_3199 : i32
    %ne3A_3201 = arith.cmpi ne, %sign3A_3193, %sign3A_3200 : i32
    %rem3A_3202 = arith.remsi %get3A_3184, %jit3A_3185 : i32
    %ne3A_3203 = arith.constant 0 : i32
    %ne3A_3204 = arith.cmpi ne, %rem3A_3202, %ne3A_3203 : i32
    %and3A_3205 = arith.andi %ne3A_3201, %ne3A_3204 : i1
    %sub3A_3206 = arith.constant 1 : i32
    %sub3A_3207 = arith.subi %div3A_3186, %sub3A_3206 : i32
    %select_n3A_3208 = arith.select %and3A_3205, %sub3A_3207, %div3A_3186 : i32
    %mul3A_3209 = arith.constant 128 : i32
    %mul3A_3210 = arith.muli %select_n3A_3208, %mul3A_3209 : i32
    %dma_start3A_3211 = arith.constant 95 : i32
    %dma_start3A_3212 = tpu.memref_slice %arg5[%mul3A_3210] : memref<12800000xf32, #tpu.memory_space<any>> -> memref<128xf32, #tpu.memory_space<any>>
    %dma_start3A_3213 = arith.constant 0 : i32
    %dma_start3A_3214 = tpu.memref_slice %arg6[%dma_start3A_3211, %dma_start3A_3213] : memref<128x128xf32, #tpu.memory_space<vmem>> -> memref<1x128xf32, #tpu.memory_space<vmem>>
    %dma_start3A_3215 = tpu.memref_squeeze %dma_start3A_3214 : memref<1x128xf32, #tpu.memory_space<vmem>> -> memref<128xf32, #tpu.memory_space<vmem>>
    tpu.enqueue_dma source(%dma_start3A_3215 : memref<128xf32, #tpu.memory_space<vmem>>) target(%dma_start3A_3212 : memref<128xf32, #tpu.memory_space<any>>) target_semaphore(%arg7 : memref<!tpu.dma_semaphore, #tpu.memory_space<semaphore_mem>>)
    %get3A_3216 = arith.constant 96 : index
    %get3A_3217 = memref.load %arg0[%get3A_3216] : memref<128xi32, #tpu.memory_space<smem>>
    %jit3A_3218 = arith.constant 128 : i32
    %div3A_3219 = arith.divsi %get3A_3217, %jit3A_3218 : i32
    %sign3A_3220 = arith.constant 0 : i32
    %sign3A_3221 = arith.cmpi sgt, %get3A_3217, %sign3A_3220 : i32
    %sign3A_3222 = arith.extui %sign3A_3221 : i1 to i32
    %sign3A_3223 = arith.constant 0 : i32
    %sign3A_3224 = arith.cmpi slt, %get3A_3217, %sign3A_3223 : i32
    %sign3A_3225 = arith.extui %sign3A_3224 : i1 to i32
    %sign3A_3226 = arith.subi %sign3A_3222, %sign3A_3225 : i32
    %sign3A_3227 = arith.constant 0 : i32
    %sign3A_3228 = arith.cmpi sgt, %jit3A_3218, %sign3A_3227 : i32
    %sign3A_3229 = arith.extui %sign3A_3228 : i1 to i32
    %sign3A_3230 = arith.constant 0 : i32
    %sign3A_3231 = arith.cmpi slt, %jit3A_3218, %sign3A_3230 : i32
    %sign3A_3232 = arith.extui %sign3A_3231 : i1 to i32
    %sign3A_3233 = arith.subi %sign3A_3229, %sign3A_3232 : i32
    %ne3A_3234 = arith.cmpi ne, %sign3A_3226, %sign3A_3233 : i32
    %rem3A_3235 = arith.remsi %get3A_3217, %jit3A_3218 : i32
    %ne3A_3236 = arith.constant 0 : i32
    %ne3A_3237 = arith.cmpi ne, %rem3A_3235, %ne3A_3236 : i32
    %and3A_3238 = arith.andi %ne3A_3234, %ne3A_3237 : i1
    %sub3A_3239 = arith.constant 1 : i32
    %sub3A_3240 = arith.subi %div3A_3219, %sub3A_3239 : i32
    %select_n3A_3241 = arith.select %and3A_3238, %sub3A_3240, %div3A_3219 : i32
    %mul3A_3242 = arith.constant 128 : i32
    %mul3A_3243 = arith.muli %select_n3A_3241, %mul3A_3242 : i32
    %dma_start3A_3244 = arith.constant 96 : i32
    %dma_start3A_3245 = tpu.memref_slice %arg5[%mul3A_3243] : memref<12800000xf32, #tpu.memory_space<any>> -> memref<128xf32, #tpu.memory_space<any>>
    %dma_start3A_3246 = arith.constant 0 : i32
    %dma_start3A_3247 = tpu.memref_slice %arg6[%dma_start3A_3244, %dma_start3A_3246] : memref<128x128xf32, #tpu.memory_space<vmem>> -> memref<1x128xf32, #tpu.memory_space<vmem>>
    %dma_start3A_3248 = tpu.memref_squeeze %dma_start3A_3247 : memref<1x128xf32, #tpu.memory_space<vmem>> -> memref<128xf32, #tpu.memory_space<vmem>>
    tpu.enqueue_dma source(%dma_start3A_3248 : memref<128xf32, #tpu.memory_space<vmem>>) target(%dma_start3A_3245 : memref<128xf32, #tpu.memory_space<any>>) target_semaphore(%arg7 : memref<!tpu.dma_semaphore, #tpu.memory_space<semaphore_mem>>)
    %get3A_3249 = arith.constant 97 : index
    %get3A_3250 = memref.load %arg0[%get3A_3249] : memref<128xi32, #tpu.memory_space<smem>>
    %jit3A_3251 = arith.constant 128 : i32
    %div3A_3252 = arith.divsi %get3A_3250, %jit3A_3251 : i32
    %sign3A_3253 = arith.constant 0 : i32
    %sign3A_3254 = arith.cmpi sgt, %get3A_3250, %sign3A_3253 : i32
    %sign3A_3255 = arith.extui %sign3A_3254 : i1 to i32
    %sign3A_3256 = arith.constant 0 : i32
    %sign3A_3257 = arith.cmpi slt, %get3A_3250, %sign3A_3256 : i32
    %sign3A_3258 = arith.extui %sign3A_3257 : i1 to i32
    %sign3A_3259 = arith.subi %sign3A_3255, %sign3A_3258 : i32
    %sign3A_3260 = arith.constant 0 : i32
    %sign3A_3261 = arith.cmpi sgt, %jit3A_3251, %sign3A_3260 : i32
    %sign3A_3262 = arith.extui %sign3A_3261 : i1 to i32
    %sign3A_3263 = arith.constant 0 : i32
    %sign3A_3264 = arith.cmpi slt, %jit3A_3251, %sign3A_3263 : i32
    %sign3A_3265 = arith.extui %sign3A_3264 : i1 to i32
    %sign3A_3266 = arith.subi %sign3A_3262, %sign3A_3265 : i32
    %ne3A_3267 = arith.cmpi ne, %sign3A_3259, %sign3A_3266 : i32
    %rem3A_3268 = arith.remsi %get3A_3250, %jit3A_3251 : i32
    %ne3A_3269 = arith.constant 0 : i32
    %ne3A_3270 = arith.cmpi ne, %rem3A_3268, %ne3A_3269 : i32
    %and3A_3271 = arith.andi %ne3A_3267, %ne3A_3270 : i1
    %sub3A_3272 = arith.constant 1 : i32
    %sub3A_3273 = arith.subi %div3A_3252, %sub3A_3272 : i32
    %select_n3A_3274 = arith.select %and3A_3271, %sub3A_3273, %div3A_3252 : i32
    %mul3A_3275 = arith.constant 128 : i32
    %mul3A_3276 = arith.muli %select_n3A_3274, %mul3A_3275 : i32
    %dma_start3A_3277 = arith.constant 97 : i32
    %dma_start3A_3278 = tpu.memref_slice %arg5[%mul3A_3276] : memref<12800000xf32, #tpu.memory_space<any>> -> memref<128xf32, #tpu.memory_space<any>>
    %dma_start3A_3279 = arith.constant 0 : i32
    %dma_start3A_3280 = tpu.memref_slice %arg6[%dma_start3A_3277, %dma_start3A_3279] : memref<128x128xf32, #tpu.memory_space<vmem>> -> memref<1x128xf32, #tpu.memory_space<vmem>>
    %dma_start3A_3281 = tpu.memref_squeeze %dma_start3A_3280 : memref<1x128xf32, #tpu.memory_space<vmem>> -> memref<128xf32, #tpu.memory_space<vmem>>
    tpu.enqueue_dma source(%dma_start3A_3281 : memref<128xf32, #tpu.memory_space<vmem>>) target(%dma_start3A_3278 : memref<128xf32, #tpu.memory_space<any>>) target_semaphore(%arg7 : memref<!tpu.dma_semaphore, #tpu.memory_space<semaphore_mem>>)
    %get3A_3282 = arith.constant 98 : index
    %get3A_3283 = memref.load %arg0[%get3A_3282] : memref<128xi32, #tpu.memory_space<smem>>
    %jit3A_3284 = arith.constant 128 : i32
    %div3A_3285 = arith.divsi %get3A_3283, %jit3A_3284 : i32
    %sign3A_3286 = arith.constant 0 : i32
    %sign3A_3287 = arith.cmpi sgt, %get3A_3283, %sign3A_3286 : i32
    %sign3A_3288 = arith.extui %sign3A_3287 : i1 to i32
    %sign3A_3289 = arith.constant 0 : i32
    %sign3A_3290 = arith.cmpi slt, %get3A_3283, %sign3A_3289 : i32
    %sign3A_3291 = arith.extui %sign3A_3290 : i1 to i32
    %sign3A_3292 = arith.subi %sign3A_3288, %sign3A_3291 : i32
    %sign3A_3293 = arith.constant 0 : i32
    %sign3A_3294 = arith.cmpi sgt, %jit3A_3284, %sign3A_3293 : i32
    %sign3A_3295 = arith.extui %sign3A_3294 : i1 to i32
    %sign3A_3296 = arith.constant 0 : i32
    %sign3A_3297 = arith.cmpi slt, %jit3A_3284, %sign3A_3296 : i32
    %sign3A_3298 = arith.extui %sign3A_3297 : i1 to i32
    %sign3A_3299 = arith.subi %sign3A_3295, %sign3A_3298 : i32
    %ne3A_3300 = arith.cmpi ne, %sign3A_3292, %sign3A_3299 : i32
    %rem3A_3301 = arith.remsi %get3A_3283, %jit3A_3284 : i32
    %ne3A_3302 = arith.constant 0 : i32
    %ne3A_3303 = arith.cmpi ne, %rem3A_3301, %ne3A_3302 : i32
    %and3A_3304 = arith.andi %ne3A_3300, %ne3A_3303 : i1
    %sub3A_3305 = arith.constant 1 : i32
    %sub3A_3306 = arith.subi %div3A_3285, %sub3A_3305 : i32
    %select_n3A_3307 = arith.select %and3A_3304, %sub3A_3306, %div3A_3285 : i32
    %mul3A_3308 = arith.constant 128 : i32
    %mul3A_3309 = arith.muli %select_n3A_3307, %mul3A_3308 : i32
    %dma_start3A_3310 = arith.constant 98 : i32
    %dma_start3A_3311 = tpu.memref_slice %arg5[%mul3A_3309] : memref<12800000xf32, #tpu.memory_space<any>> -> memref<128xf32, #tpu.memory_space<any>>
    %dma_start3A_3312 = arith.constant 0 : i32
    %dma_start3A_3313 = tpu.memref_slice %arg6[%dma_start3A_3310, %dma_start3A_3312] : memref<128x128xf32, #tpu.memory_space<vmem>> -> memref<1x128xf32, #tpu.memory_space<vmem>>
    %dma_start3A_3314 = tpu.memref_squeeze %dma_start3A_3313 : memref<1x128xf32, #tpu.memory_space<vmem>> -> memref<128xf32, #tpu.memory_space<vmem>>
    tpu.enqueue_dma source(%dma_start3A_3314 : memref<128xf32, #tpu.memory_space<vmem>>) target(%dma_start3A_3311 : memref<128xf32, #tpu.memory_space<any>>) target_semaphore(%arg7 : memref<!tpu.dma_semaphore, #tpu.memory_space<semaphore_mem>>)
    %get3A_3315 = arith.constant 99 : index
    %get3A_3316 = memref.load %arg0[%get3A_3315] : memref<128xi32, #tpu.memory_space<smem>>
    %jit3A_3317 = arith.constant 128 : i32
    %div3A_3318 = arith.divsi %get3A_3316, %jit3A_3317 : i32
    %sign3A_3319 = arith.constant 0 : i32
    %sign3A_3320 = arith.cmpi sgt, %get3A_3316, %sign3A_3319 : i32
    %sign3A_3321 = arith.extui %sign3A_3320 : i1 to i32
    %sign3A_3322 = arith.constant 0 : i32
    %sign3A_3323 = arith.cmpi slt, %get3A_3316, %sign3A_3322 : i32
    %sign3A_3324 = arith.extui %sign3A_3323 : i1 to i32
    %sign3A_3325 = arith.subi %sign3A_3321, %sign3A_3324 : i32
    %sign3A_3326 = arith.constant 0 : i32
    %sign3A_3327 = arith.cmpi sgt, %jit3A_3317, %sign3A_3326 : i32
    %sign3A_3328 = arith.extui %sign3A_3327 : i1 to i32
    %sign3A_3329 = arith.constant 0 : i32
    %sign3A_3330 = arith.cmpi slt, %jit3A_3317, %sign3A_3329 : i32
    %sign3A_3331 = arith.extui %sign3A_3330 : i1 to i32
    %sign3A_3332 = arith.subi %sign3A_3328, %sign3A_3331 : i32
    %ne3A_3333 = arith.cmpi ne, %sign3A_3325, %sign3A_3332 : i32
    %rem3A_3334 = arith.remsi %get3A_3316, %jit3A_3317 : i32
    %ne3A_3335 = arith.constant 0 : i32
    %ne3A_3336 = arith.cmpi ne, %rem3A_3334, %ne3A_3335 : i32
    %and3A_3337 = arith.andi %ne3A_3333, %ne3A_3336 : i1
    %sub3A_3338 = arith.constant 1 : i32
    %sub3A_3339 = arith.subi %div3A_3318, %sub3A_3338 : i32
    %select_n3A_3340 = arith.select %and3A_3337, %sub3A_3339, %div3A_3318 : i32
    %mul3A_3341 = arith.constant 128 : i32
    %mul3A_3342 = arith.muli %select_n3A_3340, %mul3A_3341 : i32
    %dma_start3A_3343 = arith.constant 99 : i32
    %dma_start3A_3344 = tpu.memref_slice %arg5[%mul3A_3342] : memref<12800000xf32, #tpu.memory_space<any>> -> memref<128xf32, #tpu.memory_space<any>>
    %dma_start3A_3345 = arith.constant 0 : i32
    %dma_start3A_3346 = tpu.memref_slice %arg6[%dma_start3A_3343, %dma_start3A_3345] : memref<128x128xf32, #tpu.memory_space<vmem>> -> memref<1x128xf32, #tpu.memory_space<vmem>>
    %dma_start3A_3347 = tpu.memref_squeeze %dma_start3A_3346 : memref<1x128xf32, #tpu.memory_space<vmem>> -> memref<128xf32, #tpu.memory_space<vmem>>
    tpu.enqueue_dma source(%dma_start3A_3347 : memref<128xf32, #tpu.memory_space<vmem>>) target(%dma_start3A_3344 : memref<128xf32, #tpu.memory_space<any>>) target_semaphore(%arg7 : memref<!tpu.dma_semaphore, #tpu.memory_space<semaphore_mem>>)
    %get3A_3348 = arith.constant 100 : index
    %get3A_3349 = memref.load %arg0[%get3A_3348] : memref<128xi32, #tpu.memory_space<smem>>
    %jit3A_3350 = arith.constant 128 : i32
    %div3A_3351 = arith.divsi %get3A_3349, %jit3A_3350 : i32
    %sign3A_3352 = arith.constant 0 : i32
    %sign3A_3353 = arith.cmpi sgt, %get3A_3349, %sign3A_3352 : i32
    %sign3A_3354 = arith.extui %sign3A_3353 : i1 to i32
    %sign3A_3355 = arith.constant 0 : i32
    %sign3A_3356 = arith.cmpi slt, %get3A_3349, %sign3A_3355 : i32
    %sign3A_3357 = arith.extui %sign3A_3356 : i1 to i32
    %sign3A_3358 = arith.subi %sign3A_3354, %sign3A_3357 : i32
    %sign3A_3359 = arith.constant 0 : i32
    %sign3A_3360 = arith.cmpi sgt, %jit3A_3350, %sign3A_3359 : i32
    %sign3A_3361 = arith.extui %sign3A_3360 : i1 to i32
    %sign3A_3362 = arith.constant 0 : i32
    %sign3A_3363 = arith.cmpi slt, %jit3A_3350, %sign3A_3362 : i32
    %sign3A_3364 = arith.extui %sign3A_3363 : i1 to i32
    %sign3A_3365 = arith.subi %sign3A_3361, %sign3A_3364 : i32
    %ne3A_3366 = arith.cmpi ne, %sign3A_3358, %sign3A_3365 : i32
    %rem3A_3367 = arith.remsi %get3A_3349, %jit3A_3350 : i32
    %ne3A_3368 = arith.constant 0 : i32
    %ne3A_3369 = arith.cmpi ne, %rem3A_3367, %ne3A_3368 : i32
    %and3A_3370 = arith.andi %ne3A_3366, %ne3A_3369 : i1
    %sub3A_3371 = arith.constant 1 : i32
    %sub3A_3372 = arith.subi %div3A_3351, %sub3A_3371 : i32
    %select_n3A_3373 = arith.select %and3A_3370, %sub3A_3372, %div3A_3351 : i32
    %mul3A_3374 = arith.constant 128 : i32
    %mul3A_3375 = arith.muli %select_n3A_3373, %mul3A_3374 : i32
    %dma_start3A_3376 = arith.constant 100 : i32
    %dma_start3A_3377 = tpu.memref_slice %arg5[%mul3A_3375] : memref<12800000xf32, #tpu.memory_space<any>> -> memref<128xf32, #tpu.memory_space<any>>
    %dma_start3A_3378 = arith.constant 0 : i32
    %dma_start3A_3379 = tpu.memref_slice %arg6[%dma_start3A_3376, %dma_start3A_3378] : memref<128x128xf32, #tpu.memory_space<vmem>> -> memref<1x128xf32, #tpu.memory_space<vmem>>
    %dma_start3A_3380 = tpu.memref_squeeze %dma_start3A_3379 : memref<1x128xf32, #tpu.memory_space<vmem>> -> memref<128xf32, #tpu.memory_space<vmem>>
    tpu.enqueue_dma source(%dma_start3A_3380 : memref<128xf32, #tpu.memory_space<vmem>>) target(%dma_start3A_3377 : memref<128xf32, #tpu.memory_space<any>>) target_semaphore(%arg7 : memref<!tpu.dma_semaphore, #tpu.memory_space<semaphore_mem>>)
    %get3A_3381 = arith.constant 101 : index
    %get3A_3382 = memref.load %arg0[%get3A_3381] : memref<128xi32, #tpu.memory_space<smem>>
    %jit3A_3383 = arith.constant 128 : i32
    %div3A_3384 = arith.divsi %get3A_3382, %jit3A_3383 : i32
    %sign3A_3385 = arith.constant 0 : i32
    %sign3A_3386 = arith.cmpi sgt, %get3A_3382, %sign3A_3385 : i32
    %sign3A_3387 = arith.extui %sign3A_3386 : i1 to i32
    %sign3A_3388 = arith.constant 0 : i32
    %sign3A_3389 = arith.cmpi slt, %get3A_3382, %sign3A_3388 : i32
    %sign3A_3390 = arith.extui %sign3A_3389 : i1 to i32
    %sign3A_3391 = arith.subi %sign3A_3387, %sign3A_3390 : i32
    %sign3A_3392 = arith.constant 0 : i32
    %sign3A_3393 = arith.cmpi sgt, %jit3A_3383, %sign3A_3392 : i32
    %sign3A_3394 = arith.extui %sign3A_3393 : i1 to i32
    %sign3A_3395 = arith.constant 0 : i32
    %sign3A_3396 = arith.cmpi slt, %jit3A_3383, %sign3A_3395 : i32
    %sign3A_3397 = arith.extui %sign3A_3396 : i1 to i32
    %sign3A_3398 = arith.subi %sign3A_3394, %sign3A_3397 : i32
    %ne3A_3399 = arith.cmpi ne, %sign3A_3391, %sign3A_3398 : i32
    %rem3A_3400 = arith.remsi %get3A_3382, %jit3A_3383 : i32
    %ne3A_3401 = arith.constant 0 : i32
    %ne3A_3402 = arith.cmpi ne, %rem3A_3400, %ne3A_3401 : i32
    %and3A_3403 = arith.andi %ne3A_3399, %ne3A_3402 : i1
    %sub3A_3404 = arith.constant 1 : i32
    %sub3A_3405 = arith.subi %div3A_3384, %sub3A_3404 : i32
    %select_n3A_3406 = arith.select %and3A_3403, %sub3A_3405, %div3A_3384 : i32
    %mul3A_3407 = arith.constant 128 : i32
    %mul3A_3408 = arith.muli %select_n3A_3406, %mul3A_3407 : i32
    %dma_start3A_3409 = arith.constant 101 : i32
    %dma_start3A_3410 = tpu.memref_slice %arg5[%mul3A_3408] : memref<12800000xf32, #tpu.memory_space<any>> -> memref<128xf32, #tpu.memory_space<any>>
    %dma_start3A_3411 = arith.constant 0 : i32
    %dma_start3A_3412 = tpu.memref_slice %arg6[%dma_start3A_3409, %dma_start3A_3411] : memref<128x128xf32, #tpu.memory_space<vmem>> -> memref<1x128xf32, #tpu.memory_space<vmem>>
    %dma_start3A_3413 = tpu.memref_squeeze %dma_start3A_3412 : memref<1x128xf32, #tpu.memory_space<vmem>> -> memref<128xf32, #tpu.memory_space<vmem>>
    tpu.enqueue_dma source(%dma_start3A_3413 : memref<128xf32, #tpu.memory_space<vmem>>) target(%dma_start3A_3410 : memref<128xf32, #tpu.memory_space<any>>) target_semaphore(%arg7 : memref<!tpu.dma_semaphore, #tpu.memory_space<semaphore_mem>>)
    %get3A_3414 = arith.constant 102 : index
    %get3A_3415 = memref.load %arg0[%get3A_3414] : memref<128xi32, #tpu.memory_space<smem>>
    %jit3A_3416 = arith.constant 128 : i32
    %div3A_3417 = arith.divsi %get3A_3415, %jit3A_3416 : i32
    %sign3A_3418 = arith.constant 0 : i32
    %sign3A_3419 = arith.cmpi sgt, %get3A_3415, %sign3A_3418 : i32
    %sign3A_3420 = arith.extui %sign3A_3419 : i1 to i32
    %sign3A_3421 = arith.constant 0 : i32
    %sign3A_3422 = arith.cmpi slt, %get3A_3415, %sign3A_3421 : i32
    %sign3A_3423 = arith.extui %sign3A_3422 : i1 to i32
    %sign3A_3424 = arith.subi %sign3A_3420, %sign3A_3423 : i32
    %sign3A_3425 = arith.constant 0 : i32
    %sign3A_3426 = arith.cmpi sgt, %jit3A_3416, %sign3A_3425 : i32
    %sign3A_3427 = arith.extui %sign3A_3426 : i1 to i32
    %sign3A_3428 = arith.constant 0 : i32
    %sign3A_3429 = arith.cmpi slt, %jit3A_3416, %sign3A_3428 : i32
    %sign3A_3430 = arith.extui %sign3A_3429 : i1 to i32
    %sign3A_3431 = arith.subi %sign3A_3427, %sign3A_3430 : i32
    %ne3A_3432 = arith.cmpi ne, %sign3A_3424, %sign3A_3431 : i32
    %rem3A_3433 = arith.remsi %get3A_3415, %jit3A_3416 : i32
    %ne3A_3434 = arith.constant 0 : i32
    %ne3A_3435 = arith.cmpi ne, %rem3A_3433, %ne3A_3434 : i32
    %and3A_3436 = arith.andi %ne3A_3432, %ne3A_3435 : i1
    %sub3A_3437 = arith.constant 1 : i32
    %sub3A_3438 = arith.subi %div3A_3417, %sub3A_3437 : i32
    %select_n3A_3439 = arith.select %and3A_3436, %sub3A_3438, %div3A_3417 : i32
    %mul3A_3440 = arith.constant 128 : i32
    %mul3A_3441 = arith.muli %select_n3A_3439, %mul3A_3440 : i32
    %dma_start3A_3442 = arith.constant 102 : i32
    %dma_start3A_3443 = tpu.memref_slice %arg5[%mul3A_3441] : memref<12800000xf32, #tpu.memory_space<any>> -> memref<128xf32, #tpu.memory_space<any>>
    %dma_start3A_3444 = arith.constant 0 : i32
    %dma_start3A_3445 = tpu.memref_slice %arg6[%dma_start3A_3442, %dma_start3A_3444] : memref<128x128xf32, #tpu.memory_space<vmem>> -> memref<1x128xf32, #tpu.memory_space<vmem>>
    %dma_start3A_3446 = tpu.memref_squeeze %dma_start3A_3445 : memref<1x128xf32, #tpu.memory_space<vmem>> -> memref<128xf32, #tpu.memory_space<vmem>>
    tpu.enqueue_dma source(%dma_start3A_3446 : memref<128xf32, #tpu.memory_space<vmem>>) target(%dma_start3A_3443 : memref<128xf32, #tpu.memory_space<any>>) target_semaphore(%arg7 : memref<!tpu.dma_semaphore, #tpu.memory_space<semaphore_mem>>)
    %get3A_3447 = arith.constant 103 : index
    %get3A_3448 = memref.load %arg0[%get3A_3447] : memref<128xi32, #tpu.memory_space<smem>>
    %jit3A_3449 = arith.constant 128 : i32
    %div3A_3450 = arith.divsi %get3A_3448, %jit3A_3449 : i32
    %sign3A_3451 = arith.constant 0 : i32
    %sign3A_3452 = arith.cmpi sgt, %get3A_3448, %sign3A_3451 : i32
    %sign3A_3453 = arith.extui %sign3A_3452 : i1 to i32
    %sign3A_3454 = arith.constant 0 : i32
    %sign3A_3455 = arith.cmpi slt, %get3A_3448, %sign3A_3454 : i32
    %sign3A_3456 = arith.extui %sign3A_3455 : i1 to i32
    %sign3A_3457 = arith.subi %sign3A_3453, %sign3A_3456 : i32
    %sign3A_3458 = arith.constant 0 : i32
    %sign3A_3459 = arith.cmpi sgt, %jit3A_3449, %sign3A_3458 : i32
    %sign3A_3460 = arith.extui %sign3A_3459 : i1 to i32
    %sign3A_3461 = arith.constant 0 : i32
    %sign3A_3462 = arith.cmpi slt, %jit3A_3449, %sign3A_3461 : i32
    %sign3A_3463 = arith.extui %sign3A_3462 : i1 to i32
    %sign3A_3464 = arith.subi %sign3A_3460, %sign3A_3463 : i32
    %ne3A_3465 = arith.cmpi ne, %sign3A_3457, %sign3A_3464 : i32
    %rem3A_3466 = arith.remsi %get3A_3448, %jit3A_3449 : i32
    %ne3A_3467 = arith.constant 0 : i32
    %ne3A_3468 = arith.cmpi ne, %rem3A_3466, %ne3A_3467 : i32
    %and3A_3469 = arith.andi %ne3A_3465, %ne3A_3468 : i1
    %sub3A_3470 = arith.constant 1 : i32
    %sub3A_3471 = arith.subi %div3A_3450, %sub3A_3470 : i32
    %select_n3A_3472 = arith.select %and3A_3469, %sub3A_3471, %div3A_3450 : i32
    %mul3A_3473 = arith.constant 128 : i32
    %mul3A_3474 = arith.muli %select_n3A_3472, %mul3A_3473 : i32
    %dma_start3A_3475 = arith.constant 103 : i32
    %dma_start3A_3476 = tpu.memref_slice %arg5[%mul3A_3474] : memref<12800000xf32, #tpu.memory_space<any>> -> memref<128xf32, #tpu.memory_space<any>>
    %dma_start3A_3477 = arith.constant 0 : i32
    %dma_start3A_3478 = tpu.memref_slice %arg6[%dma_start3A_3475, %dma_start3A_3477] : memref<128x128xf32, #tpu.memory_space<vmem>> -> memref<1x128xf32, #tpu.memory_space<vmem>>
    %dma_start3A_3479 = tpu.memref_squeeze %dma_start3A_3478 : memref<1x128xf32, #tpu.memory_space<vmem>> -> memref<128xf32, #tpu.memory_space<vmem>>
    tpu.enqueue_dma source(%dma_start3A_3479 : memref<128xf32, #tpu.memory_space<vmem>>) target(%dma_start3A_3476 : memref<128xf32, #tpu.memory_space<any>>) target_semaphore(%arg7 : memref<!tpu.dma_semaphore, #tpu.memory_space<semaphore_mem>>)
    %get3A_3480 = arith.constant 104 : index
    %get3A_3481 = memref.load %arg0[%get3A_3480] : memref<128xi32, #tpu.memory_space<smem>>
    %jit3A_3482 = arith.constant 128 : i32
    %div3A_3483 = arith.divsi %get3A_3481, %jit3A_3482 : i32
    %sign3A_3484 = arith.constant 0 : i32
    %sign3A_3485 = arith.cmpi sgt, %get3A_3481, %sign3A_3484 : i32
    %sign3A_3486 = arith.extui %sign3A_3485 : i1 to i32
    %sign3A_3487 = arith.constant 0 : i32
    %sign3A_3488 = arith.cmpi slt, %get3A_3481, %sign3A_3487 : i32
    %sign3A_3489 = arith.extui %sign3A_3488 : i1 to i32
    %sign3A_3490 = arith.subi %sign3A_3486, %sign3A_3489 : i32
    %sign3A_3491 = arith.constant 0 : i32
    %sign3A_3492 = arith.cmpi sgt, %jit3A_3482, %sign3A_3491 : i32
    %sign3A_3493 = arith.extui %sign3A_3492 : i1 to i32
    %sign3A_3494 = arith.constant 0 : i32
    %sign3A_3495 = arith.cmpi slt, %jit3A_3482, %sign3A_3494 : i32
    %sign3A_3496 = arith.extui %sign3A_3495 : i1 to i32
    %sign3A_3497 = arith.subi %sign3A_3493, %sign3A_3496 : i32
    %ne3A_3498 = arith.cmpi ne, %sign3A_3490, %sign3A_3497 : i32
    %rem3A_3499 = arith.remsi %get3A_3481, %jit3A_3482 : i32
    %ne3A_3500 = arith.constant 0 : i32
    %ne3A_3501 = arith.cmpi ne, %rem3A_3499, %ne3A_3500 : i32
    %and3A_3502 = arith.andi %ne3A_3498, %ne3A_3501 : i1
    %sub3A_3503 = arith.constant 1 : i32
    %sub3A_3504 = arith.subi %div3A_3483, %sub3A_3503 : i32
    %select_n3A_3505 = arith.select %and3A_3502, %sub3A_3504, %div3A_3483 : i32
    %mul3A_3506 = arith.constant 128 : i32
    %mul3A_3507 = arith.muli %select_n3A_3505, %mul3A_3506 : i32
    %dma_start3A_3508 = arith.constant 104 : i32
    %dma_start3A_3509 = tpu.memref_slice %arg5[%mul3A_3507] : memref<12800000xf32, #tpu.memory_space<any>> -> memref<128xf32, #tpu.memory_space<any>>
    %dma_start3A_3510 = arith.constant 0 : i32
    %dma_start3A_3511 = tpu.memref_slice %arg6[%dma_start3A_3508, %dma_start3A_3510] : memref<128x128xf32, #tpu.memory_space<vmem>> -> memref<1x128xf32, #tpu.memory_space<vmem>>
    %dma_start3A_3512 = tpu.memref_squeeze %dma_start3A_3511 : memref<1x128xf32, #tpu.memory_space<vmem>> -> memref<128xf32, #tpu.memory_space<vmem>>
    tpu.enqueue_dma source(%dma_start3A_3512 : memref<128xf32, #tpu.memory_space<vmem>>) target(%dma_start3A_3509 : memref<128xf32, #tpu.memory_space<any>>) target_semaphore(%arg7 : memref<!tpu.dma_semaphore, #tpu.memory_space<semaphore_mem>>)
    %get3A_3513 = arith.constant 105 : index
    %get3A_3514 = memref.load %arg0[%get3A_3513] : memref<128xi32, #tpu.memory_space<smem>>
    %jit3A_3515 = arith.constant 128 : i32
    %div3A_3516 = arith.divsi %get3A_3514, %jit3A_3515 : i32
    %sign3A_3517 = arith.constant 0 : i32
    %sign3A_3518 = arith.cmpi sgt, %get3A_3514, %sign3A_3517 : i32
    %sign3A_3519 = arith.extui %sign3A_3518 : i1 to i32
    %sign3A_3520 = arith.constant 0 : i32
    %sign3A_3521 = arith.cmpi slt, %get3A_3514, %sign3A_3520 : i32
    %sign3A_3522 = arith.extui %sign3A_3521 : i1 to i32
    %sign3A_3523 = arith.subi %sign3A_3519, %sign3A_3522 : i32
    %sign3A_3524 = arith.constant 0 : i32
    %sign3A_3525 = arith.cmpi sgt, %jit3A_3515, %sign3A_3524 : i32
    %sign3A_3526 = arith.extui %sign3A_3525 : i1 to i32
    %sign3A_3527 = arith.constant 0 : i32
    %sign3A_3528 = arith.cmpi slt, %jit3A_3515, %sign3A_3527 : i32
    %sign3A_3529 = arith.extui %sign3A_3528 : i1 to i32
    %sign3A_3530 = arith.subi %sign3A_3526, %sign3A_3529 : i32
    %ne3A_3531 = arith.cmpi ne, %sign3A_3523, %sign3A_3530 : i32
    %rem3A_3532 = arith.remsi %get3A_3514, %jit3A_3515 : i32
    %ne3A_3533 = arith.constant 0 : i32
    %ne3A_3534 = arith.cmpi ne, %rem3A_3532, %ne3A_3533 : i32
    %and3A_3535 = arith.andi %ne3A_3531, %ne3A_3534 : i1
    %sub3A_3536 = arith.constant 1 : i32
    %sub3A_3537 = arith.subi %div3A_3516, %sub3A_3536 : i32
    %select_n3A_3538 = arith.select %and3A_3535, %sub3A_3537, %div3A_3516 : i32
    %mul3A_3539 = arith.constant 128 : i32
    %mul3A_3540 = arith.muli %select_n3A_3538, %mul3A_3539 : i32
    %dma_start3A_3541 = arith.constant 105 : i32
    %dma_start3A_3542 = tpu.memref_slice %arg5[%mul3A_3540] : memref<12800000xf32, #tpu.memory_space<any>> -> memref<128xf32, #tpu.memory_space<any>>
    %dma_start3A_3543 = arith.constant 0 : i32
    %dma_start3A_3544 = tpu.memref_slice %arg6[%dma_start3A_3541, %dma_start3A_3543] : memref<128x128xf32, #tpu.memory_space<vmem>> -> memref<1x128xf32, #tpu.memory_space<vmem>>
    %dma_start3A_3545 = tpu.memref_squeeze %dma_start3A_3544 : memref<1x128xf32, #tpu.memory_space<vmem>> -> memref<128xf32, #tpu.memory_space<vmem>>
    tpu.enqueue_dma source(%dma_start3A_3545 : memref<128xf32, #tpu.memory_space<vmem>>) target(%dma_start3A_3542 : memref<128xf32, #tpu.memory_space<any>>) target_semaphore(%arg7 : memref<!tpu.dma_semaphore, #tpu.memory_space<semaphore_mem>>)
    %get3A_3546 = arith.constant 106 : index
    %get3A_3547 = memref.load %arg0[%get3A_3546] : memref<128xi32, #tpu.memory_space<smem>>
    %jit3A_3548 = arith.constant 128 : i32
    %div3A_3549 = arith.divsi %get3A_3547, %jit3A_3548 : i32
    %sign3A_3550 = arith.constant 0 : i32
    %sign3A_3551 = arith.cmpi sgt, %get3A_3547, %sign3A_3550 : i32
    %sign3A_3552 = arith.extui %sign3A_3551 : i1 to i32
    %sign3A_3553 = arith.constant 0 : i32
    %sign3A_3554 = arith.cmpi slt, %get3A_3547, %sign3A_3553 : i32
    %sign3A_3555 = arith.extui %sign3A_3554 : i1 to i32
    %sign3A_3556 = arith.subi %sign3A_3552, %sign3A_3555 : i32
    %sign3A_3557 = arith.constant 0 : i32
    %sign3A_3558 = arith.cmpi sgt, %jit3A_3548, %sign3A_3557 : i32
    %sign3A_3559 = arith.extui %sign3A_3558 : i1 to i32
    %sign3A_3560 = arith.constant 0 : i32
    %sign3A_3561 = arith.cmpi slt, %jit3A_3548, %sign3A_3560 : i32
    %sign3A_3562 = arith.extui %sign3A_3561 : i1 to i32
    %sign3A_3563 = arith.subi %sign3A_3559, %sign3A_3562 : i32
    %ne3A_3564 = arith.cmpi ne, %sign3A_3556, %sign3A_3563 : i32
    %rem3A_3565 = arith.remsi %get3A_3547, %jit3A_3548 : i32
    %ne3A_3566 = arith.constant 0 : i32
    %ne3A_3567 = arith.cmpi ne, %rem3A_3565, %ne3A_3566 : i32
    %and3A_3568 = arith.andi %ne3A_3564, %ne3A_3567 : i1
    %sub3A_3569 = arith.constant 1 : i32
    %sub3A_3570 = arith.subi %div3A_3549, %sub3A_3569 : i32
    %select_n3A_3571 = arith.select %and3A_3568, %sub3A_3570, %div3A_3549 : i32
    %mul3A_3572 = arith.constant 128 : i32
    %mul3A_3573 = arith.muli %select_n3A_3571, %mul3A_3572 : i32
    %dma_start3A_3574 = arith.constant 106 : i32
    %dma_start3A_3575 = tpu.memref_slice %arg5[%mul3A_3573] : memref<12800000xf32, #tpu.memory_space<any>> -> memref<128xf32, #tpu.memory_space<any>>
    %dma_start3A_3576 = arith.constant 0 : i32
    %dma_start3A_3577 = tpu.memref_slice %arg6[%dma_start3A_3574, %dma_start3A_3576] : memref<128x128xf32, #tpu.memory_space<vmem>> -> memref<1x128xf32, #tpu.memory_space<vmem>>
    %dma_start3A_3578 = tpu.memref_squeeze %dma_start3A_3577 : memref<1x128xf32, #tpu.memory_space<vmem>> -> memref<128xf32, #tpu.memory_space<vmem>>
    tpu.enqueue_dma source(%dma_start3A_3578 : memref<128xf32, #tpu.memory_space<vmem>>) target(%dma_start3A_3575 : memref<128xf32, #tpu.memory_space<any>>) target_semaphore(%arg7 : memref<!tpu.dma_semaphore, #tpu.memory_space<semaphore_mem>>)
    %get3A_3579 = arith.constant 107 : index
    %get3A_3580 = memref.load %arg0[%get3A_3579] : memref<128xi32, #tpu.memory_space<smem>>
    %jit3A_3581 = arith.constant 128 : i32
    %div3A_3582 = arith.divsi %get3A_3580, %jit3A_3581 : i32
    %sign3A_3583 = arith.constant 0 : i32
    %sign3A_3584 = arith.cmpi sgt, %get3A_3580, %sign3A_3583 : i32
    %sign3A_3585 = arith.extui %sign3A_3584 : i1 to i32
    %sign3A_3586 = arith.constant 0 : i32
    %sign3A_3587 = arith.cmpi slt, %get3A_3580, %sign3A_3586 : i32
    %sign3A_3588 = arith.extui %sign3A_3587 : i1 to i32
    %sign3A_3589 = arith.subi %sign3A_3585, %sign3A_3588 : i32
    %sign3A_3590 = arith.constant 0 : i32
    %sign3A_3591 = arith.cmpi sgt, %jit3A_3581, %sign3A_3590 : i32
    %sign3A_3592 = arith.extui %sign3A_3591 : i1 to i32
    %sign3A_3593 = arith.constant 0 : i32
    %sign3A_3594 = arith.cmpi slt, %jit3A_3581, %sign3A_3593 : i32
    %sign3A_3595 = arith.extui %sign3A_3594 : i1 to i32
    %sign3A_3596 = arith.subi %sign3A_3592, %sign3A_3595 : i32
    %ne3A_3597 = arith.cmpi ne, %sign3A_3589, %sign3A_3596 : i32
    %rem3A_3598 = arith.remsi %get3A_3580, %jit3A_3581 : i32
    %ne3A_3599 = arith.constant 0 : i32
    %ne3A_3600 = arith.cmpi ne, %rem3A_3598, %ne3A_3599 : i32
    %and3A_3601 = arith.andi %ne3A_3597, %ne3A_3600 : i1
    %sub3A_3602 = arith.constant 1 : i32
    %sub3A_3603 = arith.subi %div3A_3582, %sub3A_3602 : i32
    %select_n3A_3604 = arith.select %and3A_3601, %sub3A_3603, %div3A_3582 : i32
    %mul3A_3605 = arith.constant 128 : i32
    %mul3A_3606 = arith.muli %select_n3A_3604, %mul3A_3605 : i32
    %dma_start3A_3607 = arith.constant 107 : i32
    %dma_start3A_3608 = tpu.memref_slice %arg5[%mul3A_3606] : memref<12800000xf32, #tpu.memory_space<any>> -> memref<128xf32, #tpu.memory_space<any>>
    %dma_start3A_3609 = arith.constant 0 : i32
    %dma_start3A_3610 = tpu.memref_slice %arg6[%dma_start3A_3607, %dma_start3A_3609] : memref<128x128xf32, #tpu.memory_space<vmem>> -> memref<1x128xf32, #tpu.memory_space<vmem>>
    %dma_start3A_3611 = tpu.memref_squeeze %dma_start3A_3610 : memref<1x128xf32, #tpu.memory_space<vmem>> -> memref<128xf32, #tpu.memory_space<vmem>>
    tpu.enqueue_dma source(%dma_start3A_3611 : memref<128xf32, #tpu.memory_space<vmem>>) target(%dma_start3A_3608 : memref<128xf32, #tpu.memory_space<any>>) target_semaphore(%arg7 : memref<!tpu.dma_semaphore, #tpu.memory_space<semaphore_mem>>)
    %get3A_3612 = arith.constant 108 : index
    %get3A_3613 = memref.load %arg0[%get3A_3612] : memref<128xi32, #tpu.memory_space<smem>>
    %jit3A_3614 = arith.constant 128 : i32
    %div3A_3615 = arith.divsi %get3A_3613, %jit3A_3614 : i32
    %sign3A_3616 = arith.constant 0 : i32
    %sign3A_3617 = arith.cmpi sgt, %get3A_3613, %sign3A_3616 : i32
    %sign3A_3618 = arith.extui %sign3A_3617 : i1 to i32
    %sign3A_3619 = arith.constant 0 : i32
    %sign3A_3620 = arith.cmpi slt, %get3A_3613, %sign3A_3619 : i32
    %sign3A_3621 = arith.extui %sign3A_3620 : i1 to i32
    %sign3A_3622 = arith.subi %sign3A_3618, %sign3A_3621 : i32
    %sign3A_3623 = arith.constant 0 : i32
    %sign3A_3624 = arith.cmpi sgt, %jit3A_3614, %sign3A_3623 : i32
    %sign3A_3625 = arith.extui %sign3A_3624 : i1 to i32
    %sign3A_3626 = arith.constant 0 : i32
    %sign3A_3627 = arith.cmpi slt, %jit3A_3614, %sign3A_3626 : i32
    %sign3A_3628 = arith.extui %sign3A_3627 : i1 to i32
    %sign3A_3629 = arith.subi %sign3A_3625, %sign3A_3628 : i32
    %ne3A_3630 = arith.cmpi ne, %sign3A_3622, %sign3A_3629 : i32
    %rem3A_3631 = arith.remsi %get3A_3613, %jit3A_3614 : i32
    %ne3A_3632 = arith.constant 0 : i32
    %ne3A_3633 = arith.cmpi ne, %rem3A_3631, %ne3A_3632 : i32
    %and3A_3634 = arith.andi %ne3A_3630, %ne3A_3633 : i1
    %sub3A_3635 = arith.constant 1 : i32
    %sub3A_3636 = arith.subi %div3A_3615, %sub3A_3635 : i32
    %select_n3A_3637 = arith.select %and3A_3634, %sub3A_3636, %div3A_3615 : i32
    %mul3A_3638 = arith.constant 128 : i32
    %mul3A_3639 = arith.muli %select_n3A_3637, %mul3A_3638 : i32
    %dma_start3A_3640 = arith.constant 108 : i32
    %dma_start3A_3641 = tpu.memref_slice %arg5[%mul3A_3639] : memref<12800000xf32, #tpu.memory_space<any>> -> memref<128xf32, #tpu.memory_space<any>>
    %dma_start3A_3642 = arith.constant 0 : i32
    %dma_start3A_3643 = tpu.memref_slice %arg6[%dma_start3A_3640, %dma_start3A_3642] : memref<128x128xf32, #tpu.memory_space<vmem>> -> memref<1x128xf32, #tpu.memory_space<vmem>>
    %dma_start3A_3644 = tpu.memref_squeeze %dma_start3A_3643 : memref<1x128xf32, #tpu.memory_space<vmem>> -> memref<128xf32, #tpu.memory_space<vmem>>
    tpu.enqueue_dma source(%dma_start3A_3644 : memref<128xf32, #tpu.memory_space<vmem>>) target(%dma_start3A_3641 : memref<128xf32, #tpu.memory_space<any>>) target_semaphore(%arg7 : memref<!tpu.dma_semaphore, #tpu.memory_space<semaphore_mem>>)
    %get3A_3645 = arith.constant 109 : index
    %get3A_3646 = memref.load %arg0[%get3A_3645] : memref<128xi32, #tpu.memory_space<smem>>
    %jit3A_3647 = arith.constant 128 : i32
    %div3A_3648 = arith.divsi %get3A_3646, %jit3A_3647 : i32
    %sign3A_3649 = arith.constant 0 : i32
    %sign3A_3650 = arith.cmpi sgt, %get3A_3646, %sign3A_3649 : i32
    %sign3A_3651 = arith.extui %sign3A_3650 : i1 to i32
    %sign3A_3652 = arith.constant 0 : i32
    %sign3A_3653 = arith.cmpi slt, %get3A_3646, %sign3A_3652 : i32
    %sign3A_3654 = arith.extui %sign3A_3653 : i1 to i32
    %sign3A_3655 = arith.subi %sign3A_3651, %sign3A_3654 : i32
    %sign3A_3656 = arith.constant 0 : i32
    %sign3A_3657 = arith.cmpi sgt, %jit3A_3647, %sign3A_3656 : i32
    %sign3A_3658 = arith.extui %sign3A_3657 : i1 to i32
    %sign3A_3659 = arith.constant 0 : i32
    %sign3A_3660 = arith.cmpi slt, %jit3A_3647, %sign3A_3659 : i32
    %sign3A_3661 = arith.extui %sign3A_3660 : i1 to i32
    %sign3A_3662 = arith.subi %sign3A_3658, %sign3A_3661 : i32
    %ne3A_3663 = arith.cmpi ne, %sign3A_3655, %sign3A_3662 : i32
    %rem3A_3664 = arith.remsi %get3A_3646, %jit3A_3647 : i32
    %ne3A_3665 = arith.constant 0 : i32
    %ne3A_3666 = arith.cmpi ne, %rem3A_3664, %ne3A_3665 : i32
    %and3A_3667 = arith.andi %ne3A_3663, %ne3A_3666 : i1
    %sub3A_3668 = arith.constant 1 : i32
    %sub3A_3669 = arith.subi %div3A_3648, %sub3A_3668 : i32
    %select_n3A_3670 = arith.select %and3A_3667, %sub3A_3669, %div3A_3648 : i32
    %mul3A_3671 = arith.constant 128 : i32
    %mul3A_3672 = arith.muli %select_n3A_3670, %mul3A_3671 : i32
    %dma_start3A_3673 = arith.constant 109 : i32
    %dma_start3A_3674 = tpu.memref_slice %arg5[%mul3A_3672] : memref<12800000xf32, #tpu.memory_space<any>> -> memref<128xf32, #tpu.memory_space<any>>
    %dma_start3A_3675 = arith.constant 0 : i32
    %dma_start3A_3676 = tpu.memref_slice %arg6[%dma_start3A_3673, %dma_start3A_3675] : memref<128x128xf32, #tpu.memory_space<vmem>> -> memref<1x128xf32, #tpu.memory_space<vmem>>
    %dma_start3A_3677 = tpu.memref_squeeze %dma_start3A_3676 : memref<1x128xf32, #tpu.memory_space<vmem>> -> memref<128xf32, #tpu.memory_space<vmem>>
    tpu.enqueue_dma source(%dma_start3A_3677 : memref<128xf32, #tpu.memory_space<vmem>>) target(%dma_start3A_3674 : memref<128xf32, #tpu.memory_space<any>>) target_semaphore(%arg7 : memref<!tpu.dma_semaphore, #tpu.memory_space<semaphore_mem>>)
    %get3A_3678 = arith.constant 110 : index
    %get3A_3679 = memref.load %arg0[%get3A_3678] : memref<128xi32, #tpu.memory_space<smem>>
    %jit3A_3680 = arith.constant 128 : i32
    %div3A_3681 = arith.divsi %get3A_3679, %jit3A_3680 : i32
    %sign3A_3682 = arith.constant 0 : i32
    %sign3A_3683 = arith.cmpi sgt, %get3A_3679, %sign3A_3682 : i32
    %sign3A_3684 = arith.extui %sign3A_3683 : i1 to i32
    %sign3A_3685 = arith.constant 0 : i32
    %sign3A_3686 = arith.cmpi slt, %get3A_3679, %sign3A_3685 : i32
    %sign3A_3687 = arith.extui %sign3A_3686 : i1 to i32
    %sign3A_3688 = arith.subi %sign3A_3684, %sign3A_3687 : i32
    %sign3A_3689 = arith.constant 0 : i32
    %sign3A_3690 = arith.cmpi sgt, %jit3A_3680, %sign3A_3689 : i32
    %sign3A_3691 = arith.extui %sign3A_3690 : i1 to i32
    %sign3A_3692 = arith.constant 0 : i32
    %sign3A_3693 = arith.cmpi slt, %jit3A_3680, %sign3A_3692 : i32
    %sign3A_3694 = arith.extui %sign3A_3693 : i1 to i32
    %sign3A_3695 = arith.subi %sign3A_3691, %sign3A_3694 : i32
    %ne3A_3696 = arith.cmpi ne, %sign3A_3688, %sign3A_3695 : i32
    %rem3A_3697 = arith.remsi %get3A_3679, %jit3A_3680 : i32
    %ne3A_3698 = arith.constant 0 : i32
    %ne3A_3699 = arith.cmpi ne, %rem3A_3697, %ne3A_3698 : i32
    %and3A_3700 = arith.andi %ne3A_3696, %ne3A_3699 : i1
    %sub3A_3701 = arith.constant 1 : i32
    %sub3A_3702 = arith.subi %div3A_3681, %sub3A_3701 : i32
    %select_n3A_3703 = arith.select %and3A_3700, %sub3A_3702, %div3A_3681 : i32
    %mul3A_3704 = arith.constant 128 : i32
    %mul3A_3705 = arith.muli %select_n3A_3703, %mul3A_3704 : i32
    %dma_start3A_3706 = arith.constant 110 : i32
    %dma_start3A_3707 = tpu.memref_slice %arg5[%mul3A_3705] : memref<12800000xf32, #tpu.memory_space<any>> -> memref<128xf32, #tpu.memory_space<any>>
    %dma_start3A_3708 = arith.constant 0 : i32
    %dma_start3A_3709 = tpu.memref_slice %arg6[%dma_start3A_3706, %dma_start3A_3708] : memref<128x128xf32, #tpu.memory_space<vmem>> -> memref<1x128xf32, #tpu.memory_space<vmem>>
    %dma_start3A_3710 = tpu.memref_squeeze %dma_start3A_3709 : memref<1x128xf32, #tpu.memory_space<vmem>> -> memref<128xf32, #tpu.memory_space<vmem>>
    tpu.enqueue_dma source(%dma_start3A_3710 : memref<128xf32, #tpu.memory_space<vmem>>) target(%dma_start3A_3707 : memref<128xf32, #tpu.memory_space<any>>) target_semaphore(%arg7 : memref<!tpu.dma_semaphore, #tpu.memory_space<semaphore_mem>>)
    %get3A_3711 = arith.constant 111 : index
    %get3A_3712 = memref.load %arg0[%get3A_3711] : memref<128xi32, #tpu.memory_space<smem>>
    %jit3A_3713 = arith.constant 128 : i32
    %div3A_3714 = arith.divsi %get3A_3712, %jit3A_3713 : i32
    %sign3A_3715 = arith.constant 0 : i32
    %sign3A_3716 = arith.cmpi sgt, %get3A_3712, %sign3A_3715 : i32
    %sign3A_3717 = arith.extui %sign3A_3716 : i1 to i32
    %sign3A_3718 = arith.constant 0 : i32
    %sign3A_3719 = arith.cmpi slt, %get3A_3712, %sign3A_3718 : i32
    %sign3A_3720 = arith.extui %sign3A_3719 : i1 to i32
    %sign3A_3721 = arith.subi %sign3A_3717, %sign3A_3720 : i32
    %sign3A_3722 = arith.constant 0 : i32
    %sign3A_3723 = arith.cmpi sgt, %jit3A_3713, %sign3A_3722 : i32
    %sign3A_3724 = arith.extui %sign3A_3723 : i1 to i32
    %sign3A_3725 = arith.constant 0 : i32
    %sign3A_3726 = arith.cmpi slt, %jit3A_3713, %sign3A_3725 : i32
    %sign3A_3727 = arith.extui %sign3A_3726 : i1 to i32
    %sign3A_3728 = arith.subi %sign3A_3724, %sign3A_3727 : i32
    %ne3A_3729 = arith.cmpi ne, %sign3A_3721, %sign3A_3728 : i32
    %rem3A_3730 = arith.remsi %get3A_3712, %jit3A_3713 : i32
    %ne3A_3731 = arith.constant 0 : i32
    %ne3A_3732 = arith.cmpi ne, %rem3A_3730, %ne3A_3731 : i32
    %and3A_3733 = arith.andi %ne3A_3729, %ne3A_3732 : i1
    %sub3A_3734 = arith.constant 1 : i32
    %sub3A_3735 = arith.subi %div3A_3714, %sub3A_3734 : i32
    %select_n3A_3736 = arith.select %and3A_3733, %sub3A_3735, %div3A_3714 : i32
    %mul3A_3737 = arith.constant 128 : i32
    %mul3A_3738 = arith.muli %select_n3A_3736, %mul3A_3737 : i32
    %dma_start3A_3739 = arith.constant 111 : i32
    %dma_start3A_3740 = tpu.memref_slice %arg5[%mul3A_3738] : memref<12800000xf32, #tpu.memory_space<any>> -> memref<128xf32, #tpu.memory_space<any>>
    %dma_start3A_3741 = arith.constant 0 : i32
    %dma_start3A_3742 = tpu.memref_slice %arg6[%dma_start3A_3739, %dma_start3A_3741] : memref<128x128xf32, #tpu.memory_space<vmem>> -> memref<1x128xf32, #tpu.memory_space<vmem>>
    %dma_start3A_3743 = tpu.memref_squeeze %dma_start3A_3742 : memref<1x128xf32, #tpu.memory_space<vmem>> -> memref<128xf32, #tpu.memory_space<vmem>>
    tpu.enqueue_dma source(%dma_start3A_3743 : memref<128xf32, #tpu.memory_space<vmem>>) target(%dma_start3A_3740 : memref<128xf32, #tpu.memory_space<any>>) target_semaphore(%arg7 : memref<!tpu.dma_semaphore, #tpu.memory_space<semaphore_mem>>)
    %get3A_3744 = arith.constant 112 : index
    %get3A_3745 = memref.load %arg0[%get3A_3744] : memref<128xi32, #tpu.memory_space<smem>>
    %jit3A_3746 = arith.constant 128 : i32
    %div3A_3747 = arith.divsi %get3A_3745, %jit3A_3746 : i32
    %sign3A_3748 = arith.constant 0 : i32
    %sign3A_3749 = arith.cmpi sgt, %get3A_3745, %sign3A_3748 : i32
    %sign3A_3750 = arith.extui %sign3A_3749 : i1 to i32
    %sign3A_3751 = arith.constant 0 : i32
    %sign3A_3752 = arith.cmpi slt, %get3A_3745, %sign3A_3751 : i32
    %sign3A_3753 = arith.extui %sign3A_3752 : i1 to i32
    %sign3A_3754 = arith.subi %sign3A_3750, %sign3A_3753 : i32
    %sign3A_3755 = arith.constant 0 : i32
    %sign3A_3756 = arith.cmpi sgt, %jit3A_3746, %sign3A_3755 : i32
    %sign3A_3757 = arith.extui %sign3A_3756 : i1 to i32
    %sign3A_3758 = arith.constant 0 : i32
    %sign3A_3759 = arith.cmpi slt, %jit3A_3746, %sign3A_3758 : i32
    %sign3A_3760 = arith.extui %sign3A_3759 : i1 to i32
    %sign3A_3761 = arith.subi %sign3A_3757, %sign3A_3760 : i32
    %ne3A_3762 = arith.cmpi ne, %sign3A_3754, %sign3A_3761 : i32
    %rem3A_3763 = arith.remsi %get3A_3745, %jit3A_3746 : i32
    %ne3A_3764 = arith.constant 0 : i32
    %ne3A_3765 = arith.cmpi ne, %rem3A_3763, %ne3A_3764 : i32
    %and3A_3766 = arith.andi %ne3A_3762, %ne3A_3765 : i1
    %sub3A_3767 = arith.constant 1 : i32
    %sub3A_3768 = arith.subi %div3A_3747, %sub3A_3767 : i32
    %select_n3A_3769 = arith.select %and3A_3766, %sub3A_3768, %div3A_3747 : i32
    %mul3A_3770 = arith.constant 128 : i32
    %mul3A_3771 = arith.muli %select_n3A_3769, %mul3A_3770 : i32
    %dma_start3A_3772 = arith.constant 112 : i32
    %dma_start3A_3773 = tpu.memref_slice %arg5[%mul3A_3771] : memref<12800000xf32, #tpu.memory_space<any>> -> memref<128xf32, #tpu.memory_space<any>>
    %dma_start3A_3774 = arith.constant 0 : i32
    %dma_start3A_3775 = tpu.memref_slice %arg6[%dma_start3A_3772, %dma_start3A_3774] : memref<128x128xf32, #tpu.memory_space<vmem>> -> memref<1x128xf32, #tpu.memory_space<vmem>>
    %dma_start3A_3776 = tpu.memref_squeeze %dma_start3A_3775 : memref<1x128xf32, #tpu.memory_space<vmem>> -> memref<128xf32, #tpu.memory_space<vmem>>
    tpu.enqueue_dma source(%dma_start3A_3776 : memref<128xf32, #tpu.memory_space<vmem>>) target(%dma_start3A_3773 : memref<128xf32, #tpu.memory_space<any>>) target_semaphore(%arg7 : memref<!tpu.dma_semaphore, #tpu.memory_space<semaphore_mem>>)
    %get3A_3777 = arith.constant 113 : index
    %get3A_3778 = memref.load %arg0[%get3A_3777] : memref<128xi32, #tpu.memory_space<smem>>
    %jit3A_3779 = arith.constant 128 : i32
    %div3A_3780 = arith.divsi %get3A_3778, %jit3A_3779 : i32
    %sign3A_3781 = arith.constant 0 : i32
    %sign3A_3782 = arith.cmpi sgt, %get3A_3778, %sign3A_3781 : i32
    %sign3A_3783 = arith.extui %sign3A_3782 : i1 to i32
    %sign3A_3784 = arith.constant 0 : i32
    %sign3A_3785 = arith.cmpi slt, %get3A_3778, %sign3A_3784 : i32
    %sign3A_3786 = arith.extui %sign3A_3785 : i1 to i32
    %sign3A_3787 = arith.subi %sign3A_3783, %sign3A_3786 : i32
    %sign3A_3788 = arith.constant 0 : i32
    %sign3A_3789 = arith.cmpi sgt, %jit3A_3779, %sign3A_3788 : i32
    %sign3A_3790 = arith.extui %sign3A_3789 : i1 to i32
    %sign3A_3791 = arith.constant 0 : i32
    %sign3A_3792 = arith.cmpi slt, %jit3A_3779, %sign3A_3791 : i32
    %sign3A_3793 = arith.extui %sign3A_3792 : i1 to i32
    %sign3A_3794 = arith.subi %sign3A_3790, %sign3A_3793 : i32
    %ne3A_3795 = arith.cmpi ne, %sign3A_3787, %sign3A_3794 : i32
    %rem3A_3796 = arith.remsi %get3A_3778, %jit3A_3779 : i32
    %ne3A_3797 = arith.constant 0 : i32
    %ne3A_3798 = arith.cmpi ne, %rem3A_3796, %ne3A_3797 : i32
    %and3A_3799 = arith.andi %ne3A_3795, %ne3A_3798 : i1
    %sub3A_3800 = arith.constant 1 : i32
    %sub3A_3801 = arith.subi %div3A_3780, %sub3A_3800 : i32
    %select_n3A_3802 = arith.select %and3A_3799, %sub3A_3801, %div3A_3780 : i32
    %mul3A_3803 = arith.constant 128 : i32
    %mul3A_3804 = arith.muli %select_n3A_3802, %mul3A_3803 : i32
    %dma_start3A_3805 = arith.constant 113 : i32
    %dma_start3A_3806 = tpu.memref_slice %arg5[%mul3A_3804] : memref<12800000xf32, #tpu.memory_space<any>> -> memref<128xf32, #tpu.memory_space<any>>
    %dma_start3A_3807 = arith.constant 0 : i32
    %dma_start3A_3808 = tpu.memref_slice %arg6[%dma_start3A_3805, %dma_start3A_3807] : memref<128x128xf32, #tpu.memory_space<vmem>> -> memref<1x128xf32, #tpu.memory_space<vmem>>
    %dma_start3A_3809 = tpu.memref_squeeze %dma_start3A_3808 : memref<1x128xf32, #tpu.memory_space<vmem>> -> memref<128xf32, #tpu.memory_space<vmem>>
    tpu.enqueue_dma source(%dma_start3A_3809 : memref<128xf32, #tpu.memory_space<vmem>>) target(%dma_start3A_3806 : memref<128xf32, #tpu.memory_space<any>>) target_semaphore(%arg7 : memref<!tpu.dma_semaphore, #tpu.memory_space<semaphore_mem>>)
    %get3A_3810 = arith.constant 114 : index
    %get3A_3811 = memref.load %arg0[%get3A_3810] : memref<128xi32, #tpu.memory_space<smem>>
    %jit3A_3812 = arith.constant 128 : i32
    %div3A_3813 = arith.divsi %get3A_3811, %jit3A_3812 : i32
    %sign3A_3814 = arith.constant 0 : i32
    %sign3A_3815 = arith.cmpi sgt, %get3A_3811, %sign3A_3814 : i32
    %sign3A_3816 = arith.extui %sign3A_3815 : i1 to i32
    %sign3A_3817 = arith.constant 0 : i32
    %sign3A_3818 = arith.cmpi slt, %get3A_3811, %sign3A_3817 : i32
    %sign3A_3819 = arith.extui %sign3A_3818 : i1 to i32
    %sign3A_3820 = arith.subi %sign3A_3816, %sign3A_3819 : i32
    %sign3A_3821 = arith.constant 0 : i32
    %sign3A_3822 = arith.cmpi sgt, %jit3A_3812, %sign3A_3821 : i32
    %sign3A_3823 = arith.extui %sign3A_3822 : i1 to i32
    %sign3A_3824 = arith.constant 0 : i32
    %sign3A_3825 = arith.cmpi slt, %jit3A_3812, %sign3A_3824 : i32
    %sign3A_3826 = arith.extui %sign3A_3825 : i1 to i32
    %sign3A_3827 = arith.subi %sign3A_3823, %sign3A_3826 : i32
    %ne3A_3828 = arith.cmpi ne, %sign3A_3820, %sign3A_3827 : i32
    %rem3A_3829 = arith.remsi %get3A_3811, %jit3A_3812 : i32
    %ne3A_3830 = arith.constant 0 : i32
    %ne3A_3831 = arith.cmpi ne, %rem3A_3829, %ne3A_3830 : i32
    %and3A_3832 = arith.andi %ne3A_3828, %ne3A_3831 : i1
    %sub3A_3833 = arith.constant 1 : i32
    %sub3A_3834 = arith.subi %div3A_3813, %sub3A_3833 : i32
    %select_n3A_3835 = arith.select %and3A_3832, %sub3A_3834, %div3A_3813 : i32
    %mul3A_3836 = arith.constant 128 : i32
    %mul3A_3837 = arith.muli %select_n3A_3835, %mul3A_3836 : i32
    %dma_start3A_3838 = arith.constant 114 : i32
    %dma_start3A_3839 = tpu.memref_slice %arg5[%mul3A_3837] : memref<12800000xf32, #tpu.memory_space<any>> -> memref<128xf32, #tpu.memory_space<any>>
    %dma_start3A_3840 = arith.constant 0 : i32
    %dma_start3A_3841 = tpu.memref_slice %arg6[%dma_start3A_3838, %dma_start3A_3840] : memref<128x128xf32, #tpu.memory_space<vmem>> -> memref<1x128xf32, #tpu.memory_space<vmem>>
    %dma_start3A_3842 = tpu.memref_squeeze %dma_start3A_3841 : memref<1x128xf32, #tpu.memory_space<vmem>> -> memref<128xf32, #tpu.memory_space<vmem>>
    tpu.enqueue_dma source(%dma_start3A_3842 : memref<128xf32, #tpu.memory_space<vmem>>) target(%dma_start3A_3839 : memref<128xf32, #tpu.memory_space<any>>) target_semaphore(%arg7 : memref<!tpu.dma_semaphore, #tpu.memory_space<semaphore_mem>>)
    %get3A_3843 = arith.constant 115 : index
    %get3A_3844 = memref.load %arg0[%get3A_3843] : memref<128xi32, #tpu.memory_space<smem>>
    %jit3A_3845 = arith.constant 128 : i32
    %div3A_3846 = arith.divsi %get3A_3844, %jit3A_3845 : i32
    %sign3A_3847 = arith.constant 0 : i32
    %sign3A_3848 = arith.cmpi sgt, %get3A_3844, %sign3A_3847 : i32
    %sign3A_3849 = arith.extui %sign3A_3848 : i1 to i32
    %sign3A_3850 = arith.constant 0 : i32
    %sign3A_3851 = arith.cmpi slt, %get3A_3844, %sign3A_3850 : i32
    %sign3A_3852 = arith.extui %sign3A_3851 : i1 to i32
    %sign3A_3853 = arith.subi %sign3A_3849, %sign3A_3852 : i32
    %sign3A_3854 = arith.constant 0 : i32
    %sign3A_3855 = arith.cmpi sgt, %jit3A_3845, %sign3A_3854 : i32
    %sign3A_3856 = arith.extui %sign3A_3855 : i1 to i32
    %sign3A_3857 = arith.constant 0 : i32
    %sign3A_3858 = arith.cmpi slt, %jit3A_3845, %sign3A_3857 : i32
    %sign3A_3859 = arith.extui %sign3A_3858 : i1 to i32
    %sign3A_3860 = arith.subi %sign3A_3856, %sign3A_3859 : i32
    %ne3A_3861 = arith.cmpi ne, %sign3A_3853, %sign3A_3860 : i32
    %rem3A_3862 = arith.remsi %get3A_3844, %jit3A_3845 : i32
    %ne3A_3863 = arith.constant 0 : i32
    %ne3A_3864 = arith.cmpi ne, %rem3A_3862, %ne3A_3863 : i32
    %and3A_3865 = arith.andi %ne3A_3861, %ne3A_3864 : i1
    %sub3A_3866 = arith.constant 1 : i32
    %sub3A_3867 = arith.subi %div3A_3846, %sub3A_3866 : i32
    %select_n3A_3868 = arith.select %and3A_3865, %sub3A_3867, %div3A_3846 : i32
    %mul3A_3869 = arith.constant 128 : i32
    %mul3A_3870 = arith.muli %select_n3A_3868, %mul3A_3869 : i32
    %dma_start3A_3871 = arith.constant 115 : i32
    %dma_start3A_3872 = tpu.memref_slice %arg5[%mul3A_3870] : memref<12800000xf32, #tpu.memory_space<any>> -> memref<128xf32, #tpu.memory_space<any>>
    %dma_start3A_3873 = arith.constant 0 : i32
    %dma_start3A_3874 = tpu.memref_slice %arg6[%dma_start3A_3871, %dma_start3A_3873] : memref<128x128xf32, #tpu.memory_space<vmem>> -> memref<1x128xf32, #tpu.memory_space<vmem>>
    %dma_start3A_3875 = tpu.memref_squeeze %dma_start3A_3874 : memref<1x128xf32, #tpu.memory_space<vmem>> -> memref<128xf32, #tpu.memory_space<vmem>>
    tpu.enqueue_dma source(%dma_start3A_3875 : memref<128xf32, #tpu.memory_space<vmem>>) target(%dma_start3A_3872 : memref<128xf32, #tpu.memory_space<any>>) target_semaphore(%arg7 : memref<!tpu.dma_semaphore, #tpu.memory_space<semaphore_mem>>)
    %get3A_3876 = arith.constant 116 : index
    %get3A_3877 = memref.load %arg0[%get3A_3876] : memref<128xi32, #tpu.memory_space<smem>>
    %jit3A_3878 = arith.constant 128 : i32
    %div3A_3879 = arith.divsi %get3A_3877, %jit3A_3878 : i32
    %sign3A_3880 = arith.constant 0 : i32
    %sign3A_3881 = arith.cmpi sgt, %get3A_3877, %sign3A_3880 : i32
    %sign3A_3882 = arith.extui %sign3A_3881 : i1 to i32
    %sign3A_3883 = arith.constant 0 : i32
    %sign3A_3884 = arith.cmpi slt, %get3A_3877, %sign3A_3883 : i32
    %sign3A_3885 = arith.extui %sign3A_3884 : i1 to i32
    %sign3A_3886 = arith.subi %sign3A_3882, %sign3A_3885 : i32
    %sign3A_3887 = arith.constant 0 : i32
    %sign3A_3888 = arith.cmpi sgt, %jit3A_3878, %sign3A_3887 : i32
    %sign3A_3889 = arith.extui %sign3A_3888 : i1 to i32
    %sign3A_3890 = arith.constant 0 : i32
    %sign3A_3891 = arith.cmpi slt, %jit3A_3878, %sign3A_3890 : i32
    %sign3A_3892 = arith.extui %sign3A_3891 : i1 to i32
    %sign3A_3893 = arith.subi %sign3A_3889, %sign3A_3892 : i32
    %ne3A_3894 = arith.cmpi ne, %sign3A_3886, %sign3A_3893 : i32
    %rem3A_3895 = arith.remsi %get3A_3877, %jit3A_3878 : i32
    %ne3A_3896 = arith.constant 0 : i32
    %ne3A_3897 = arith.cmpi ne, %rem3A_3895, %ne3A_3896 : i32
    %and3A_3898 = arith.andi %ne3A_3894, %ne3A_3897 : i1
    %sub3A_3899 = arith.constant 1 : i32
    %sub3A_3900 = arith.subi %div3A_3879, %sub3A_3899 : i32
    %select_n3A_3901 = arith.select %and3A_3898, %sub3A_3900, %div3A_3879 : i32
    %mul3A_3902 = arith.constant 128 : i32
    %mul3A_3903 = arith.muli %select_n3A_3901, %mul3A_3902 : i32
    %dma_start3A_3904 = arith.constant 116 : i32
    %dma_start3A_3905 = tpu.memref_slice %arg5[%mul3A_3903] : memref<12800000xf32, #tpu.memory_space<any>> -> memref<128xf32, #tpu.memory_space<any>>
    %dma_start3A_3906 = arith.constant 0 : i32
    %dma_start3A_3907 = tpu.memref_slice %arg6[%dma_start3A_3904, %dma_start3A_3906] : memref<128x128xf32, #tpu.memory_space<vmem>> -> memref<1x128xf32, #tpu.memory_space<vmem>>
    %dma_start3A_3908 = tpu.memref_squeeze %dma_start3A_3907 : memref<1x128xf32, #tpu.memory_space<vmem>> -> memref<128xf32, #tpu.memory_space<vmem>>
    tpu.enqueue_dma source(%dma_start3A_3908 : memref<128xf32, #tpu.memory_space<vmem>>) target(%dma_start3A_3905 : memref<128xf32, #tpu.memory_space<any>>) target_semaphore(%arg7 : memref<!tpu.dma_semaphore, #tpu.memory_space<semaphore_mem>>)
    %get3A_3909 = arith.constant 117 : index
    %get3A_3910 = memref.load %arg0[%get3A_3909] : memref<128xi32, #tpu.memory_space<smem>>
    %jit3A_3911 = arith.constant 128 : i32
    %div3A_3912 = arith.divsi %get3A_3910, %jit3A_3911 : i32
    %sign3A_3913 = arith.constant 0 : i32
    %sign3A_3914 = arith.cmpi sgt, %get3A_3910, %sign3A_3913 : i32
    %sign3A_3915 = arith.extui %sign3A_3914 : i1 to i32
    %sign3A_3916 = arith.constant 0 : i32
    %sign3A_3917 = arith.cmpi slt, %get3A_3910, %sign3A_3916 : i32
    %sign3A_3918 = arith.extui %sign3A_3917 : i1 to i32
    %sign3A_3919 = arith.subi %sign3A_3915, %sign3A_3918 : i32
    %sign3A_3920 = arith.constant 0 : i32
    %sign3A_3921 = arith.cmpi sgt, %jit3A_3911, %sign3A_3920 : i32
    %sign3A_3922 = arith.extui %sign3A_3921 : i1 to i32
    %sign3A_3923 = arith.constant 0 : i32
    %sign3A_3924 = arith.cmpi slt, %jit3A_3911, %sign3A_3923 : i32
    %sign3A_3925 = arith.extui %sign3A_3924 : i1 to i32
    %sign3A_3926 = arith.subi %sign3A_3922, %sign3A_3925 : i32
    %ne3A_3927 = arith.cmpi ne, %sign3A_3919, %sign3A_3926 : i32
    %rem3A_3928 = arith.remsi %get3A_3910, %jit3A_3911 : i32
    %ne3A_3929 = arith.constant 0 : i32
    %ne3A_3930 = arith.cmpi ne, %rem3A_3928, %ne3A_3929 : i32
    %and3A_3931 = arith.andi %ne3A_3927, %ne3A_3930 : i1
    %sub3A_3932 = arith.constant 1 : i32
    %sub3A_3933 = arith.subi %div3A_3912, %sub3A_3932 : i32
    %select_n3A_3934 = arith.select %and3A_3931, %sub3A_3933, %div3A_3912 : i32
    %mul3A_3935 = arith.constant 128 : i32
    %mul3A_3936 = arith.muli %select_n3A_3934, %mul3A_3935 : i32
    %dma_start3A_3937 = arith.constant 117 : i32
    %dma_start3A_3938 = tpu.memref_slice %arg5[%mul3A_3936] : memref<12800000xf32, #tpu.memory_space<any>> -> memref<128xf32, #tpu.memory_space<any>>
    %dma_start3A_3939 = arith.constant 0 : i32
    %dma_start3A_3940 = tpu.memref_slice %arg6[%dma_start3A_3937, %dma_start3A_3939] : memref<128x128xf32, #tpu.memory_space<vmem>> -> memref<1x128xf32, #tpu.memory_space<vmem>>
    %dma_start3A_3941 = tpu.memref_squeeze %dma_start3A_3940 : memref<1x128xf32, #tpu.memory_space<vmem>> -> memref<128xf32, #tpu.memory_space<vmem>>
    tpu.enqueue_dma source(%dma_start3A_3941 : memref<128xf32, #tpu.memory_space<vmem>>) target(%dma_start3A_3938 : memref<128xf32, #tpu.memory_space<any>>) target_semaphore(%arg7 : memref<!tpu.dma_semaphore, #tpu.memory_space<semaphore_mem>>)
    %get3A_3942 = arith.constant 118 : index
    %get3A_3943 = memref.load %arg0[%get3A_3942] : memref<128xi32, #tpu.memory_space<smem>>
    %jit3A_3944 = arith.constant 128 : i32
    %div3A_3945 = arith.divsi %get3A_3943, %jit3A_3944 : i32
    %sign3A_3946 = arith.constant 0 : i32
    %sign3A_3947 = arith.cmpi sgt, %get3A_3943, %sign3A_3946 : i32
    %sign3A_3948 = arith.extui %sign3A_3947 : i1 to i32
    %sign3A_3949 = arith.constant 0 : i32
    %sign3A_3950 = arith.cmpi slt, %get3A_3943, %sign3A_3949 : i32
    %sign3A_3951 = arith.extui %sign3A_3950 : i1 to i32
    %sign3A_3952 = arith.subi %sign3A_3948, %sign3A_3951 : i32
    %sign3A_3953 = arith.constant 0 : i32
    %sign3A_3954 = arith.cmpi sgt, %jit3A_3944, %sign3A_3953 : i32
    %sign3A_3955 = arith.extui %sign3A_3954 : i1 to i32
    %sign3A_3956 = arith.constant 0 : i32
    %sign3A_3957 = arith.cmpi slt, %jit3A_3944, %sign3A_3956 : i32
    %sign3A_3958 = arith.extui %sign3A_3957 : i1 to i32
    %sign3A_3959 = arith.subi %sign3A_3955, %sign3A_3958 : i32
    %ne3A_3960 = arith.cmpi ne, %sign3A_3952, %sign3A_3959 : i32
    %rem3A_3961 = arith.remsi %get3A_3943, %jit3A_3944 : i32
    %ne3A_3962 = arith.constant 0 : i32
    %ne3A_3963 = arith.cmpi ne, %rem3A_3961, %ne3A_3962 : i32
    %and3A_3964 = arith.andi %ne3A_3960, %ne3A_3963 : i1
    %sub3A_3965 = arith.constant 1 : i32
    %sub3A_3966 = arith.subi %div3A_3945, %sub3A_3965 : i32
    %select_n3A_3967 = arith.select %and3A_3964, %sub3A_3966, %div3A_3945 : i32
    %mul3A_3968 = arith.constant 128 : i32
    %mul3A_3969 = arith.muli %select_n3A_3967, %mul3A_3968 : i32
    %dma_start3A_3970 = arith.constant 118 : i32
    %dma_start3A_3971 = tpu.memref_slice %arg5[%mul3A_3969] : memref<12800000xf32, #tpu.memory_space<any>> -> memref<128xf32, #tpu.memory_space<any>>
    %dma_start3A_3972 = arith.constant 0 : i32
    %dma_start3A_3973 = tpu.memref_slice %arg6[%dma_start3A_3970, %dma_start3A_3972] : memref<128x128xf32, #tpu.memory_space<vmem>> -> memref<1x128xf32, #tpu.memory_space<vmem>>
    %dma_start3A_3974 = tpu.memref_squeeze %dma_start3A_3973 : memref<1x128xf32, #tpu.memory_space<vmem>> -> memref<128xf32, #tpu.memory_space<vmem>>
    tpu.enqueue_dma source(%dma_start3A_3974 : memref<128xf32, #tpu.memory_space<vmem>>) target(%dma_start3A_3971 : memref<128xf32, #tpu.memory_space<any>>) target_semaphore(%arg7 : memref<!tpu.dma_semaphore, #tpu.memory_space<semaphore_mem>>)
    %get3A_3975 = arith.constant 119 : index
    %get3A_3976 = memref.load %arg0[%get3A_3975] : memref<128xi32, #tpu.memory_space<smem>>
    %jit3A_3977 = arith.constant 128 : i32
    %div3A_3978 = arith.divsi %get3A_3976, %jit3A_3977 : i32
    %sign3A_3979 = arith.constant 0 : i32
    %sign3A_3980 = arith.cmpi sgt, %get3A_3976, %sign3A_3979 : i32
    %sign3A_3981 = arith.extui %sign3A_3980 : i1 to i32
    %sign3A_3982 = arith.constant 0 : i32
    %sign3A_3983 = arith.cmpi slt, %get3A_3976, %sign3A_3982 : i32
    %sign3A_3984 = arith.extui %sign3A_3983 : i1 to i32
    %sign3A_3985 = arith.subi %sign3A_3981, %sign3A_3984 : i32
    %sign3A_3986 = arith.constant 0 : i32
    %sign3A_3987 = arith.cmpi sgt, %jit3A_3977, %sign3A_3986 : i32
    %sign3A_3988 = arith.extui %sign3A_3987 : i1 to i32
    %sign3A_3989 = arith.constant 0 : i32
    %sign3A_3990 = arith.cmpi slt, %jit3A_3977, %sign3A_3989 : i32
    %sign3A_3991 = arith.extui %sign3A_3990 : i1 to i32
    %sign3A_3992 = arith.subi %sign3A_3988, %sign3A_3991 : i32
    %ne3A_3993 = arith.cmpi ne, %sign3A_3985, %sign3A_3992 : i32
    %rem3A_3994 = arith.remsi %get3A_3976, %jit3A_3977 : i32
    %ne3A_3995 = arith.constant 0 : i32
    %ne3A_3996 = arith.cmpi ne, %rem3A_3994, %ne3A_3995 : i32
    %and3A_3997 = arith.andi %ne3A_3993, %ne3A_3996 : i1
    %sub3A_3998 = arith.constant 1 : i32
    %sub3A_3999 = arith.subi %div3A_3978, %sub3A_3998 : i32
    %select_n3A_4000 = arith.select %and3A_3997, %sub3A_3999, %div3A_3978 : i32
    %mul3A_4001 = arith.constant 128 : i32
    %mul3A_4002 = arith.muli %select_n3A_4000, %mul3A_4001 : i32
    %dma_start3A_4003 = arith.constant 119 : i32
    %dma_start3A_4004 = tpu.memref_slice %arg5[%mul3A_4002] : memref<12800000xf32, #tpu.memory_space<any>> -> memref<128xf32, #tpu.memory_space<any>>
    %dma_start3A_4005 = arith.constant 0 : i32
    %dma_start3A_4006 = tpu.memref_slice %arg6[%dma_start3A_4003, %dma_start3A_4005] : memref<128x128xf32, #tpu.memory_space<vmem>> -> memref<1x128xf32, #tpu.memory_space<vmem>>
    %dma_start3A_4007 = tpu.memref_squeeze %dma_start3A_4006 : memref<1x128xf32, #tpu.memory_space<vmem>> -> memref<128xf32, #tpu.memory_space<vmem>>
    tpu.enqueue_dma source(%dma_start3A_4007 : memref<128xf32, #tpu.memory_space<vmem>>) target(%dma_start3A_4004 : memref<128xf32, #tpu.memory_space<any>>) target_semaphore(%arg7 : memref<!tpu.dma_semaphore, #tpu.memory_space<semaphore_mem>>)
    %get3A_4008 = arith.constant 120 : index
    %get3A_4009 = memref.load %arg0[%get3A_4008] : memref<128xi32, #tpu.memory_space<smem>>
    %jit3A_4010 = arith.constant 128 : i32
    %div3A_4011 = arith.divsi %get3A_4009, %jit3A_4010 : i32
    %sign3A_4012 = arith.constant 0 : i32
    %sign3A_4013 = arith.cmpi sgt, %get3A_4009, %sign3A_4012 : i32
    %sign3A_4014 = arith.extui %sign3A_4013 : i1 to i32
    %sign3A_4015 = arith.constant 0 : i32
    %sign3A_4016 = arith.cmpi slt, %get3A_4009, %sign3A_4015 : i32
    %sign3A_4017 = arith.extui %sign3A_4016 : i1 to i32
    %sign3A_4018 = arith.subi %sign3A_4014, %sign3A_4017 : i32
    %sign3A_4019 = arith.constant 0 : i32
    %sign3A_4020 = arith.cmpi sgt, %jit3A_4010, %sign3A_4019 : i32
    %sign3A_4021 = arith.extui %sign3A_4020 : i1 to i32
    %sign3A_4022 = arith.constant 0 : i32
    %sign3A_4023 = arith.cmpi slt, %jit3A_4010, %sign3A_4022 : i32
    %sign3A_4024 = arith.extui %sign3A_4023 : i1 to i32
    %sign3A_4025 = arith.subi %sign3A_4021, %sign3A_4024 : i32
    %ne3A_4026 = arith.cmpi ne, %sign3A_4018, %sign3A_4025 : i32
    %rem3A_4027 = arith.remsi %get3A_4009, %jit3A_4010 : i32
    %ne3A_4028 = arith.constant 0 : i32
    %ne3A_4029 = arith.cmpi ne, %rem3A_4027, %ne3A_4028 : i32
    %and3A_4030 = arith.andi %ne3A_4026, %ne3A_4029 : i1
    %sub3A_4031 = arith.constant 1 : i32
    %sub3A_4032 = arith.subi %div3A_4011, %sub3A_4031 : i32
    %select_n3A_4033 = arith.select %and3A_4030, %sub3A_4032, %div3A_4011 : i32
    %mul3A_4034 = arith.constant 128 : i32
    %mul3A_4035 = arith.muli %select_n3A_4033, %mul3A_4034 : i32
    %dma_start3A_4036 = arith.constant 120 : i32
    %dma_start3A_4037 = tpu.memref_slice %arg5[%mul3A_4035] : memref<12800000xf32, #tpu.memory_space<any>> -> memref<128xf32, #tpu.memory_space<any>>
    %dma_start3A_4038 = arith.constant 0 : i32
    %dma_start3A_4039 = tpu.memref_slice %arg6[%dma_start3A_4036, %dma_start3A_4038] : memref<128x128xf32, #tpu.memory_space<vmem>> -> memref<1x128xf32, #tpu.memory_space<vmem>>
    %dma_start3A_4040 = tpu.memref_squeeze %dma_start3A_4039 : memref<1x128xf32, #tpu.memory_space<vmem>> -> memref<128xf32, #tpu.memory_space<vmem>>
    tpu.enqueue_dma source(%dma_start3A_4040 : memref<128xf32, #tpu.memory_space<vmem>>) target(%dma_start3A_4037 : memref<128xf32, #tpu.memory_space<any>>) target_semaphore(%arg7 : memref<!tpu.dma_semaphore, #tpu.memory_space<semaphore_mem>>)
    %get3A_4041 = arith.constant 121 : index
    %get3A_4042 = memref.load %arg0[%get3A_4041] : memref<128xi32, #tpu.memory_space<smem>>
    %jit3A_4043 = arith.constant 128 : i32
    %div3A_4044 = arith.divsi %get3A_4042, %jit3A_4043 : i32
    %sign3A_4045 = arith.constant 0 : i32
    %sign3A_4046 = arith.cmpi sgt, %get3A_4042, %sign3A_4045 : i32
    %sign3A_4047 = arith.extui %sign3A_4046 : i1 to i32
    %sign3A_4048 = arith.constant 0 : i32
    %sign3A_4049 = arith.cmpi slt, %get3A_4042, %sign3A_4048 : i32
    %sign3A_4050 = arith.extui %sign3A_4049 : i1 to i32
    %sign3A_4051 = arith.subi %sign3A_4047, %sign3A_4050 : i32
    %sign3A_4052 = arith.constant 0 : i32
    %sign3A_4053 = arith.cmpi sgt, %jit3A_4043, %sign3A_4052 : i32
    %sign3A_4054 = arith.extui %sign3A_4053 : i1 to i32
    %sign3A_4055 = arith.constant 0 : i32
    %sign3A_4056 = arith.cmpi slt, %jit3A_4043, %sign3A_4055 : i32
    %sign3A_4057 = arith.extui %sign3A_4056 : i1 to i32
    %sign3A_4058 = arith.subi %sign3A_4054, %sign3A_4057 : i32
    %ne3A_4059 = arith.cmpi ne, %sign3A_4051, %sign3A_4058 : i32
    %rem3A_4060 = arith.remsi %get3A_4042, %jit3A_4043 : i32
    %ne3A_4061 = arith.constant 0 : i32
    %ne3A_4062 = arith.cmpi ne, %rem3A_4060, %ne3A_4061 : i32
    %and3A_4063 = arith.andi %ne3A_4059, %ne3A_4062 : i1
    %sub3A_4064 = arith.constant 1 : i32
    %sub3A_4065 = arith.subi %div3A_4044, %sub3A_4064 : i32
    %select_n3A_4066 = arith.select %and3A_4063, %sub3A_4065, %div3A_4044 : i32
    %mul3A_4067 = arith.constant 128 : i32
    %mul3A_4068 = arith.muli %select_n3A_4066, %mul3A_4067 : i32
    %dma_start3A_4069 = arith.constant 121 : i32
    %dma_start3A_4070 = tpu.memref_slice %arg5[%mul3A_4068] : memref<12800000xf32, #tpu.memory_space<any>> -> memref<128xf32, #tpu.memory_space<any>>
    %dma_start3A_4071 = arith.constant 0 : i32
    %dma_start3A_4072 = tpu.memref_slice %arg6[%dma_start3A_4069, %dma_start3A_4071] : memref<128x128xf32, #tpu.memory_space<vmem>> -> memref<1x128xf32, #tpu.memory_space<vmem>>
    %dma_start3A_4073 = tpu.memref_squeeze %dma_start3A_4072 : memref<1x128xf32, #tpu.memory_space<vmem>> -> memref<128xf32, #tpu.memory_space<vmem>>
    tpu.enqueue_dma source(%dma_start3A_4073 : memref<128xf32, #tpu.memory_space<vmem>>) target(%dma_start3A_4070 : memref<128xf32, #tpu.memory_space<any>>) target_semaphore(%arg7 : memref<!tpu.dma_semaphore, #tpu.memory_space<semaphore_mem>>)
    %get3A_4074 = arith.constant 122 : index
    %get3A_4075 = memref.load %arg0[%get3A_4074] : memref<128xi32, #tpu.memory_space<smem>>
    %jit3A_4076 = arith.constant 128 : i32
    %div3A_4077 = arith.divsi %get3A_4075, %jit3A_4076 : i32
    %sign3A_4078 = arith.constant 0 : i32
    %sign3A_4079 = arith.cmpi sgt, %get3A_4075, %sign3A_4078 : i32
    %sign3A_4080 = arith.extui %sign3A_4079 : i1 to i32
    %sign3A_4081 = arith.constant 0 : i32
    %sign3A_4082 = arith.cmpi slt, %get3A_4075, %sign3A_4081 : i32
    %sign3A_4083 = arith.extui %sign3A_4082 : i1 to i32
    %sign3A_4084 = arith.subi %sign3A_4080, %sign3A_4083 : i32
    %sign3A_4085 = arith.constant 0 : i32
    %sign3A_4086 = arith.cmpi sgt, %jit3A_4076, %sign3A_4085 : i32
    %sign3A_4087 = arith.extui %sign3A_4086 : i1 to i32
    %sign3A_4088 = arith.constant 0 : i32
    %sign3A_4089 = arith.cmpi slt, %jit3A_4076, %sign3A_4088 : i32
    %sign3A_4090 = arith.extui %sign3A_4089 : i1 to i32
    %sign3A_4091 = arith.subi %sign3A_4087, %sign3A_4090 : i32
    %ne3A_4092 = arith.cmpi ne, %sign3A_4084, %sign3A_4091 : i32
    %rem3A_4093 = arith.remsi %get3A_4075, %jit3A_4076 : i32
    %ne3A_4094 = arith.constant 0 : i32
    %ne3A_4095 = arith.cmpi ne, %rem3A_4093, %ne3A_4094 : i32
    %and3A_4096 = arith.andi %ne3A_4092, %ne3A_4095 : i1
    %sub3A_4097 = arith.constant 1 : i32
    %sub3A_4098 = arith.subi %div3A_4077, %sub3A_4097 : i32
    %select_n3A_4099 = arith.select %and3A_4096, %sub3A_4098, %div3A_4077 : i32
    %mul3A_4100 = arith.constant 128 : i32
    %mul3A_4101 = arith.muli %select_n3A_4099, %mul3A_4100 : i32
    %dma_start3A_4102 = arith.constant 122 : i32
    %dma_start3A_4103 = tpu.memref_slice %arg5[%mul3A_4101] : memref<12800000xf32, #tpu.memory_space<any>> -> memref<128xf32, #tpu.memory_space<any>>
    %dma_start3A_4104 = arith.constant 0 : i32
    %dma_start3A_4105 = tpu.memref_slice %arg6[%dma_start3A_4102, %dma_start3A_4104] : memref<128x128xf32, #tpu.memory_space<vmem>> -> memref<1x128xf32, #tpu.memory_space<vmem>>
    %dma_start3A_4106 = tpu.memref_squeeze %dma_start3A_4105 : memref<1x128xf32, #tpu.memory_space<vmem>> -> memref<128xf32, #tpu.memory_space<vmem>>
    tpu.enqueue_dma source(%dma_start3A_4106 : memref<128xf32, #tpu.memory_space<vmem>>) target(%dma_start3A_4103 : memref<128xf32, #tpu.memory_space<any>>) target_semaphore(%arg7 : memref<!tpu.dma_semaphore, #tpu.memory_space<semaphore_mem>>)
    %get3A_4107 = arith.constant 123 : index
    %get3A_4108 = memref.load %arg0[%get3A_4107] : memref<128xi32, #tpu.memory_space<smem>>
    %jit3A_4109 = arith.constant 128 : i32
    %div3A_4110 = arith.divsi %get3A_4108, %jit3A_4109 : i32
    %sign3A_4111 = arith.constant 0 : i32
    %sign3A_4112 = arith.cmpi sgt, %get3A_4108, %sign3A_4111 : i32
    %sign3A_4113 = arith.extui %sign3A_4112 : i1 to i32
    %sign3A_4114 = arith.constant 0 : i32
    %sign3A_4115 = arith.cmpi slt, %get3A_4108, %sign3A_4114 : i32
    %sign3A_4116 = arith.extui %sign3A_4115 : i1 to i32
    %sign3A_4117 = arith.subi %sign3A_4113, %sign3A_4116 : i32
    %sign3A_4118 = arith.constant 0 : i32
    %sign3A_4119 = arith.cmpi sgt, %jit3A_4109, %sign3A_4118 : i32
    %sign3A_4120 = arith.extui %sign3A_4119 : i1 to i32
    %sign3A_4121 = arith.constant 0 : i32
    %sign3A_4122 = arith.cmpi slt, %jit3A_4109, %sign3A_4121 : i32
    %sign3A_4123 = arith.extui %sign3A_4122 : i1 to i32
    %sign3A_4124 = arith.subi %sign3A_4120, %sign3A_4123 : i32
    %ne3A_4125 = arith.cmpi ne, %sign3A_4117, %sign3A_4124 : i32
    %rem3A_4126 = arith.remsi %get3A_4108, %jit3A_4109 : i32
    %ne3A_4127 = arith.constant 0 : i32
    %ne3A_4128 = arith.cmpi ne, %rem3A_4126, %ne3A_4127 : i32
    %and3A_4129 = arith.andi %ne3A_4125, %ne3A_4128 : i1
    %sub3A_4130 = arith.constant 1 : i32
    %sub3A_4131 = arith.subi %div3A_4110, %sub3A_4130 : i32
    %select_n3A_4132 = arith.select %and3A_4129, %sub3A_4131, %div3A_4110 : i32
    %mul3A_4133 = arith.constant 128 : i32
    %mul3A_4134 = arith.muli %select_n3A_4132, %mul3A_4133 : i32
    %dma_start3A_4135 = arith.constant 123 : i32
    %dma_start3A_4136 = tpu.memref_slice %arg5[%mul3A_4134] : memref<12800000xf32, #tpu.memory_space<any>> -> memref<128xf32, #tpu.memory_space<any>>
    %dma_start3A_4137 = arith.constant 0 : i32
    %dma_start3A_4138 = tpu.memref_slice %arg6[%dma_start3A_4135, %dma_start3A_4137] : memref<128x128xf32, #tpu.memory_space<vmem>> -> memref<1x128xf32, #tpu.memory_space<vmem>>
    %dma_start3A_4139 = tpu.memref_squeeze %dma_start3A_4138 : memref<1x128xf32, #tpu.memory_space<vmem>> -> memref<128xf32, #tpu.memory_space<vmem>>
    tpu.enqueue_dma source(%dma_start3A_4139 : memref<128xf32, #tpu.memory_space<vmem>>) target(%dma_start3A_4136 : memref<128xf32, #tpu.memory_space<any>>) target_semaphore(%arg7 : memref<!tpu.dma_semaphore, #tpu.memory_space<semaphore_mem>>)
    %get3A_4140 = arith.constant 124 : index
    %get3A_4141 = memref.load %arg0[%get3A_4140] : memref<128xi32, #tpu.memory_space<smem>>
    %jit3A_4142 = arith.constant 128 : i32
    %div3A_4143 = arith.divsi %get3A_4141, %jit3A_4142 : i32
    %sign3A_4144 = arith.constant 0 : i32
    %sign3A_4145 = arith.cmpi sgt, %get3A_4141, %sign3A_4144 : i32
    %sign3A_4146 = arith.extui %sign3A_4145 : i1 to i32
    %sign3A_4147 = arith.constant 0 : i32
    %sign3A_4148 = arith.cmpi slt, %get3A_4141, %sign3A_4147 : i32
    %sign3A_4149 = arith.extui %sign3A_4148 : i1 to i32
    %sign3A_4150 = arith.subi %sign3A_4146, %sign3A_4149 : i32
    %sign3A_4151 = arith.constant 0 : i32
    %sign3A_4152 = arith.cmpi sgt, %jit3A_4142, %sign3A_4151 : i32
    %sign3A_4153 = arith.extui %sign3A_4152 : i1 to i32
    %sign3A_4154 = arith.constant 0 : i32
    %sign3A_4155 = arith.cmpi slt, %jit3A_4142, %sign3A_4154 : i32
    %sign3A_4156 = arith.extui %sign3A_4155 : i1 to i32
    %sign3A_4157 = arith.subi %sign3A_4153, %sign3A_4156 : i32
    %ne3A_4158 = arith.cmpi ne, %sign3A_4150, %sign3A_4157 : i32
    %rem3A_4159 = arith.remsi %get3A_4141, %jit3A_4142 : i32
    %ne3A_4160 = arith.constant 0 : i32
    %ne3A_4161 = arith.cmpi ne, %rem3A_4159, %ne3A_4160 : i32
    %and3A_4162 = arith.andi %ne3A_4158, %ne3A_4161 : i1
    %sub3A_4163 = arith.constant 1 : i32
    %sub3A_4164 = arith.subi %div3A_4143, %sub3A_4163 : i32
    %select_n3A_4165 = arith.select %and3A_4162, %sub3A_4164, %div3A_4143 : i32
    %mul3A_4166 = arith.constant 128 : i32
    %mul3A_4167 = arith.muli %select_n3A_4165, %mul3A_4166 : i32
    %dma_start3A_4168 = arith.constant 124 : i32
    %dma_start3A_4169 = tpu.memref_slice %arg5[%mul3A_4167] : memref<12800000xf32, #tpu.memory_space<any>> -> memref<128xf32, #tpu.memory_space<any>>
    %dma_start3A_4170 = arith.constant 0 : i32
    %dma_start3A_4171 = tpu.memref_slice %arg6[%dma_start3A_4168, %dma_start3A_4170] : memref<128x128xf32, #tpu.memory_space<vmem>> -> memref<1x128xf32, #tpu.memory_space<vmem>>
    %dma_start3A_4172 = tpu.memref_squeeze %dma_start3A_4171 : memref<1x128xf32, #tpu.memory_space<vmem>> -> memref<128xf32, #tpu.memory_space<vmem>>
    tpu.enqueue_dma source(%dma_start3A_4172 : memref<128xf32, #tpu.memory_space<vmem>>) target(%dma_start3A_4169 : memref<128xf32, #tpu.memory_space<any>>) target_semaphore(%arg7 : memref<!tpu.dma_semaphore, #tpu.memory_space<semaphore_mem>>)
    %get3A_4173 = arith.constant 125 : index
    %get3A_4174 = memref.load %arg0[%get3A_4173] : memref<128xi32, #tpu.memory_space<smem>>
    %jit3A_4175 = arith.constant 128 : i32
    %div3A_4176 = arith.divsi %get3A_4174, %jit3A_4175 : i32
    %sign3A_4177 = arith.constant 0 : i32
    %sign3A_4178 = arith.cmpi sgt, %get3A_4174, %sign3A_4177 : i32
    %sign3A_4179 = arith.extui %sign3A_4178 : i1 to i32
    %sign3A_4180 = arith.constant 0 : i32
    %sign3A_4181 = arith.cmpi slt, %get3A_4174, %sign3A_4180 : i32
    %sign3A_4182 = arith.extui %sign3A_4181 : i1 to i32
    %sign3A_4183 = arith.subi %sign3A_4179, %sign3A_4182 : i32
    %sign3A_4184 = arith.constant 0 : i32
    %sign3A_4185 = arith.cmpi sgt, %jit3A_4175, %sign3A_4184 : i32
    %sign3A_4186 = arith.extui %sign3A_4185 : i1 to i32
    %sign3A_4187 = arith.constant 0 : i32
    %sign3A_4188 = arith.cmpi slt, %jit3A_4175, %sign3A_4187 : i32
    %sign3A_4189 = arith.extui %sign3A_4188 : i1 to i32
    %sign3A_4190 = arith.subi %sign3A_4186, %sign3A_4189 : i32
    %ne3A_4191 = arith.cmpi ne, %sign3A_4183, %sign3A_4190 : i32
    %rem3A_4192 = arith.remsi %get3A_4174, %jit3A_4175 : i32
    %ne3A_4193 = arith.constant 0 : i32
    %ne3A_4194 = arith.cmpi ne, %rem3A_4192, %ne3A_4193 : i32
    %and3A_4195 = arith.andi %ne3A_4191, %ne3A_4194 : i1
    %sub3A_4196 = arith.constant 1 : i32
    %sub3A_4197 = arith.subi %div3A_4176, %sub3A_4196 : i32
    %select_n3A_4198 = arith.select %and3A_4195, %sub3A_4197, %div3A_4176 : i32
    %mul3A_4199 = arith.constant 128 : i32
    %mul3A_4200 = arith.muli %select_n3A_4198, %mul3A_4199 : i32
    %dma_start3A_4201 = arith.constant 125 : i32
    %dma_start3A_4202 = tpu.memref_slice %arg5[%mul3A_4200] : memref<12800000xf32, #tpu.memory_space<any>> -> memref<128xf32, #tpu.memory_space<any>>
    %dma_start3A_4203 = arith.constant 0 : i32
    %dma_start3A_4204 = tpu.memref_slice %arg6[%dma_start3A_4201, %dma_start3A_4203] : memref<128x128xf32, #tpu.memory_space<vmem>> -> memref<1x128xf32, #tpu.memory_space<vmem>>
    %dma_start3A_4205 = tpu.memref_squeeze %dma_start3A_4204 : memref<1x128xf32, #tpu.memory_space<vmem>> -> memref<128xf32, #tpu.memory_space<vmem>>
    tpu.enqueue_dma source(%dma_start3A_4205 : memref<128xf32, #tpu.memory_space<vmem>>) target(%dma_start3A_4202 : memref<128xf32, #tpu.memory_space<any>>) target_semaphore(%arg7 : memref<!tpu.dma_semaphore, #tpu.memory_space<semaphore_mem>>)
    %get3A_4206 = arith.constant 126 : index
    %get3A_4207 = memref.load %arg0[%get3A_4206] : memref<128xi32, #tpu.memory_space<smem>>
    %jit3A_4208 = arith.constant 128 : i32
    %div3A_4209 = arith.divsi %get3A_4207, %jit3A_4208 : i32
    %sign3A_4210 = arith.constant 0 : i32
    %sign3A_4211 = arith.cmpi sgt, %get3A_4207, %sign3A_4210 : i32
    %sign3A_4212 = arith.extui %sign3A_4211 : i1 to i32
    %sign3A_4213 = arith.constant 0 : i32
    %sign3A_4214 = arith.cmpi slt, %get3A_4207, %sign3A_4213 : i32
    %sign3A_4215 = arith.extui %sign3A_4214 : i1 to i32
    %sign3A_4216 = arith.subi %sign3A_4212, %sign3A_4215 : i32
    %sign3A_4217 = arith.constant 0 : i32
    %sign3A_4218 = arith.cmpi sgt, %jit3A_4208, %sign3A_4217 : i32
    %sign3A_4219 = arith.extui %sign3A_4218 : i1 to i32
    %sign3A_4220 = arith.constant 0 : i32
    %sign3A_4221 = arith.cmpi slt, %jit3A_4208, %sign3A_4220 : i32
    %sign3A_4222 = arith.extui %sign3A_4221 : i1 to i32
    %sign3A_4223 = arith.subi %sign3A_4219, %sign3A_4222 : i32
    %ne3A_4224 = arith.cmpi ne, %sign3A_4216, %sign3A_4223 : i32
    %rem3A_4225 = arith.remsi %get3A_4207, %jit3A_4208 : i32
    %ne3A_4226 = arith.constant 0 : i32
    %ne3A_4227 = arith.cmpi ne, %rem3A_4225, %ne3A_4226 : i32
    %and3A_4228 = arith.andi %ne3A_4224, %ne3A_4227 : i1
    %sub3A_4229 = arith.constant 1 : i32
    %sub3A_4230 = arith.subi %div3A_4209, %sub3A_4229 : i32
    %select_n3A_4231 = arith.select %and3A_4228, %sub3A_4230, %div3A_4209 : i32
    %mul3A_4232 = arith.constant 128 : i32
    %mul3A_4233 = arith.muli %select_n3A_4231, %mul3A_4232 : i32
    %dma_start3A_4234 = arith.constant 126 : i32
    %dma_start3A_4235 = tpu.memref_slice %arg5[%mul3A_4233] : memref<12800000xf32, #tpu.memory_space<any>> -> memref<128xf32, #tpu.memory_space<any>>
    %dma_start3A_4236 = arith.constant 0 : i32
    %dma_start3A_4237 = tpu.memref_slice %arg6[%dma_start3A_4234, %dma_start3A_4236] : memref<128x128xf32, #tpu.memory_space<vmem>> -> memref<1x128xf32, #tpu.memory_space<vmem>>
    %dma_start3A_4238 = tpu.memref_squeeze %dma_start3A_4237 : memref<1x128xf32, #tpu.memory_space<vmem>> -> memref<128xf32, #tpu.memory_space<vmem>>
    tpu.enqueue_dma source(%dma_start3A_4238 : memref<128xf32, #tpu.memory_space<vmem>>) target(%dma_start3A_4235 : memref<128xf32, #tpu.memory_space<any>>) target_semaphore(%arg7 : memref<!tpu.dma_semaphore, #tpu.memory_space<semaphore_mem>>)
    %get3A_4239 = arith.constant 127 : index
    %get3A_4240 = memref.load %arg0[%get3A_4239] : memref<128xi32, #tpu.memory_space<smem>>
    %jit3A_4241 = arith.constant 128 : i32
    %div3A_4242 = arith.divsi %get3A_4240, %jit3A_4241 : i32
    %sign3A_4243 = arith.constant 0 : i32
    %sign3A_4244 = arith.cmpi sgt, %get3A_4240, %sign3A_4243 : i32
    %sign3A_4245 = arith.extui %sign3A_4244 : i1 to i32
    %sign3A_4246 = arith.constant 0 : i32
    %sign3A_4247 = arith.cmpi slt, %get3A_4240, %sign3A_4246 : i32
    %sign3A_4248 = arith.extui %sign3A_4247 : i1 to i32
    %sign3A_4249 = arith.subi %sign3A_4245, %sign3A_4248 : i32
    %sign3A_4250 = arith.constant 0 : i32
    %sign3A_4251 = arith.cmpi sgt, %jit3A_4241, %sign3A_4250 : i32
    %sign3A_4252 = arith.extui %sign3A_4251 : i1 to i32
    %sign3A_4253 = arith.constant 0 : i32
    %sign3A_4254 = arith.cmpi slt, %jit3A_4241, %sign3A_4253 : i32
    %sign3A_4255 = arith.extui %sign3A_4254 : i1 to i32
    %sign3A_4256 = arith.subi %sign3A_4252, %sign3A_4255 : i32
    %ne3A_4257 = arith.cmpi ne, %sign3A_4249, %sign3A_4256 : i32
    %rem3A_4258 = arith.remsi %get3A_4240, %jit3A_4241 : i32
    %ne3A_4259 = arith.constant 0 : i32
    %ne3A_4260 = arith.cmpi ne, %rem3A_4258, %ne3A_4259 : i32
    %and3A_4261 = arith.andi %ne3A_4257, %ne3A_4260 : i1
    %sub3A_4262 = arith.constant 1 : i32
    %sub3A_4263 = arith.subi %div3A_4242, %sub3A_4262 : i32
    %select_n3A_4264 = arith.select %and3A_4261, %sub3A_4263, %div3A_4242 : i32
    %mul3A_4265 = arith.constant 128 : i32
    %mul3A_4266 = arith.muli %select_n3A_4264, %mul3A_4265 : i32
    %dma_start3A_4267 = arith.constant 127 : i32
    %dma_start3A_4268 = tpu.memref_slice %arg5[%mul3A_4266] : memref<12800000xf32, #tpu.memory_space<any>> -> memref<128xf32, #tpu.memory_space<any>>
    %dma_start3A_4269 = arith.constant 0 : i32
    %dma_start3A_4270 = tpu.memref_slice %arg6[%dma_start3A_4267, %dma_start3A_4269] : memref<128x128xf32, #tpu.memory_space<vmem>> -> memref<1x128xf32, #tpu.memory_space<vmem>>
    %dma_start3A_4271 = tpu.memref_squeeze %dma_start3A_4270 : memref<1x128xf32, #tpu.memory_space<vmem>> -> memref<128xf32, #tpu.memory_space<vmem>>
    tpu.enqueue_dma source(%dma_start3A_4271 : memref<128xf32, #tpu.memory_space<vmem>>) target(%dma_start3A_4268 : memref<128xf32, #tpu.memory_space<any>>) target_semaphore(%arg7 : memref<!tpu.dma_semaphore, #tpu.memory_space<semaphore_mem>>)
    %dma_wait3A = arith.constant 0 : i32
    %dma_wait3A_4272 = arith.constant 0 : i32
    %dma_wait3A_4273 = tpu.memref_slice %arg5[%dma_wait3A_4272] : memref<12800000xf32, #tpu.memory_space<any>> -> memref<128xf32, #tpu.memory_space<any>>
    %dma_wait3A_4274 = arith.constant 0 : i32
    %dma_wait3A_4275 = tpu.memref_slice %arg6[%dma_wait3A, %dma_wait3A_4274] : memref<128x128xf32, #tpu.memory_space<vmem>> -> memref<1x128xf32, #tpu.memory_space<vmem>>
    %dma_wait3A_4276 = tpu.memref_squeeze %dma_wait3A_4275 : memref<1x128xf32, #tpu.memory_space<vmem>> -> memref<128xf32, #tpu.memory_space<vmem>>
    tpu.wait_dma2 semaphore(%arg7 : memref<!tpu.dma_semaphore, #tpu.memory_space<semaphore_mem>>) src(%dma_wait3A_4276 : memref<128xf32, #tpu.memory_space<vmem>>) dst(%dma_wait3A_4273 : memref<128xf32, #tpu.memory_space<any>>)
    %dma_wait3A_4277 = arith.constant 0 : i32
    %dma_wait3A_4278 = arith.constant 0 : i32
    %dma_wait3A_4279 = tpu.memref_slice %arg5[%dma_wait3A_4278] : memref<12800000xf32, #tpu.memory_space<any>> -> memref<128xf32, #tpu.memory_space<any>>
    %dma_wait3A_4280 = arith.constant 0 : i32
    %dma_wait3A_4281 = tpu.memref_slice %arg6[%dma_wait3A_4277, %dma_wait3A_4280] : memref<128x128xf32, #tpu.memory_space<vmem>> -> memref<1x128xf32, #tpu.memory_space<vmem>>
    %dma_wait3A_4282 = tpu.memref_squeeze %dma_wait3A_4281 : memref<1x128xf32, #tpu.memory_space<vmem>> -> memref<128xf32, #tpu.memory_space<vmem>>
    tpu.wait_dma2 semaphore(%arg7 : memref<!tpu.dma_semaphore, #tpu.memory_space<semaphore_mem>>) src(%dma_wait3A_4282 : memref<128xf32, #tpu.memory_space<vmem>>) dst(%dma_wait3A_4279 : memref<128xf32, #tpu.memory_space<any>>)
    %dma_wait3A_4283 = arith.constant 0 : i32
    %dma_wait3A_4284 = arith.constant 0 : i32
    %dma_wait3A_4285 = tpu.memref_slice %arg5[%dma_wait3A_4284] : memref<12800000xf32, #tpu.memory_space<any>> -> memref<128xf32, #tpu.memory_space<any>>
    %dma_wait3A_4286 = arith.constant 0 : i32
    %dma_wait3A_4287 = tpu.memref_slice %arg6[%dma_wait3A_4283, %dma_wait3A_4286] : memref<128x128xf32, #tpu.memory_space<vmem>> -> memref<1x128xf32, #tpu.memory_space<vmem>>
    %dma_wait3A_4288 = tpu.memref_squeeze %dma_wait3A_4287 : memref<1x128xf32, #tpu.memory_space<vmem>> -> memref<128xf32, #tpu.memory_space<vmem>>
    tpu.wait_dma2 semaphore(%arg7 : memref<!tpu.dma_semaphore, #tpu.memory_space<semaphore_mem>>) src(%dma_wait3A_4288 : memref<128xf32, #tpu.memory_space<vmem>>) dst(%dma_wait3A_4285 : memref<128xf32, #tpu.memory_space<any>>)
    %dma_wait3A_4289 = arith.constant 0 : i32
    %dma_wait3A_4290 = arith.constant 0 : i32
    %dma_wait3A_4291 = tpu.memref_slice %arg5[%dma_wait3A_4290] : memref<12800000xf32, #tpu.memory_space<any>> -> memref<128xf32, #tpu.memory_space<any>>
    %dma_wait3A_4292 = arith.constant 0 : i32
    %dma_wait3A_4293 = tpu.memref_slice %arg6[%dma_wait3A_4289, %dma_wait3A_4292] : memref<128x128xf32, #tpu.memory_space<vmem>> -> memref<1x128xf32, #tpu.memory_space<vmem>>
    %dma_wait3A_4294 = tpu.memref_squeeze %dma_wait3A_4293 : memref<1x128xf32, #tpu.memory_space<vmem>> -> memref<128xf32, #tpu.memory_space<vmem>>
    tpu.wait_dma2 semaphore(%arg7 : memref<!tpu.dma_semaphore, #tpu.memory_space<semaphore_mem>>) src(%dma_wait3A_4294 : memref<128xf32, #tpu.memory_space<vmem>>) dst(%dma_wait3A_4291 : memref<128xf32, #tpu.memory_space<any>>)
    %dma_wait3A_4295 = arith.constant 0 : i32
    %dma_wait3A_4296 = arith.constant 0 : i32
    %dma_wait3A_4297 = tpu.memref_slice %arg5[%dma_wait3A_4296] : memref<12800000xf32, #tpu.memory_space<any>> -> memref<128xf32, #tpu.memory_space<any>>
    %dma_wait3A_4298 = arith.constant 0 : i32
    %dma_wait3A_4299 = tpu.memref_slice %arg6[%dma_wait3A_4295, %dma_wait3A_4298] : memref<128x128xf32, #tpu.memory_space<vmem>> -> memref<1x128xf32, #tpu.memory_space<vmem>>
    %dma_wait3A_4300 = tpu.memref_squeeze %dma_wait3A_4299 : memref<1x128xf32, #tpu.memory_space<vmem>> -> memref<128xf32, #tpu.memory_space<vmem>>
    tpu.wait_dma2 semaphore(%arg7 : memref<!tpu.dma_semaphore, #tpu.memory_space<semaphore_mem>>) src(%dma_wait3A_4300 : memref<128xf32, #tpu.memory_space<vmem>>) dst(%dma_wait3A_4297 : memref<128xf32, #tpu.memory_space<any>>)
    %dma_wait3A_4301 = arith.constant 0 : i32
    %dma_wait3A_4302 = arith.constant 0 : i32
    %dma_wait3A_4303 = tpu.memref_slice %arg5[%dma_wait3A_4302] : memref<12800000xf32, #tpu.memory_space<any>> -> memref<128xf32, #tpu.memory_space<any>>
    %dma_wait3A_4304 = arith.constant 0 : i32
    %dma_wait3A_4305 = tpu.memref_slice %arg6[%dma_wait3A_4301, %dma_wait3A_4304] : memref<128x128xf32, #tpu.memory_space<vmem>> -> memref<1x128xf32, #tpu.memory_space<vmem>>
    %dma_wait3A_4306 = tpu.memref_squeeze %dma_wait3A_4305 : memref<1x128xf32, #tpu.memory_space<vmem>> -> memref<128xf32, #tpu.memory_space<vmem>>
    tpu.wait_dma2 semaphore(%arg7 : memref<!tpu.dma_semaphore, #tpu.memory_space<semaphore_mem>>) src(%dma_wait3A_4306 : memref<128xf32, #tpu.memory_space<vmem>>) dst(%dma_wait3A_4303 : memref<128xf32, #tpu.memory_space<any>>)
    %dma_wait3A_4307 = arith.constant 0 : i32
    %dma_wait3A_4308 = arith.constant 0 : i32
    %dma_wait3A_4309 = tpu.memref_slice %arg5[%dma_wait3A_4308] : memref<12800000xf32, #tpu.memory_space<any>> -> memref<128xf32, #tpu.memory_space<any>>
    %dma_wait3A_4310 = arith.constant 0 : i32
    %dma_wait3A_4311 = tpu.memref_slice %arg6[%dma_wait3A_4307, %dma_wait3A_4310] : memref<128x128xf32, #tpu.memory_space<vmem>> -> memref<1x128xf32, #tpu.memory_space<vmem>>
    %dma_wait3A_4312 = tpu.memref_squeeze %dma_wait3A_4311 : memref<1x128xf32, #tpu.memory_space<vmem>> -> memref<128xf32, #tpu.memory_space<vmem>>
    tpu.wait_dma2 semaphore(%arg7 : memref<!tpu.dma_semaphore, #tpu.memory_space<semaphore_mem>>) src(%dma_wait3A_4312 : memref<128xf32, #tpu.memory_space<vmem>>) dst(%dma_wait3A_4309 : memref<128xf32, #tpu.memory_space<any>>)
    %dma_wait3A_4313 = arith.constant 0 : i32
    %dma_wait3A_4314 = arith.constant 0 : i32
    %dma_wait3A_4315 = tpu.memref_slice %arg5[%dma_wait3A_4314] : memref<12800000xf32, #tpu.memory_space<any>> -> memref<128xf32, #tpu.memory_space<any>>
    %dma_wait3A_4316 = arith.constant 0 : i32
    %dma_wait3A_4317 = tpu.memref_slice %arg6[%dma_wait3A_4313, %dma_wait3A_4316] : memref<128x128xf32, #tpu.memory_space<vmem>> -> memref<1x128xf32, #tpu.memory_space<vmem>>
    %dma_wait3A_4318 = tpu.memref_squeeze %dma_wait3A_4317 : memref<1x128xf32, #tpu.memory_space<vmem>> -> memref<128xf32, #tpu.memory_space<vmem>>
    tpu.wait_dma2 semaphore(%arg7 : memref<!tpu.dma_semaphore, #tpu.memory_space<semaphore_mem>>) src(%dma_wait3A_4318 : memref<128xf32, #tpu.memory_space<vmem>>) dst(%dma_wait3A_4315 : memref<128xf32, #tpu.memory_space<any>>)
    %dma_wait3A_4319 = arith.constant 0 : i32
    %dma_wait3A_4320 = arith.constant 0 : i32
    %dma_wait3A_4321 = tpu.memref_slice %arg5[%dma_wait3A_4320] : memref<12800000xf32, #tpu.memory_space<any>> -> memref<128xf32, #tpu.memory_space<any>>
    %dma_wait3A_4322 = arith.constant 0 : i32
    %dma_wait3A_4323 = tpu.memref_slice %arg6[%dma_wait3A_4319, %dma_wait3A_4322] : memref<128x128xf32, #tpu.memory_space<vmem>> -> memref<1x128xf32, #tpu.memory_space<vmem>>
    %dma_wait3A_4324 = tpu.memref_squeeze %dma_wait3A_4323 : memref<1x128xf32, #tpu.memory_space<vmem>> -> memref<128xf32, #tpu.memory_space<vmem>>
    tpu.wait_dma2 semaphore(%arg7 : memref<!tpu.dma_semaphore, #tpu.memory_space<semaphore_mem>>) src(%dma_wait3A_4324 : memref<128xf32, #tpu.memory_space<vmem>>) dst(%dma_wait3A_4321 : memref<128xf32, #tpu.memory_space<any>>)
    %dma_wait3A_4325 = arith.constant 0 : i32
    %dma_wait3A_4326 = arith.constant 0 : i32
    %dma_wait3A_4327 = tpu.memref_slice %arg5[%dma_wait3A_4326] : memref<12800000xf32, #tpu.memory_space<any>> -> memref<128xf32, #tpu.memory_space<any>>
    %dma_wait3A_4328 = arith.constant 0 : i32
    %dma_wait3A_4329 = tpu.memref_slice %arg6[%dma_wait3A_4325, %dma_wait3A_4328] : memref<128x128xf32, #tpu.memory_space<vmem>> -> memref<1x128xf32, #tpu.memory_space<vmem>>
    %dma_wait3A_4330 = tpu.memref_squeeze %dma_wait3A_4329 : memref<1x128xf32, #tpu.memory_space<vmem>> -> memref<128xf32, #tpu.memory_space<vmem>>
    tpu.wait_dma2 semaphore(%arg7 : memref<!tpu.dma_semaphore, #tpu.memory_space<semaphore_mem>>) src(%dma_wait3A_4330 : memref<128xf32, #tpu.memory_space<vmem>>) dst(%dma_wait3A_4327 : memref<128xf32, #tpu.memory_space<any>>)
    %dma_wait3A_4331 = arith.constant 0 : i32
    %dma_wait3A_4332 = arith.constant 0 : i32
    %dma_wait3A_4333 = tpu.memref_slice %arg5[%dma_wait3A_4332] : memref<12800000xf32, #tpu.memory_space<any>> -> memref<128xf32, #tpu.memory_space<any>>
    %dma_wait3A_4334 = arith.constant 0 : i32
    %dma_wait3A_4335 = tpu.memref_slice %arg6[%dma_wait3A_4331, %dma_wait3A_4334] : memref<128x128xf32, #tpu.memory_space<vmem>> -> memref<1x128xf32, #tpu.memory_space<vmem>>
    %dma_wait3A_4336 = tpu.memref_squeeze %dma_wait3A_4335 : memref<1x128xf32, #tpu.memory_space<vmem>> -> memref<128xf32, #tpu.memory_space<vmem>>
    tpu.wait_dma2 semaphore(%arg7 : memref<!tpu.dma_semaphore, #tpu.memory_space<semaphore_mem>>) src(%dma_wait3A_4336 : memref<128xf32, #tpu.memory_space<vmem>>) dst(%dma_wait3A_4333 : memref<128xf32, #tpu.memory_space<any>>)
    %dma_wait3A_4337 = arith.constant 0 : i32
    %dma_wait3A_4338 = arith.constant 0 : i32
    %dma_wait3A_4339 = tpu.memref_slice %arg5[%dma_wait3A_4338] : memref<12800000xf32, #tpu.memory_space<any>> -> memref<128xf32, #tpu.memory_space<any>>
    %dma_wait3A_4340 = arith.constant 0 : i32
    %dma_wait3A_4341 = tpu.memref_slice %arg6[%dma_wait3A_4337, %dma_wait3A_4340] : memref<128x128xf32, #tpu.memory_space<vmem>> -> memref<1x128xf32, #tpu.memory_space<vmem>>
    %dma_wait3A_4342 = tpu.memref_squeeze %dma_wait3A_4341 : memref<1x128xf32, #tpu.memory_space<vmem>> -> memref<128xf32, #tpu.memory_space<vmem>>
    tpu.wait_dma2 semaphore(%arg7 : memref<!tpu.dma_semaphore, #tpu.memory_space<semaphore_mem>>) src(%dma_wait3A_4342 : memref<128xf32, #tpu.memory_space<vmem>>) dst(%dma_wait3A_4339 : memref<128xf32, #tpu.memory_space<any>>)
    %dma_wait3A_4343 = arith.constant 0 : i32
    %dma_wait3A_4344 = arith.constant 0 : i32
    %dma_wait3A_4345 = tpu.memref_slice %arg5[%dma_wait3A_4344] : memref<12800000xf32, #tpu.memory_space<any>> -> memref<128xf32, #tpu.memory_space<any>>
    %dma_wait3A_4346 = arith.constant 0 : i32
    %dma_wait3A_4347 = tpu.memref_slice %arg6[%dma_wait3A_4343, %dma_wait3A_4346] : memref<128x128xf32, #tpu.memory_space<vmem>> -> memref<1x128xf32, #tpu.memory_space<vmem>>
    %dma_wait3A_4348 = tpu.memref_squeeze %dma_wait3A_4347 : memref<1x128xf32, #tpu.memory_space<vmem>> -> memref<128xf32, #tpu.memory_space<vmem>>
    tpu.wait_dma2 semaphore(%arg7 : memref<!tpu.dma_semaphore, #tpu.memory_space<semaphore_mem>>) src(%dma_wait3A_4348 : memref<128xf32, #tpu.memory_space<vmem>>) dst(%dma_wait3A_4345 : memref<128xf32, #tpu.memory_space<any>>)
    %dma_wait3A_4349 = arith.constant 0 : i32
    %dma_wait3A_4350 = arith.constant 0 : i32
    %dma_wait3A_4351 = tpu.memref_slice %arg5[%dma_wait3A_4350] : memref<12800000xf32, #tpu.memory_space<any>> -> memref<128xf32, #tpu.memory_space<any>>
    %dma_wait3A_4352 = arith.constant 0 : i32
    %dma_wait3A_4353 = tpu.memref_slice %arg6[%dma_wait3A_4349, %dma_wait3A_4352] : memref<128x128xf32, #tpu.memory_space<vmem>> -> memref<1x128xf32, #tpu.memory_space<vmem>>
    %dma_wait3A_4354 = tpu.memref_squeeze %dma_wait3A_4353 : memref<1x128xf32, #tpu.memory_space<vmem>> -> memref<128xf32, #tpu.memory_space<vmem>>
    tpu.wait_dma2 semaphore(%arg7 : memref<!tpu.dma_semaphore, #tpu.memory_space<semaphore_mem>>) src(%dma_wait3A_4354 : memref<128xf32, #tpu.memory_space<vmem>>) dst(%dma_wait3A_4351 : memref<128xf32, #tpu.memory_space<any>>)
    %dma_wait3A_4355 = arith.constant 0 : i32
    %dma_wait3A_4356 = arith.constant 0 : i32
    %dma_wait3A_4357 = tpu.memref_slice %arg5[%dma_wait3A_4356] : memref<12800000xf32, #tpu.memory_space<any>> -> memref<128xf32, #tpu.memory_space<any>>
    %dma_wait3A_4358 = arith.constant 0 : i32
    %dma_wait3A_4359 = tpu.memref_slice %arg6[%dma_wait3A_4355, %dma_wait3A_4358] : memref<128x128xf32, #tpu.memory_space<vmem>> -> memref<1x128xf32, #tpu.memory_space<vmem>>
    %dma_wait3A_4360 = tpu.memref_squeeze %dma_wait3A_4359 : memref<1x128xf32, #tpu.memory_space<vmem>> -> memref<128xf32, #tpu.memory_space<vmem>>
    tpu.wait_dma2 semaphore(%arg7 : memref<!tpu.dma_semaphore, #tpu.memory_space<semaphore_mem>>) src(%dma_wait3A_4360 : memref<128xf32, #tpu.memory_space<vmem>>) dst(%dma_wait3A_4357 : memref<128xf32, #tpu.memory_space<any>>)
    %dma_wait3A_4361 = arith.constant 0 : i32
    %dma_wait3A_4362 = arith.constant 0 : i32
    %dma_wait3A_4363 = tpu.memref_slice %arg5[%dma_wait3A_4362] : memref<12800000xf32, #tpu.memory_space<any>> -> memref<128xf32, #tpu.memory_space<any>>
    %dma_wait3A_4364 = arith.constant 0 : i32
    %dma_wait3A_4365 = tpu.memref_slice %arg6[%dma_wait3A_4361, %dma_wait3A_4364] : memref<128x128xf32, #tpu.memory_space<vmem>> -> memref<1x128xf32, #tpu.memory_space<vmem>>
    %dma_wait3A_4366 = tpu.memref_squeeze %dma_wait3A_4365 : memref<1x128xf32, #tpu.memory_space<vmem>> -> memref<128xf32, #tpu.memory_space<vmem>>
    tpu.wait_dma2 semaphore(%arg7 : memref<!tpu.dma_semaphore, #tpu.memory_space<semaphore_mem>>) src(%dma_wait3A_4366 : memref<128xf32, #tpu.memory_space<vmem>>) dst(%dma_wait3A_4363 : memref<128xf32, #tpu.memory_space<any>>)
    %dma_wait3A_4367 = arith.constant 0 : i32
    %dma_wait3A_4368 = arith.constant 0 : i32
    %dma_wait3A_4369 = tpu.memref_slice %arg5[%dma_wait3A_4368] : memref<12800000xf32, #tpu.memory_space<any>> -> memref<128xf32, #tpu.memory_space<any>>
    %dma_wait3A_4370 = arith.constant 0 : i32
    %dma_wait3A_4371 = tpu.memref_slice %arg6[%dma_wait3A_4367, %dma_wait3A_4370] : memref<128x128xf32, #tpu.memory_space<vmem>> -> memref<1x128xf32, #tpu.memory_space<vmem>>
    %dma_wait3A_4372 = tpu.memref_squeeze %dma_wait3A_4371 : memref<1x128xf32, #tpu.memory_space<vmem>> -> memref<128xf32, #tpu.memory_space<vmem>>
    tpu.wait_dma2 semaphore(%arg7 : memref<!tpu.dma_semaphore, #tpu.memory_space<semaphore_mem>>) src(%dma_wait3A_4372 : memref<128xf32, #tpu.memory_space<vmem>>) dst(%dma_wait3A_4369 : memref<128xf32, #tpu.memory_space<any>>)
    %dma_wait3A_4373 = arith.constant 0 : i32
    %dma_wait3A_4374 = arith.constant 0 : i32
    %dma_wait3A_4375 = tpu.memref_slice %arg5[%dma_wait3A_4374] : memref<12800000xf32, #tpu.memory_space<any>> -> memref<128xf32, #tpu.memory_space<any>>
    %dma_wait3A_4376 = arith.constant 0 : i32
    %dma_wait3A_4377 = tpu.memref_slice %arg6[%dma_wait3A_4373, %dma_wait3A_4376] : memref<128x128xf32, #tpu.memory_space<vmem>> -> memref<1x128xf32, #tpu.memory_space<vmem>>
    %dma_wait3A_4378 = tpu.memref_squeeze %dma_wait3A_4377 : memref<1x128xf32, #tpu.memory_space<vmem>> -> memref<128xf32, #tpu.memory_space<vmem>>
    tpu.wait_dma2 semaphore(%arg7 : memref<!tpu.dma_semaphore, #tpu.memory_space<semaphore_mem>>) src(%dma_wait3A_4378 : memref<128xf32, #tpu.memory_space<vmem>>) dst(%dma_wait3A_4375 : memref<128xf32, #tpu.memory_space<any>>)
    %dma_wait3A_4379 = arith.constant 0 : i32
    %dma_wait3A_4380 = arith.constant 0 : i32
    %dma_wait3A_4381 = tpu.memref_slice %arg5[%dma_wait3A_4380] : memref<12800000xf32, #tpu.memory_space<any>> -> memref<128xf32, #tpu.memory_space<any>>
    %dma_wait3A_4382 = arith.constant 0 : i32
    %dma_wait3A_4383 = tpu.memref_slice %arg6[%dma_wait3A_4379, %dma_wait3A_4382] : memref<128x128xf32, #tpu.memory_space<vmem>> -> memref<1x128xf32, #tpu.memory_space<vmem>>
    %dma_wait3A_4384 = tpu.memref_squeeze %dma_wait3A_4383 : memref<1x128xf32, #tpu.memory_space<vmem>> -> memref<128xf32, #tpu.memory_space<vmem>>
    tpu.wait_dma2 semaphore(%arg7 : memref<!tpu.dma_semaphore, #tpu.memory_space<semaphore_mem>>) src(%dma_wait3A_4384 : memref<128xf32, #tpu.memory_space<vmem>>) dst(%dma_wait3A_4381 : memref<128xf32, #tpu.memory_space<any>>)
    %dma_wait3A_4385 = arith.constant 0 : i32
    %dma_wait3A_4386 = arith.constant 0 : i32
    %dma_wait3A_4387 = tpu.memref_slice %arg5[%dma_wait3A_4386] : memref<12800000xf32, #tpu.memory_space<any>> -> memref<128xf32, #tpu.memory_space<any>>
    %dma_wait3A_4388 = arith.constant 0 : i32
    %dma_wait3A_4389 = tpu.memref_slice %arg6[%dma_wait3A_4385, %dma_wait3A_4388] : memref<128x128xf32, #tpu.memory_space<vmem>> -> memref<1x128xf32, #tpu.memory_space<vmem>>
    %dma_wait3A_4390 = tpu.memref_squeeze %dma_wait3A_4389 : memref<1x128xf32, #tpu.memory_space<vmem>> -> memref<128xf32, #tpu.memory_space<vmem>>
    tpu.wait_dma2 semaphore(%arg7 : memref<!tpu.dma_semaphore, #tpu.memory_space<semaphore_mem>>) src(%dma_wait3A_4390 : memref<128xf32, #tpu.memory_space<vmem>>) dst(%dma_wait3A_4387 : memref<128xf32, #tpu.memory_space<any>>)
    %dma_wait3A_4391 = arith.constant 0 : i32
    %dma_wait3A_4392 = arith.constant 0 : i32
    %dma_wait3A_4393 = tpu.memref_slice %arg5[%dma_wait3A_4392] : memref<12800000xf32, #tpu.memory_space<any>> -> memref<128xf32, #tpu.memory_space<any>>
    %dma_wait3A_4394 = arith.constant 0 : i32
    %dma_wait3A_4395 = tpu.memref_slice %arg6[%dma_wait3A_4391, %dma_wait3A_4394] : memref<128x128xf32, #tpu.memory_space<vmem>> -> memref<1x128xf32, #tpu.memory_space<vmem>>
    %dma_wait3A_4396 = tpu.memref_squeeze %dma_wait3A_4395 : memref<1x128xf32, #tpu.memory_space<vmem>> -> memref<128xf32, #tpu.memory_space<vmem>>
    tpu.wait_dma2 semaphore(%arg7 : memref<!tpu.dma_semaphore, #tpu.memory_space<semaphore_mem>>) src(%dma_wait3A_4396 : memref<128xf32, #tpu.memory_space<vmem>>) dst(%dma_wait3A_4393 : memref<128xf32, #tpu.memory_space<any>>)
    %dma_wait3A_4397 = arith.constant 0 : i32
    %dma_wait3A_4398 = arith.constant 0 : i32
    %dma_wait3A_4399 = tpu.memref_slice %arg5[%dma_wait3A_4398] : memref<12800000xf32, #tpu.memory_space<any>> -> memref<128xf32, #tpu.memory_space<any>>
    %dma_wait3A_4400 = arith.constant 0 : i32
    %dma_wait3A_4401 = tpu.memref_slice %arg6[%dma_wait3A_4397, %dma_wait3A_4400] : memref<128x128xf32, #tpu.memory_space<vmem>> -> memref<1x128xf32, #tpu.memory_space<vmem>>
    %dma_wait3A_4402 = tpu.memref_squeeze %dma_wait3A_4401 : memref<1x128xf32, #tpu.memory_space<vmem>> -> memref<128xf32, #tpu.memory_space<vmem>>
    tpu.wait_dma2 semaphore(%arg7 : memref<!tpu.dma_semaphore, #tpu.memory_space<semaphore_mem>>) src(%dma_wait3A_4402 : memref<128xf32, #tpu.memory_space<vmem>>) dst(%dma_wait3A_4399 : memref<128xf32, #tpu.memory_space<any>>)
    %dma_wait3A_4403 = arith.constant 0 : i32
    %dma_wait3A_4404 = arith.constant 0 : i32
    %dma_wait3A_4405 = tpu.memref_slice %arg5[%dma_wait3A_4404] : memref<12800000xf32, #tpu.memory_space<any>> -> memref<128xf32, #tpu.memory_space<any>>
    %dma_wait3A_4406 = arith.constant 0 : i32
    %dma_wait3A_4407 = tpu.memref_slice %arg6[%dma_wait3A_4403, %dma_wait3A_4406] : memref<128x128xf32, #tpu.memory_space<vmem>> -> memref<1x128xf32, #tpu.memory_space<vmem>>
    %dma_wait3A_4408 = tpu.memref_squeeze %dma_wait3A_4407 : memref<1x128xf32, #tpu.memory_space<vmem>> -> memref<128xf32, #tpu.memory_space<vmem>>
    tpu.wait_dma2 semaphore(%arg7 : memref<!tpu.dma_semaphore, #tpu.memory_space<semaphore_mem>>) src(%dma_wait3A_4408 : memref<128xf32, #tpu.memory_space<vmem>>) dst(%dma_wait3A_4405 : memref<128xf32, #tpu.memory_space<any>>)
    %dma_wait3A_4409 = arith.constant 0 : i32
    %dma_wait3A_4410 = arith.constant 0 : i32
    %dma_wait3A_4411 = tpu.memref_slice %arg5[%dma_wait3A_4410] : memref<12800000xf32, #tpu.memory_space<any>> -> memref<128xf32, #tpu.memory_space<any>>
    %dma_wait3A_4412 = arith.constant 0 : i32
    %dma_wait3A_4413 = tpu.memref_slice %arg6[%dma_wait3A_4409, %dma_wait3A_4412] : memref<128x128xf32, #tpu.memory_space<vmem>> -> memref<1x128xf32, #tpu.memory_space<vmem>>
    %dma_wait3A_4414 = tpu.memref_squeeze %dma_wait3A_4413 : memref<1x128xf32, #tpu.memory_space<vmem>> -> memref<128xf32, #tpu.memory_space<vmem>>
    tpu.wait_dma2 semaphore(%arg7 : memref<!tpu.dma_semaphore, #tpu.memory_space<semaphore_mem>>) src(%dma_wait3A_4414 : memref<128xf32, #tpu.memory_space<vmem>>) dst(%dma_wait3A_4411 : memref<128xf32, #tpu.memory_space<any>>)
    %dma_wait3A_4415 = arith.constant 0 : i32
    %dma_wait3A_4416 = arith.constant 0 : i32
    %dma_wait3A_4417 = tpu.memref_slice %arg5[%dma_wait3A_4416] : memref<12800000xf32, #tpu.memory_space<any>> -> memref<128xf32, #tpu.memory_space<any>>
    %dma_wait3A_4418 = arith.constant 0 : i32
    %dma_wait3A_4419 = tpu.memref_slice %arg6[%dma_wait3A_4415, %dma_wait3A_4418] : memref<128x128xf32, #tpu.memory_space<vmem>> -> memref<1x128xf32, #tpu.memory_space<vmem>>
    %dma_wait3A_4420 = tpu.memref_squeeze %dma_wait3A_4419 : memref<1x128xf32, #tpu.memory_space<vmem>> -> memref<128xf32, #tpu.memory_space<vmem>>
    tpu.wait_dma2 semaphore(%arg7 : memref<!tpu.dma_semaphore, #tpu.memory_space<semaphore_mem>>) src(%dma_wait3A_4420 : memref<128xf32, #tpu.memory_space<vmem>>) dst(%dma_wait3A_4417 : memref<128xf32, #tpu.memory_space<any>>)
    %dma_wait3A_4421 = arith.constant 0 : i32
    %dma_wait3A_4422 = arith.constant 0 : i32
    %dma_wait3A_4423 = tpu.memref_slice %arg5[%dma_wait3A_4422] : memref<12800000xf32, #tpu.memory_space<any>> -> memref<128xf32, #tpu.memory_space<any>>
    %dma_wait3A_4424 = arith.constant 0 : i32
    %dma_wait3A_4425 = tpu.memref_slice %arg6[%dma_wait3A_4421, %dma_wait3A_4424] : memref<128x128xf32, #tpu.memory_space<vmem>> -> memref<1x128xf32, #tpu.memory_space<vmem>>
    %dma_wait3A_4426 = tpu.memref_squeeze %dma_wait3A_4425 : memref<1x128xf32, #tpu.memory_space<vmem>> -> memref<128xf32, #tpu.memory_space<vmem>>
    tpu.wait_dma2 semaphore(%arg7 : memref<!tpu.dma_semaphore, #tpu.memory_space<semaphore_mem>>) src(%dma_wait3A_4426 : memref<128xf32, #tpu.memory_space<vmem>>) dst(%dma_wait3A_4423 : memref<128xf32, #tpu.memory_space<any>>)
    %dma_wait3A_4427 = arith.constant 0 : i32
    %dma_wait3A_4428 = arith.constant 0 : i32
    %dma_wait3A_4429 = tpu.memref_slice %arg5[%dma_wait3A_4428] : memref<12800000xf32, #tpu.memory_space<any>> -> memref<128xf32, #tpu.memory_space<any>>
    %dma_wait3A_4430 = arith.constant 0 : i32
    %dma_wait3A_4431 = tpu.memref_slice %arg6[%dma_wait3A_4427, %dma_wait3A_4430] : memref<128x128xf32, #tpu.memory_space<vmem>> -> memref<1x128xf32, #tpu.memory_space<vmem>>
    %dma_wait3A_4432 = tpu.memref_squeeze %dma_wait3A_4431 : memref<1x128xf32, #tpu.memory_space<vmem>> -> memref<128xf32, #tpu.memory_space<vmem>>
    tpu.wait_dma2 semaphore(%arg7 : memref<!tpu.dma_semaphore, #tpu.memory_space<semaphore_mem>>) src(%dma_wait3A_4432 : memref<128xf32, #tpu.memory_space<vmem>>) dst(%dma_wait3A_4429 : memref<128xf32, #tpu.memory_space<any>>)
    %dma_wait3A_4433 = arith.constant 0 : i32
    %dma_wait3A_4434 = arith.constant 0 : i32
    %dma_wait3A_4435 = tpu.memref_slice %arg5[%dma_wait3A_4434] : memref<12800000xf32, #tpu.memory_space<any>> -> memref<128xf32, #tpu.memory_space<any>>
    %dma_wait3A_4436 = arith.constant 0 : i32
    %dma_wait3A_4437 = tpu.memref_slice %arg6[%dma_wait3A_4433, %dma_wait3A_4436] : memref<128x128xf32, #tpu.memory_space<vmem>> -> memref<1x128xf32, #tpu.memory_space<vmem>>
    %dma_wait3A_4438 = tpu.memref_squeeze %dma_wait3A_4437 : memref<1x128xf32, #tpu.memory_space<vmem>> -> memref<128xf32, #tpu.memory_space<vmem>>
    tpu.wait_dma2 semaphore(%arg7 : memref<!tpu.dma_semaphore, #tpu.memory_space<semaphore_mem>>) src(%dma_wait3A_4438 : memref<128xf32, #tpu.memory_space<vmem>>) dst(%dma_wait3A_4435 : memref<128xf32, #tpu.memory_space<any>>)
    %dma_wait3A_4439 = arith.constant 0 : i32
    %dma_wait3A_4440 = arith.constant 0 : i32
    %dma_wait3A_4441 = tpu.memref_slice %arg5[%dma_wait3A_4440] : memref<12800000xf32, #tpu.memory_space<any>> -> memref<128xf32, #tpu.memory_space<any>>
    %dma_wait3A_4442 = arith.constant 0 : i32
    %dma_wait3A_4443 = tpu.memref_slice %arg6[%dma_wait3A_4439, %dma_wait3A_4442] : memref<128x128xf32, #tpu.memory_space<vmem>> -> memref<1x128xf32, #tpu.memory_space<vmem>>
    %dma_wait3A_4444 = tpu.memref_squeeze %dma_wait3A_4443 : memref<1x128xf32, #tpu.memory_space<vmem>> -> memref<128xf32, #tpu.memory_space<vmem>>
    tpu.wait_dma2 semaphore(%arg7 : memref<!tpu.dma_semaphore, #tpu.memory_space<semaphore_mem>>) src(%dma_wait3A_4444 : memref<128xf32, #tpu.memory_space<vmem>>) dst(%dma_wait3A_4441 : memref<128xf32, #tpu.memory_space<any>>)
    %dma_wait3A_4445 = arith.constant 0 : i32
    %dma_wait3A_4446 = arith.constant 0 : i32
    %dma_wait3A_4447 = tpu.memref_slice %arg5[%dma_wait3A_4446] : memref<12800000xf32, #tpu.memory_space<any>> -> memref<128xf32, #tpu.memory_space<any>>
    %dma_wait3A_4448 = arith.constant 0 : i32
    %dma_wait3A_4449 = tpu.memref_slice %arg6[%dma_wait3A_4445, %dma_wait3A_4448] : memref<128x128xf32, #tpu.memory_space<vmem>> -> memref<1x128xf32, #tpu.memory_space<vmem>>
    %dma_wait3A_4450 = tpu.memref_squeeze %dma_wait3A_4449 : memref<1x128xf32, #tpu.memory_space<vmem>> -> memref<128xf32, #tpu.memory_space<vmem>>
    tpu.wait_dma2 semaphore(%arg7 : memref<!tpu.dma_semaphore, #tpu.memory_space<semaphore_mem>>) src(%dma_wait3A_4450 : memref<128xf32, #tpu.memory_space<vmem>>) dst(%dma_wait3A_4447 : memref<128xf32, #tpu.memory_space<any>>)
    %dma_wait3A_4451 = arith.constant 0 : i32
    %dma_wait3A_4452 = arith.constant 0 : i32
    %dma_wait3A_4453 = tpu.memref_slice %arg5[%dma_wait3A_4452] : memref<12800000xf32, #tpu.memory_space<any>> -> memref<128xf32, #tpu.memory_space<any>>
    %dma_wait3A_4454 = arith.constant 0 : i32
    %dma_wait3A_4455 = tpu.memref_slice %arg6[%dma_wait3A_4451, %dma_wait3A_4454] : memref<128x128xf32, #tpu.memory_space<vmem>> -> memref<1x128xf32, #tpu.memory_space<vmem>>
    %dma_wait3A_4456 = tpu.memref_squeeze %dma_wait3A_4455 : memref<1x128xf32, #tpu.memory_space<vmem>> -> memref<128xf32, #tpu.memory_space<vmem>>
    tpu.wait_dma2 semaphore(%arg7 : memref<!tpu.dma_semaphore, #tpu.memory_space<semaphore_mem>>) src(%dma_wait3A_4456 : memref<128xf32, #tpu.memory_space<vmem>>) dst(%dma_wait3A_4453 : memref<128xf32, #tpu.memory_space<any>>)
    %dma_wait3A_4457 = arith.constant 0 : i32
    %dma_wait3A_4458 = arith.constant 0 : i32
    %dma_wait3A_4459 = tpu.memref_slice %arg5[%dma_wait3A_4458] : memref<12800000xf32, #tpu.memory_space<any>> -> memref<128xf32, #tpu.memory_space<any>>
    %dma_wait3A_4460 = arith.constant 0 : i32
    %dma_wait3A_4461 = tpu.memref_slice %arg6[%dma_wait3A_4457, %dma_wait3A_4460] : memref<128x128xf32, #tpu.memory_space<vmem>> -> memref<1x128xf32, #tpu.memory_space<vmem>>
    %dma_wait3A_4462 = tpu.memref_squeeze %dma_wait3A_4461 : memref<1x128xf32, #tpu.memory_space<vmem>> -> memref<128xf32, #tpu.memory_space<vmem>>
    tpu.wait_dma2 semaphore(%arg7 : memref<!tpu.dma_semaphore, #tpu.memory_space<semaphore_mem>>) src(%dma_wait3A_4462 : memref<128xf32, #tpu.memory_space<vmem>>) dst(%dma_wait3A_4459 : memref<128xf32, #tpu.memory_space<any>>)
    %dma_wait3A_4463 = arith.constant 0 : i32
    %dma_wait3A_4464 = arith.constant 0 : i32
    %dma_wait3A_4465 = tpu.memref_slice %arg5[%dma_wait3A_4464] : memref<12800000xf32, #tpu.memory_space<any>> -> memref<128xf32, #tpu.memory_space<any>>
    %dma_wait3A_4466 = arith.constant 0 : i32
    %dma_wait3A_4467 = tpu.memref_slice %arg6[%dma_wait3A_4463, %dma_wait3A_4466] : memref<128x128xf32, #tpu.memory_space<vmem>> -> memref<1x128xf32, #tpu.memory_space<vmem>>
    %dma_wait3A_4468 = tpu.memref_squeeze %dma_wait3A_4467 : memref<1x128xf32, #tpu.memory_space<vmem>> -> memref<128xf32, #tpu.memory_space<vmem>>
    tpu.wait_dma2 semaphore(%arg7 : memref<!tpu.dma_semaphore, #tpu.memory_space<semaphore_mem>>) src(%dma_wait3A_4468 : memref<128xf32, #tpu.memory_space<vmem>>) dst(%dma_wait3A_4465 : memref<128xf32, #tpu.memory_space<any>>)
    %dma_wait3A_4469 = arith.constant 0 : i32
    %dma_wait3A_4470 = arith.constant 0 : i32
    %dma_wait3A_4471 = tpu.memref_slice %arg5[%dma_wait3A_4470] : memref<12800000xf32, #tpu.memory_space<any>> -> memref<128xf32, #tpu.memory_space<any>>
    %dma_wait3A_4472 = arith.constant 0 : i32
    %dma_wait3A_4473 = tpu.memref_slice %arg6[%dma_wait3A_4469, %dma_wait3A_4472] : memref<128x128xf32, #tpu.memory_space<vmem>> -> memref<1x128xf32, #tpu.memory_space<vmem>>
    %dma_wait3A_4474 = tpu.memref_squeeze %dma_wait3A_4473 : memref<1x128xf32, #tpu.memory_space<vmem>> -> memref<128xf32, #tpu.memory_space<vmem>>
    tpu.wait_dma2 semaphore(%arg7 : memref<!tpu.dma_semaphore, #tpu.memory_space<semaphore_mem>>) src(%dma_wait3A_4474 : memref<128xf32, #tpu.memory_space<vmem>>) dst(%dma_wait3A_4471 : memref<128xf32, #tpu.memory_space<any>>)
    %dma_wait3A_4475 = arith.constant 0 : i32
    %dma_wait3A_4476 = arith.constant 0 : i32
    %dma_wait3A_4477 = tpu.memref_slice %arg5[%dma_wait3A_4476] : memref<12800000xf32, #tpu.memory_space<any>> -> memref<128xf32, #tpu.memory_space<any>>
    %dma_wait3A_4478 = arith.constant 0 : i32
    %dma_wait3A_4479 = tpu.memref_slice %arg6[%dma_wait3A_4475, %dma_wait3A_4478] : memref<128x128xf32, #tpu.memory_space<vmem>> -> memref<1x128xf32, #tpu.memory_space<vmem>>
    %dma_wait3A_4480 = tpu.memref_squeeze %dma_wait3A_4479 : memref<1x128xf32, #tpu.memory_space<vmem>> -> memref<128xf32, #tpu.memory_space<vmem>>
    tpu.wait_dma2 semaphore(%arg7 : memref<!tpu.dma_semaphore, #tpu.memory_space<semaphore_mem>>) src(%dma_wait3A_4480 : memref<128xf32, #tpu.memory_space<vmem>>) dst(%dma_wait3A_4477 : memref<128xf32, #tpu.memory_space<any>>)
    %dma_wait3A_4481 = arith.constant 0 : i32
    %dma_wait3A_4482 = arith.constant 0 : i32
    %dma_wait3A_4483 = tpu.memref_slice %arg5[%dma_wait3A_4482] : memref<12800000xf32, #tpu.memory_space<any>> -> memref<128xf32, #tpu.memory_space<any>>
    %dma_wait3A_4484 = arith.constant 0 : i32
    %dma_wait3A_4485 = tpu.memref_slice %arg6[%dma_wait3A_4481, %dma_wait3A_4484] : memref<128x128xf32, #tpu.memory_space<vmem>> -> memref<1x128xf32, #tpu.memory_space<vmem>>
    %dma_wait3A_4486 = tpu.memref_squeeze %dma_wait3A_4485 : memref<1x128xf32, #tpu.memory_space<vmem>> -> memref<128xf32, #tpu.memory_space<vmem>>
    tpu.wait_dma2 semaphore(%arg7 : memref<!tpu.dma_semaphore, #tpu.memory_space<semaphore_mem>>) src(%dma_wait3A_4486 : memref<128xf32, #tpu.memory_space<vmem>>) dst(%dma_wait3A_4483 : memref<128xf32, #tpu.memory_space<any>>)
    %dma_wait3A_4487 = arith.constant 0 : i32
    %dma_wait3A_4488 = arith.constant 0 : i32
    %dma_wait3A_4489 = tpu.memref_slice %arg5[%dma_wait3A_4488] : memref<12800000xf32, #tpu.memory_space<any>> -> memref<128xf32, #tpu.memory_space<any>>
    %dma_wait3A_4490 = arith.constant 0 : i32
    %dma_wait3A_4491 = tpu.memref_slice %arg6[%dma_wait3A_4487, %dma_wait3A_4490] : memref<128x128xf32, #tpu.memory_space<vmem>> -> memref<1x128xf32, #tpu.memory_space<vmem>>
    %dma_wait3A_4492 = tpu.memref_squeeze %dma_wait3A_4491 : memref<1x128xf32, #tpu.memory_space<vmem>> -> memref<128xf32, #tpu.memory_space<vmem>>
    tpu.wait_dma2 semaphore(%arg7 : memref<!tpu.dma_semaphore, #tpu.memory_space<semaphore_mem>>) src(%dma_wait3A_4492 : memref<128xf32, #tpu.memory_space<vmem>>) dst(%dma_wait3A_4489 : memref<128xf32, #tpu.memory_space<any>>)
    %dma_wait3A_4493 = arith.constant 0 : i32
    %dma_wait3A_4494 = arith.constant 0 : i32
    %dma_wait3A_4495 = tpu.memref_slice %arg5[%dma_wait3A_4494] : memref<12800000xf32, #tpu.memory_space<any>> -> memref<128xf32, #tpu.memory_space<any>>
    %dma_wait3A_4496 = arith.constant 0 : i32
    %dma_wait3A_4497 = tpu.memref_slice %arg6[%dma_wait3A_4493, %dma_wait3A_4496] : memref<128x128xf32, #tpu.memory_space<vmem>> -> memref<1x128xf32, #tpu.memory_space<vmem>>
    %dma_wait3A_4498 = tpu.memref_squeeze %dma_wait3A_4497 : memref<1x128xf32, #tpu.memory_space<vmem>> -> memref<128xf32, #tpu.memory_space<vmem>>
    tpu.wait_dma2 semaphore(%arg7 : memref<!tpu.dma_semaphore, #tpu.memory_space<semaphore_mem>>) src(%dma_wait3A_4498 : memref<128xf32, #tpu.memory_space<vmem>>) dst(%dma_wait3A_4495 : memref<128xf32, #tpu.memory_space<any>>)
    %dma_wait3A_4499 = arith.constant 0 : i32
    %dma_wait3A_4500 = arith.constant 0 : i32
    %dma_wait3A_4501 = tpu.memref_slice %arg5[%dma_wait3A_4500] : memref<12800000xf32, #tpu.memory_space<any>> -> memref<128xf32, #tpu.memory_space<any>>
    %dma_wait3A_4502 = arith.constant 0 : i32
    %dma_wait3A_4503 = tpu.memref_slice %arg6[%dma_wait3A_4499, %dma_wait3A_4502] : memref<128x128xf32, #tpu.memory_space<vmem>> -> memref<1x128xf32, #tpu.memory_space<vmem>>
    %dma_wait3A_4504 = tpu.memref_squeeze %dma_wait3A_4503 : memref<1x128xf32, #tpu.memory_space<vmem>> -> memref<128xf32, #tpu.memory_space<vmem>>
    tpu.wait_dma2 semaphore(%arg7 : memref<!tpu.dma_semaphore, #tpu.memory_space<semaphore_mem>>) src(%dma_wait3A_4504 : memref<128xf32, #tpu.memory_space<vmem>>) dst(%dma_wait3A_4501 : memref<128xf32, #tpu.memory_space<any>>)
    %dma_wait3A_4505 = arith.constant 0 : i32
    %dma_wait3A_4506 = arith.constant 0 : i32
    %dma_wait3A_4507 = tpu.memref_slice %arg5[%dma_wait3A_4506] : memref<12800000xf32, #tpu.memory_space<any>> -> memref<128xf32, #tpu.memory_space<any>>
    %dma_wait3A_4508 = arith.constant 0 : i32
    %dma_wait3A_4509 = tpu.memref_slice %arg6[%dma_wait3A_4505, %dma_wait3A_4508] : memref<128x128xf32, #tpu.memory_space<vmem>> -> memref<1x128xf32, #tpu.memory_space<vmem>>
    %dma_wait3A_4510 = tpu.memref_squeeze %dma_wait3A_4509 : memref<1x128xf32, #tpu.memory_space<vmem>> -> memref<128xf32, #tpu.memory_space<vmem>>
    tpu.wait_dma2 semaphore(%arg7 : memref<!tpu.dma_semaphore, #tpu.memory_space<semaphore_mem>>) src(%dma_wait3A_4510 : memref<128xf32, #tpu.memory_space<vmem>>) dst(%dma_wait3A_4507 : memref<128xf32, #tpu.memory_space<any>>)
    %dma_wait3A_4511 = arith.constant 0 : i32
    %dma_wait3A_4512 = arith.constant 0 : i32
    %dma_wait3A_4513 = tpu.memref_slice %arg5[%dma_wait3A_4512] : memref<12800000xf32, #tpu.memory_space<any>> -> memref<128xf32, #tpu.memory_space<any>>
    %dma_wait3A_4514 = arith.constant 0 : i32
    %dma_wait3A_4515 = tpu.memref_slice %arg6[%dma_wait3A_4511, %dma_wait3A_4514] : memref<128x128xf32, #tpu.memory_space<vmem>> -> memref<1x128xf32, #tpu.memory_space<vmem>>
    %dma_wait3A_4516 = tpu.memref_squeeze %dma_wait3A_4515 : memref<1x128xf32, #tpu.memory_space<vmem>> -> memref<128xf32, #tpu.memory_space<vmem>>
    tpu.wait_dma2 semaphore(%arg7 : memref<!tpu.dma_semaphore, #tpu.memory_space<semaphore_mem>>) src(%dma_wait3A_4516 : memref<128xf32, #tpu.memory_space<vmem>>) dst(%dma_wait3A_4513 : memref<128xf32, #tpu.memory_space<any>>)
    %dma_wait3A_4517 = arith.constant 0 : i32
    %dma_wait3A_4518 = arith.constant 0 : i32
    %dma_wait3A_4519 = tpu.memref_slice %arg5[%dma_wait3A_4518] : memref<12800000xf32, #tpu.memory_space<any>> -> memref<128xf32, #tpu.memory_space<any>>
    %dma_wait3A_4520 = arith.constant 0 : i32
    %dma_wait3A_4521 = tpu.memref_slice %arg6[%dma_wait3A_4517, %dma_wait3A_4520] : memref<128x128xf32, #tpu.memory_space<vmem>> -> memref<1x128xf32, #tpu.memory_space<vmem>>
    %dma_wait3A_4522 = tpu.memref_squeeze %dma_wait3A_4521 : memref<1x128xf32, #tpu.memory_space<vmem>> -> memref<128xf32, #tpu.memory_space<vmem>>
    tpu.wait_dma2 semaphore(%arg7 : memref<!tpu.dma_semaphore, #tpu.memory_space<semaphore_mem>>) src(%dma_wait3A_4522 : memref<128xf32, #tpu.memory_space<vmem>>) dst(%dma_wait3A_4519 : memref<128xf32, #tpu.memory_space<any>>)
    %dma_wait3A_4523 = arith.constant 0 : i32
    %dma_wait3A_4524 = arith.constant 0 : i32
    %dma_wait3A_4525 = tpu.memref_slice %arg5[%dma_wait3A_4524] : memref<12800000xf32, #tpu.memory_space<any>> -> memref<128xf32, #tpu.memory_space<any>>
    %dma_wait3A_4526 = arith.constant 0 : i32
    %dma_wait3A_4527 = tpu.memref_slice %arg6[%dma_wait3A_4523, %dma_wait3A_4526] : memref<128x128xf32, #tpu.memory_space<vmem>> -> memref<1x128xf32, #tpu.memory_space<vmem>>
    %dma_wait3A_4528 = tpu.memref_squeeze %dma_wait3A_4527 : memref<1x128xf32, #tpu.memory_space<vmem>> -> memref<128xf32, #tpu.memory_space<vmem>>
    tpu.wait_dma2 semaphore(%arg7 : memref<!tpu.dma_semaphore, #tpu.memory_space<semaphore_mem>>) src(%dma_wait3A_4528 : memref<128xf32, #tpu.memory_space<vmem>>) dst(%dma_wait3A_4525 : memref<128xf32, #tpu.memory_space<any>>)
    %dma_wait3A_4529 = arith.constant 0 : i32
    %dma_wait3A_4530 = arith.constant 0 : i32
    %dma_wait3A_4531 = tpu.memref_slice %arg5[%dma_wait3A_4530] : memref<12800000xf32, #tpu.memory_space<any>> -> memref<128xf32, #tpu.memory_space<any>>
    %dma_wait3A_4532 = arith.constant 0 : i32
    %dma_wait3A_4533 = tpu.memref_slice %arg6[%dma_wait3A_4529, %dma_wait3A_4532] : memref<128x128xf32, #tpu.memory_space<vmem>> -> memref<1x128xf32, #tpu.memory_space<vmem>>
    %dma_wait3A_4534 = tpu.memref_squeeze %dma_wait3A_4533 : memref<1x128xf32, #tpu.memory_space<vmem>> -> memref<128xf32, #tpu.memory_space<vmem>>
    tpu.wait_dma2 semaphore(%arg7 : memref<!tpu.dma_semaphore, #tpu.memory_space<semaphore_mem>>) src(%dma_wait3A_4534 : memref<128xf32, #tpu.memory_space<vmem>>) dst(%dma_wait3A_4531 : memref<128xf32, #tpu.memory_space<any>>)
    %dma_wait3A_4535 = arith.constant 0 : i32
    %dma_wait3A_4536 = arith.constant 0 : i32
    %dma_wait3A_4537 = tpu.memref_slice %arg5[%dma_wait3A_4536] : memref<12800000xf32, #tpu.memory_space<any>> -> memref<128xf32, #tpu.memory_space<any>>
    %dma_wait3A_4538 = arith.constant 0 : i32
    %dma_wait3A_4539 = tpu.memref_slice %arg6[%dma_wait3A_4535, %dma_wait3A_4538] : memref<128x128xf32, #tpu.memory_space<vmem>> -> memref<1x128xf32, #tpu.memory_space<vmem>>
    %dma_wait3A_4540 = tpu.memref_squeeze %dma_wait3A_4539 : memref<1x128xf32, #tpu.memory_space<vmem>> -> memref<128xf32, #tpu.memory_space<vmem>>
    tpu.wait_dma2 semaphore(%arg7 : memref<!tpu.dma_semaphore, #tpu.memory_space<semaphore_mem>>) src(%dma_wait3A_4540 : memref<128xf32, #tpu.memory_space<vmem>>) dst(%dma_wait3A_4537 : memref<128xf32, #tpu.memory_space<any>>)
    %dma_wait3A_4541 = arith.constant 0 : i32
    %dma_wait3A_4542 = arith.constant 0 : i32
    %dma_wait3A_4543 = tpu.memref_slice %arg5[%dma_wait3A_4542] : memref<12800000xf32, #tpu.memory_space<any>> -> memref<128xf32, #tpu.memory_space<any>>
    %dma_wait3A_4544 = arith.constant 0 : i32
    %dma_wait3A_4545 = tpu.memref_slice %arg6[%dma_wait3A_4541, %dma_wait3A_4544] : memref<128x128xf32, #tpu.memory_space<vmem>> -> memref<1x128xf32, #tpu.memory_space<vmem>>
    %dma_wait3A_4546 = tpu.memref_squeeze %dma_wait3A_4545 : memref<1x128xf32, #tpu.memory_space<vmem>> -> memref<128xf32, #tpu.memory_space<vmem>>
    tpu.wait_dma2 semaphore(%arg7 : memref<!tpu.dma_semaphore, #tpu.memory_space<semaphore_mem>>) src(%dma_wait3A_4546 : memref<128xf32, #tpu.memory_space<vmem>>) dst(%dma_wait3A_4543 : memref<128xf32, #tpu.memory_space<any>>)
    %dma_wait3A_4547 = arith.constant 0 : i32
    %dma_wait3A_4548 = arith.constant 0 : i32
    %dma_wait3A_4549 = tpu.memref_slice %arg5[%dma_wait3A_4548] : memref<12800000xf32, #tpu.memory_space<any>> -> memref<128xf32, #tpu.memory_space<any>>
    %dma_wait3A_4550 = arith.constant 0 : i32
    %dma_wait3A_4551 = tpu.memref_slice %arg6[%dma_wait3A_4547, %dma_wait3A_4550] : memref<128x128xf32, #tpu.memory_space<vmem>> -> memref<1x128xf32, #tpu.memory_space<vmem>>
    %dma_wait3A_4552 = tpu.memref_squeeze %dma_wait3A_4551 : memref<1x128xf32, #tpu.memory_space<vmem>> -> memref<128xf32, #tpu.memory_space<vmem>>
    tpu.wait_dma2 semaphore(%arg7 : memref<!tpu.dma_semaphore, #tpu.memory_space<semaphore_mem>>) src(%dma_wait3A_4552 : memref<128xf32, #tpu.memory_space<vmem>>) dst(%dma_wait3A_4549 : memref<128xf32, #tpu.memory_space<any>>)
    %dma_wait3A_4553 = arith.constant 0 : i32
    %dma_wait3A_4554 = arith.constant 0 : i32
    %dma_wait3A_4555 = tpu.memref_slice %arg5[%dma_wait3A_4554] : memref<12800000xf32, #tpu.memory_space<any>> -> memref<128xf32, #tpu.memory_space<any>>
    %dma_wait3A_4556 = arith.constant 0 : i32
    %dma_wait3A_4557 = tpu.memref_slice %arg6[%dma_wait3A_4553, %dma_wait3A_4556] : memref<128x128xf32, #tpu.memory_space<vmem>> -> memref<1x128xf32, #tpu.memory_space<vmem>>
    %dma_wait3A_4558 = tpu.memref_squeeze %dma_wait3A_4557 : memref<1x128xf32, #tpu.memory_space<vmem>> -> memref<128xf32, #tpu.memory_space<vmem>>
    tpu.wait_dma2 semaphore(%arg7 : memref<!tpu.dma_semaphore, #tpu.memory_space<semaphore_mem>>) src(%dma_wait3A_4558 : memref<128xf32, #tpu.memory_space<vmem>>) dst(%dma_wait3A_4555 : memref<128xf32, #tpu.memory_space<any>>)
    %dma_wait3A_4559 = arith.constant 0 : i32
    %dma_wait3A_4560 = arith.constant 0 : i32
    %dma_wait3A_4561 = tpu.memref_slice %arg5[%dma_wait3A_4560] : memref<12800000xf32, #tpu.memory_space<any>> -> memref<128xf32, #tpu.memory_space<any>>
    %dma_wait3A_4562 = arith.constant 0 : i32
    %dma_wait3A_4563 = tpu.memref_slice %arg6[%dma_wait3A_4559, %dma_wait3A_4562] : memref<128x128xf32, #tpu.memory_space<vmem>> -> memref<1x128xf32, #tpu.memory_space<vmem>>
    %dma_wait3A_4564 = tpu.memref_squeeze %dma_wait3A_4563 : memref<1x128xf32, #tpu.memory_space<vmem>> -> memref<128xf32, #tpu.memory_space<vmem>>
    tpu.wait_dma2 semaphore(%arg7 : memref<!tpu.dma_semaphore, #tpu.memory_space<semaphore_mem>>) src(%dma_wait3A_4564 : memref<128xf32, #tpu.memory_space<vmem>>) dst(%dma_wait3A_4561 : memref<128xf32, #tpu.memory_space<any>>)
    %dma_wait3A_4565 = arith.constant 0 : i32
    %dma_wait3A_4566 = arith.constant 0 : i32
    %dma_wait3A_4567 = tpu.memref_slice %arg5[%dma_wait3A_4566] : memref<12800000xf32, #tpu.memory_space<any>> -> memref<128xf32, #tpu.memory_space<any>>
    %dma_wait3A_4568 = arith.constant 0 : i32
    %dma_wait3A_4569 = tpu.memref_slice %arg6[%dma_wait3A_4565, %dma_wait3A_4568] : memref<128x128xf32, #tpu.memory_space<vmem>> -> memref<1x128xf32, #tpu.memory_space<vmem>>
    %dma_wait3A_4570 = tpu.memref_squeeze %dma_wait3A_4569 : memref<1x128xf32, #tpu.memory_space<vmem>> -> memref<128xf32, #tpu.memory_space<vmem>>
    tpu.wait_dma2 semaphore(%arg7 : memref<!tpu.dma_semaphore, #tpu.memory_space<semaphore_mem>>) src(%dma_wait3A_4570 : memref<128xf32, #tpu.memory_space<vmem>>) dst(%dma_wait3A_4567 : memref<128xf32, #tpu.memory_space<any>>)
    %dma_wait3A_4571 = arith.constant 0 : i32
    %dma_wait3A_4572 = arith.constant 0 : i32
    %dma_wait3A_4573 = tpu.memref_slice %arg5[%dma_wait3A_4572] : memref<12800000xf32, #tpu.memory_space<any>> -> memref<128xf32, #tpu.memory_space<any>>
    %dma_wait3A_4574 = arith.constant 0 : i32
    %dma_wait3A_4575 = tpu.memref_slice %arg6[%dma_wait3A_4571, %dma_wait3A_4574] : memref<128x128xf32, #tpu.memory_space<vmem>> -> memref<1x128xf32, #tpu.memory_space<vmem>>
    %dma_wait3A_4576 = tpu.memref_squeeze %dma_wait3A_4575 : memref<1x128xf32, #tpu.memory_space<vmem>> -> memref<128xf32, #tpu.memory_space<vmem>>
    tpu.wait_dma2 semaphore(%arg7 : memref<!tpu.dma_semaphore, #tpu.memory_space<semaphore_mem>>) src(%dma_wait3A_4576 : memref<128xf32, #tpu.memory_space<vmem>>) dst(%dma_wait3A_4573 : memref<128xf32, #tpu.memory_space<any>>)
    %dma_wait3A_4577 = arith.constant 0 : i32
    %dma_wait3A_4578 = arith.constant 0 : i32
    %dma_wait3A_4579 = tpu.memref_slice %arg5[%dma_wait3A_4578] : memref<12800000xf32, #tpu.memory_space<any>> -> memref<128xf32, #tpu.memory_space<any>>
    %dma_wait3A_4580 = arith.constant 0 : i32
    %dma_wait3A_4581 = tpu.memref_slice %arg6[%dma_wait3A_4577, %dma_wait3A_4580] : memref<128x128xf32, #tpu.memory_space<vmem>> -> memref<1x128xf32, #tpu.memory_space<vmem>>
    %dma_wait3A_4582 = tpu.memref_squeeze %dma_wait3A_4581 : memref<1x128xf32, #tpu.memory_space<vmem>> -> memref<128xf32, #tpu.memory_space<vmem>>
    tpu.wait_dma2 semaphore(%arg7 : memref<!tpu.dma_semaphore, #tpu.memory_space<semaphore_mem>>) src(%dma_wait3A_4582 : memref<128xf32, #tpu.memory_space<vmem>>) dst(%dma_wait3A_4579 : memref<128xf32, #tpu.memory_space<any>>)
    %dma_wait3A_4583 = arith.constant 0 : i32
    %dma_wait3A_4584 = arith.constant 0 : i32
    %dma_wait3A_4585 = tpu.memref_slice %arg5[%dma_wait3A_4584] : memref<12800000xf32, #tpu.memory_space<any>> -> memref<128xf32, #tpu.memory_space<any>>
    %dma_wait3A_4586 = arith.constant 0 : i32
    %dma_wait3A_4587 = tpu.memref_slice %arg6[%dma_wait3A_4583, %dma_wait3A_4586] : memref<128x128xf32, #tpu.memory_space<vmem>> -> memref<1x128xf32, #tpu.memory_space<vmem>>
    %dma_wait3A_4588 = tpu.memref_squeeze %dma_wait3A_4587 : memref<1x128xf32, #tpu.memory_space<vmem>> -> memref<128xf32, #tpu.memory_space<vmem>>
    tpu.wait_dma2 semaphore(%arg7 : memref<!tpu.dma_semaphore, #tpu.memory_space<semaphore_mem>>) src(%dma_wait3A_4588 : memref<128xf32, #tpu.memory_space<vmem>>) dst(%dma_wait3A_4585 : memref<128xf32, #tpu.memory_space<any>>)
    %dma_wait3A_4589 = arith.constant 0 : i32
    %dma_wait3A_4590 = arith.constant 0 : i32
    %dma_wait3A_4591 = tpu.memref_slice %arg5[%dma_wait3A_4590] : memref<12800000xf32, #tpu.memory_space<any>> -> memref<128xf32, #tpu.memory_space<any>>
    %dma_wait3A_4592 = arith.constant 0 : i32
    %dma_wait3A_4593 = tpu.memref_slice %arg6[%dma_wait3A_4589, %dma_wait3A_4592] : memref<128x128xf32, #tpu.memory_space<vmem>> -> memref<1x128xf32, #tpu.memory_space<vmem>>
    %dma_wait3A_4594 = tpu.memref_squeeze %dma_wait3A_4593 : memref<1x128xf32, #tpu.memory_space<vmem>> -> memref<128xf32, #tpu.memory_space<vmem>>
    tpu.wait_dma2 semaphore(%arg7 : memref<!tpu.dma_semaphore, #tpu.memory_space<semaphore_mem>>) src(%dma_wait3A_4594 : memref<128xf32, #tpu.memory_space<vmem>>) dst(%dma_wait3A_4591 : memref<128xf32, #tpu.memory_space<any>>)
    %dma_wait3A_4595 = arith.constant 0 : i32
    %dma_wait3A_4596 = arith.constant 0 : i32
    %dma_wait3A_4597 = tpu.memref_slice %arg5[%dma_wait3A_4596] : memref<12800000xf32, #tpu.memory_space<any>> -> memref<128xf32, #tpu.memory_space<any>>
    %dma_wait3A_4598 = arith.constant 0 : i32
    %dma_wait3A_4599 = tpu.memref_slice %arg6[%dma_wait3A_4595, %dma_wait3A_4598] : memref<128x128xf32, #tpu.memory_space<vmem>> -> memref<1x128xf32, #tpu.memory_space<vmem>>
    %dma_wait3A_4600 = tpu.memref_squeeze %dma_wait3A_4599 : memref<1x128xf32, #tpu.memory_space<vmem>> -> memref<128xf32, #tpu.memory_space<vmem>>
    tpu.wait_dma2 semaphore(%arg7 : memref<!tpu.dma_semaphore, #tpu.memory_space<semaphore_mem>>) src(%dma_wait3A_4600 : memref<128xf32, #tpu.memory_space<vmem>>) dst(%dma_wait3A_4597 : memref<128xf32, #tpu.memory_space<any>>)
    %dma_wait3A_4601 = arith.constant 0 : i32
    %dma_wait3A_4602 = arith.constant 0 : i32
    %dma_wait3A_4603 = tpu.memref_slice %arg5[%dma_wait3A_4602] : memref<12800000xf32, #tpu.memory_space<any>> -> memref<128xf32, #tpu.memory_space<any>>
    %dma_wait3A_4604 = arith.constant 0 : i32
    %dma_wait3A_4605 = tpu.memref_slice %arg6[%dma_wait3A_4601, %dma_wait3A_4604] : memref<128x128xf32, #tpu.memory_space<vmem>> -> memref<1x128xf32, #tpu.memory_space<vmem>>
    %dma_wait3A_4606 = tpu.memref_squeeze %dma_wait3A_4605 : memref<1x128xf32, #tpu.memory_space<vmem>> -> memref<128xf32, #tpu.memory_space<vmem>>
    tpu.wait_dma2 semaphore(%arg7 : memref<!tpu.dma_semaphore, #tpu.memory_space<semaphore_mem>>) src(%dma_wait3A_4606 : memref<128xf32, #tpu.memory_space<vmem>>) dst(%dma_wait3A_4603 : memref<128xf32, #tpu.memory_space<any>>)
    %dma_wait3A_4607 = arith.constant 0 : i32
    %dma_wait3A_4608 = arith.constant 0 : i32
    %dma_wait3A_4609 = tpu.memref_slice %arg5[%dma_wait3A_4608] : memref<12800000xf32, #tpu.memory_space<any>> -> memref<128xf32, #tpu.memory_space<any>>
    %dma_wait3A_4610 = arith.constant 0 : i32
    %dma_wait3A_4611 = tpu.memref_slice %arg6[%dma_wait3A_4607, %dma_wait3A_4610] : memref<128x128xf32, #tpu.memory_space<vmem>> -> memref<1x128xf32, #tpu.memory_space<vmem>>
    %dma_wait3A_4612 = tpu.memref_squeeze %dma_wait3A_4611 : memref<1x128xf32, #tpu.memory_space<vmem>> -> memref<128xf32, #tpu.memory_space<vmem>>
    tpu.wait_dma2 semaphore(%arg7 : memref<!tpu.dma_semaphore, #tpu.memory_space<semaphore_mem>>) src(%dma_wait3A_4612 : memref<128xf32, #tpu.memory_space<vmem>>) dst(%dma_wait3A_4609 : memref<128xf32, #tpu.memory_space<any>>)
    %dma_wait3A_4613 = arith.constant 0 : i32
    %dma_wait3A_4614 = arith.constant 0 : i32
    %dma_wait3A_4615 = tpu.memref_slice %arg5[%dma_wait3A_4614] : memref<12800000xf32, #tpu.memory_space<any>> -> memref<128xf32, #tpu.memory_space<any>>
    %dma_wait3A_4616 = arith.constant 0 : i32
    %dma_wait3A_4617 = tpu.memref_slice %arg6[%dma_wait3A_4613, %dma_wait3A_4616] : memref<128x128xf32, #tpu.memory_space<vmem>> -> memref<1x128xf32, #tpu.memory_space<vmem>>
    %dma_wait3A_4618 = tpu.memref_squeeze %dma_wait3A_4617 : memref<1x128xf32, #tpu.memory_space<vmem>> -> memref<128xf32, #tpu.memory_space<vmem>>
    tpu.wait_dma2 semaphore(%arg7 : memref<!tpu.dma_semaphore, #tpu.memory_space<semaphore_mem>>) src(%dma_wait3A_4618 : memref<128xf32, #tpu.memory_space<vmem>>) dst(%dma_wait3A_4615 : memref<128xf32, #tpu.memory_space<any>>)
    %dma_wait3A_4619 = arith.constant 0 : i32
    %dma_wait3A_4620 = arith.constant 0 : i32
    %dma_wait3A_4621 = tpu.memref_slice %arg5[%dma_wait3A_4620] : memref<12800000xf32, #tpu.memory_space<any>> -> memref<128xf32, #tpu.memory_space<any>>
    %dma_wait3A_4622 = arith.constant 0 : i32
    %dma_wait3A_4623 = tpu.memref_slice %arg6[%dma_wait3A_4619, %dma_wait3A_4622] : memref<128x128xf32, #tpu.memory_space<vmem>> -> memref<1x128xf32, #tpu.memory_space<vmem>>
    %dma_wait3A_4624 = tpu.memref_squeeze %dma_wait3A_4623 : memref<1x128xf32, #tpu.memory_space<vmem>> -> memref<128xf32, #tpu.memory_space<vmem>>
    tpu.wait_dma2 semaphore(%arg7 : memref<!tpu.dma_semaphore, #tpu.memory_space<semaphore_mem>>) src(%dma_wait3A_4624 : memref<128xf32, #tpu.memory_space<vmem>>) dst(%dma_wait3A_4621 : memref<128xf32, #tpu.memory_space<any>>)
    %dma_wait3A_4625 = arith.constant 0 : i32
    %dma_wait3A_4626 = arith.constant 0 : i32
    %dma_wait3A_4627 = tpu.memref_slice %arg5[%dma_wait3A_4626] : memref<12800000xf32, #tpu.memory_space<any>> -> memref<128xf32, #tpu.memory_space<any>>
    %dma_wait3A_4628 = arith.constant 0 : i32
    %dma_wait3A_4629 = tpu.memref_slice %arg6[%dma_wait3A_4625, %dma_wait3A_4628] : memref<128x128xf32, #tpu.memory_space<vmem>> -> memref<1x128xf32, #tpu.memory_space<vmem>>
    %dma_wait3A_4630 = tpu.memref_squeeze %dma_wait3A_4629 : memref<1x128xf32, #tpu.memory_space<vmem>> -> memref<128xf32, #tpu.memory_space<vmem>>
    tpu.wait_dma2 semaphore(%arg7 : memref<!tpu.dma_semaphore, #tpu.memory_space<semaphore_mem>>) src(%dma_wait3A_4630 : memref<128xf32, #tpu.memory_space<vmem>>) dst(%dma_wait3A_4627 : memref<128xf32, #tpu.memory_space<any>>)
    %dma_wait3A_4631 = arith.constant 0 : i32
    %dma_wait3A_4632 = arith.constant 0 : i32
    %dma_wait3A_4633 = tpu.memref_slice %arg5[%dma_wait3A_4632] : memref<12800000xf32, #tpu.memory_space<any>> -> memref<128xf32, #tpu.memory_space<any>>
    %dma_wait3A_4634 = arith.constant 0 : i32
    %dma_wait3A_4635 = tpu.memref_slice %arg6[%dma_wait3A_4631, %dma_wait3A_4634] : memref<128x128xf32, #tpu.memory_space<vmem>> -> memref<1x128xf32, #tpu.memory_space<vmem>>
    %dma_wait3A_4636 = tpu.memref_squeeze %dma_wait3A_4635 : memref<1x128xf32, #tpu.memory_space<vmem>> -> memref<128xf32, #tpu.memory_space<vmem>>
    tpu.wait_dma2 semaphore(%arg7 : memref<!tpu.dma_semaphore, #tpu.memory_space<semaphore_mem>>) src(%dma_wait3A_4636 : memref<128xf32, #tpu.memory_space<vmem>>) dst(%dma_wait3A_4633 : memref<128xf32, #tpu.memory_space<any>>)
    %dma_wait3A_4637 = arith.constant 0 : i32
    %dma_wait3A_4638 = arith.constant 0 : i32
    %dma_wait3A_4639 = tpu.memref_slice %arg5[%dma_wait3A_4638] : memref<12800000xf32, #tpu.memory_space<any>> -> memref<128xf32, #tpu.memory_space<any>>
    %dma_wait3A_4640 = arith.constant 0 : i32
    %dma_wait3A_4641 = tpu.memref_slice %arg6[%dma_wait3A_4637, %dma_wait3A_4640] : memref<128x128xf32, #tpu.memory_space<vmem>> -> memref<1x128xf32, #tpu.memory_space<vmem>>
    %dma_wait3A_4642 = tpu.memref_squeeze %dma_wait3A_4641 : memref<1x128xf32, #tpu.memory_space<vmem>> -> memref<128xf32, #tpu.memory_space<vmem>>
    tpu.wait_dma2 semaphore(%arg7 : memref<!tpu.dma_semaphore, #tpu.memory_space<semaphore_mem>>) src(%dma_wait3A_4642 : memref<128xf32, #tpu.memory_space<vmem>>) dst(%dma_wait3A_4639 : memref<128xf32, #tpu.memory_space<any>>)
    %dma_wait3A_4643 = arith.constant 0 : i32
    %dma_wait3A_4644 = arith.constant 0 : i32
    %dma_wait3A_4645 = tpu.memref_slice %arg5[%dma_wait3A_4644] : memref<12800000xf32, #tpu.memory_space<any>> -> memref<128xf32, #tpu.memory_space<any>>
    %dma_wait3A_4646 = arith.constant 0 : i32
    %dma_wait3A_4647 = tpu.memref_slice %arg6[%dma_wait3A_4643, %dma_wait3A_4646] : memref<128x128xf32, #tpu.memory_space<vmem>> -> memref<1x128xf32, #tpu.memory_space<vmem>>
    %dma_wait3A_4648 = tpu.memref_squeeze %dma_wait3A_4647 : memref<1x128xf32, #tpu.memory_space<vmem>> -> memref<128xf32, #tpu.memory_space<vmem>>
    tpu.wait_dma2 semaphore(%arg7 : memref<!tpu.dma_semaphore, #tpu.memory_space<semaphore_mem>>) src(%dma_wait3A_4648 : memref<128xf32, #tpu.memory_space<vmem>>) dst(%dma_wait3A_4645 : memref<128xf32, #tpu.memory_space<any>>)
    %dma_wait3A_4649 = arith.constant 0 : i32
    %dma_wait3A_4650 = arith.constant 0 : i32
    %dma_wait3A_4651 = tpu.memref_slice %arg5[%dma_wait3A_4650] : memref<12800000xf32, #tpu.memory_space<any>> -> memref<128xf32, #tpu.memory_space<any>>
    %dma_wait3A_4652 = arith.constant 0 : i32
    %dma_wait3A_4653 = tpu.memref_slice %arg6[%dma_wait3A_4649, %dma_wait3A_4652] : memref<128x128xf32, #tpu.memory_space<vmem>> -> memref<1x128xf32, #tpu.memory_space<vmem>>
    %dma_wait3A_4654 = tpu.memref_squeeze %dma_wait3A_4653 : memref<1x128xf32, #tpu.memory_space<vmem>> -> memref<128xf32, #tpu.memory_space<vmem>>
    tpu.wait_dma2 semaphore(%arg7 : memref<!tpu.dma_semaphore, #tpu.memory_space<semaphore_mem>>) src(%dma_wait3A_4654 : memref<128xf32, #tpu.memory_space<vmem>>) dst(%dma_wait3A_4651 : memref<128xf32, #tpu.memory_space<any>>)
    %dma_wait3A_4655 = arith.constant 0 : i32
    %dma_wait3A_4656 = arith.constant 0 : i32
    %dma_wait3A_4657 = tpu.memref_slice %arg5[%dma_wait3A_4656] : memref<12800000xf32, #tpu.memory_space<any>> -> memref<128xf32, #tpu.memory_space<any>>
    %dma_wait3A_4658 = arith.constant 0 : i32
    %dma_wait3A_4659 = tpu.memref_slice %arg6[%dma_wait3A_4655, %dma_wait3A_4658] : memref<128x128xf32, #tpu.memory_space<vmem>> -> memref<1x128xf32, #tpu.memory_space<vmem>>
    %dma_wait3A_4660 = tpu.memref_squeeze %dma_wait3A_4659 : memref<1x128xf32, #tpu.memory_space<vmem>> -> memref<128xf32, #tpu.memory_space<vmem>>
    tpu.wait_dma2 semaphore(%arg7 : memref<!tpu.dma_semaphore, #tpu.memory_space<semaphore_mem>>) src(%dma_wait3A_4660 : memref<128xf32, #tpu.memory_space<vmem>>) dst(%dma_wait3A_4657 : memref<128xf32, #tpu.memory_space<any>>)
    %dma_wait3A_4661 = arith.constant 0 : i32
    %dma_wait3A_4662 = arith.constant 0 : i32
    %dma_wait3A_4663 = tpu.memref_slice %arg5[%dma_wait3A_4662] : memref<12800000xf32, #tpu.memory_space<any>> -> memref<128xf32, #tpu.memory_space<any>>
    %dma_wait3A_4664 = arith.constant 0 : i32
    %dma_wait3A_4665 = tpu.memref_slice %arg6[%dma_wait3A_4661, %dma_wait3A_4664] : memref<128x128xf32, #tpu.memory_space<vmem>> -> memref<1x128xf32, #tpu.memory_space<vmem>>
    %dma_wait3A_4666 = tpu.memref_squeeze %dma_wait3A_4665 : memref<1x128xf32, #tpu.memory_space<vmem>> -> memref<128xf32, #tpu.memory_space<vmem>>
    tpu.wait_dma2 semaphore(%arg7 : memref<!tpu.dma_semaphore, #tpu.memory_space<semaphore_mem>>) src(%dma_wait3A_4666 : memref<128xf32, #tpu.memory_space<vmem>>) dst(%dma_wait3A_4663 : memref<128xf32, #tpu.memory_space<any>>)
    %dma_wait3A_4667 = arith.constant 0 : i32
    %dma_wait3A_4668 = arith.constant 0 : i32
    %dma_wait3A_4669 = tpu.memref_slice %arg5[%dma_wait3A_4668] : memref<12800000xf32, #tpu.memory_space<any>> -> memref<128xf32, #tpu.memory_space<any>>
    %dma_wait3A_4670 = arith.constant 0 : i32
    %dma_wait3A_4671 = tpu.memref_slice %arg6[%dma_wait3A_4667, %dma_wait3A_4670] : memref<128x128xf32, #tpu.memory_space<vmem>> -> memref<1x128xf32, #tpu.memory_space<vmem>>
    %dma_wait3A_4672 = tpu.memref_squeeze %dma_wait3A_4671 : memref<1x128xf32, #tpu.memory_space<vmem>> -> memref<128xf32, #tpu.memory_space<vmem>>
    tpu.wait_dma2 semaphore(%arg7 : memref<!tpu.dma_semaphore, #tpu.memory_space<semaphore_mem>>) src(%dma_wait3A_4672 : memref<128xf32, #tpu.memory_space<vmem>>) dst(%dma_wait3A_4669 : memref<128xf32, #tpu.memory_space<any>>)
    %dma_wait3A_4673 = arith.constant 0 : i32
    %dma_wait3A_4674 = arith.constant 0 : i32
    %dma_wait3A_4675 = tpu.memref_slice %arg5[%dma_wait3A_4674] : memref<12800000xf32, #tpu.memory_space<any>> -> memref<128xf32, #tpu.memory_space<any>>
    %dma_wait3A_4676 = arith.constant 0 : i32
    %dma_wait3A_4677 = tpu.memref_slice %arg6[%dma_wait3A_4673, %dma_wait3A_4676] : memref<128x128xf32, #tpu.memory_space<vmem>> -> memref<1x128xf32, #tpu.memory_space<vmem>>
    %dma_wait3A_4678 = tpu.memref_squeeze %dma_wait3A_4677 : memref<1x128xf32, #tpu.memory_space<vmem>> -> memref<128xf32, #tpu.memory_space<vmem>>
    tpu.wait_dma2 semaphore(%arg7 : memref<!tpu.dma_semaphore, #tpu.memory_space<semaphore_mem>>) src(%dma_wait3A_4678 : memref<128xf32, #tpu.memory_space<vmem>>) dst(%dma_wait3A_4675 : memref<128xf32, #tpu.memory_space<any>>)
    %dma_wait3A_4679 = arith.constant 0 : i32
    %dma_wait3A_4680 = arith.constant 0 : i32
    %dma_wait3A_4681 = tpu.memref_slice %arg5[%dma_wait3A_4680] : memref<12800000xf32, #tpu.memory_space<any>> -> memref<128xf32, #tpu.memory_space<any>>
    %dma_wait3A_4682 = arith.constant 0 : i32
    %dma_wait3A_4683 = tpu.memref_slice %arg6[%dma_wait3A_4679, %dma_wait3A_4682] : memref<128x128xf32, #tpu.memory_space<vmem>> -> memref<1x128xf32, #tpu.memory_space<vmem>>
    %dma_wait3A_4684 = tpu.memref_squeeze %dma_wait3A_4683 : memref<1x128xf32, #tpu.memory_space<vmem>> -> memref<128xf32, #tpu.memory_space<vmem>>
    tpu.wait_dma2 semaphore(%arg7 : memref<!tpu.dma_semaphore, #tpu.memory_space<semaphore_mem>>) src(%dma_wait3A_4684 : memref<128xf32, #tpu.memory_space<vmem>>) dst(%dma_wait3A_4681 : memref<128xf32, #tpu.memory_space<any>>)
    %dma_wait3A_4685 = arith.constant 0 : i32
    %dma_wait3A_4686 = arith.constant 0 : i32
    %dma_wait3A_4687 = tpu.memref_slice %arg5[%dma_wait3A_4686] : memref<12800000xf32, #tpu.memory_space<any>> -> memref<128xf32, #tpu.memory_space<any>>
    %dma_wait3A_4688 = arith.constant 0 : i32
    %dma_wait3A_4689 = tpu.memref_slice %arg6[%dma_wait3A_4685, %dma_wait3A_4688] : memref<128x128xf32, #tpu.memory_space<vmem>> -> memref<1x128xf32, #tpu.memory_space<vmem>>
    %dma_wait3A_4690 = tpu.memref_squeeze %dma_wait3A_4689 : memref<1x128xf32, #tpu.memory_space<vmem>> -> memref<128xf32, #tpu.memory_space<vmem>>
    tpu.wait_dma2 semaphore(%arg7 : memref<!tpu.dma_semaphore, #tpu.memory_space<semaphore_mem>>) src(%dma_wait3A_4690 : memref<128xf32, #tpu.memory_space<vmem>>) dst(%dma_wait3A_4687 : memref<128xf32, #tpu.memory_space<any>>)
    %dma_wait3A_4691 = arith.constant 0 : i32
    %dma_wait3A_4692 = arith.constant 0 : i32
    %dma_wait3A_4693 = tpu.memref_slice %arg5[%dma_wait3A_4692] : memref<12800000xf32, #tpu.memory_space<any>> -> memref<128xf32, #tpu.memory_space<any>>
    %dma_wait3A_4694 = arith.constant 0 : i32
    %dma_wait3A_4695 = tpu.memref_slice %arg6[%dma_wait3A_4691, %dma_wait3A_4694] : memref<128x128xf32, #tpu.memory_space<vmem>> -> memref<1x128xf32, #tpu.memory_space<vmem>>
    %dma_wait3A_4696 = tpu.memref_squeeze %dma_wait3A_4695 : memref<1x128xf32, #tpu.memory_space<vmem>> -> memref<128xf32, #tpu.memory_space<vmem>>
    tpu.wait_dma2 semaphore(%arg7 : memref<!tpu.dma_semaphore, #tpu.memory_space<semaphore_mem>>) src(%dma_wait3A_4696 : memref<128xf32, #tpu.memory_space<vmem>>) dst(%dma_wait3A_4693 : memref<128xf32, #tpu.memory_space<any>>)
    %dma_wait3A_4697 = arith.constant 0 : i32
    %dma_wait3A_4698 = arith.constant 0 : i32
    %dma_wait3A_4699 = tpu.memref_slice %arg5[%dma_wait3A_4698] : memref<12800000xf32, #tpu.memory_space<any>> -> memref<128xf32, #tpu.memory_space<any>>
    %dma_wait3A_4700 = arith.constant 0 : i32
    %dma_wait3A_4701 = tpu.memref_slice %arg6[%dma_wait3A_4697, %dma_wait3A_4700] : memref<128x128xf32, #tpu.memory_space<vmem>> -> memref<1x128xf32, #tpu.memory_space<vmem>>
    %dma_wait3A_4702 = tpu.memref_squeeze %dma_wait3A_4701 : memref<1x128xf32, #tpu.memory_space<vmem>> -> memref<128xf32, #tpu.memory_space<vmem>>
    tpu.wait_dma2 semaphore(%arg7 : memref<!tpu.dma_semaphore, #tpu.memory_space<semaphore_mem>>) src(%dma_wait3A_4702 : memref<128xf32, #tpu.memory_space<vmem>>) dst(%dma_wait3A_4699 : memref<128xf32, #tpu.memory_space<any>>)
    %dma_wait3A_4703 = arith.constant 0 : i32
    %dma_wait3A_4704 = arith.constant 0 : i32
    %dma_wait3A_4705 = tpu.memref_slice %arg5[%dma_wait3A_4704] : memref<12800000xf32, #tpu.memory_space<any>> -> memref<128xf32, #tpu.memory_space<any>>
    %dma_wait3A_4706 = arith.constant 0 : i32
    %dma_wait3A_4707 = tpu.memref_slice %arg6[%dma_wait3A_4703, %dma_wait3A_4706] : memref<128x128xf32, #tpu.memory_space<vmem>> -> memref<1x128xf32, #tpu.memory_space<vmem>>
    %dma_wait3A_4708 = tpu.memref_squeeze %dma_wait3A_4707 : memref<1x128xf32, #tpu.memory_space<vmem>> -> memref<128xf32, #tpu.memory_space<vmem>>
    tpu.wait_dma2 semaphore(%arg7 : memref<!tpu.dma_semaphore, #tpu.memory_space<semaphore_mem>>) src(%dma_wait3A_4708 : memref<128xf32, #tpu.memory_space<vmem>>) dst(%dma_wait3A_4705 : memref<128xf32, #tpu.memory_space<any>>)
    %dma_wait3A_4709 = arith.constant 0 : i32
    %dma_wait3A_4710 = arith.constant 0 : i32
    %dma_wait3A_4711 = tpu.memref_slice %arg5[%dma_wait3A_4710] : memref<12800000xf32, #tpu.memory_space<any>> -> memref<128xf32, #tpu.memory_space<any>>
    %dma_wait3A_4712 = arith.constant 0 : i32
    %dma_wait3A_4713 = tpu.memref_slice %arg6[%dma_wait3A_4709, %dma_wait3A_4712] : memref<128x128xf32, #tpu.memory_space<vmem>> -> memref<1x128xf32, #tpu.memory_space<vmem>>
    %dma_wait3A_4714 = tpu.memref_squeeze %dma_wait3A_4713 : memref<1x128xf32, #tpu.memory_space<vmem>> -> memref<128xf32, #tpu.memory_space<vmem>>
    tpu.wait_dma2 semaphore(%arg7 : memref<!tpu.dma_semaphore, #tpu.memory_space<semaphore_mem>>) src(%dma_wait3A_4714 : memref<128xf32, #tpu.memory_space<vmem>>) dst(%dma_wait3A_4711 : memref<128xf32, #tpu.memory_space<any>>)
    %dma_wait3A_4715 = arith.constant 0 : i32
    %dma_wait3A_4716 = arith.constant 0 : i32
    %dma_wait3A_4717 = tpu.memref_slice %arg5[%dma_wait3A_4716] : memref<12800000xf32, #tpu.memory_space<any>> -> memref<128xf32, #tpu.memory_space<any>>
    %dma_wait3A_4718 = arith.constant 0 : i32
    %dma_wait3A_4719 = tpu.memref_slice %arg6[%dma_wait3A_4715, %dma_wait3A_4718] : memref<128x128xf32, #tpu.memory_space<vmem>> -> memref<1x128xf32, #tpu.memory_space<vmem>>
    %dma_wait3A_4720 = tpu.memref_squeeze %dma_wait3A_4719 : memref<1x128xf32, #tpu.memory_space<vmem>> -> memref<128xf32, #tpu.memory_space<vmem>>
    tpu.wait_dma2 semaphore(%arg7 : memref<!tpu.dma_semaphore, #tpu.memory_space<semaphore_mem>>) src(%dma_wait3A_4720 : memref<128xf32, #tpu.memory_space<vmem>>) dst(%dma_wait3A_4717 : memref<128xf32, #tpu.memory_space<any>>)
    %dma_wait3A_4721 = arith.constant 0 : i32
    %dma_wait3A_4722 = arith.constant 0 : i32
    %dma_wait3A_4723 = tpu.memref_slice %arg5[%dma_wait3A_4722] : memref<12800000xf32, #tpu.memory_space<any>> -> memref<128xf32, #tpu.memory_space<any>>
    %dma_wait3A_4724 = arith.constant 0 : i32
    %dma_wait3A_4725 = tpu.memref_slice %arg6[%dma_wait3A_4721, %dma_wait3A_4724] : memref<128x128xf32, #tpu.memory_space<vmem>> -> memref<1x128xf32, #tpu.memory_space<vmem>>
    %dma_wait3A_4726 = tpu.memref_squeeze %dma_wait3A_4725 : memref<1x128xf32, #tpu.memory_space<vmem>> -> memref<128xf32, #tpu.memory_space<vmem>>
    tpu.wait_dma2 semaphore(%arg7 : memref<!tpu.dma_semaphore, #tpu.memory_space<semaphore_mem>>) src(%dma_wait3A_4726 : memref<128xf32, #tpu.memory_space<vmem>>) dst(%dma_wait3A_4723 : memref<128xf32, #tpu.memory_space<any>>)
    %dma_wait3A_4727 = arith.constant 0 : i32
    %dma_wait3A_4728 = arith.constant 0 : i32
    %dma_wait3A_4729 = tpu.memref_slice %arg5[%dma_wait3A_4728] : memref<12800000xf32, #tpu.memory_space<any>> -> memref<128xf32, #tpu.memory_space<any>>
    %dma_wait3A_4730 = arith.constant 0 : i32
    %dma_wait3A_4731 = tpu.memref_slice %arg6[%dma_wait3A_4727, %dma_wait3A_4730] : memref<128x128xf32, #tpu.memory_space<vmem>> -> memref<1x128xf32, #tpu.memory_space<vmem>>
    %dma_wait3A_4732 = tpu.memref_squeeze %dma_wait3A_4731 : memref<1x128xf32, #tpu.memory_space<vmem>> -> memref<128xf32, #tpu.memory_space<vmem>>
    tpu.wait_dma2 semaphore(%arg7 : memref<!tpu.dma_semaphore, #tpu.memory_space<semaphore_mem>>) src(%dma_wait3A_4732 : memref<128xf32, #tpu.memory_space<vmem>>) dst(%dma_wait3A_4729 : memref<128xf32, #tpu.memory_space<any>>)
    %dma_wait3A_4733 = arith.constant 0 : i32
    %dma_wait3A_4734 = arith.constant 0 : i32
    %dma_wait3A_4735 = tpu.memref_slice %arg5[%dma_wait3A_4734] : memref<12800000xf32, #tpu.memory_space<any>> -> memref<128xf32, #tpu.memory_space<any>>
    %dma_wait3A_4736 = arith.constant 0 : i32
    %dma_wait3A_4737 = tpu.memref_slice %arg6[%dma_wait3A_4733, %dma_wait3A_4736] : memref<128x128xf32, #tpu.memory_space<vmem>> -> memref<1x128xf32, #tpu.memory_space<vmem>>
    %dma_wait3A_4738 = tpu.memref_squeeze %dma_wait3A_4737 : memref<1x128xf32, #tpu.memory_space<vmem>> -> memref<128xf32, #tpu.memory_space<vmem>>
    tpu.wait_dma2 semaphore(%arg7 : memref<!tpu.dma_semaphore, #tpu.memory_space<semaphore_mem>>) src(%dma_wait3A_4738 : memref<128xf32, #tpu.memory_space<vmem>>) dst(%dma_wait3A_4735 : memref<128xf32, #tpu.memory_space<any>>)
    %dma_wait3A_4739 = arith.constant 0 : i32
    %dma_wait3A_4740 = arith.constant 0 : i32
    %dma_wait3A_4741 = tpu.memref_slice %arg5[%dma_wait3A_4740] : memref<12800000xf32, #tpu.memory_space<any>> -> memref<128xf32, #tpu.memory_space<any>>
    %dma_wait3A_4742 = arith.constant 0 : i32
    %dma_wait3A_4743 = tpu.memref_slice %arg6[%dma_wait3A_4739, %dma_wait3A_4742] : memref<128x128xf32, #tpu.memory_space<vmem>> -> memref<1x128xf32, #tpu.memory_space<vmem>>
    %dma_wait3A_4744 = tpu.memref_squeeze %dma_wait3A_4743 : memref<1x128xf32, #tpu.memory_space<vmem>> -> memref<128xf32, #tpu.memory_space<vmem>>
    tpu.wait_dma2 semaphore(%arg7 : memref<!tpu.dma_semaphore, #tpu.memory_space<semaphore_mem>>) src(%dma_wait3A_4744 : memref<128xf32, #tpu.memory_space<vmem>>) dst(%dma_wait3A_4741 : memref<128xf32, #tpu.memory_space<any>>)
    %dma_wait3A_4745 = arith.constant 0 : i32
    %dma_wait3A_4746 = arith.constant 0 : i32
    %dma_wait3A_4747 = tpu.memref_slice %arg5[%dma_wait3A_4746] : memref<12800000xf32, #tpu.memory_space<any>> -> memref<128xf32, #tpu.memory_space<any>>
    %dma_wait3A_4748 = arith.constant 0 : i32
    %dma_wait3A_4749 = tpu.memref_slice %arg6[%dma_wait3A_4745, %dma_wait3A_4748] : memref<128x128xf32, #tpu.memory_space<vmem>> -> memref<1x128xf32, #tpu.memory_space<vmem>>
    %dma_wait3A_4750 = tpu.memref_squeeze %dma_wait3A_4749 : memref<1x128xf32, #tpu.memory_space<vmem>> -> memref<128xf32, #tpu.memory_space<vmem>>
    tpu.wait_dma2 semaphore(%arg7 : memref<!tpu.dma_semaphore, #tpu.memory_space<semaphore_mem>>) src(%dma_wait3A_4750 : memref<128xf32, #tpu.memory_space<vmem>>) dst(%dma_wait3A_4747 : memref<128xf32, #tpu.memory_space<any>>)
    %dma_wait3A_4751 = arith.constant 0 : i32
    %dma_wait3A_4752 = arith.constant 0 : i32
    %dma_wait3A_4753 = tpu.memref_slice %arg5[%dma_wait3A_4752] : memref<12800000xf32, #tpu.memory_space<any>> -> memref<128xf32, #tpu.memory_space<any>>
    %dma_wait3A_4754 = arith.constant 0 : i32
    %dma_wait3A_4755 = tpu.memref_slice %arg6[%dma_wait3A_4751, %dma_wait3A_4754] : memref<128x128xf32, #tpu.memory_space<vmem>> -> memref<1x128xf32, #tpu.memory_space<vmem>>
    %dma_wait3A_4756 = tpu.memref_squeeze %dma_wait3A_4755 : memref<1x128xf32, #tpu.memory_space<vmem>> -> memref<128xf32, #tpu.memory_space<vmem>>
    tpu.wait_dma2 semaphore(%arg7 : memref<!tpu.dma_semaphore, #tpu.memory_space<semaphore_mem>>) src(%dma_wait3A_4756 : memref<128xf32, #tpu.memory_space<vmem>>) dst(%dma_wait3A_4753 : memref<128xf32, #tpu.memory_space<any>>)
    %dma_wait3A_4757 = arith.constant 0 : i32
    %dma_wait3A_4758 = arith.constant 0 : i32
    %dma_wait3A_4759 = tpu.memref_slice %arg5[%dma_wait3A_4758] : memref<12800000xf32, #tpu.memory_space<any>> -> memref<128xf32, #tpu.memory_space<any>>
    %dma_wait3A_4760 = arith.constant 0 : i32
    %dma_wait3A_4761 = tpu.memref_slice %arg6[%dma_wait3A_4757, %dma_wait3A_4760] : memref<128x128xf32, #tpu.memory_space<vmem>> -> memref<1x128xf32, #tpu.memory_space<vmem>>
    %dma_wait3A_4762 = tpu.memref_squeeze %dma_wait3A_4761 : memref<1x128xf32, #tpu.memory_space<vmem>> -> memref<128xf32, #tpu.memory_space<vmem>>
    tpu.wait_dma2 semaphore(%arg7 : memref<!tpu.dma_semaphore, #tpu.memory_space<semaphore_mem>>) src(%dma_wait3A_4762 : memref<128xf32, #tpu.memory_space<vmem>>) dst(%dma_wait3A_4759 : memref<128xf32, #tpu.memory_space<any>>)
    %dma_wait3A_4763 = arith.constant 0 : i32
    %dma_wait3A_4764 = arith.constant 0 : i32
    %dma_wait3A_4765 = tpu.memref_slice %arg5[%dma_wait3A_4764] : memref<12800000xf32, #tpu.memory_space<any>> -> memref<128xf32, #tpu.memory_space<any>>
    %dma_wait3A_4766 = arith.constant 0 : i32
    %dma_wait3A_4767 = tpu.memref_slice %arg6[%dma_wait3A_4763, %dma_wait3A_4766] : memref<128x128xf32, #tpu.memory_space<vmem>> -> memref<1x128xf32, #tpu.memory_space<vmem>>
    %dma_wait3A_4768 = tpu.memref_squeeze %dma_wait3A_4767 : memref<1x128xf32, #tpu.memory_space<vmem>> -> memref<128xf32, #tpu.memory_space<vmem>>
    tpu.wait_dma2 semaphore(%arg7 : memref<!tpu.dma_semaphore, #tpu.memory_space<semaphore_mem>>) src(%dma_wait3A_4768 : memref<128xf32, #tpu.memory_space<vmem>>) dst(%dma_wait3A_4765 : memref<128xf32, #tpu.memory_space<any>>)
    %dma_wait3A_4769 = arith.constant 0 : i32
    %dma_wait3A_4770 = arith.constant 0 : i32
    %dma_wait3A_4771 = tpu.memref_slice %arg5[%dma_wait3A_4770] : memref<12800000xf32, #tpu.memory_space<any>> -> memref<128xf32, #tpu.memory_space<any>>
    %dma_wait3A_4772 = arith.constant 0 : i32
    %dma_wait3A_4773 = tpu.memref_slice %arg6[%dma_wait3A_4769, %dma_wait3A_4772] : memref<128x128xf32, #tpu.memory_space<vmem>> -> memref<1x128xf32, #tpu.memory_space<vmem>>
    %dma_wait3A_4774 = tpu.memref_squeeze %dma_wait3A_4773 : memref<1x128xf32, #tpu.memory_space<vmem>> -> memref<128xf32, #tpu.memory_space<vmem>>
    tpu.wait_dma2 semaphore(%arg7 : memref<!tpu.dma_semaphore, #tpu.memory_space<semaphore_mem>>) src(%dma_wait3A_4774 : memref<128xf32, #tpu.memory_space<vmem>>) dst(%dma_wait3A_4771 : memref<128xf32, #tpu.memory_space<any>>)
    %dma_wait3A_4775 = arith.constant 0 : i32
    %dma_wait3A_4776 = arith.constant 0 : i32
    %dma_wait3A_4777 = tpu.memref_slice %arg5[%dma_wait3A_4776] : memref<12800000xf32, #tpu.memory_space<any>> -> memref<128xf32, #tpu.memory_space<any>>
    %dma_wait3A_4778 = arith.constant 0 : i32
    %dma_wait3A_4779 = tpu.memref_slice %arg6[%dma_wait3A_4775, %dma_wait3A_4778] : memref<128x128xf32, #tpu.memory_space<vmem>> -> memref<1x128xf32, #tpu.memory_space<vmem>>
    %dma_wait3A_4780 = tpu.memref_squeeze %dma_wait3A_4779 : memref<1x128xf32, #tpu.memory_space<vmem>> -> memref<128xf32, #tpu.memory_space<vmem>>
    tpu.wait_dma2 semaphore(%arg7 : memref<!tpu.dma_semaphore, #tpu.memory_space<semaphore_mem>>) src(%dma_wait3A_4780 : memref<128xf32, #tpu.memory_space<vmem>>) dst(%dma_wait3A_4777 : memref<128xf32, #tpu.memory_space<any>>)
    %dma_wait3A_4781 = arith.constant 0 : i32
    %dma_wait3A_4782 = arith.constant 0 : i32
    %dma_wait3A_4783 = tpu.memref_slice %arg5[%dma_wait3A_4782] : memref<12800000xf32, #tpu.memory_space<any>> -> memref<128xf32, #tpu.memory_space<any>>
    %dma_wait3A_4784 = arith.constant 0 : i32
    %dma_wait3A_4785 = tpu.memref_slice %arg6[%dma_wait3A_4781, %dma_wait3A_4784] : memref<128x128xf32, #tpu.memory_space<vmem>> -> memref<1x128xf32, #tpu.memory_space<vmem>>
    %dma_wait3A_4786 = tpu.memref_squeeze %dma_wait3A_4785 : memref<1x128xf32, #tpu.memory_space<vmem>> -> memref<128xf32, #tpu.memory_space<vmem>>
    tpu.wait_dma2 semaphore(%arg7 : memref<!tpu.dma_semaphore, #tpu.memory_space<semaphore_mem>>) src(%dma_wait3A_4786 : memref<128xf32, #tpu.memory_space<vmem>>) dst(%dma_wait3A_4783 : memref<128xf32, #tpu.memory_space<any>>)
    %dma_wait3A_4787 = arith.constant 0 : i32
    %dma_wait3A_4788 = arith.constant 0 : i32
    %dma_wait3A_4789 = tpu.memref_slice %arg5[%dma_wait3A_4788] : memref<12800000xf32, #tpu.memory_space<any>> -> memref<128xf32, #tpu.memory_space<any>>
    %dma_wait3A_4790 = arith.constant 0 : i32
    %dma_wait3A_4791 = tpu.memref_slice %arg6[%dma_wait3A_4787, %dma_wait3A_4790] : memref<128x128xf32, #tpu.memory_space<vmem>> -> memref<1x128xf32, #tpu.memory_space<vmem>>
    %dma_wait3A_4792 = tpu.memref_squeeze %dma_wait3A_4791 : memref<1x128xf32, #tpu.memory_space<vmem>> -> memref<128xf32, #tpu.memory_space<vmem>>
    tpu.wait_dma2 semaphore(%arg7 : memref<!tpu.dma_semaphore, #tpu.memory_space<semaphore_mem>>) src(%dma_wait3A_4792 : memref<128xf32, #tpu.memory_space<vmem>>) dst(%dma_wait3A_4789 : memref<128xf32, #tpu.memory_space<any>>)
    %dma_wait3A_4793 = arith.constant 0 : i32
    %dma_wait3A_4794 = arith.constant 0 : i32
    %dma_wait3A_4795 = tpu.memref_slice %arg5[%dma_wait3A_4794] : memref<12800000xf32, #tpu.memory_space<any>> -> memref<128xf32, #tpu.memory_space<any>>
    %dma_wait3A_4796 = arith.constant 0 : i32
    %dma_wait3A_4797 = tpu.memref_slice %arg6[%dma_wait3A_4793, %dma_wait3A_4796] : memref<128x128xf32, #tpu.memory_space<vmem>> -> memref<1x128xf32, #tpu.memory_space<vmem>>
    %dma_wait3A_4798 = tpu.memref_squeeze %dma_wait3A_4797 : memref<1x128xf32, #tpu.memory_space<vmem>> -> memref<128xf32, #tpu.memory_space<vmem>>
    tpu.wait_dma2 semaphore(%arg7 : memref<!tpu.dma_semaphore, #tpu.memory_space<semaphore_mem>>) src(%dma_wait3A_4798 : memref<128xf32, #tpu.memory_space<vmem>>) dst(%dma_wait3A_4795 : memref<128xf32, #tpu.memory_space<any>>)
    %dma_wait3A_4799 = arith.constant 0 : i32
    %dma_wait3A_4800 = arith.constant 0 : i32
    %dma_wait3A_4801 = tpu.memref_slice %arg5[%dma_wait3A_4800] : memref<12800000xf32, #tpu.memory_space<any>> -> memref<128xf32, #tpu.memory_space<any>>
    %dma_wait3A_4802 = arith.constant 0 : i32
    %dma_wait3A_4803 = tpu.memref_slice %arg6[%dma_wait3A_4799, %dma_wait3A_4802] : memref<128x128xf32, #tpu.memory_space<vmem>> -> memref<1x128xf32, #tpu.memory_space<vmem>>
    %dma_wait3A_4804 = tpu.memref_squeeze %dma_wait3A_4803 : memref<1x128xf32, #tpu.memory_space<vmem>> -> memref<128xf32, #tpu.memory_space<vmem>>
    tpu.wait_dma2 semaphore(%arg7 : memref<!tpu.dma_semaphore, #tpu.memory_space<semaphore_mem>>) src(%dma_wait3A_4804 : memref<128xf32, #tpu.memory_space<vmem>>) dst(%dma_wait3A_4801 : memref<128xf32, #tpu.memory_space<any>>)
    %dma_wait3A_4805 = arith.constant 0 : i32
    %dma_wait3A_4806 = arith.constant 0 : i32
    %dma_wait3A_4807 = tpu.memref_slice %arg5[%dma_wait3A_4806] : memref<12800000xf32, #tpu.memory_space<any>> -> memref<128xf32, #tpu.memory_space<any>>
    %dma_wait3A_4808 = arith.constant 0 : i32
    %dma_wait3A_4809 = tpu.memref_slice %arg6[%dma_wait3A_4805, %dma_wait3A_4808] : memref<128x128xf32, #tpu.memory_space<vmem>> -> memref<1x128xf32, #tpu.memory_space<vmem>>
    %dma_wait3A_4810 = tpu.memref_squeeze %dma_wait3A_4809 : memref<1x128xf32, #tpu.memory_space<vmem>> -> memref<128xf32, #tpu.memory_space<vmem>>
    tpu.wait_dma2 semaphore(%arg7 : memref<!tpu.dma_semaphore, #tpu.memory_space<semaphore_mem>>) src(%dma_wait3A_4810 : memref<128xf32, #tpu.memory_space<vmem>>) dst(%dma_wait3A_4807 : memref<128xf32, #tpu.memory_space<any>>)
    %dma_wait3A_4811 = arith.constant 0 : i32
    %dma_wait3A_4812 = arith.constant 0 : i32
    %dma_wait3A_4813 = tpu.memref_slice %arg5[%dma_wait3A_4812] : memref<12800000xf32, #tpu.memory_space<any>> -> memref<128xf32, #tpu.memory_space<any>>
    %dma_wait3A_4814 = arith.constant 0 : i32
    %dma_wait3A_4815 = tpu.memref_slice %arg6[%dma_wait3A_4811, %dma_wait3A_4814] : memref<128x128xf32, #tpu.memory_space<vmem>> -> memref<1x128xf32, #tpu.memory_space<vmem>>
    %dma_wait3A_4816 = tpu.memref_squeeze %dma_wait3A_4815 : memref<1x128xf32, #tpu.memory_space<vmem>> -> memref<128xf32, #tpu.memory_space<vmem>>
    tpu.wait_dma2 semaphore(%arg7 : memref<!tpu.dma_semaphore, #tpu.memory_space<semaphore_mem>>) src(%dma_wait3A_4816 : memref<128xf32, #tpu.memory_space<vmem>>) dst(%dma_wait3A_4813 : memref<128xf32, #tpu.memory_space<any>>)
    %dma_wait3A_4817 = arith.constant 0 : i32
    %dma_wait3A_4818 = arith.constant 0 : i32
    %dma_wait3A_4819 = tpu.memref_slice %arg5[%dma_wait3A_4818] : memref<12800000xf32, #tpu.memory_space<any>> -> memref<128xf32, #tpu.memory_space<any>>
    %dma_wait3A_4820 = arith.constant 0 : i32
    %dma_wait3A_4821 = tpu.memref_slice %arg6[%dma_wait3A_4817, %dma_wait3A_4820] : memref<128x128xf32, #tpu.memory_space<vmem>> -> memref<1x128xf32, #tpu.memory_space<vmem>>
    %dma_wait3A_4822 = tpu.memref_squeeze %dma_wait3A_4821 : memref<1x128xf32, #tpu.memory_space<vmem>> -> memref<128xf32, #tpu.memory_space<vmem>>
    tpu.wait_dma2 semaphore(%arg7 : memref<!tpu.dma_semaphore, #tpu.memory_space<semaphore_mem>>) src(%dma_wait3A_4822 : memref<128xf32, #tpu.memory_space<vmem>>) dst(%dma_wait3A_4819 : memref<128xf32, #tpu.memory_space<any>>)
    %dma_wait3A_4823 = arith.constant 0 : i32
    %dma_wait3A_4824 = arith.constant 0 : i32
    %dma_wait3A_4825 = tpu.memref_slice %arg5[%dma_wait3A_4824] : memref<12800000xf32, #tpu.memory_space<any>> -> memref<128xf32, #tpu.memory_space<any>>
    %dma_wait3A_4826 = arith.constant 0 : i32
    %dma_wait3A_4827 = tpu.memref_slice %arg6[%dma_wait3A_4823, %dma_wait3A_4826] : memref<128x128xf32, #tpu.memory_space<vmem>> -> memref<1x128xf32, #tpu.memory_space<vmem>>
    %dma_wait3A_4828 = tpu.memref_squeeze %dma_wait3A_4827 : memref<1x128xf32, #tpu.memory_space<vmem>> -> memref<128xf32, #tpu.memory_space<vmem>>
    tpu.wait_dma2 semaphore(%arg7 : memref<!tpu.dma_semaphore, #tpu.memory_space<semaphore_mem>>) src(%dma_wait3A_4828 : memref<128xf32, #tpu.memory_space<vmem>>) dst(%dma_wait3A_4825 : memref<128xf32, #tpu.memory_space<any>>)
    %dma_wait3A_4829 = arith.constant 0 : i32
    %dma_wait3A_4830 = arith.constant 0 : i32
    %dma_wait3A_4831 = tpu.memref_slice %arg5[%dma_wait3A_4830] : memref<12800000xf32, #tpu.memory_space<any>> -> memref<128xf32, #tpu.memory_space<any>>
    %dma_wait3A_4832 = arith.constant 0 : i32
    %dma_wait3A_4833 = tpu.memref_slice %arg6[%dma_wait3A_4829, %dma_wait3A_4832] : memref<128x128xf32, #tpu.memory_space<vmem>> -> memref<1x128xf32, #tpu.memory_space<vmem>>
    %dma_wait3A_4834 = tpu.memref_squeeze %dma_wait3A_4833 : memref<1x128xf32, #tpu.memory_space<vmem>> -> memref<128xf32, #tpu.memory_space<vmem>>
    tpu.wait_dma2 semaphore(%arg7 : memref<!tpu.dma_semaphore, #tpu.memory_space<semaphore_mem>>) src(%dma_wait3A_4834 : memref<128xf32, #tpu.memory_space<vmem>>) dst(%dma_wait3A_4831 : memref<128xf32, #tpu.memory_space<any>>)
    %dma_wait3A_4835 = arith.constant 0 : i32
    %dma_wait3A_4836 = arith.constant 0 : i32
    %dma_wait3A_4837 = tpu.memref_slice %arg5[%dma_wait3A_4836] : memref<12800000xf32, #tpu.memory_space<any>> -> memref<128xf32, #tpu.memory_space<any>>
    %dma_wait3A_4838 = arith.constant 0 : i32
    %dma_wait3A_4839 = tpu.memref_slice %arg6[%dma_wait3A_4835, %dma_wait3A_4838] : memref<128x128xf32, #tpu.memory_space<vmem>> -> memref<1x128xf32, #tpu.memory_space<vmem>>
    %dma_wait3A_4840 = tpu.memref_squeeze %dma_wait3A_4839 : memref<1x128xf32, #tpu.memory_space<vmem>> -> memref<128xf32, #tpu.memory_space<vmem>>
    tpu.wait_dma2 semaphore(%arg7 : memref<!tpu.dma_semaphore, #tpu.memory_space<semaphore_mem>>) src(%dma_wait3A_4840 : memref<128xf32, #tpu.memory_space<vmem>>) dst(%dma_wait3A_4837 : memref<128xf32, #tpu.memory_space<any>>)
    %dma_wait3A_4841 = arith.constant 0 : i32
    %dma_wait3A_4842 = arith.constant 0 : i32
    %dma_wait3A_4843 = tpu.memref_slice %arg5[%dma_wait3A_4842] : memref<12800000xf32, #tpu.memory_space<any>> -> memref<128xf32, #tpu.memory_space<any>>
    %dma_wait3A_4844 = arith.constant 0 : i32
    %dma_wait3A_4845 = tpu.memref_slice %arg6[%dma_wait3A_4841, %dma_wait3A_4844] : memref<128x128xf32, #tpu.memory_space<vmem>> -> memref<1x128xf32, #tpu.memory_space<vmem>>
    %dma_wait3A_4846 = tpu.memref_squeeze %dma_wait3A_4845 : memref<1x128xf32, #tpu.memory_space<vmem>> -> memref<128xf32, #tpu.memory_space<vmem>>
    tpu.wait_dma2 semaphore(%arg7 : memref<!tpu.dma_semaphore, #tpu.memory_space<semaphore_mem>>) src(%dma_wait3A_4846 : memref<128xf32, #tpu.memory_space<vmem>>) dst(%dma_wait3A_4843 : memref<128xf32, #tpu.memory_space<any>>)
    %dma_wait3A_4847 = arith.constant 0 : i32
    %dma_wait3A_4848 = arith.constant 0 : i32
    %dma_wait3A_4849 = tpu.memref_slice %arg5[%dma_wait3A_4848] : memref<12800000xf32, #tpu.memory_space<any>> -> memref<128xf32, #tpu.memory_space<any>>
    %dma_wait3A_4850 = arith.constant 0 : i32
    %dma_wait3A_4851 = tpu.memref_slice %arg6[%dma_wait3A_4847, %dma_wait3A_4850] : memref<128x128xf32, #tpu.memory_space<vmem>> -> memref<1x128xf32, #tpu.memory_space<vmem>>
    %dma_wait3A_4852 = tpu.memref_squeeze %dma_wait3A_4851 : memref<1x128xf32, #tpu.memory_space<vmem>> -> memref<128xf32, #tpu.memory_space<vmem>>
    tpu.wait_dma2 semaphore(%arg7 : memref<!tpu.dma_semaphore, #tpu.memory_space<semaphore_mem>>) src(%dma_wait3A_4852 : memref<128xf32, #tpu.memory_space<vmem>>) dst(%dma_wait3A_4849 : memref<128xf32, #tpu.memory_space<any>>)
    %dma_wait3A_4853 = arith.constant 0 : i32
    %dma_wait3A_4854 = arith.constant 0 : i32
    %dma_wait3A_4855 = tpu.memref_slice %arg5[%dma_wait3A_4854] : memref<12800000xf32, #tpu.memory_space<any>> -> memref<128xf32, #tpu.memory_space<any>>
    %dma_wait3A_4856 = arith.constant 0 : i32
    %dma_wait3A_4857 = tpu.memref_slice %arg6[%dma_wait3A_4853, %dma_wait3A_4856] : memref<128x128xf32, #tpu.memory_space<vmem>> -> memref<1x128xf32, #tpu.memory_space<vmem>>
    %dma_wait3A_4858 = tpu.memref_squeeze %dma_wait3A_4857 : memref<1x128xf32, #tpu.memory_space<vmem>> -> memref<128xf32, #tpu.memory_space<vmem>>
    tpu.wait_dma2 semaphore(%arg7 : memref<!tpu.dma_semaphore, #tpu.memory_space<semaphore_mem>>) src(%dma_wait3A_4858 : memref<128xf32, #tpu.memory_space<vmem>>) dst(%dma_wait3A_4855 : memref<128xf32, #tpu.memory_space<any>>)
    %dma_wait3A_4859 = arith.constant 0 : i32
    %dma_wait3A_4860 = arith.constant 0 : i32
    %dma_wait3A_4861 = tpu.memref_slice %arg5[%dma_wait3A_4860] : memref<12800000xf32, #tpu.memory_space<any>> -> memref<128xf32, #tpu.memory_space<any>>
    %dma_wait3A_4862 = arith.constant 0 : i32
    %dma_wait3A_4863 = tpu.memref_slice %arg6[%dma_wait3A_4859, %dma_wait3A_4862] : memref<128x128xf32, #tpu.memory_space<vmem>> -> memref<1x128xf32, #tpu.memory_space<vmem>>
    %dma_wait3A_4864 = tpu.memref_squeeze %dma_wait3A_4863 : memref<1x128xf32, #tpu.memory_space<vmem>> -> memref<128xf32, #tpu.memory_space<vmem>>
    tpu.wait_dma2 semaphore(%arg7 : memref<!tpu.dma_semaphore, #tpu.memory_space<semaphore_mem>>) src(%dma_wait3A_4864 : memref<128xf32, #tpu.memory_space<vmem>>) dst(%dma_wait3A_4861 : memref<128xf32, #tpu.memory_space<any>>)
    %dma_wait3A_4865 = arith.constant 0 : i32
    %dma_wait3A_4866 = arith.constant 0 : i32
    %dma_wait3A_4867 = tpu.memref_slice %arg5[%dma_wait3A_4866] : memref<12800000xf32, #tpu.memory_space<any>> -> memref<128xf32, #tpu.memory_space<any>>
    %dma_wait3A_4868 = arith.constant 0 : i32
    %dma_wait3A_4869 = tpu.memref_slice %arg6[%dma_wait3A_4865, %dma_wait3A_4868] : memref<128x128xf32, #tpu.memory_space<vmem>> -> memref<1x128xf32, #tpu.memory_space<vmem>>
    %dma_wait3A_4870 = tpu.memref_squeeze %dma_wait3A_4869 : memref<1x128xf32, #tpu.memory_space<vmem>> -> memref<128xf32, #tpu.memory_space<vmem>>
    tpu.wait_dma2 semaphore(%arg7 : memref<!tpu.dma_semaphore, #tpu.memory_space<semaphore_mem>>) src(%dma_wait3A_4870 : memref<128xf32, #tpu.memory_space<vmem>>) dst(%dma_wait3A_4867 : memref<128xf32, #tpu.memory_space<any>>)
    %dma_wait3A_4871 = arith.constant 0 : i32
    %dma_wait3A_4872 = arith.constant 0 : i32
    %dma_wait3A_4873 = tpu.memref_slice %arg5[%dma_wait3A_4872] : memref<12800000xf32, #tpu.memory_space<any>> -> memref<128xf32, #tpu.memory_space<any>>
    %dma_wait3A_4874 = arith.constant 0 : i32
    %dma_wait3A_4875 = tpu.memref_slice %arg6[%dma_wait3A_4871, %dma_wait3A_4874] : memref<128x128xf32, #tpu.memory_space<vmem>> -> memref<1x128xf32, #tpu.memory_space<vmem>>
    %dma_wait3A_4876 = tpu.memref_squeeze %dma_wait3A_4875 : memref<1x128xf32, #tpu.memory_space<vmem>> -> memref<128xf32, #tpu.memory_space<vmem>>
    tpu.wait_dma2 semaphore(%arg7 : memref<!tpu.dma_semaphore, #tpu.memory_space<semaphore_mem>>) src(%dma_wait3A_4876 : memref<128xf32, #tpu.memory_space<vmem>>) dst(%dma_wait3A_4873 : memref<128xf32, #tpu.memory_space<any>>)
    %dma_wait3A_4877 = arith.constant 0 : i32
    %dma_wait3A_4878 = arith.constant 0 : i32
    %dma_wait3A_4879 = tpu.memref_slice %arg5[%dma_wait3A_4878] : memref<12800000xf32, #tpu.memory_space<any>> -> memref<128xf32, #tpu.memory_space<any>>
    %dma_wait3A_4880 = arith.constant 0 : i32
    %dma_wait3A_4881 = tpu.memref_slice %arg6[%dma_wait3A_4877, %dma_wait3A_4880] : memref<128x128xf32, #tpu.memory_space<vmem>> -> memref<1x128xf32, #tpu.memory_space<vmem>>
    %dma_wait3A_4882 = tpu.memref_squeeze %dma_wait3A_4881 : memref<1x128xf32, #tpu.memory_space<vmem>> -> memref<128xf32, #tpu.memory_space<vmem>>
    tpu.wait_dma2 semaphore(%arg7 : memref<!tpu.dma_semaphore, #tpu.memory_space<semaphore_mem>>) src(%dma_wait3A_4882 : memref<128xf32, #tpu.memory_space<vmem>>) dst(%dma_wait3A_4879 : memref<128xf32, #tpu.memory_space<any>>)
    %dma_wait3A_4883 = arith.constant 0 : i32
    %dma_wait3A_4884 = arith.constant 0 : i32
    %dma_wait3A_4885 = tpu.memref_slice %arg5[%dma_wait3A_4884] : memref<12800000xf32, #tpu.memory_space<any>> -> memref<128xf32, #tpu.memory_space<any>>
    %dma_wait3A_4886 = arith.constant 0 : i32
    %dma_wait3A_4887 = tpu.memref_slice %arg6[%dma_wait3A_4883, %dma_wait3A_4886] : memref<128x128xf32, #tpu.memory_space<vmem>> -> memref<1x128xf32, #tpu.memory_space<vmem>>
    %dma_wait3A_4888 = tpu.memref_squeeze %dma_wait3A_4887 : memref<1x128xf32, #tpu.memory_space<vmem>> -> memref<128xf32, #tpu.memory_space<vmem>>
    tpu.wait_dma2 semaphore(%arg7 : memref<!tpu.dma_semaphore, #tpu.memory_space<semaphore_mem>>) src(%dma_wait3A_4888 : memref<128xf32, #tpu.memory_space<vmem>>) dst(%dma_wait3A_4885 : memref<128xf32, #tpu.memory_space<any>>)
    %dma_wait3A_4889 = arith.constant 0 : i32
    %dma_wait3A_4890 = arith.constant 0 : i32
    %dma_wait3A_4891 = tpu.memref_slice %arg5[%dma_wait3A_4890] : memref<12800000xf32, #tpu.memory_space<any>> -> memref<128xf32, #tpu.memory_space<any>>
    %dma_wait3A_4892 = arith.constant 0 : i32
    %dma_wait3A_4893 = tpu.memref_slice %arg6[%dma_wait3A_4889, %dma_wait3A_4892] : memref<128x128xf32, #tpu.memory_space<vmem>> -> memref<1x128xf32, #tpu.memory_space<vmem>>
    %dma_wait3A_4894 = tpu.memref_squeeze %dma_wait3A_4893 : memref<1x128xf32, #tpu.memory_space<vmem>> -> memref<128xf32, #tpu.memory_space<vmem>>
    tpu.wait_dma2 semaphore(%arg7 : memref<!tpu.dma_semaphore, #tpu.memory_space<semaphore_mem>>) src(%dma_wait3A_4894 : memref<128xf32, #tpu.memory_space<vmem>>) dst(%dma_wait3A_4891 : memref<128xf32, #tpu.memory_space<any>>)
    %dma_wait3A_4895 = arith.constant 0 : i32
    %dma_wait3A_4896 = arith.constant 0 : i32
    %dma_wait3A_4897 = tpu.memref_slice %arg5[%dma_wait3A_4896] : memref<12800000xf32, #tpu.memory_space<any>> -> memref<128xf32, #tpu.memory_space<any>>
    %dma_wait3A_4898 = arith.constant 0 : i32
    %dma_wait3A_4899 = tpu.memref_slice %arg6[%dma_wait3A_4895, %dma_wait3A_4898] : memref<128x128xf32, #tpu.memory_space<vmem>> -> memref<1x128xf32, #tpu.memory_space<vmem>>
    %dma_wait3A_4900 = tpu.memref_squeeze %dma_wait3A_4899 : memref<1x128xf32, #tpu.memory_space<vmem>> -> memref<128xf32, #tpu.memory_space<vmem>>
    tpu.wait_dma2 semaphore(%arg7 : memref<!tpu.dma_semaphore, #tpu.memory_space<semaphore_mem>>) src(%dma_wait3A_4900 : memref<128xf32, #tpu.memory_space<vmem>>) dst(%dma_wait3A_4897 : memref<128xf32, #tpu.memory_space<any>>)
    %dma_wait3A_4901 = arith.constant 0 : i32
    %dma_wait3A_4902 = arith.constant 0 : i32
    %dma_wait3A_4903 = tpu.memref_slice %arg5[%dma_wait3A_4902] : memref<12800000xf32, #tpu.memory_space<any>> -> memref<128xf32, #tpu.memory_space<any>>
    %dma_wait3A_4904 = arith.constant 0 : i32
    %dma_wait3A_4905 = tpu.memref_slice %arg6[%dma_wait3A_4901, %dma_wait3A_4904] : memref<128x128xf32, #tpu.memory_space<vmem>> -> memref<1x128xf32, #tpu.memory_space<vmem>>
    %dma_wait3A_4906 = tpu.memref_squeeze %dma_wait3A_4905 : memref<1x128xf32, #tpu.memory_space<vmem>> -> memref<128xf32, #tpu.memory_space<vmem>>
    tpu.wait_dma2 semaphore(%arg7 : memref<!tpu.dma_semaphore, #tpu.memory_space<semaphore_mem>>) src(%dma_wait3A_4906 : memref<128xf32, #tpu.memory_space<vmem>>) dst(%dma_wait3A_4903 : memref<128xf32, #tpu.memory_space<any>>)
    %dma_wait3A_4907 = arith.constant 0 : i32
    %dma_wait3A_4908 = arith.constant 0 : i32
    %dma_wait3A_4909 = tpu.memref_slice %arg5[%dma_wait3A_4908] : memref<12800000xf32, #tpu.memory_space<any>> -> memref<128xf32, #tpu.memory_space<any>>
    %dma_wait3A_4910 = arith.constant 0 : i32
    %dma_wait3A_4911 = tpu.memref_slice %arg6[%dma_wait3A_4907, %dma_wait3A_4910] : memref<128x128xf32, #tpu.memory_space<vmem>> -> memref<1x128xf32, #tpu.memory_space<vmem>>
    %dma_wait3A_4912 = tpu.memref_squeeze %dma_wait3A_4911 : memref<1x128xf32, #tpu.memory_space<vmem>> -> memref<128xf32, #tpu.memory_space<vmem>>
    tpu.wait_dma2 semaphore(%arg7 : memref<!tpu.dma_semaphore, #tpu.memory_space<semaphore_mem>>) src(%dma_wait3A_4912 : memref<128xf32, #tpu.memory_space<vmem>>) dst(%dma_wait3A_4909 : memref<128xf32, #tpu.memory_space<any>>)
    %dma_wait3A_4913 = arith.constant 0 : i32
    %dma_wait3A_4914 = arith.constant 0 : i32
    %dma_wait3A_4915 = tpu.memref_slice %arg5[%dma_wait3A_4914] : memref<12800000xf32, #tpu.memory_space<any>> -> memref<128xf32, #tpu.memory_space<any>>
    %dma_wait3A_4916 = arith.constant 0 : i32
    %dma_wait3A_4917 = tpu.memref_slice %arg6[%dma_wait3A_4913, %dma_wait3A_4916] : memref<128x128xf32, #tpu.memory_space<vmem>> -> memref<1x128xf32, #tpu.memory_space<vmem>>
    %dma_wait3A_4918 = tpu.memref_squeeze %dma_wait3A_4917 : memref<1x128xf32, #tpu.memory_space<vmem>> -> memref<128xf32, #tpu.memory_space<vmem>>
    tpu.wait_dma2 semaphore(%arg7 : memref<!tpu.dma_semaphore, #tpu.memory_space<semaphore_mem>>) src(%dma_wait3A_4918 : memref<128xf32, #tpu.memory_space<vmem>>) dst(%dma_wait3A_4915 : memref<128xf32, #tpu.memory_space<any>>)
    %dma_wait3A_4919 = arith.constant 0 : i32
    %dma_wait3A_4920 = arith.constant 0 : i32
    %dma_wait3A_4921 = tpu.memref_slice %arg5[%dma_wait3A_4920] : memref<12800000xf32, #tpu.memory_space<any>> -> memref<128xf32, #tpu.memory_space<any>>
    %dma_wait3A_4922 = arith.constant 0 : i32
    %dma_wait3A_4923 = tpu.memref_slice %arg6[%dma_wait3A_4919, %dma_wait3A_4922] : memref<128x128xf32, #tpu.memory_space<vmem>> -> memref<1x128xf32, #tpu.memory_space<vmem>>
    %dma_wait3A_4924 = tpu.memref_squeeze %dma_wait3A_4923 : memref<1x128xf32, #tpu.memory_space<vmem>> -> memref<128xf32, #tpu.memory_space<vmem>>
    tpu.wait_dma2 semaphore(%arg7 : memref<!tpu.dma_semaphore, #tpu.memory_space<semaphore_mem>>) src(%dma_wait3A_4924 : memref<128xf32, #tpu.memory_space<vmem>>) dst(%dma_wait3A_4921 : memref<128xf32, #tpu.memory_space<any>>)
    %dma_wait3A_4925 = arith.constant 0 : i32
    %dma_wait3A_4926 = arith.constant 0 : i32
    %dma_wait3A_4927 = tpu.memref_slice %arg5[%dma_wait3A_4926] : memref<12800000xf32, #tpu.memory_space<any>> -> memref<128xf32, #tpu.memory_space<any>>
    %dma_wait3A_4928 = arith.constant 0 : i32
    %dma_wait3A_4929 = tpu.memref_slice %arg6[%dma_wait3A_4925, %dma_wait3A_4928] : memref<128x128xf32, #tpu.memory_space<vmem>> -> memref<1x128xf32, #tpu.memory_space<vmem>>
    %dma_wait3A_4930 = tpu.memref_squeeze %dma_wait3A_4929 : memref<1x128xf32, #tpu.memory_space<vmem>> -> memref<128xf32, #tpu.memory_space<vmem>>
    tpu.wait_dma2 semaphore(%arg7 : memref<!tpu.dma_semaphore, #tpu.memory_space<semaphore_mem>>) src(%dma_wait3A_4930 : memref<128xf32, #tpu.memory_space<vmem>>) dst(%dma_wait3A_4927 : memref<128xf32, #tpu.memory_space<any>>)
    %dma_wait3A_4931 = arith.constant 0 : i32
    %dma_wait3A_4932 = arith.constant 0 : i32
    %dma_wait3A_4933 = tpu.memref_slice %arg5[%dma_wait3A_4932] : memref<12800000xf32, #tpu.memory_space<any>> -> memref<128xf32, #tpu.memory_space<any>>
    %dma_wait3A_4934 = arith.constant 0 : i32
    %dma_wait3A_4935 = tpu.memref_slice %arg6[%dma_wait3A_4931, %dma_wait3A_4934] : memref<128x128xf32, #tpu.memory_space<vmem>> -> memref<1x128xf32, #tpu.memory_space<vmem>>
    %dma_wait3A_4936 = tpu.memref_squeeze %dma_wait3A_4935 : memref<1x128xf32, #tpu.memory_space<vmem>> -> memref<128xf32, #tpu.memory_space<vmem>>
    tpu.wait_dma2 semaphore(%arg7 : memref<!tpu.dma_semaphore, #tpu.memory_space<semaphore_mem>>) src(%dma_wait3A_4936 : memref<128xf32, #tpu.memory_space<vmem>>) dst(%dma_wait3A_4933 : memref<128xf32, #tpu.memory_space<any>>)
    %dma_wait3A_4937 = arith.constant 0 : i32
    %dma_wait3A_4938 = arith.constant 0 : i32
    %dma_wait3A_4939 = tpu.memref_slice %arg5[%dma_wait3A_4938] : memref<12800000xf32, #tpu.memory_space<any>> -> memref<128xf32, #tpu.memory_space<any>>
    %dma_wait3A_4940 = arith.constant 0 : i32
    %dma_wait3A_4941 = tpu.memref_slice %arg6[%dma_wait3A_4937, %dma_wait3A_4940] : memref<128x128xf32, #tpu.memory_space<vmem>> -> memref<1x128xf32, #tpu.memory_space<vmem>>
    %dma_wait3A_4942 = tpu.memref_squeeze %dma_wait3A_4941 : memref<1x128xf32, #tpu.memory_space<vmem>> -> memref<128xf32, #tpu.memory_space<vmem>>
    tpu.wait_dma2 semaphore(%arg7 : memref<!tpu.dma_semaphore, #tpu.memory_space<semaphore_mem>>) src(%dma_wait3A_4942 : memref<128xf32, #tpu.memory_space<vmem>>) dst(%dma_wait3A_4939 : memref<128xf32, #tpu.memory_space<any>>)
    %dma_wait3A_4943 = arith.constant 0 : i32
    %dma_wait3A_4944 = arith.constant 0 : i32
    %dma_wait3A_4945 = tpu.memref_slice %arg5[%dma_wait3A_4944] : memref<12800000xf32, #tpu.memory_space<any>> -> memref<128xf32, #tpu.memory_space<any>>
    %dma_wait3A_4946 = arith.constant 0 : i32
    %dma_wait3A_4947 = tpu.memref_slice %arg6[%dma_wait3A_4943, %dma_wait3A_4946] : memref<128x128xf32, #tpu.memory_space<vmem>> -> memref<1x128xf32, #tpu.memory_space<vmem>>
    %dma_wait3A_4948 = tpu.memref_squeeze %dma_wait3A_4947 : memref<1x128xf32, #tpu.memory_space<vmem>> -> memref<128xf32, #tpu.memory_space<vmem>>
    tpu.wait_dma2 semaphore(%arg7 : memref<!tpu.dma_semaphore, #tpu.memory_space<semaphore_mem>>) src(%dma_wait3A_4948 : memref<128xf32, #tpu.memory_space<vmem>>) dst(%dma_wait3A_4945 : memref<128xf32, #tpu.memory_space<any>>)
    %dma_wait3A_4949 = arith.constant 0 : i32
    %dma_wait3A_4950 = arith.constant 0 : i32
    %dma_wait3A_4951 = tpu.memref_slice %arg5[%dma_wait3A_4950] : memref<12800000xf32, #tpu.memory_space<any>> -> memref<128xf32, #tpu.memory_space<any>>
    %dma_wait3A_4952 = arith.constant 0 : i32
    %dma_wait3A_4953 = tpu.memref_slice %arg6[%dma_wait3A_4949, %dma_wait3A_4952] : memref<128x128xf32, #tpu.memory_space<vmem>> -> memref<1x128xf32, #tpu.memory_space<vmem>>
    %dma_wait3A_4954 = tpu.memref_squeeze %dma_wait3A_4953 : memref<1x128xf32, #tpu.memory_space<vmem>> -> memref<128xf32, #tpu.memory_space<vmem>>
    tpu.wait_dma2 semaphore(%arg7 : memref<!tpu.dma_semaphore, #tpu.memory_space<semaphore_mem>>) src(%dma_wait3A_4954 : memref<128xf32, #tpu.memory_space<vmem>>) dst(%dma_wait3A_4951 : memref<128xf32, #tpu.memory_space<any>>)
    %dma_wait3A_4955 = arith.constant 0 : i32
    %dma_wait3A_4956 = arith.constant 0 : i32
    %dma_wait3A_4957 = tpu.memref_slice %arg5[%dma_wait3A_4956] : memref<12800000xf32, #tpu.memory_space<any>> -> memref<128xf32, #tpu.memory_space<any>>
    %dma_wait3A_4958 = arith.constant 0 : i32
    %dma_wait3A_4959 = tpu.memref_slice %arg6[%dma_wait3A_4955, %dma_wait3A_4958] : memref<128x128xf32, #tpu.memory_space<vmem>> -> memref<1x128xf32, #tpu.memory_space<vmem>>
    %dma_wait3A_4960 = tpu.memref_squeeze %dma_wait3A_4959 : memref<1x128xf32, #tpu.memory_space<vmem>> -> memref<128xf32, #tpu.memory_space<vmem>>
    tpu.wait_dma2 semaphore(%arg7 : memref<!tpu.dma_semaphore, #tpu.memory_space<semaphore_mem>>) src(%dma_wait3A_4960 : memref<128xf32, #tpu.memory_space<vmem>>) dst(%dma_wait3A_4957 : memref<128xf32, #tpu.memory_space<any>>)
    %dma_wait3A_4961 = arith.constant 0 : i32
    %dma_wait3A_4962 = arith.constant 0 : i32
    %dma_wait3A_4963 = tpu.memref_slice %arg5[%dma_wait3A_4962] : memref<12800000xf32, #tpu.memory_space<any>> -> memref<128xf32, #tpu.memory_space<any>>
    %dma_wait3A_4964 = arith.constant 0 : i32
    %dma_wait3A_4965 = tpu.memref_slice %arg6[%dma_wait3A_4961, %dma_wait3A_4964] : memref<128x128xf32, #tpu.memory_space<vmem>> -> memref<1x128xf32, #tpu.memory_space<vmem>>
    %dma_wait3A_4966 = tpu.memref_squeeze %dma_wait3A_4965 : memref<1x128xf32, #tpu.memory_space<vmem>> -> memref<128xf32, #tpu.memory_space<vmem>>
    tpu.wait_dma2 semaphore(%arg7 : memref<!tpu.dma_semaphore, #tpu.memory_space<semaphore_mem>>) src(%dma_wait3A_4966 : memref<128xf32, #tpu.memory_space<vmem>>) dst(%dma_wait3A_4963 : memref<128xf32, #tpu.memory_space<any>>)
    %dma_wait3A_4967 = arith.constant 0 : i32
    %dma_wait3A_4968 = arith.constant 0 : i32
    %dma_wait3A_4969 = tpu.memref_slice %arg5[%dma_wait3A_4968] : memref<12800000xf32, #tpu.memory_space<any>> -> memref<128xf32, #tpu.memory_space<any>>
    %dma_wait3A_4970 = arith.constant 0 : i32
    %dma_wait3A_4971 = tpu.memref_slice %arg6[%dma_wait3A_4967, %dma_wait3A_4970] : memref<128x128xf32, #tpu.memory_space<vmem>> -> memref<1x128xf32, #tpu.memory_space<vmem>>
    %dma_wait3A_4972 = tpu.memref_squeeze %dma_wait3A_4971 : memref<1x128xf32, #tpu.memory_space<vmem>> -> memref<128xf32, #tpu.memory_space<vmem>>
    tpu.wait_dma2 semaphore(%arg7 : memref<!tpu.dma_semaphore, #tpu.memory_space<semaphore_mem>>) src(%dma_wait3A_4972 : memref<128xf32, #tpu.memory_space<vmem>>) dst(%dma_wait3A_4969 : memref<128xf32, #tpu.memory_space<any>>)
    %dma_wait3A_4973 = arith.constant 0 : i32
    %dma_wait3A_4974 = arith.constant 0 : i32
    %dma_wait3A_4975 = tpu.memref_slice %arg5[%dma_wait3A_4974] : memref<12800000xf32, #tpu.memory_space<any>> -> memref<128xf32, #tpu.memory_space<any>>
    %dma_wait3A_4976 = arith.constant 0 : i32
    %dma_wait3A_4977 = tpu.memref_slice %arg6[%dma_wait3A_4973, %dma_wait3A_4976] : memref<128x128xf32, #tpu.memory_space<vmem>> -> memref<1x128xf32, #tpu.memory_space<vmem>>
    %dma_wait3A_4978 = tpu.memref_squeeze %dma_wait3A_4977 : memref<1x128xf32, #tpu.memory_space<vmem>> -> memref<128xf32, #tpu.memory_space<vmem>>
    tpu.wait_dma2 semaphore(%arg7 : memref<!tpu.dma_semaphore, #tpu.memory_space<semaphore_mem>>) src(%dma_wait3A_4978 : memref<128xf32, #tpu.memory_space<vmem>>) dst(%dma_wait3A_4975 : memref<128xf32, #tpu.memory_space<any>>)
    %dma_wait3A_4979 = arith.constant 0 : i32
    %dma_wait3A_4980 = arith.constant 0 : i32
    %dma_wait3A_4981 = tpu.memref_slice %arg5[%dma_wait3A_4980] : memref<12800000xf32, #tpu.memory_space<any>> -> memref<128xf32, #tpu.memory_space<any>>
    %dma_wait3A_4982 = arith.constant 0 : i32
    %dma_wait3A_4983 = tpu.memref_slice %arg6[%dma_wait3A_4979, %dma_wait3A_4982] : memref<128x128xf32, #tpu.memory_space<vmem>> -> memref<1x128xf32, #tpu.memory_space<vmem>>
    %dma_wait3A_4984 = tpu.memref_squeeze %dma_wait3A_4983 : memref<1x128xf32, #tpu.memory_space<vmem>> -> memref<128xf32, #tpu.memory_space<vmem>>
    tpu.wait_dma2 semaphore(%arg7 : memref<!tpu.dma_semaphore, #tpu.memory_space<semaphore_mem>>) src(%dma_wait3A_4984 : memref<128xf32, #tpu.memory_space<vmem>>) dst(%dma_wait3A_4981 : memref<128xf32, #tpu.memory_space<any>>)
    %dma_wait3A_4985 = arith.constant 0 : i32
    %dma_wait3A_4986 = arith.constant 0 : i32
    %dma_wait3A_4987 = tpu.memref_slice %arg5[%dma_wait3A_4986] : memref<12800000xf32, #tpu.memory_space<any>> -> memref<128xf32, #tpu.memory_space<any>>
    %dma_wait3A_4988 = arith.constant 0 : i32
    %dma_wait3A_4989 = tpu.memref_slice %arg6[%dma_wait3A_4985, %dma_wait3A_4988] : memref<128x128xf32, #tpu.memory_space<vmem>> -> memref<1x128xf32, #tpu.memory_space<vmem>>
    %dma_wait3A_4990 = tpu.memref_squeeze %dma_wait3A_4989 : memref<1x128xf32, #tpu.memory_space<vmem>> -> memref<128xf32, #tpu.memory_space<vmem>>
    tpu.wait_dma2 semaphore(%arg7 : memref<!tpu.dma_semaphore, #tpu.memory_space<semaphore_mem>>) src(%dma_wait3A_4990 : memref<128xf32, #tpu.memory_space<vmem>>) dst(%dma_wait3A_4987 : memref<128xf32, #tpu.memory_space<any>>)
    %dma_wait3A_4991 = arith.constant 0 : i32
    %dma_wait3A_4992 = arith.constant 0 : i32
    %dma_wait3A_4993 = tpu.memref_slice %arg5[%dma_wait3A_4992] : memref<12800000xf32, #tpu.memory_space<any>> -> memref<128xf32, #tpu.memory_space<any>>
    %dma_wait3A_4994 = arith.constant 0 : i32
    %dma_wait3A_4995 = tpu.memref_slice %arg6[%dma_wait3A_4991, %dma_wait3A_4994] : memref<128x128xf32, #tpu.memory_space<vmem>> -> memref<1x128xf32, #tpu.memory_space<vmem>>
    %dma_wait3A_4996 = tpu.memref_squeeze %dma_wait3A_4995 : memref<1x128xf32, #tpu.memory_space<vmem>> -> memref<128xf32, #tpu.memory_space<vmem>>
    tpu.wait_dma2 semaphore(%arg7 : memref<!tpu.dma_semaphore, #tpu.memory_space<semaphore_mem>>) src(%dma_wait3A_4996 : memref<128xf32, #tpu.memory_space<vmem>>) dst(%dma_wait3A_4993 : memref<128xf32, #tpu.memory_space<any>>)
    %dma_wait3A_4997 = arith.constant 0 : i32
    %dma_wait3A_4998 = arith.constant 0 : i32
    %dma_wait3A_4999 = tpu.memref_slice %arg5[%dma_wait3A_4998] : memref<12800000xf32, #tpu.memory_space<any>> -> memref<128xf32, #tpu.memory_space<any>>
    %dma_wait3A_5000 = arith.constant 0 : i32
    %dma_wait3A_5001 = tpu.memref_slice %arg6[%dma_wait3A_4997, %dma_wait3A_5000] : memref<128x128xf32, #tpu.memory_space<vmem>> -> memref<1x128xf32, #tpu.memory_space<vmem>>
    %dma_wait3A_5002 = tpu.memref_squeeze %dma_wait3A_5001 : memref<1x128xf32, #tpu.memory_space<vmem>> -> memref<128xf32, #tpu.memory_space<vmem>>
    tpu.wait_dma2 semaphore(%arg7 : memref<!tpu.dma_semaphore, #tpu.memory_space<semaphore_mem>>) src(%dma_wait3A_5002 : memref<128xf32, #tpu.memory_space<vmem>>) dst(%dma_wait3A_4999 : memref<128xf32, #tpu.memory_space<any>>)
    %dma_wait3A_5003 = arith.constant 0 : i32
    %dma_wait3A_5004 = arith.constant 0 : i32
    %dma_wait3A_5005 = tpu.memref_slice %arg5[%dma_wait3A_5004] : memref<12800000xf32, #tpu.memory_space<any>> -> memref<128xf32, #tpu.memory_space<any>>
    %dma_wait3A_5006 = arith.constant 0 : i32
    %dma_wait3A_5007 = tpu.memref_slice %arg6[%dma_wait3A_5003, %dma_wait3A_5006] : memref<128x128xf32, #tpu.memory_space<vmem>> -> memref<1x128xf32, #tpu.memory_space<vmem>>
    %dma_wait3A_5008 = tpu.memref_squeeze %dma_wait3A_5007 : memref<1x128xf32, #tpu.memory_space<vmem>> -> memref<128xf32, #tpu.memory_space<vmem>>
    tpu.wait_dma2 semaphore(%arg7 : memref<!tpu.dma_semaphore, #tpu.memory_space<semaphore_mem>>) src(%dma_wait3A_5008 : memref<128xf32, #tpu.memory_space<vmem>>) dst(%dma_wait3A_5005 : memref<128xf32, #tpu.memory_space<any>>)
    %dma_wait3A_5009 = arith.constant 0 : i32
    %dma_wait3A_5010 = arith.constant 0 : i32
    %dma_wait3A_5011 = tpu.memref_slice %arg5[%dma_wait3A_5010] : memref<12800000xf32, #tpu.memory_space<any>> -> memref<128xf32, #tpu.memory_space<any>>
    %dma_wait3A_5012 = arith.constant 0 : i32
    %dma_wait3A_5013 = tpu.memref_slice %arg6[%dma_wait3A_5009, %dma_wait3A_5012] : memref<128x128xf32, #tpu.memory_space<vmem>> -> memref<1x128xf32, #tpu.memory_space<vmem>>
    %dma_wait3A_5014 = tpu.memref_squeeze %dma_wait3A_5013 : memref<1x128xf32, #tpu.memory_space<vmem>> -> memref<128xf32, #tpu.memory_space<vmem>>
    tpu.wait_dma2 semaphore(%arg7 : memref<!tpu.dma_semaphore, #tpu.memory_space<semaphore_mem>>) src(%dma_wait3A_5014 : memref<128xf32, #tpu.memory_space<vmem>>) dst(%dma_wait3A_5011 : memref<128xf32, #tpu.memory_space<any>>)
    %dma_wait3A_5015 = arith.constant 0 : i32
    %dma_wait3A_5016 = arith.constant 0 : i32
    %dma_wait3A_5017 = tpu.memref_slice %arg5[%dma_wait3A_5016] : memref<12800000xf32, #tpu.memory_space<any>> -> memref<128xf32, #tpu.memory_space<any>>
    %dma_wait3A_5018 = arith.constant 0 : i32
    %dma_wait3A_5019 = tpu.memref_slice %arg6[%dma_wait3A_5015, %dma_wait3A_5018] : memref<128x128xf32, #tpu.memory_space<vmem>> -> memref<1x128xf32, #tpu.memory_space<vmem>>
    %dma_wait3A_5020 = tpu.memref_squeeze %dma_wait3A_5019 : memref<1x128xf32, #tpu.memory_space<vmem>> -> memref<128xf32, #tpu.memory_space<vmem>>
    tpu.wait_dma2 semaphore(%arg7 : memref<!tpu.dma_semaphore, #tpu.memory_space<semaphore_mem>>) src(%dma_wait3A_5020 : memref<128xf32, #tpu.memory_space<vmem>>) dst(%dma_wait3A_5017 : memref<128xf32, #tpu.memory_space<any>>)
    %dma_wait3A_5021 = arith.constant 0 : i32
    %dma_wait3A_5022 = arith.constant 0 : i32
    %dma_wait3A_5023 = tpu.memref_slice %arg5[%dma_wait3A_5022] : memref<12800000xf32, #tpu.memory_space<any>> -> memref<128xf32, #tpu.memory_space<any>>
    %dma_wait3A_5024 = arith.constant 0 : i32
    %dma_wait3A_5025 = tpu.memref_slice %arg6[%dma_wait3A_5021, %dma_wait3A_5024] : memref<128x128xf32, #tpu.memory_space<vmem>> -> memref<1x128xf32, #tpu.memory_space<vmem>>
    %dma_wait3A_5026 = tpu.memref_squeeze %dma_wait3A_5025 : memref<1x128xf32, #tpu.memory_space<vmem>> -> memref<128xf32, #tpu.memory_space<vmem>>
    tpu.wait_dma2 semaphore(%arg7 : memref<!tpu.dma_semaphore, #tpu.memory_space<semaphore_mem>>) src(%dma_wait3A_5026 : memref<128xf32, #tpu.memory_space<vmem>>) dst(%dma_wait3A_5023 : memref<128xf32, #tpu.memory_space<any>>)
    %dma_wait3A_5027 = arith.constant 0 : i32
    %dma_wait3A_5028 = arith.constant 0 : i32
    %dma_wait3A_5029 = tpu.memref_slice %arg5[%dma_wait3A_5028] : memref<12800000xf32, #tpu.memory_space<any>> -> memref<128xf32, #tpu.memory_space<any>>
    %dma_wait3A_5030 = arith.constant 0 : i32
    %dma_wait3A_5031 = tpu.memref_slice %arg6[%dma_wait3A_5027, %dma_wait3A_5030] : memref<128x128xf32, #tpu.memory_space<vmem>> -> memref<1x128xf32, #tpu.memory_space<vmem>>
    %dma_wait3A_5032 = tpu.memref_squeeze %dma_wait3A_5031 : memref<1x128xf32, #tpu.memory_space<vmem>> -> memref<128xf32, #tpu.memory_space<vmem>>
    tpu.wait_dma2 semaphore(%arg7 : memref<!tpu.dma_semaphore, #tpu.memory_space<semaphore_mem>>) src(%dma_wait3A_5032 : memref<128xf32, #tpu.memory_space<vmem>>) dst(%dma_wait3A_5029 : memref<128xf32, #tpu.memory_space<any>>)
    %dma_wait3A_5033 = arith.constant 0 : i32
    %dma_wait3A_5034 = arith.constant 0 : i32
    %dma_wait3A_5035 = tpu.memref_slice %arg5[%dma_wait3A_5034] : memref<12800000xf32, #tpu.memory_space<any>> -> memref<128xf32, #tpu.memory_space<any>>
    %dma_wait3A_5036 = arith.constant 0 : i32
    %dma_wait3A_5037 = tpu.memref_slice %arg6[%dma_wait3A_5033, %dma_wait3A_5036] : memref<128x128xf32, #tpu.memory_space<vmem>> -> memref<1x128xf32, #tpu.memory_space<vmem>>
    %dma_wait3A_5038 = tpu.memref_squeeze %dma_wait3A_5037 : memref<1x128xf32, #tpu.memory_space<vmem>> -> memref<128xf32, #tpu.memory_space<vmem>>
    tpu.wait_dma2 semaphore(%arg7 : memref<!tpu.dma_semaphore, #tpu.memory_space<semaphore_mem>>) src(%dma_wait3A_5038 : memref<128xf32, #tpu.memory_space<vmem>>) dst(%dma_wait3A_5035 : memref<128xf32, #tpu.memory_space<any>>)
    return
  }
}

</mosaic_0001>

<sc_bundles>
// kernel: sparse-core-data-format-call.cloned.1.call-start
scs
called_computation_lowered:
.L_overlay_start_0:
0x0: {  	s2 =	sld [smem:$0x3FD9]  }
0x1: {  	s3 =	sld [smem:$0x3FFE];
	_ =	sdelay $0x1  }
0x2: {  	s1 =	srdreg.scid  }
0x3: {  	s0 =	sand.u32 $0x1, s1  }
0x4: {  	s18 =	sshll.u32 s0, $0xA;
	s2 =	sadd.s32 s3, s2  }
0x5: {  	s2 =	sadd.s32 s2, s18  }
0x6: {  	[smem:$0x3FC7] =	sst s2  }
0x7: {  	_ = 	snop  }
0x8: {  	s2 =	sld [smem:$0x3FD0];
	(tm) =	ssettm $0x1  }
0x9: {  	s19 =	sld [smem:$0x3FFB];
	_ =	sdelay $0x3  }
0xa: {  	_ =	strace s19  }
0xb: {  	s3 =	sld [smem:$0x3FFC];
	_ =	sdelay $0x3  }
0xc: {  	_ =	strace s3  }
0xd: {  	s3 =	sld [smem:$0x3FFD];
	_ =	sdelay $0x3  }
0xe: {  	_ =	strace s3  }
0xf: {  	_ =	strace $0x8FFFFFFF  }
0x10: {  	s20 =	sld [smem:$0x3FDB];
	_ =	sdelay $0x1  }
0x11: {  	s4 =	simm.s32 $_scs_section_size  }
0x12: {  	s5 =	simm.s32 $_size__tile_overlayer_lowered;
	s6 =	simm.s32 $_tile_overlayer_lowered  }
0x13: {  	s23 =	simm.s32 $0x1BFF;
	s22 =	sshll.u32 s6, $0x1;
	s3 =	sadd.s32 s4, s20  }
0x14: {  	s7 =	simm.s32 $0x0;
	s21 =	sshll.u32 s5, $0x1;
	s5 =	sadd.s32 s22, s3  }
0x15: {  	[timem:s7], [sflag:s23] =	dma.local [hbm:s5], s21  }
0x16: {  	_ =	swait.ge [sflag:s23], s21  }
0x17: {  	s4 =	ssub.s32 $0x0, s21;
	[sflag:s23] =	ssyncset.done $0x0  }
0x18: {  	[sflag:s23] =	ssyncadd.s32 s4;
	_ =	sdelay $0x1  }
0x19: {  	s24 =	simm.s32 $0x1B8B  }
0x1a: {  	_ =	swait.ge [sflag:s24], $0x1  }
0x1b: {  	[sflag:s24] =	ssyncset.done $0x0  }
0x1c: {  	s26 =	simm.s32 $0x1B8E;
	s25 =	sld [smem:$0x3FFE];
	[sflag:s24] =	ssyncadd.s32 $0xFFFFFFFF  }
0x1d: {  	s27 =	simm.s32 $execute0_lowered;
	[smem:$0x3FD2] =	sst s26  }
0x1e: {  	s5 =	sshll.u32 s27, $0x1;
	_ =	strace $0x80000046;
	[dreg:$0x1] =	wrdreg $0xFFFFFFFF  }
0x1f: {  	s28 =	simm.s32 $_size_execute0_lowered;
	s3 =	sadd.s32 s3, s5;
	[dreg:$0x0] =	wrdreg $0x0  }
0x20: {  	s5 =	sshll.u32 s28, $0x1;
	[dreg:$0x2] =	wrdreg s3  }
0x21: {  	[dreg:$0x3] =	wrdreg s5  }
0x22: {  	[dreg:$0x4] =	wrdreg $0xC0  }
0x23: {  	_ =	task [dreg:s7], $0x5FFFF  }
0x24: {  	[dreg:$0x1] =	wrdreg $0xFFFFFFFF  }
0x25: {  	[dreg:$0x0] =	wrdreg $0x60  }
0x26: {  	[dreg:$0x2] =	wrdreg s25  }
0x27: {  	[dreg:$0x3] =	wrdreg s2  }
0x28: {  	[dreg:$0x4] =	wrdreg $0x9  }
0x29: {  	_ =	task.clear_ibuf [dreg:s7], $0x5FFFF;
	_ =	strace $0x90000046  }
0x2a: {  	s29 =	simm.s32 $0x9;
	_ =	strace $0x80000048  }
0x2b: {  	_ =	swait.ge [sflag:s29], $0x1  }
0x2c: {  	[sflag:s29] =	ssyncadd.s32 $0xFFFFFFFF  }
0x2d: {  	_ =	strace $0x90000048  }
0x2e: {  	_ =	sfence  }
0x2f: {  	s30 =	sld [smem:$0x0];
	_ =	sdelay $0x2  }
0x30: {  	s31 =	sshll.u32 s1, $0xD;
	s1 =	sshrl.u32 s1, $0x2  }
0x31: {  	s3 =	sand.u32 $0x4000, s31;
	s1 =	sadd.s32 s1, s30  }
0x32: {  	s0 =	sor.u32 s3, s0;
	s1 =	sshll.u32 s1, $0x11  }
0x33: {  	s0 =	sor.u32 s1, s0  }
0x34: {  	s0 =	sadd.s32 $0x8F2B, s0  }
0x35: {  	[sflag:s0] =	ssyncadd.remote.s32 $0x1  }
0x36: {  	_ =	sfence.sel $0xFFFF  }
0x37: {  	[dreg:$0x0] =	wrdreg $0xFFFFFFFF;
	(pc) =	sbr.abs _section_cstart, $3  }
0x38: {  	[dreg:$0x1] =	wrdreg $0xFFFFFFFF  }
0x39: {  	_ =	task.clear_ibuf [dreg:s7], $0x2FFFF;
	_ =	strace $0x9FFFFFFF  }
0x3a: {  	(tm) =	ssettm $0x7FFFFFFF  }
0x3b: {  	_ =	shalt  }
tec
execute0_lowered:
.L_overlay_start_1:
0x0: {  	(tag) =	ssettag $0x1  }
0x1: {  	s4 =	rddreg [dreg:$0x0]  }
0x2: {  	s0 =	srdreg.scid;
	s2 =	rddreg [dreg:$0x1]  }
0x3: {  	s1 =	stileid.u32;
	s5 =	simm.s32 $0x1;
	s7 =	simm.s32 $0x2  }
0x4: {  	s14 =	simm.s32 $0x0;
	p0 =	por $0x0, $0x0;
	s0 =	sshll.u32 s0, $0x4  }
0x5: {  	s13 =	simm.s32 $0x0;
	s8 =	simm.s32 $0x0;
	s3 =	sand.u32 $0x10, s0  }
.Ltmp0:
0x6: {  	s9 =	simm.s32 $0x0;
	s3 =	sor.u32 s1, s3;
	(pc) =	sbr.rel .LBB1_1-.Ltmp0, $4  }
0x7: {  	s11 =	simm.s32 $0x0;
	s12 =	simm.s32 $0x0;
	s3 =	sshll.u32 s3, $0x7  }
0x8: {  	s0 =	rddreg [dreg:$0x2];
	_ =	strace $0x80000047;
	s6 =	ssub.s32 $0x18680, s3  }
0x9: {  	s4 =	sadd.s32 $0x600, s4;
	[sflag:s5] =	ssyncpa.u1 $0x0;
	s6 =	sshrl.u32 s6, $0xC  }
0xa: {  	[sflag:s7] =	ssyncpa.u1 $0x0;
	s10 =	smov.u32 s3;
	s7 =	sadd.s32 $0x2, s6  }
.LBB1_5:
0xb: {  	p1 =	slt.u32 s12, $0x2  }
0xc: {  	p2 =	sgt.s32 @!p1 s14, $0x18620  }
0xd: {  	s15 =	smov.u32 s14;
	s16 =	sshra.s32 @!p1 s14, $0x1F;
	p2 =	por !p2, p1  }
0xe: {  	s14 =	sand.u32 @!p1 s16, s14;
	s15 =	simm.s32 @p2 $0x18620  }
0xf: {  	s14 =	ssub.s32 @!p1 s15, s14;
	s15 =	ssub.s32 @!p1 $0x0, s13  }
0x10: {  	s17 =	smov.u32 s11;
	s16 =	sadd.s32 @!p1 $0xFFFE79E0, s14;
	s13 =	smin.u32 @!p1 s13, s15  }
0x11: {  	s14 =	ssub.s32 @!p1 $0x186A0, s14;
	p2 =	sgt.s32 @!p1 s16, $0x7F;
	p3 =	sgt.s32 @!p1 s13, $0x7F  }
0x12: {  	s13 =	ssub.s32 @!p1 $0x80, s13;
	p2 =	por !p2, p1;
	p3 =	por !p3, p1  }
0x13: {  	s15 =	sadd.s32 $0x1000, s10;
	s14 =	simm.s32 @!p2 $0x0;
	s13 =	simm.s32 @!p3 $0x0  }
0x14: {  	p2 =	sgt.s32 s15, $0x1869F;
	s13 =	smul.u32 @!p1 s13, s14;
	s14 =	sadd.s32 $0x80, s11  }
0x15: {  	s17 =	smov.u32 @p2 s14  }
0x16: {  	s15 =	smov.u32 @p2 s3;
	p2 =	sgt.s32 s17, $0x7F  }
0x17: {  	s17 =	simm.s32 @p2 $0x0;
	p2 =	sne.s32 s12, s7  }
.Ltmp1:
0x18: {  	p0 =	por !p0, !p0;
	s16 =	simm.s32 @!p1 $0x2;
	(pc) =	sbr.rel @!p2 .LBB1_6-.Ltmp1, $4  }
0x19: {  	s14 =	smov.u32 s8;
	s8 =	smov.u32 s10;
	s13 =	sand.u32 @!p1 $0x3FFFFFFF, s13  }
0x1a: {  	s10 =	smov.u32 s15;
	_ =	swait.ge @!p1 [sflag:s16], s13;
	s18 =	ssub.s32 @!p1 $0x0, s13  }
0x1b: {  	s13 =	smov.u32 s9;
	s12 =	sadd.s32 $0x1, s12;
	[sflag:s16] =	ssyncset.done @!p1 $0x0  }
0x1c: {  	s9 =	smov.u32 s11;
	s11 =	smov.u32 s17;
	[sflag:s16] =	ssyncadd.s32 @!p1 s18  }
.LBB1_1:
0x1d: {  	p1 =	sgt.u32 s12, s6  }
0x1e: {  	s15 =	sshrl.u32 @!p1 s11, $0x3  }
0x1f: {  	s16 =	sshll.u32 @!p1 s10, $0x3;
	s15 =	smul.u32 @!p1 $0xC3800, s15  }
0x20: {  	s17 =	sshll.u32 @!p1 s11, $0x7;
	s16 =	sand.u32 @!p1 $0xFFFFFC00, s16  }
0x21: {  	s15 =	sadd.s32 @!p1 s15, s16;
	s16 =	sand.u32 @!p1 $0x380, s17  }
0x22: {  	s17 =	sand.u32 @!p1 $0x7F, s10;
	s15 =	sor.u32 @!p1 s16, s15  }
0x23: {  	s16 =	sor.u32 @!p1 s17, s15  }
0x24: {  	s17 =	smulhi.u32 @!p1 $0xA79C7B17, s16;
	_ =	sdelay $0x1  }
0x25: {  	s15 =	smulhi.u32 @!p1 $0xA79C7B17, s15;
	s17 =	sshrl.u32 @!p1 s17, $0x10  }
0x26: {  	s17 =	smul.u32 @!p1 $0x18700, s17  }
0x27: {  	s18 =	sxor.u32 @!p1 $0xFFFFFFFF, s12;
	s15 =	sshrl.u32 @!p1 s15, $0x10  }
0x28: {  	s18 =	sshll.u32 @!p1 s18, $0xE;
	s15 =	sand.u32 @!p1 $0x7F, s15;
	s16 =	ssub.s32 @!p1 s16, s17  }
0x29: {  	s15 =	smul.u32 @!p1 $0x30E0, s15;
	s17 =	sshrl.u32 @!p1 s16, $0x3;
	s16 =	sand.u32 @!p1 $0x7, s16  }
0x2a: {  	s18 =	sand.u32 @!p1 $0x4000, s18;
	s17 =	sadd.s32 @!p1 s4, s17;
	s16 =	sshll.u32 @!p1 s16, $0x12  }
0x2b: {  	s15 =	sadd.s32 @!p1 s15, s17;
	s16 =	sor.u32 @!p1 $0x400, s16;
	s17 =	simm.s32 @!p1 $0xC3800  }
0x2c: {  	[tilespmem:s18], [sflag:$0x1] =	stream.strided.gather @!p1 [hbm4b:s15+s16], $0x4000, s17, s16, $0x38;
	[tilespmem:$0x10100] =	vst v63  }
0x2d: {  	p1 =	seq.s32 s12, $0x0  }
0x2e: {  	p2 =	sge.u32 @!p1 s12, s7  }
0x2f: {  	p1 =	por p1, p2  }
.Ltmp2:
0x30: {  	_ = 	snop;
	(pc) =	sbr.rel @p1 .LBB1_5-.Ltmp2, $1  }
0x31: {  	_ =	sdelay $0x3  }
0x32: {  	s15 =	simm.s32 $0x1  }
0x33: {  	_ =	swait.ge [sflag:s5], $0x4000;
	s15 =	simm.s32 @!p0 $0x0  }
0x34: {  	[sflag:s5] =	ssyncset.done $0x0;
	s16 =	sshll.u32 s15, $0xE  }
0x35: {  	[sflag:s5] =	ssyncadd.s32 $0xFFFFC000;
	s16 =	sor.u32 $0x40, s16  }
0x36: {  	s15 =	smul.u32 $0x10200, s15;
	v0 =	vld [tilespmem:s16+$0x30]  }
0x37: {  	v1 =	vld [tilespmem:s16+$0xFFFFFFD0]  }
0x38: {  	s15 =	sshrl.u32 s15, $0x2;
	v5 =	vld [tilespmem:s16+$0xFFFFFFE0]  }
0x39: {  	v6 =	vld [tilespmem:s16+$0xFFFFFFF0];
	s18 =	sor.u32 $0x8000, s15  }
0x3a: {  	s31 =	sand.u32 $0x1, s12;
	v4 =	vld [tilespmem:s16+$0x0];
	s17 =	sadd.s32 $0x0, s18  }
0x3b: {  	v3 =	vld [tilespmem:s16+$0x10];
	s15 =	smul.u32 $0x10200, s31;
	[tilespmem:s17+$0x3870 ss:$0x81] =	vst.msk $0xffff, v0  }
0x3c: {  	v2 =	vld [tilespmem:s16+$0x20];
	[tilespmem:s17+$0x810 ss:$0x81] =	vst.msk $0xffff, v1  }
0x3d: {  	s15 =	sshrl.u32 s15, $0x2;
	v0 =	vld [tilespmem:s16+$0xFFFFFFC0];
	[tilespmem:s17+$0x1020 ss:$0x81] =	vst.msk $0xffff, v5;
	s16 =	sadd.s32 $0x80, s16  }
0x3e: {  	s19 =	simm.s32 $0x4;
	s20 =	simm.s32 $0x8;
	s15 =	sor.u32 $0x8000, s15;
	[tilespmem:s17+$0x1830 ss:$0x81] =	vst.msk $0xffff, v6;
	v1 =	vld [tilespmem:s16+$0x30]  }
.LBB1_3:
0x3f: {  	p1 =	sne.s32 s20, $0x1FC;
	v5 =	vld [tilespmem:s16+$0xFFFFFFD0];
	[tilespmem:s17+$0x2040 ss:$0x81] =	vst.msk $0xffff, v4  }
0x40: {  	v6 =	vld [tilespmem:s16+$0xFFFFFFE0];
	[tilespmem:s17+$0x2850 ss:$0x81] =	vst.msk $0xffff, v3  }
0x41: {  	s21 =	sshra.s32 s19, $0x2;
	s19 =	smov.u32 s20;
	v7 =	vld [tilespmem:s16+$0xFFFFFFF0];
	[tilespmem:s17+$0x3060 ss:$0x81] =	vst.msk $0xffff, v2  }
.Ltmp3:
0x42: {  	v4 =	vld [tilespmem:s16+$0x0];
	[tilespmem:s17+$0x0 ss:$0x81] =	vst.msk $0xffff, v0;
	s17 =	sadd.s32 s21, s18;
	(pc) =	sbr.rel @p1 .LBB1_3-.Ltmp3, $4  }
0x43: {  	v3 =	vld [tilespmem:s16+$0x10];
	[tilespmem:s17+$0x3870 ss:$0x81] =	vst.msk $0xffff, v1  }
0x44: {  	[tilespmem:s17+$0x810 ss:$0x81] =	vst.msk $0xffff, v5;
	v2 =	vld [tilespmem:s16+$0x20]  }
0x45: {  	v0 =	vld [tilespmem:s16+$0xFFFFFFC0];
	[tilespmem:s17+$0x1020 ss:$0x81] =	vst.msk $0xffff, v6;
	s16 =	sadd.s32 $0x80, s16  }
0x46: {  	s20 =	sadd.s32 $0x4, s20;
	v1 =	vld [tilespmem:s16+$0x30];
	[tilespmem:s17+$0x1830 ss:$0x81] =	vst.msk $0xffff, v7  }
0x47: {  	s20 =	sshll.u32 s8, $0x7;
	s21 =	sshll.u32 s9, $0x3;
	s19 =	sshra.s32 s19, $0x2  }
0x48: {  	v5 =	vld [tilespmem:s16+$0xFFFFFFD0];
	[tilespmem:s17+$0x2040 ss:$0x81] =	vst.msk $0xffff, v4;
	p1 =	sgt.s32 s8, $0x18620;
	s22 =	sand.u32 $0xFFFFFC00, s20;
	s21 =	sand.u32 $0xFFFFFC00, s21  }
0x49: {  	v58 =	vld [tilespmem:s16+$0xFFFFFFE0];
	s24 =	sshra.s32 s8, $0x1F;
	s20 =	sand.u32 $0x380, s20;
	[tilespmem:s17+$0x2850 ss:$0x81] =	vst.msk $0xffff, v3;
	s21 =	sadd.s32 s21, s22  }
0x4a: {  	v59 =	vld [tilespmem:s16+$0xFFFFFFF0];
	s26 =	ssub.s32 $0x0, s9;
	s18 =	sadd.s32 s19, s18;
	[tilespmem:s17+$0x3060 ss:$0x81] =	vst.msk $0xffff, v2;
	s23 =	sor.u32 s20, s21  }
0x4b: {  	v60 =	vld [tilespmem:s16+$0x0];
	s28 =	smin.u32 s9, s26;
	s20 =	smov.u32 s8;
	[tilespmem:s17+$0x0 ss:$0x81] =	vst.msk $0xffff, v0;
	s19 =	sshrl.u32 s23, $0x7  }
0x4c: {  	v61 =	vld [tilespmem:s16+$0x10];
	s21 =	sand.u32 s24, s8;
	s20 =	simm.s32 @!p1 $0x18620;
	[tilespmem:s18+$0x3870 ss:$0x81] =	vst.msk $0xffff, v1;
	s25 =	smulhi.u32 $0x14F8B59, s19  }
0x4d: {  	v62 =	vld [tilespmem:s16+$0x20];
	s29 =	sshrl.u32 s9, $0x3;
	p2 =	sgt.s32 s28, $0x7F;
	s20 =	ssub.s32 s20, s21;
	[tilespmem:s18+$0x810 ss:$0x81] =	vst.msk $0xffff, v5  }
0x4e: {  	v63 =	vld [tilespmem:s16+$0xFFFFFFC0];
	[tilespmem:s18+$0x1020 ss:$0x81] =	vst.msk $0xffff, v58;
	s21 =	sadd.s32 $0xFFFE79E0, s20;
	s20 =	ssub.s32 $0x186A0, s20;
	s17 =	sshrl.u32 s25, $0x9  }
0x4f: {  	[tilespmem:s18+$0x1830 ss:$0x81] =	vst.msk $0xffff, v59;
	p1 =	sgt.s32 s21, $0x7F;
	s27 =	smul.u32 $0x186A0, s17;
	s17 =	ssub.s32 $0x80, s28  }
.Ltmp4:
0x50: {  	[tilespmem:s18+$0x2040 ss:$0x81] =	vst.msk $0xffff, v60;
	s20 =	simm.s32 @p1 $0x0;
	s17 =	simm.s32 @p2 $0x0;
	(pc) =	sbr.rel .LBB1_5-.Ltmp4, $4  }
0x51: {  	s30 =	sand.u32 $0xF, s29;
	[tilespmem:s18+$0x2850 ss:$0x81] =	vst.msk $0xffff, v61;
	s16 =	ssub.s32 s19, s27;
	s17 =	smul.u32 s17, s20  }
0x52: {  	[tilespmem:s18+$0x3060 ss:$0x81] =	vst.msk $0xffff, v62;
	s19 =	sadd.s32 s2, s30;
	s16 =	sshll.u32 s16, $0x4  }
0x53: {  	s31 =	sand.u32 $0x7, s9;
	[tilespmem:s18+$0x0 ss:$0x81] =	vst.msk $0xffff, v63;
	s17 =	sand.u32 $0x3FFFFFFF, s17;
	s16 =	sadd.s32 s16, s19  }
0x54: {  	[hbm4b:s16+s31] =	stream.linear.scatter [tilespmem:s15], [sflag:$0x2], s17, $0x20;
	[tilespmem:$0x10100] =	vst v63  }
.LBB1_6:
0x55: {  	_ =	sfence.sel $0x180000  }
0x56: {  	s2 =	simm.s32 $0x1;
	[bflag:$0x0] =	sbarrier.arrive $0xFFFF  }
0x57: {  	s31 =	simm.s32 $0x2;
	[sflag:s2] =	ssyncpa.u1 $0x1  }
0x58: {  	[sflag:s31] =	ssyncpa.u1 $0x1  }
0x59: {  	p0 =	sne.s32 s1, $0x0;
	_ =	strace $0x90000047  }
0x5a: {  	s0 =	sadd.s32 @!p0 $0x100000, s0;
	[bflag:$0x2] =	sbarrier.arrive $0xFFFF  }
0x5b: {  	[sflag:s0] =	ssyncadd.tile.s32 @!p0 $0x1;
	_ =	shalt  }
.Lfunc_end1:
_tile_overlayer_lowered:
.L_overlay_start_2:
0x5c: {  	(tag) =	ssettag $0x2  }
0x5d: {  	s0 =	rddreg [dreg:$0x0];
	s2 =	stileid.u32  }
0x5e: {  	s1 =	rddreg [dreg:$0x1];
	p0 =	sne.s32 s2, $0x0  }
0x5f: {  	s3 =	rddreg [dreg:$0x2];
	[bflag:$0x3] =	sbarrier.arrive $0xFFFF;
	s2 =	simm.s32 @!p0 $0x1C01  }
0x60: {  	[timem:s3], [sflag:s2] =	dma.local @!p0 [hbm:s0], s1  }
0x61: {  	s0 =	simm.s32 @!p0 $0x1  }
0x62: {  	_ =	swait.ge @!p0 [sflag:s0], s1  }
0x63: {  	s1 =	ssub.s32 @!p0 $0x0, s1;
	[sflag:s0] =	ssyncset.done @!p0 $0x0  }
0x64: {  	[sflag:s0] =	ssyncadd.s32 @!p0 s1  }
0x65: {  	[bflag:$0x3] =	sbarrier.arrive $0xFFFF  }
0x66: {  	_ =	shalt  }

</sc_bundles>
